<compile_context>
chip_gen: v7x
topology: tpu7x:2x2x1
jax: 0.10.2.dev20260603
libtpu: 0.0.44.dev20260713+nightly
codegen_flags: <defaults>
</compile_context>

<pallas_src>
import functools

import jax
import jax.numpy as jnp
from jax import lax
from jax.experimental import pallas as pl
from jax.experimental.pallas import tpu as pltpu
from jax.experimental.pallas import tpu_sc as plsc

VOCAB = 1000000
EMB = 64
HID = 256
B = 16384
L = 50
NTAB = 3

NW = 32
ROWS = NTAB * B
RPT = B // NW
C = 8
CL = C * L
NCHT = RPT // C
NCH = NTAB * NCHT


def _pool_body(s1_hbm, s2_hbm, w_hbm, emb_hbm, out_hbm,
               idx0, idx1, idx2, rows0, rows1, rows2, out0, out1, out2,
               gsem0, gsem1, gsem2, isem0, isem1, isem2,
               osem0, osem1, osem2):
    nc = 2
    wid = lax.axis_index("s") * nc + lax.axis_index("c")
    tabs = [s1_hbm, s2_hbm, w_hbm]

    def idx_off(g):
        return (wid * RPT + (g % NCHT) * C) * L

    def out_base(g):
        return (g // NCHT) * B + wid * RPT + (g % NCHT) * C

    def idx_fetch(g, idx_v, isem):
        t = g // NCHT
        off = idx_off(g)
        for ti in range(NTAB):
            @pl.when(t == ti)
            def _():
                pltpu.async_copy(tabs[ti].at[pl.ds(off, CL)], idx_v, isem)

    def reduce_chunk(rows_v, out_v):
        def crow(c, _):
            r0 = c * L
            a = [rows_v[r0, pl.ds(16 * d, 16)] for d in range(4)]
            b = [rows_v[r0 + 1, pl.ds(16 * d, 16)] for d in range(4)]
            for l in range(2, L, 2):
                for d in range(4):
                    a[d] = a[d] + rows_v[r0 + l, pl.ds(16 * d, 16)]
            for l in range(3, L, 2):
                for d in range(4):
                    b[d] = b[d] + rows_v[r0 + l, pl.ds(16 * d, 16)]
            for d in range(4):
                out_v[c, pl.ds(16 * d, 16)] = (a[d] + b[d]) * jnp.float32(1.0 / L)
            return 0

        lax.fori_loop(0, C, crow, 0)

    def phase(g, idx_a, rows_a, gsem_a, isem_a, out_a, osem_a,
              idx_c, rows_c, gsem_c, isem_c):
        pltpu.make_async_copy(emb_hbm.at[idx_a], rows_a, gsem_a).wait()

        @pl.when(g + 3 < NCH)
        def _():
            idx_fetch(g + 3, idx_a, isem_a)

        @pl.when(g + 2 < NCH)
        def _():
            pltpu.make_async_copy(
                s1_hbm.at[pl.ds(0, CL)], idx_c, isem_c).wait()
            pltpu.async_copy(emb_hbm.at[idx_c], rows_c, gsem_c)

        @pl.when(g >= 3)
        def _():
            pltpu.make_async_copy(
                out_a, out_hbm.at[pl.ds(out_base(g - 3), C)], osem_a).wait()

        reduce_chunk(rows_a, out_a)
        pltpu.async_copy(out_a, out_hbm.at[pl.ds(out_base(g), C)], osem_a)

    pltpu.sync_copy(s1_hbm.at[pl.ds(wid * RPT * L, CL)], idx0)
    pltpu.async_copy(emb_hbm.at[idx0], rows0, gsem0)
    pltpu.sync_copy(s1_hbm.at[pl.ds((wid * RPT + C) * L, CL)], idx1)
    pltpu.async_copy(emb_hbm.at[idx1], rows1, gsem1)
    pltpu.async_copy(s1_hbm.at[pl.ds((wid * RPT + 2 * C) * L, CL)], idx2,
                     isem2)

    def it(i, _):
        phase(3 * i, idx0, rows0, gsem0, isem0, out0, osem0,
              idx2, rows2, gsem2, isem2)
        phase(3 * i + 1, idx1, rows1, gsem1, isem1, out1, osem1,
              idx0, rows0, gsem0, isem0)
        phase(3 * i + 2, idx2, rows2, gsem2, isem2, out2, osem2,
              idx1, rows1, gsem1, isem1)
        return 0

    lax.fori_loop(0, NCH // 3, it, 0)

    pltpu.make_async_copy(
        out0, out_hbm.at[pl.ds(out_base(NCH - 3), C)], osem0).wait()
    pltpu.make_async_copy(
        out1, out_hbm.at[pl.ds(out_base(NCH - 2), C)], osem1).wait()
    pltpu.make_async_copy(
        out2, out_hbm.at[pl.ds(out_base(NCH - 1), C)], osem2).wait()


_pool = functools.partial(
    pl.kernel,
    mesh=plsc.VectorSubcoreMesh(core_axis_name="c", subcore_axis_name="s"),
    out_type=jax.ShapeDtypeStruct((ROWS, EMB), jnp.float32),
    compiler_params=pltpu.CompilerParams(use_tc_tiling_on_sc=False),
    scratch_types=(
        [pltpu.VMEM((CL,), jnp.int32)] * 3
        + [pltpu.VMEM((CL, EMB), jnp.float32)] * 3
        + [pltpu.VMEM((C, EMB), jnp.float32)] * 3
        + [pltpu.SemaphoreType.DMA] * 9
    ),
)(_pool_body)


RBLK = 1024


def _mlp_body(p1, p2, p3, xr, w1, w2, w3, wx, b1, w2r, b2, out_ref):
    h = jnp.dot(p1[...], w1[...], preferred_element_type=jnp.float32)
    h = h + jnp.dot(p2[...], w2[...], preferred_element_type=jnp.float32)
    h = h + jnp.dot(p3[...], w3[...], preferred_element_type=jnp.float32)
    h = h + xr[...] * wx[...] + b1[...]
    h = jnp.maximum(h, 0.0)
    z = jnp.sum(h * w2r[...], axis=1, keepdims=True) + b2[...]
    out_ref[...] = 1.0 / (1.0 + jnp.exp(-z))


def _mlp(pooled, x2, w1, w2, w3, wx, b1, w2r, b2):
    grid = B // RBLK
    full = lambda shape: pl.BlockSpec(shape, lambda i: (0, 0))
    return pl.pallas_call(
        _mlp_body,
        grid=(grid,),
        in_specs=[
            pl.BlockSpec((RBLK, EMB), lambda i: (i, 0)),
            pl.BlockSpec((RBLK, EMB), lambda i: (i + B // RBLK, 0)),
            pl.BlockSpec((RBLK, EMB), lambda i: (i + 2 * (B // RBLK), 0)),
            pl.BlockSpec((RBLK, 1), lambda i: (i, 0)),
            full((EMB, HID)),
            full((EMB, HID)),
            full((EMB, HID)),
            full((1, HID)),
            full((1, HID)),
            full((1, HID)),
            full((1, 1)),
        ],
        out_specs=pl.BlockSpec((RBLK, 1), lambda i: (i, 0)),
        out_shape=jax.ShapeDtypeStruct((B, 1), jnp.float32),
    )(pooled, pooled, pooled, x2, w1, w2, w3, wx, b1, w2r, b2)


def kernel(s1, s2, W, x, emb, fc1_w, fc1_b, fc2_w, fc2_b):
    pooled = _pool(s1.reshape(-1), s2.reshape(-1), W.reshape(-1), emb)
    w1 = fc1_w[:, :EMB].T
    w2 = fc1_w[:, EMB:2 * EMB].T
    w3 = fc1_w[:, 2 * EMB:3 * EMB].T
    wx = fc1_w[:, 3 * EMB][None, :]
    b1 = fc1_b[None, :]
    b2 = fc2_b[None, :]
    return _mlp(pooled, x[:, None], w1, w2, w3, wx, b1, fc2_w, b2)

# --- scband reference (transcript-rebuilt; emitter-appended) ---
"""Pipeline reference for scband-dan-44418551775746 (READ-ONLY COPY).

The authoritative reference and input builder live on the scoring server;
editing this copy changes nothing except your own understanding.
"""

import jax, jax.numpy as jnp
import numpy as np

VOCAB = 1000000
EMB = 64
HID = 256
OUT = 1
B = 16384
L = 50

def setup_inputs(seed: int = 0) -> dict:
    key = jax.random.key(seed)
    k1, k2, k3, k4, k5, k6, k7, k8, k9 = jax.random.split(key, 9)
    s1 = jax.random.randint(k1, (B, L), 0, VOCAB, dtype=jnp.int64 if jax.config.jax_enable_x64 else jnp.int32).astype(jnp.int32)
    s2 = jax.random.randint(k2, (B, L), 0, VOCAB).astype(jnp.int32)
    W = jax.random.randint(k3, (B, L), 0, VOCAB).astype(jnp.int32)
    x = jax.random.normal(k4, (B,), dtype=jnp.float32)
    emb = jax.random.normal(k5, (VOCAB, EMB), dtype=jnp.float32) * 0.02
    fc1_w = jax.random.normal(k6, (HID, EMB * 3 + 1), dtype=jnp.float32) * 0.05
    fc1_b = jax.random.normal(k7, (HID,), dtype=jnp.float32) * 0.01
    fc2_w = jax.random.normal(k8, (OUT, HID), dtype=jnp.float32) * 0.05
    fc2_b = jax.random.normal(k9, (OUT,), dtype=jnp.float32) * 0.01
    return {"s1": s1, "s2": s2, "W": W, "x": x, "emb": emb,
            "fc1_w": fc1_w, "fc1_b": fc1_b, "fc2_w": fc2_w, "fc2_b": fc2_b}

def reference(s1, s2, W, x, emb, fc1_w, fc1_b, fc2_w, fc2_b):
    s1_embedded = jnp.take(emb, s1, axis=0).mean(axis=1)
    s2_embedded = jnp.take(emb, s2, axis=0).mean(axis=1)
    W_embedded = jnp.take(emb, W, axis=0).mean(axis=1)
    combined = jnp.concatenate((s1_embedded, s2_embedded, W_embedded, x[:, None]), axis=1)
    hidden = jax.nn.relu(combined @ fc1_w.T + fc1_b)
    output = hidden @ fc2_w.T + fc2_b
    return jax.nn.sigmoid(output)

if __name__ == "__main__":
    import jax
    _d = setup_inputs()
    print(jax.jit(kernel)(*tuple(_d.values())))

</pallas_src>

<mosaic_0001>
#map = affine_map<(d0, d1) -> (0)>
#map1 = affine_map<(d0, d1) -> (0, 0)>
module attributes {stable_mosaic.version = 14 : i64} {
  func.func @_pool_body(%arg0: i32, %arg1: i32, %arg2: memref<819200xi32, #tpu.memory_space<hbm>>, %arg3: memref<819200xi32, #tpu.memory_space<hbm>>, %arg4: memref<819200xi32, #tpu.memory_space<hbm>>, %arg5: memref<1000000x64xf32, #tpu.memory_space<hbm>>, %arg6: memref<49152x64xf32, #tpu.memory_space<hbm>>, %arg7: memref<400xi32, #tpu.memory_space<vmem>>, %arg8: memref<400xi32, #tpu.memory_space<vmem>>, %arg9: memref<400xi32, #tpu.memory_space<vmem>>, %arg10: memref<400x64xf32, #tpu.memory_space<vmem>>, %arg11: memref<400x64xf32, #tpu.memory_space<vmem>>, %arg12: memref<400x64xf32, #tpu.memory_space<vmem>>, %arg13: memref<8x64xf32, #tpu.memory_space<vmem>>, %arg14: memref<8x64xf32, #tpu.memory_space<vmem>>, %arg15: memref<8x64xf32, #tpu.memory_space<vmem>>, %arg16: memref<!tpu.dma_semaphore, #tpu.memory_space<semaphore_mem>>, %arg17: memref<!tpu.dma_semaphore, #tpu.memory_space<semaphore_mem>>, %arg18: memref<!tpu.dma_semaphore, #tpu.memory_space<semaphore_mem>>, %arg19: memref<!tpu.dma_semaphore, #tpu.memory_space<semaphore_mem>>, %arg20: memref<!tpu.dma_semaphore, #tpu.memory_space<semaphore_mem>>, %arg21: memref<!tpu.dma_semaphore, #tpu.memory_space<semaphore_mem>>, %arg22: memref<!tpu.dma_semaphore, #tpu.memory_space<semaphore_mem>>, %arg23: memref<!tpu.dma_semaphore, #tpu.memory_space<semaphore_mem>>, %arg24: memref<!tpu.dma_semaphore, #tpu.memory_space<semaphore_mem>>) attributes {dimension_semantics = [#tpu.dimension_semantics<core_parallel>, #tpu.dimension_semantics<subcore_parallel>], iteration_bounds = array<i64: 2, 16>, scalar_prefetch = 0 : i64, scratch_operands = 18 : i64, tpu.core_type = #tpu.core_type<sc_vector_subcore>, window_params = [{transform_indices = #map}, {transform_indices = #map}, {transform_indices = #map}, {transform_indices = #map1}, {transform_indices = #map1}]} {
    %mul3A = arith.constant 2 : i32
    %mul3A_0 = arith.muli %arg1, %mul3A : i32
    %add3A = arith.addi %mul3A_0, %arg0 : i32
    %mul3A_1 = arith.constant 512 : i32
    %mul3A_2 = arith.muli %add3A, %mul3A_1 : i32
    %mul3A_3 = arith.constant 50 : i32
    %mul3A_4 = arith.muli %mul3A_2, %mul3A_3 : i32
    "tpu.region"() ({
      %run_scoped3A = tpu.sem_alloc : memref<!tpu.dma_semaphore, #tpu.memory_space<semaphore_mem>>
      %dma_start3A_59 = tpu.memref_slice %arg2[%mul3A_4] : memref<819200xi32, #tpu.memory_space<hbm>> -> memref<400xi32, #tpu.memory_space<hbm>>
      %dma_start3A_60 = tpu.memref_slice %arg2[%mul3A_4] : memref<819200xi32, #tpu.memory_space<hbm>> -> memref<400xi32, #tpu.memory_space<hbm>>
      tpu.enqueue_dma source(%dma_start3A_60 : memref<400xi32, #tpu.memory_space<hbm>>) target(%arg7 : memref<400xi32, #tpu.memory_space<vmem>>) target_semaphore(%run_scoped3A : memref<!tpu.dma_semaphore, #tpu.memory_space<semaphore_mem>>)
      %dma_wait3A_61 = tpu.memref_slice %arg2[%mul3A_4] : memref<819200xi32, #tpu.memory_space<hbm>> -> memref<400xi32, #tpu.memory_space<hbm>>
      %dma_wait3A_62 = tpu.memref_slice %arg2[%mul3A_4] : memref<819200xi32, #tpu.memory_space<hbm>> -> memref<400xi32, #tpu.memory_space<hbm>>
      tpu.wait_dma2 semaphore(%run_scoped3A : memref<!tpu.dma_semaphore, #tpu.memory_space<semaphore_mem>>) src(%dma_wait3A_62 : memref<400xi32, #tpu.memory_space<hbm>>) dst(%arg7 : memref<400xi32, #tpu.memory_space<vmem>>)
      tpu.yield
    }) : () -> ()
    %dma_start3A = arith.constant 0 : i32
    %dma_start3A_5 = arith.constant 0 : i32
    %dma_start3A_6 = tpu.memref_slice %arg5[%dma_start3A, %dma_start3A_5] : memref<1000000x64xf32, #tpu.memory_space<hbm>> -> memref<1000000x64xf32, #tpu.memory_space<hbm>>
    tpu.enqueue_indirect_dma source(%dma_start3A_6 : memref<1000000x64xf32, #tpu.memory_space<hbm>>) target(%arg10 : memref<400x64xf32, #tpu.memory_space<vmem>>) offsets(%arg7 : memref<400xi32, #tpu.memory_space<vmem>>) semaphore(%arg16 : memref<!tpu.dma_semaphore, #tpu.memory_space<semaphore_mem>>)
    %mul3A_7 = arith.constant 512 : i32
    %mul3A_8 = arith.muli %add3A, %mul3A_7 : i32
    %add3A_9 = arith.constant 8 : i32
    %add3A_10 = arith.addi %mul3A_8, %add3A_9 : i32
    %mul3A_11 = arith.constant 50 : i32
    %mul3A_12 = arith.muli %add3A_10, %mul3A_11 : i32
    "tpu.region"() ({
      %run_scoped3A = tpu.sem_alloc : memref<!tpu.dma_semaphore, #tpu.memory_space<semaphore_mem>>
      %dma_start3A_59 = tpu.memref_slice %arg2[%mul3A_12] : memref<819200xi32, #tpu.memory_space<hbm>> -> memref<400xi32, #tpu.memory_space<hbm>>
      %dma_start3A_60 = tpu.memref_slice %arg2[%mul3A_12] : memref<819200xi32, #tpu.memory_space<hbm>> -> memref<400xi32, #tpu.memory_space<hbm>>
      tpu.enqueue_dma source(%dma_start3A_60 : memref<400xi32, #tpu.memory_space<hbm>>) target(%arg8 : memref<400xi32, #tpu.memory_space<vmem>>) target_semaphore(%run_scoped3A : memref<!tpu.dma_semaphore, #tpu.memory_space<semaphore_mem>>)
      %dma_wait3A_61 = tpu.memref_slice %arg2[%mul3A_12] : memref<819200xi32, #tpu.memory_space<hbm>> -> memref<400xi32, #tpu.memory_space<hbm>>
      %dma_wait3A_62 = tpu.memref_slice %arg2[%mul3A_12] : memref<819200xi32, #tpu.memory_space<hbm>> -> memref<400xi32, #tpu.memory_space<hbm>>
      tpu.wait_dma2 semaphore(%run_scoped3A : memref<!tpu.dma_semaphore, #tpu.memory_space<semaphore_mem>>) src(%dma_wait3A_62 : memref<400xi32, #tpu.memory_space<hbm>>) dst(%arg8 : memref<400xi32, #tpu.memory_space<vmem>>)
      tpu.yield
    }) : () -> ()
    %dma_start3A_13 = arith.constant 0 : i32
    %dma_start3A_14 = arith.constant 0 : i32
    %dma_start3A_15 = tpu.memref_slice %arg5[%dma_start3A_13, %dma_start3A_14] : memref<1000000x64xf32, #tpu.memory_space<hbm>> -> memref<1000000x64xf32, #tpu.memory_space<hbm>>
    tpu.enqueue_indirect_dma source(%dma_start3A_15 : memref<1000000x64xf32, #tpu.memory_space<hbm>>) target(%arg11 : memref<400x64xf32, #tpu.memory_space<vmem>>) offsets(%arg8 : memref<400xi32, #tpu.memory_space<vmem>>) semaphore(%arg17 : memref<!tpu.dma_semaphore, #tpu.memory_space<semaphore_mem>>)
    %mul3A_16 = arith.constant 512 : i32
    %mul3A_17 = arith.muli %add3A, %mul3A_16 : i32
    %add3A_18 = arith.constant 16 : i32
    %add3A_19 = arith.addi %mul3A_17, %add3A_18 : i32
    %mul3A_20 = arith.constant 50 : i32
    %mul3A_21 = arith.muli %add3A_19, %mul3A_20 : i32
    %dma_start3A_22 = tpu.memref_slice %arg2[%mul3A_21] : memref<819200xi32, #tpu.memory_space<hbm>> -> memref<400xi32, #tpu.memory_space<hbm>>
    %dma_start3A_23 = tpu.memref_slice %arg2[%mul3A_21] : memref<819200xi32, #tpu.memory_space<hbm>> -> memref<400xi32, #tpu.memory_space<hbm>>
    tpu.enqueue_dma source(%dma_start3A_23 : memref<400xi32, #tpu.memory_space<hbm>>) target(%arg9 : memref<400xi32, #tpu.memory_space<vmem>>) target_semaphore(%arg21 : memref<!tpu.dma_semaphore, #tpu.memory_space<semaphore_mem>>)
    %scan3A = arith.constant 0 : i32
    %scan3A_24 = arith.constant 0 : i32
    %scan3A_25 = arith.constant 64 : i32
    %scan3A_26 = arith.addi %scan3A_24, %scan3A_25 : i32
    %scan3A_27 = arith.constant 1 : i32
    %scan3A_28 = scf.for %scan3A_59 = %scan3A_24 to %scan3A_26 step %scan3A_27 iter_args(%scan3A_60 = %scan3A) -> (i32)  : i32 {
      %mul3A_61 = arith.constant 3 : i32
      %mul3A_62 = arith.muli %mul3A_61, %scan3A_59 : i32
      %dma_wait3A_63 = arith.constant 0 : i32
      %dma_wait3A_64 = arith.constant 0 : i32
      %dma_wait3A_65 = tpu.memref_slice %arg5[%dma_wait3A_63, %dma_wait3A_64] : memref<1000000x64xf32, #tpu.memory_space<hbm>> -> memref<1000000x64xf32, #tpu.memory_space<hbm>>
      tpu.wait_indirect_dma semaphore(%arg16 : memref<!tpu.dma_semaphore, #tpu.memory_space<semaphore_mem>>) src(%dma_wait3A_65 : memref<1000000x64xf32, #tpu.memory_space<hbm>>) dst(%arg10 : memref<400x64xf32, #tpu.memory_space<vmem>>)
      %add3A_66 = arith.constant 3 : i32
      %add3A_67 = arith.addi %mul3A_62, %add3A_66 : i32
      %lt3A = arith.constant 192 : i32
      %lt3A_68 = arith.cmpi slt, %add3A_67, %lt3A : i32
      %convert_element_type3A = arith.extui %lt3A_68 : i1 to i32
      %cond3A = arith.constant 0 : i32
      %cond3A_69 = arith.cmpi ne, %convert_element_type3A, %cond3A : i32
      scf.if %cond3A_69 {
        %add3A_302 = arith.constant 3 : i32
        %add3A_303 = arith.addi %mul3A_62, %add3A_302 : i32
        %jit3A_304 = arith.constant 64 : i32
        %div3A_305 = arith.divsi %add3A_303, %jit3A_304 : i32
        %sign3A_306 = arith.constant 0 : i32
        %sign3A_307 = arith.cmpi sgt, %add3A_303, %sign3A_306 : i32
        %sign3A_308 = arith.extui %sign3A_307 : i1 to i32
        %sign3A_309 = arith.constant 0 : i32
        %sign3A_310 = arith.cmpi slt, %add3A_303, %sign3A_309 : i32
        %sign3A_311 = arith.extui %sign3A_310 : i1 to i32
        %sign3A_312 = arith.subi %sign3A_308, %sign3A_311 : i32
        %sign3A_313 = arith.constant 0 : i32
        %sign3A_314 = arith.cmpi sgt, %jit3A_304, %sign3A_313 : i32
        %sign3A_315 = arith.extui %sign3A_314 : i1 to i32
        %sign3A_316 = arith.constant 0 : i32
        %sign3A_317 = arith.cmpi slt, %jit3A_304, %sign3A_316 : i32
        %sign3A_318 = arith.extui %sign3A_317 : i1 to i32
        %sign3A_319 = arith.subi %sign3A_315, %sign3A_318 : i32
        %ne3A_320 = arith.cmpi ne, %sign3A_312, %sign3A_319 : i32
        %rem3A_321 = arith.remsi %add3A_303, %jit3A_304 : i32
        %ne3A_322 = arith.constant 0 : i32
        %ne3A_323 = arith.cmpi ne, %rem3A_321, %ne3A_322 : i32
        %and3A_324 = arith.andi %ne3A_320, %ne3A_323 : i1
        %sub3A_325 = arith.constant 1 : i32
        %sub3A_326 = arith.subi %div3A_305, %sub3A_325 : i32
        %select_n3A_327 = arith.select %and3A_324, %sub3A_326, %div3A_305 : i32
        %mul3A_328 = arith.constant 512 : i32
        %mul3A_329 = arith.muli %add3A, %mul3A_328 : i32
        %jit3A_330 = arith.constant 64 : i32
        %eq3A_331 = arith.constant 0 : i32
        %eq3A_332 = arith.cmpi eq, %jit3A_330, %eq3A_331 : i32
        %jit3A_333 = arith.constant 1 : i32
        %select_n3A_334 = arith.select %eq3A_332, %jit3A_333, %jit3A_330 : i32
        %rem3A_335 = arith.remsi %add3A_303, %select_n3A_334 : i32
        %ne3A_336 = arith.constant 0 : i32
        %ne3A_337 = arith.cmpi ne, %rem3A_335, %ne3A_336 : i32
        %lt3A_338 = arith.constant 0 : i32
        %lt3A_339 = arith.cmpi slt, %rem3A_335, %lt3A_338 : i32
        %lt3A_340 = arith.constant 0 : i32
        %lt3A_341 = arith.cmpi slt, %select_n3A_334, %lt3A_340 : i32
        %ne3A_342 = arith.xori %lt3A_339, %lt3A_341 : i1
        %and3A_343 = arith.andi %ne3A_342, %ne3A_337 : i1
        %add3A_344 = arith.addi %rem3A_335, %select_n3A_334 : i32
        %select_n3A_345 = arith.select %and3A_343, %add3A_344, %rem3A_335 : i32
        %mul3A_346 = arith.constant 8 : i32
        %mul3A_347 = arith.muli %select_n3A_345, %mul3A_346 : i32
        %add3A_348 = arith.addi %mul3A_329, %mul3A_347 : i32
        %mul3A_349 = arith.constant 50 : i32
        %mul3A_350 = arith.muli %add3A_348, %mul3A_349 : i32
        %eq3A_351 = arith.constant 0 : i32
        %eq3A_352 = arith.cmpi eq, %select_n3A_327, %eq3A_351 : i32
        %convert_element_type3A_353 = arith.extui %eq3A_352 : i1 to i32
        %cond3A_354 = arith.constant 0 : i32
        %cond3A_355 = arith.cmpi ne, %convert_element_type3A_353, %cond3A_354 : i32
        scf.if %cond3A_355 {
          %dma_start3A_366 = tpu.memref_slice %arg2[%mul3A_350] : memref<819200xi32, #tpu.memory_space<hbm>> -> memref<400xi32, #tpu.memory_space<hbm>>
          %dma_start3A_367 = tpu.memref_slice %arg2[%mul3A_350] : memref<819200xi32, #tpu.memory_space<hbm>> -> memref<400xi32, #tpu.memory_space<hbm>>
          tpu.enqueue_dma source(%dma_start3A_367 : memref<400xi32, #tpu.memory_space<hbm>>) target(%arg7 : memref<400xi32, #tpu.memory_space<vmem>>) target_semaphore(%arg19 : memref<!tpu.dma_semaphore, #tpu.memory_space<semaphore_mem>>)
        } else {
        }
        %eq3A_356 = arith.constant 1 : i32
        %eq3A_357 = arith.cmpi eq, %select_n3A_327, %eq3A_356 : i32
        %convert_element_type3A_358 = arith.extui %eq3A_357 : i1 to i32
        %cond3A_359 = arith.constant 0 : i32
        %cond3A_360 = arith.cmpi ne, %convert_element_type3A_358, %cond3A_359 : i32
        scf.if %cond3A_360 {
          %dma_start3A_366 = tpu.memref_slice %arg3[%mul3A_350] : memref<819200xi32, #tpu.memory_space<hbm>> -> memref<400xi32, #tpu.memory_space<hbm>>
          %dma_start3A_367 = tpu.memref_slice %arg3[%mul3A_350] : memref<819200xi32, #tpu.memory_space<hbm>> -> memref<400xi32, #tpu.memory_space<hbm>>
          tpu.enqueue_dma source(%dma_start3A_367 : memref<400xi32, #tpu.memory_space<hbm>>) target(%arg7 : memref<400xi32, #tpu.memory_space<vmem>>) target_semaphore(%arg19 : memref<!tpu.dma_semaphore, #tpu.memory_space<semaphore_mem>>)
        } else {
        }
        %eq3A_361 = arith.constant 2 : i32
        %eq3A_362 = arith.cmpi eq, %select_n3A_327, %eq3A_361 : i32
        %convert_element_type3A_363 = arith.extui %eq3A_362 : i1 to i32
        %cond3A_364 = arith.constant 0 : i32
        %cond3A_365 = arith.cmpi ne, %convert_element_type3A_363, %cond3A_364 : i32
        scf.if %cond3A_365 {
          %dma_start3A_366 = tpu.memref_slice %arg4[%mul3A_350] : memref<819200xi32, #tpu.memory_space<hbm>> -> memref<400xi32, #tpu.memory_space<hbm>>
          %dma_start3A_367 = tpu.memref_slice %arg4[%mul3A_350] : memref<819200xi32, #tpu.memory_space<hbm>> -> memref<400xi32, #tpu.memory_space<hbm>>
          tpu.enqueue_dma source(%dma_start3A_367 : memref<400xi32, #tpu.memory_space<hbm>>) target(%arg7 : memref<400xi32, #tpu.memory_space<vmem>>) target_semaphore(%arg19 : memref<!tpu.dma_semaphore, #tpu.memory_space<semaphore_mem>>)
        } else {
        }
      } else {
      }
      %add3A_70 = arith.constant 2 : i32
      %add3A_71 = arith.addi %mul3A_62, %add3A_70 : i32
      %lt3A_72 = arith.constant 192 : i32
      %lt3A_73 = arith.cmpi slt, %add3A_71, %lt3A_72 : i32
      %convert_element_type3A_74 = arith.extui %lt3A_73 : i1 to i32
      %cond3A_75 = arith.constant 0 : i32
      %cond3A_76 = arith.cmpi ne, %convert_element_type3A_74, %cond3A_75 : i32
      scf.if %cond3A_76 {
        %dma_wait3A_302 = arith.constant 0 : i32
        %dma_wait3A_303 = tpu.memref_slice %arg2[%dma_wait3A_302] : memref<819200xi32, #tpu.memory_space<hbm>> -> memref<400xi32, #tpu.memory_space<hbm>>
        %dma_wait3A_304 = arith.constant 0 : i32
        %dma_wait3A_305 = tpu.memref_slice %arg2[%dma_wait3A_304] : memref<819200xi32, #tpu.memory_space<hbm>> -> memref<400xi32, #tpu.memory_space<hbm>>
        tpu.wait_dma2 semaphore(%arg21 : memref<!tpu.dma_semaphore, #tpu.memory_space<semaphore_mem>>) src(%dma_wait3A_305 : memref<400xi32, #tpu.memory_space<hbm>>) dst(%arg9 : memref<400xi32, #tpu.memory_space<vmem>>)
        %dma_start3A_306 = arith.constant 0 : i32
        %dma_start3A_307 = arith.constant 0 : i32
        %dma_start3A_308 = tpu.memref_slice %arg5[%dma_start3A_306, %dma_start3A_307] : memref<1000000x64xf32, #tpu.memory_space<hbm>> -> memref<1000000x64xf32, #tpu.memory_space<hbm>>
        tpu.enqueue_indirect_dma source(%dma_start3A_308 : memref<1000000x64xf32, #tpu.memory_space<hbm>>) target(%arg12 : memref<400x64xf32, #tpu.memory_space<vmem>>) offsets(%arg9 : memref<400xi32, #tpu.memory_space<vmem>>) semaphore(%arg18 : memref<!tpu.dma_semaphore, #tpu.memory_space<semaphore_mem>>)
      } else {
      }
      %ge3A = arith.constant 3 : i32
      %ge3A_77 = arith.cmpi sge, %mul3A_62, %ge3A : i32
      %convert_element_type3A_78 = arith.extui %ge3A_77 : i1 to i32
      %cond3A_79 = arith.constant 0 : i32
      %cond3A_80 = arith.cmpi ne, %convert_element_type3A_78, %cond3A_79 : i32
      scf.if %cond3A_80 {
        %sub3A_302 = arith.constant 3 : i32
        %sub3A_303 = arith.subi %mul3A_62, %sub3A_302 : i32
        %jit3A_304 = arith.constant 64 : i32
        %div3A_305 = arith.divsi %sub3A_303, %jit3A_304 : i32
        %sign3A_306 = arith.constant 0 : i32
        %sign3A_307 = arith.cmpi sgt, %sub3A_303, %sign3A_306 : i32
        %sign3A_308 = arith.extui %sign3A_307 : i1 to i32
        %sign3A_309 = arith.constant 0 : i32
        %sign3A_310 = arith.cmpi slt, %sub3A_303, %sign3A_309 : i32
        %sign3A_311 = arith.extui %sign3A_310 : i1 to i32
        %sign3A_312 = arith.subi %sign3A_308, %sign3A_311 : i32
        %sign3A_313 = arith.constant 0 : i32
        %sign3A_314 = arith.cmpi sgt, %jit3A_304, %sign3A_313 : i32
        %sign3A_315 = arith.extui %sign3A_314 : i1 to i32
        %sign3A_316 = arith.constant 0 : i32
        %sign3A_317 = arith.cmpi slt, %jit3A_304, %sign3A_316 : i32
        %sign3A_318 = arith.extui %sign3A_317 : i1 to i32
        %sign3A_319 = arith.subi %sign3A_315, %sign3A_318 : i32
        %ne3A_320 = arith.cmpi ne, %sign3A_312, %sign3A_319 : i32
        %rem3A_321 = arith.remsi %sub3A_303, %jit3A_304 : i32
        %ne3A_322 = arith.constant 0 : i32
        %ne3A_323 = arith.cmpi ne, %rem3A_321, %ne3A_322 : i32
        %and3A_324 = arith.andi %ne3A_320, %ne3A_323 : i1
        %sub3A_325 = arith.constant 1 : i32
        %sub3A_326 = arith.subi %div3A_305, %sub3A_325 : i32
        %select_n3A_327 = arith.select %and3A_324, %sub3A_326, %div3A_305 : i32
        %mul3A_328 = arith.constant 16384 : i32
        %mul3A_329 = arith.muli %select_n3A_327, %mul3A_328 : i32
        %mul3A_330 = arith.constant 512 : i32
        %mul3A_331 = arith.muli %add3A, %mul3A_330 : i32
        %add3A_332 = arith.addi %mul3A_329, %mul3A_331 : i32
        %jit3A_333 = arith.constant 64 : i32
        %eq3A_334 = arith.constant 0 : i32
        %eq3A_335 = arith.cmpi eq, %jit3A_333, %eq3A_334 : i32
        %jit3A_336 = arith.constant 1 : i32
        %select_n3A_337 = arith.select %eq3A_335, %jit3A_336, %jit3A_333 : i32
        %rem3A_338 = arith.remsi %sub3A_303, %select_n3A_337 : i32
        %ne3A_339 = arith.constant 0 : i32
        %ne3A_340 = arith.cmpi ne, %rem3A_338, %ne3A_339 : i32
        %lt3A_341 = arith.constant 0 : i32
        %lt3A_342 = arith.cmpi slt, %rem3A_338, %lt3A_341 : i32
        %lt3A_343 = arith.constant 0 : i32
        %lt3A_344 = arith.cmpi slt, %select_n3A_337, %lt3A_343 : i32
        %ne3A_345 = arith.xori %lt3A_342, %lt3A_344 : i1
        %and3A_346 = arith.andi %ne3A_345, %ne3A_340 : i1
        %add3A_347 = arith.addi %rem3A_338, %select_n3A_337 : i32
        %select_n3A_348 = arith.select %and3A_346, %add3A_347, %rem3A_338 : i32
        %mul3A_349 = arith.constant 8 : i32
        %mul3A_350 = arith.muli %select_n3A_348, %mul3A_349 : i32
        %add3A_351 = arith.addi %add3A_332, %mul3A_350 : i32
        %dma_wait3A_352 = arith.constant 0 : i32
        %dma_wait3A_353 = tpu.memref_slice %arg6[%add3A_351, %dma_wait3A_352] : memref<49152x64xf32, #tpu.memory_space<hbm>> -> memref<8x64xf32, #tpu.memory_space<hbm>>
        %dma_wait3A_354 = arith.constant 0 : i32
        %dma_wait3A_355 = tpu.memref_slice %arg6[%add3A_351, %dma_wait3A_354] : memref<49152x64xf32, #tpu.memory_space<hbm>> -> memref<8x64xf32, #tpu.memory_space<hbm>>
        tpu.wait_dma2 semaphore(%arg22 : memref<!tpu.dma_semaphore, #tpu.memory_space<semaphore_mem>>) src(%arg13 : memref<8x64xf32, #tpu.memory_space<vmem>>) dst(%dma_wait3A_355 : memref<8x64xf32, #tpu.memory_space<hbm>>)
      } else {
      }
      %scan3A_81 = arith.constant 0 : i32
      %scan3A_82 = arith.constant 0 : i32
      %scan3A_83 = arith.constant 8 : i32
      %scan3A_84 = arith.addi %scan3A_82, %scan3A_83 : i32
      %scan3A_85 = arith.constant 1 : i32
      %scan3A_86 = scf.for %scan3A_302 = %scan3A_82 to %scan3A_84 step %scan3A_85 iter_args(%scan3A_303 = %scan3A_81) -> (i32)  : i32 {
        %mul3A_304 = arith.constant 50 : i32
        %mul3A_305 = arith.muli %scan3A_302, %mul3A_304 : i32
        %get3A = arith.index_cast %mul3A_305 : i32 to index
        %get3A_306 = arith.constant 0 : index
        %get3A_307 = tpu.vector_load %arg10[%get3A, %get3A_306] {strides = array<i32>} : memref<400x64xf32, #tpu.memory_space<vmem>>, vector<1x16xf32>,
        %get3A_308 = vector.shape_cast %get3A_307 : vector<1x16xf32> to vector<16xf32>
        %get3A_309 = arith.index_cast %mul3A_305 : i32 to index
        %get3A_310 = arith.constant 16 : index
        %get3A_311 = tpu.vector_load %arg10[%get3A_309, %get3A_310] {strides = array<i32>} : memref<400x64xf32, #tpu.memory_space<vmem>>, vector<1x16xf32>,
        %get3A_312 = vector.shape_cast %get3A_311 : vector<1x16xf32> to vector<16xf32>
        %get3A_313 = arith.index_cast %mul3A_305 : i32 to index
        %get3A_314 = arith.constant 32 : index
        %get3A_315 = tpu.vector_load %arg10[%get3A_313, %get3A_314] {strides = array<i32>} : memref<400x64xf32, #tpu.memory_space<vmem>>, vector<1x16xf32>,
        %get3A_316 = vector.shape_cast %get3A_315 : vector<1x16xf32> to vector<16xf32>
        %get3A_317 = arith.index_cast %mul3A_305 : i32 to index
        %get3A_318 = arith.constant 48 : index
        %get3A_319 = tpu.vector_load %arg10[%get3A_317, %get3A_318] {strides = array<i32>} : memref<400x64xf32, #tpu.memory_space<vmem>>, vector<1x16xf32>,
        %get3A_320 = vector.shape_cast %get3A_319 : vector<1x16xf32> to vector<16xf32>
        %add3A_321 = arith.constant 1 : i32
        %add3A_322 = arith.addi %mul3A_305, %add3A_321 : i32
        %get3A_323 = arith.index_cast %add3A_322 : i32 to index
        %get3A_324 = arith.constant 0 : index
        %get3A_325 = tpu.vector_load %arg10[%get3A_323, %get3A_324] {strides = array<i32>} : memref<400x64xf32, #tpu.memory_space<vmem>>, vector<1x16xf32>,
        %get3A_326 = vector.shape_cast %get3A_325 : vector<1x16xf32> to vector<16xf32>
        %add3A_327 = arith.constant 1 : i32
        %add3A_328 = arith.addi %mul3A_305, %add3A_327 : i32
        %get3A_329 = arith.index_cast %add3A_328 : i32 to index
        %get3A_330 = arith.constant 16 : index
        %get3A_331 = tpu.vector_load %arg10[%get3A_329, %get3A_330] {strides = array<i32>} : memref<400x64xf32, #tpu.memory_space<vmem>>, vector<1x16xf32>,
        %get3A_332 = vector.shape_cast %get3A_331 : vector<1x16xf32> to vector<16xf32>
        %add3A_333 = arith.constant 1 : i32
        %add3A_334 = arith.addi %mul3A_305, %add3A_333 : i32
        %get3A_335 = arith.index_cast %add3A_334 : i32 to index
        %get3A_336 = arith.constant 32 : index
        %get3A_337 = tpu.vector_load %arg10[%get3A_335, %get3A_336] {strides = array<i32>} : memref<400x64xf32, #tpu.memory_space<vmem>>, vector<1x16xf32>,
        %get3A_338 = vector.shape_cast %get3A_337 : vector<1x16xf32> to vector<16xf32>
        %add3A_339 = arith.constant 1 : i32
        %add3A_340 = arith.addi %mul3A_305, %add3A_339 : i32
        %get3A_341 = arith.index_cast %add3A_340 : i32 to index
        %get3A_342 = arith.constant 48 : index
        %get3A_343 = tpu.vector_load %arg10[%get3A_341, %get3A_342] {strides = array<i32>} : memref<400x64xf32, #tpu.memory_space<vmem>>, vector<1x16xf32>,
        %get3A_344 = vector.shape_cast %get3A_343 : vector<1x16xf32> to vector<16xf32>
        %add3A_345 = arith.constant 2 : i32
        %add3A_346 = arith.addi %mul3A_305, %add3A_345 : i32
        %get3A_347 = arith.index_cast %add3A_346 : i32 to index
        %get3A_348 = arith.constant 0 : index
        %get3A_349 = tpu.vector_load %arg10[%get3A_347, %get3A_348] {strides = array<i32>} : memref<400x64xf32, #tpu.memory_space<vmem>>, vector<1x16xf32>,
        %get3A_350 = vector.shape_cast %get3A_349 : vector<1x16xf32> to vector<16xf32>
        %add3A_351 = arith.addf %get3A_308, %get3A_350 : vector<16xf32>
        %add3A_352 = arith.constant 2 : i32
        %add3A_353 = arith.addi %mul3A_305, %add3A_352 : i32
        %get3A_354 = arith.index_cast %add3A_353 : i32 to index
        %get3A_355 = arith.constant 16 : index
        %get3A_356 = tpu.vector_load %arg10[%get3A_354, %get3A_355] {strides = array<i32>} : memref<400x64xf32, #tpu.memory_space<vmem>>, vector<1x16xf32>,
        %get3A_357 = vector.shape_cast %get3A_356 : vector<1x16xf32> to vector<16xf32>
        %add3A_358 = arith.addf %get3A_312, %get3A_357 : vector<16xf32>
        %add3A_359 = arith.constant 2 : i32
        %add3A_360 = arith.addi %mul3A_305, %add3A_359 : i32
        %get3A_361 = arith.index_cast %add3A_360 : i32 to index
        %get3A_362 = arith.constant 32 : index
        %get3A_363 = tpu.vector_load %arg10[%get3A_361, %get3A_362] {strides = array<i32>} : memref<400x64xf32, #tpu.memory_space<vmem>>, vector<1x16xf32>,
        %get3A_364 = vector.shape_cast %get3A_363 : vector<1x16xf32> to vector<16xf32>
        %add3A_365 = arith.addf %get3A_316, %get3A_364 : vector<16xf32>
        %add3A_366 = arith.constant 2 : i32
        %add3A_367 = arith.addi %mul3A_305, %add3A_366 : i32
        %get3A_368 = arith.index_cast %add3A_367 : i32 to index
        %get3A_369 = arith.constant 48 : index
        %get3A_370 = tpu.vector_load %arg10[%get3A_368, %get3A_369] {strides = array<i32>} : memref<400x64xf32, #tpu.memory_space<vmem>>, vector<1x16xf32>,
        %get3A_371 = vector.shape_cast %get3A_370 : vector<1x16xf32> to vector<16xf32>
        %add3A_372 = arith.addf %get3A_320, %get3A_371 : vector<16xf32>
        %add3A_373 = arith.constant 4 : i32
        %add3A_374 = arith.addi %mul3A_305, %add3A_373 : i32
        %get3A_375 = arith.index_cast %add3A_374 : i32 to index
        %get3A_376 = arith.constant 0 : index
        %get3A_377 = tpu.vector_load %arg10[%get3A_375, %get3A_376] {strides = array<i32>} : memref<400x64xf32, #tpu.memory_space<vmem>>, vector<1x16xf32>,
        %get3A_378 = vector.shape_cast %get3A_377 : vector<1x16xf32> to vector<16xf32>
        %add3A_379 = arith.addf %add3A_351, %get3A_378 : vector<16xf32>
        %add3A_380 = arith.constant 4 : i32
        %add3A_381 = arith.addi %mul3A_305, %add3A_380 : i32
        %get3A_382 = arith.index_cast %add3A_381 : i32 to index
        %get3A_383 = arith.constant 16 : index
        %get3A_384 = tpu.vector_load %arg10[%get3A_382, %get3A_383] {strides = array<i32>} : memref<400x64xf32, #tpu.memory_space<vmem>>, vector<1x16xf32>,
        %get3A_385 = vector.shape_cast %get3A_384 : vector<1x16xf32> to vector<16xf32>
        %add3A_386 = arith.addf %add3A_358, %get3A_385 : vector<16xf32>
        %add3A_387 = arith.constant 4 : i32
        %add3A_388 = arith.addi %mul3A_305, %add3A_387 : i32
        %get3A_389 = arith.index_cast %add3A_388 : i32 to index
        %get3A_390 = arith.constant 32 : index
        %get3A_391 = tpu.vector_load %arg10[%get3A_389, %get3A_390] {strides = array<i32>} : memref<400x64xf32, #tpu.memory_space<vmem>>, vector<1x16xf32>,
        %get3A_392 = vector.shape_cast %get3A_391 : vector<1x16xf32> to vector<16xf32>
        %add3A_393 = arith.addf %add3A_365, %get3A_392 : vector<16xf32>
        %add3A_394 = arith.constant 4 : i32
        %add3A_395 = arith.addi %mul3A_305, %add3A_394 : i32
        %get3A_396 = arith.index_cast %add3A_395 : i32 to index
        %get3A_397 = arith.constant 48 : index
        %get3A_398 = tpu.vector_load %arg10[%get3A_396, %get3A_397] {strides = array<i32>} : memref<400x64xf32, #tpu.memory_space<vmem>>, vector<1x16xf32>,
        %get3A_399 = vector.shape_cast %get3A_398 : vector<1x16xf32> to vector<16xf32>
        %add3A_400 = arith.addf %add3A_372, %get3A_399 : vector<16xf32>
        %add3A_401 = arith.constant 6 : i32
        %add3A_402 = arith.addi %mul3A_305, %add3A_401 : i32
        %get3A_403 = arith.index_cast %add3A_402 : i32 to index
        %get3A_404 = arith.constant 0 : index
        %get3A_405 = tpu.vector_load %arg10[%get3A_403, %get3A_404] {strides = array<i32>} : memref<400x64xf32, #tpu.memory_space<vmem>>, vector<1x16xf32>,
        %get3A_406 = vector.shape_cast %get3A_405 : vector<1x16xf32> to vector<16xf32>
        %add3A_407 = arith.addf %add3A_379, %get3A_406 : vector<16xf32>
        %add3A_408 = arith.constant 6 : i32
        %add3A_409 = arith.addi %mul3A_305, %add3A_408 : i32
        %get3A_410 = arith.index_cast %add3A_409 : i32 to index
        %get3A_411 = arith.constant 16 : index
        %get3A_412 = tpu.vector_load %arg10[%get3A_410, %get3A_411] {strides = array<i32>} : memref<400x64xf32, #tpu.memory_space<vmem>>, vector<1x16xf32>,
        %get3A_413 = vector.shape_cast %get3A_412 : vector<1x16xf32> to vector<16xf32>
        %add3A_414 = arith.addf %add3A_386, %get3A_413 : vector<16xf32>
        %add3A_415 = arith.constant 6 : i32
        %add3A_416 = arith.addi %mul3A_305, %add3A_415 : i32
        %get3A_417 = arith.index_cast %add3A_416 : i32 to index
        %get3A_418 = arith.constant 32 : index
        %get3A_419 = tpu.vector_load %arg10[%get3A_417, %get3A_418] {strides = array<i32>} : memref<400x64xf32, #tpu.memory_space<vmem>>, vector<1x16xf32>,
        %get3A_420 = vector.shape_cast %get3A_419 : vector<1x16xf32> to vector<16xf32>
        %add3A_421 = arith.addf %add3A_393, %get3A_420 : vector<16xf32>
        %add3A_422 = arith.constant 6 : i32
        %add3A_423 = arith.addi %mul3A_305, %add3A_422 : i32
        %get3A_424 = arith.index_cast %add3A_423 : i32 to index
        %get3A_425 = arith.constant 48 : index
        %get3A_426 = tpu.vector_load %arg10[%get3A_424, %get3A_425] {strides = array<i32>} : memref<400x64xf32, #tpu.memory_space<vmem>>, vector<1x16xf32>,
        %get3A_427 = vector.shape_cast %get3A_426 : vector<1x16xf32> to vector<16xf32>
        %add3A_428 = arith.addf %add3A_400, %get3A_427 : vector<16xf32>
        %add3A_429 = arith.constant 8 : i32
        %add3A_430 = arith.addi %mul3A_305, %add3A_429 : i32
        %get3A_431 = arith.index_cast %add3A_430 : i32 to index
        %get3A_432 = arith.constant 0 : index
        %get3A_433 = tpu.vector_load %arg10[%get3A_431, %get3A_432] {strides = array<i32>} : memref<400x64xf32, #tpu.memory_space<vmem>>, vector<1x16xf32>,
        %get3A_434 = vector.shape_cast %get3A_433 : vector<1x16xf32> to vector<16xf32>
        %add3A_435 = arith.addf %add3A_407, %get3A_434 : vector<16xf32>
        %add3A_436 = arith.constant 8 : i32
        %add3A_437 = arith.addi %mul3A_305, %add3A_436 : i32
        %get3A_438 = arith.index_cast %add3A_437 : i32 to index
        %get3A_439 = arith.constant 16 : index
        %get3A_440 = tpu.vector_load %arg10[%get3A_438, %get3A_439] {strides = array<i32>} : memref<400x64xf32, #tpu.memory_space<vmem>>, vector<1x16xf32>,
        %get3A_441 = vector.shape_cast %get3A_440 : vector<1x16xf32> to vector<16xf32>
        %add3A_442 = arith.addf %add3A_414, %get3A_441 : vector<16xf32>
        %add3A_443 = arith.constant 8 : i32
        %add3A_444 = arith.addi %mul3A_305, %add3A_443 : i32
        %get3A_445 = arith.index_cast %add3A_444 : i32 to index
        %get3A_446 = arith.constant 32 : index
        %get3A_447 = tpu.vector_load %arg10[%get3A_445, %get3A_446] {strides = array<i32>} : memref<400x64xf32, #tpu.memory_space<vmem>>, vector<1x16xf32>,
        %get3A_448 = vector.shape_cast %get3A_447 : vector<1x16xf32> to vector<16xf32>
        %add3A_449 = arith.addf %add3A_421, %get3A_448 : vector<16xf32>
        %add3A_450 = arith.constant 8 : i32
        %add3A_451 = arith.addi %mul3A_305, %add3A_450 : i32
        %get3A_452 = arith.index_cast %add3A_451 : i32 to index
        %get3A_453 = arith.constant 48 : index
        %get3A_454 = tpu.vector_load %arg10[%get3A_452, %get3A_453] {strides = array<i32>} : memref<400x64xf32, #tpu.memory_space<vmem>>, vector<1x16xf32>,
        %get3A_455 = vector.shape_cast %get3A_454 : vector<1x16xf32> to vector<16xf32>
        %add3A_456 = arith.addf %add3A_428, %get3A_455 : vector<16xf32>
        %add3A_457 = arith.constant 10 : i32
        %add3A_458 = arith.addi %mul3A_305, %add3A_457 : i32
        %get3A_459 = arith.index_cast %add3A_458 : i32 to index
        %get3A_460 = arith.constant 0 : index
        %get3A_461 = tpu.vector_load %arg10[%get3A_459, %get3A_460] {strides = array<i32>} : memref<400x64xf32, #tpu.memory_space<vmem>>, vector<1x16xf32>,
        %get3A_462 = vector.shape_cast %get3A_461 : vector<1x16xf32> to vector<16xf32>
        %add3A_463 = arith.addf %add3A_435, %get3A_462 : vector<16xf32>
        %add3A_464 = arith.constant 10 : i32
        %add3A_465 = arith.addi %mul3A_305, %add3A_464 : i32
        %get3A_466 = arith.index_cast %add3A_465 : i32 to index
        %get3A_467 = arith.constant 16 : index
        %get3A_468 = tpu.vector_load %arg10[%get3A_466, %get3A_467] {strides = array<i32>} : memref<400x64xf32, #tpu.memory_space<vmem>>, vector<1x16xf32>,
        %get3A_469 = vector.shape_cast %get3A_468 : vector<1x16xf32> to vector<16xf32>
        %add3A_470 = arith.addf %add3A_442, %get3A_469 : vector<16xf32>
        %add3A_471 = arith.constant 10 : i32
        %add3A_472 = arith.addi %mul3A_305, %add3A_471 : i32
        %get3A_473 = arith.index_cast %add3A_472 : i32 to index
        %get3A_474 = arith.constant 32 : index
        %get3A_475 = tpu.vector_load %arg10[%get3A_473, %get3A_474] {strides = array<i32>} : memref<400x64xf32, #tpu.memory_space<vmem>>, vector<1x16xf32>,
        %get3A_476 = vector.shape_cast %get3A_475 : vector<1x16xf32> to vector<16xf32>
        %add3A_477 = arith.addf %add3A_449, %get3A_476 : vector<16xf32>
        %add3A_478 = arith.constant 10 : i32
        %add3A_479 = arith.addi %mul3A_305, %add3A_478 : i32
        %get3A_480 = arith.index_cast %add3A_479 : i32 to index
        %get3A_481 = arith.constant 48 : index
        %get3A_482 = tpu.vector_load %arg10[%get3A_480, %get3A_481] {strides = array<i32>} : memref<400x64xf32, #tpu.memory_space<vmem>>, vector<1x16xf32>,
        %get3A_483 = vector.shape_cast %get3A_482 : vector<1x16xf32> to vector<16xf32>
        %add3A_484 = arith.addf %add3A_456, %get3A_483 : vector<16xf32>
        %add3A_485 = arith.constant 12 : i32
        %add3A_486 = arith.addi %mul3A_305, %add3A_485 : i32
        %get3A_487 = arith.index_cast %add3A_486 : i32 to index
        %get3A_488 = arith.constant 0 : index
        %get3A_489 = tpu.vector_load %arg10[%get3A_487, %get3A_488] {strides = array<i32>} : memref<400x64xf32, #tpu.memory_space<vmem>>, vector<1x16xf32>,
        %get3A_490 = vector.shape_cast %get3A_489 : vector<1x16xf32> to vector<16xf32>
        %add3A_491 = arith.addf %add3A_463, %get3A_490 : vector<16xf32>
        %add3A_492 = arith.constant 12 : i32
        %add3A_493 = arith.addi %mul3A_305, %add3A_492 : i32
        %get3A_494 = arith.index_cast %add3A_493 : i32 to index
        %get3A_495 = arith.constant 16 : index
        %get3A_496 = tpu.vector_load %arg10[%get3A_494, %get3A_495] {strides = array<i32>} : memref<400x64xf32, #tpu.memory_space<vmem>>, vector<1x16xf32>,
        %get3A_497 = vector.shape_cast %get3A_496 : vector<1x16xf32> to vector<16xf32>
        %add3A_498 = arith.addf %add3A_470, %get3A_497 : vector<16xf32>
        %add3A_499 = arith.constant 12 : i32
        %add3A_500 = arith.addi %mul3A_305, %add3A_499 : i32
        %get3A_501 = arith.index_cast %add3A_500 : i32 to index
        %get3A_502 = arith.constant 32 : index
        %get3A_503 = tpu.vector_load %arg10[%get3A_501, %get3A_502] {strides = array<i32>} : memref<400x64xf32, #tpu.memory_space<vmem>>, vector<1x16xf32>,
        %get3A_504 = vector.shape_cast %get3A_503 : vector<1x16xf32> to vector<16xf32>
        %add3A_505 = arith.addf %add3A_477, %get3A_504 : vector<16xf32>
        %add3A_506 = arith.constant 12 : i32
        %add3A_507 = arith.addi %mul3A_305, %add3A_506 : i32
        %get3A_508 = arith.index_cast %add3A_507 : i32 to index
        %get3A_509 = arith.constant 48 : index
        %get3A_510 = tpu.vector_load %arg10[%get3A_508, %get3A_509] {strides = array<i32>} : memref<400x64xf32, #tpu.memory_space<vmem>>, vector<1x16xf32>,
        %get3A_511 = vector.shape_cast %get3A_510 : vector<1x16xf32> to vector<16xf32>
        %add3A_512 = arith.addf %add3A_484, %get3A_511 : vector<16xf32>
        %add3A_513 = arith.constant 14 : i32
        %add3A_514 = arith.addi %mul3A_305, %add3A_513 : i32
        %get3A_515 = arith.index_cast %add3A_514 : i32 to index
        %get3A_516 = arith.constant 0 : index
        %get3A_517 = tpu.vector_load %arg10[%get3A_515, %get3A_516] {strides = array<i32>} : memref<400x64xf32, #tpu.memory_space<vmem>>, vector<1x16xf32>,
        %get3A_518 = vector.shape_cast %get3A_517 : vector<1x16xf32> to vector<16xf32>
        %add3A_519 = arith.addf %add3A_491, %get3A_518 : vector<16xf32>
        %add3A_520 = arith.constant 14 : i32
        %add3A_521 = arith.addi %mul3A_305, %add3A_520 : i32
        %get3A_522 = arith.index_cast %add3A_521 : i32 to index
        %get3A_523 = arith.constant 16 : index
        %get3A_524 = tpu.vector_load %arg10[%get3A_522, %get3A_523] {strides = array<i32>} : memref<400x64xf32, #tpu.memory_space<vmem>>, vector<1x16xf32>,
        %get3A_525 = vector.shape_cast %get3A_524 : vector<1x16xf32> to vector<16xf32>
        %add3A_526 = arith.addf %add3A_498, %get3A_525 : vector<16xf32>
        %add3A_527 = arith.constant 14 : i32
        %add3A_528 = arith.addi %mul3A_305, %add3A_527 : i32
        %get3A_529 = arith.index_cast %add3A_528 : i32 to index
        %get3A_530 = arith.constant 32 : index
        %get3A_531 = tpu.vector_load %arg10[%get3A_529, %get3A_530] {strides = array<i32>} : memref<400x64xf32, #tpu.memory_space<vmem>>, vector<1x16xf32>,
        %get3A_532 = vector.shape_cast %get3A_531 : vector<1x16xf32> to vector<16xf32>
        %add3A_533 = arith.addf %add3A_505, %get3A_532 : vector<16xf32>
        %add3A_534 = arith.constant 14 : i32
        %add3A_535 = arith.addi %mul3A_305, %add3A_534 : i32
        %get3A_536 = arith.index_cast %add3A_535 : i32 to index
        %get3A_537 = arith.constant 48 : index
        %get3A_538 = tpu.vector_load %arg10[%get3A_536, %get3A_537] {strides = array<i32>} : memref<400x64xf32, #tpu.memory_space<vmem>>, vector<1x16xf32>,
        %get3A_539 = vector.shape_cast %get3A_538 : vector<1x16xf32> to vector<16xf32>
        %add3A_540 = arith.addf %add3A_512, %get3A_539 : vector<16xf32>
        %add3A_541 = arith.constant 16 : i32
        %add3A_542 = arith.addi %mul3A_305, %add3A_541 : i32
        %get3A_543 = arith.index_cast %add3A_542 : i32 to index
        %get3A_544 = arith.constant 0 : index
        %get3A_545 = tpu.vector_load %arg10[%get3A_543, %get3A_544] {strides = array<i32>} : memref<400x64xf32, #tpu.memory_space<vmem>>, vector<1x16xf32>,
        %get3A_546 = vector.shape_cast %get3A_545 : vector<1x16xf32> to vector<16xf32>
        %add3A_547 = arith.addf %add3A_519, %get3A_546 : vector<16xf32>
        %add3A_548 = arith.constant 16 : i32
        %add3A_549 = arith.addi %mul3A_305, %add3A_548 : i32
        %get3A_550 = arith.index_cast %add3A_549 : i32 to index
        %get3A_551 = arith.constant 16 : index
        %get3A_552 = tpu.vector_load %arg10[%get3A_550, %get3A_551] {strides = array<i32>} : memref<400x64xf32, #tpu.memory_space<vmem>>, vector<1x16xf32>,
        %get3A_553 = vector.shape_cast %get3A_552 : vector<1x16xf32> to vector<16xf32>
        %add3A_554 = arith.addf %add3A_526, %get3A_553 : vector<16xf32>
        %add3A_555 = arith.constant 16 : i32
        %add3A_556 = arith.addi %mul3A_305, %add3A_555 : i32
        %get3A_557 = arith.index_cast %add3A_556 : i32 to index
        %get3A_558 = arith.constant 32 : index
        %get3A_559 = tpu.vector_load %arg10[%get3A_557, %get3A_558] {strides = array<i32>} : memref<400x64xf32, #tpu.memory_space<vmem>>, vector<1x16xf32>,
        %get3A_560 = vector.shape_cast %get3A_559 : vector<1x16xf32> to vector<16xf32>
        %add3A_561 = arith.addf %add3A_533, %get3A_560 : vector<16xf32>
        %add3A_562 = arith.constant 16 : i32
        %add3A_563 = arith.addi %mul3A_305, %add3A_562 : i32
        %get3A_564 = arith.index_cast %add3A_563 : i32 to index
        %get3A_565 = arith.constant 48 : index
        %get3A_566 = tpu.vector_load %arg10[%get3A_564, %get3A_565] {strides = array<i32>} : memref<400x64xf32, #tpu.memory_space<vmem>>, vector<1x16xf32>,
        %get3A_567 = vector.shape_cast %get3A_566 : vector<1x16xf32> to vector<16xf32>
        %add3A_568 = arith.addf %add3A_540, %get3A_567 : vector<16xf32>
        %add3A_569 = arith.constant 18 : i32
        %add3A_570 = arith.addi %mul3A_305, %add3A_569 : i32
        %get3A_571 = arith.index_cast %add3A_570 : i32 to index
        %get3A_572 = arith.constant 0 : index
        %get3A_573 = tpu.vector_load %arg10[%get3A_571, %get3A_572] {strides = array<i32>} : memref<400x64xf32, #tpu.memory_space<vmem>>, vector<1x16xf32>,
        %get3A_574 = vector.shape_cast %get3A_573 : vector<1x16xf32> to vector<16xf32>
        %add3A_575 = arith.addf %add3A_547, %get3A_574 : vector<16xf32>
        %add3A_576 = arith.constant 18 : i32
        %add3A_577 = arith.addi %mul3A_305, %add3A_576 : i32
        %get3A_578 = arith.index_cast %add3A_577 : i32 to index
        %get3A_579 = arith.constant 16 : index
        %get3A_580 = tpu.vector_load %arg10[%get3A_578, %get3A_579] {strides = array<i32>} : memref<400x64xf32, #tpu.memory_space<vmem>>, vector<1x16xf32>,
        %get3A_581 = vector.shape_cast %get3A_580 : vector<1x16xf32> to vector<16xf32>
        %add3A_582 = arith.addf %add3A_554, %get3A_581 : vector<16xf32>
        %add3A_583 = arith.constant 18 : i32
        %add3A_584 = arith.addi %mul3A_305, %add3A_583 : i32
        %get3A_585 = arith.index_cast %add3A_584 : i32 to index
        %get3A_586 = arith.constant 32 : index
        %get3A_587 = tpu.vector_load %arg10[%get3A_585, %get3A_586] {strides = array<i32>} : memref<400x64xf32, #tpu.memory_space<vmem>>, vector<1x16xf32>,
        %get3A_588 = vector.shape_cast %get3A_587 : vector<1x16xf32> to vector<16xf32>
        %add3A_589 = arith.addf %add3A_561, %get3A_588 : vector<16xf32>
        %add3A_590 = arith.constant 18 : i32
        %add3A_591 = arith.addi %mul3A_305, %add3A_590 : i32
        %get3A_592 = arith.index_cast %add3A_591 : i32 to index
        %get3A_593 = arith.constant 48 : index
        %get3A_594 = tpu.vector_load %arg10[%get3A_592, %get3A_593] {strides = array<i32>} : memref<400x64xf32, #tpu.memory_space<vmem>>, vector<1x16xf32>,
        %get3A_595 = vector.shape_cast %get3A_594 : vector<1x16xf32> to vector<16xf32>
        %add3A_596 = arith.addf %add3A_568, %get3A_595 : vector<16xf32>
        %add3A_597 = arith.constant 20 : i32
        %add3A_598 = arith.addi %mul3A_305, %add3A_597 : i32
        %get3A_599 = arith.index_cast %add3A_598 : i32 to index
        %get3A_600 = arith.constant 0 : index
        %get3A_601 = tpu.vector_load %arg10[%get3A_599, %get3A_600] {strides = array<i32>} : memref<400x64xf32, #tpu.memory_space<vmem>>, vector<1x16xf32>,
        %get3A_602 = vector.shape_cast %get3A_601 : vector<1x16xf32> to vector<16xf32>
        %add3A_603 = arith.addf %add3A_575, %get3A_602 : vector<16xf32>
        %add3A_604 = arith.constant 20 : i32
        %add3A_605 = arith.addi %mul3A_305, %add3A_604 : i32
        %get3A_606 = arith.index_cast %add3A_605 : i32 to index
        %get3A_607 = arith.constant 16 : index
        %get3A_608 = tpu.vector_load %arg10[%get3A_606, %get3A_607] {strides = array<i32>} : memref<400x64xf32, #tpu.memory_space<vmem>>, vector<1x16xf32>,
        %get3A_609 = vector.shape_cast %get3A_608 : vector<1x16xf32> to vector<16xf32>
        %add3A_610 = arith.addf %add3A_582, %get3A_609 : vector<16xf32>
        %add3A_611 = arith.constant 20 : i32
        %add3A_612 = arith.addi %mul3A_305, %add3A_611 : i32
        %get3A_613 = arith.index_cast %add3A_612 : i32 to index
        %get3A_614 = arith.constant 32 : index
        %get3A_615 = tpu.vector_load %arg10[%get3A_613, %get3A_614] {strides = array<i32>} : memref<400x64xf32, #tpu.memory_space<vmem>>, vector<1x16xf32>,
        %get3A_616 = vector.shape_cast %get3A_615 : vector<1x16xf32> to vector<16xf32>
        %add3A_617 = arith.addf %add3A_589, %get3A_616 : vector<16xf32>
        %add3A_618 = arith.constant 20 : i32
        %add3A_619 = arith.addi %mul3A_305, %add3A_618 : i32
        %get3A_620 = arith.index_cast %add3A_619 : i32 to index
        %get3A_621 = arith.constant 48 : index
        %get3A_622 = tpu.vector_load %arg10[%get3A_620, %get3A_621] {strides = array<i32>} : memref<400x64xf32, #tpu.memory_space<vmem>>, vector<1x16xf32>,
        %get3A_623 = vector.shape_cast %get3A_622 : vector<1x16xf32> to vector<16xf32>
        %add3A_624 = arith.addf %add3A_596, %get3A_623 : vector<16xf32>
        %add3A_625 = arith.constant 22 : i32
        %add3A_626 = arith.addi %mul3A_305, %add3A_625 : i32
        %get3A_627 = arith.index_cast %add3A_626 : i32 to index
        %get3A_628 = arith.constant 0 : index
        %get3A_629 = tpu.vector_load %arg10[%get3A_627, %get3A_628] {strides = array<i32>} : memref<400x64xf32, #tpu.memory_space<vmem>>, vector<1x16xf32>,
        %get3A_630 = vector.shape_cast %get3A_629 : vector<1x16xf32> to vector<16xf32>
        %add3A_631 = arith.addf %add3A_603, %get3A_630 : vector<16xf32>
        %add3A_632 = arith.constant 22 : i32
        %add3A_633 = arith.addi %mul3A_305, %add3A_632 : i32
        %get3A_634 = arith.index_cast %add3A_633 : i32 to index
        %get3A_635 = arith.constant 16 : index
        %get3A_636 = tpu.vector_load %arg10[%get3A_634, %get3A_635] {strides = array<i32>} : memref<400x64xf32, #tpu.memory_space<vmem>>, vector<1x16xf32>,
        %get3A_637 = vector.shape_cast %get3A_636 : vector<1x16xf32> to vector<16xf32>
        %add3A_638 = arith.addf %add3A_610, %get3A_637 : vector<16xf32>
        %add3A_639 = arith.constant 22 : i32
        %add3A_640 = arith.addi %mul3A_305, %add3A_639 : i32
        %get3A_641 = arith.index_cast %add3A_640 : i32 to index
        %get3A_642 = arith.constant 32 : index
        %get3A_643 = tpu.vector_load %arg10[%get3A_641, %get3A_642] {strides = array<i32>} : memref<400x64xf32, #tpu.memory_space<vmem>>, vector<1x16xf32>,
        %get3A_644 = vector.shape_cast %get3A_643 : vector<1x16xf32> to vector<16xf32>
        %add3A_645 = arith.addf %add3A_617, %get3A_644 : vector<16xf32>
        %add3A_646 = arith.constant 22 : i32
        %add3A_647 = arith.addi %mul3A_305, %add3A_646 : i32
        %get3A_648 = arith.index_cast %add3A_647 : i32 to index
        %get3A_649 = arith.constant 48 : index
        %get3A_650 = tpu.vector_load %arg10[%get3A_648, %get3A_649] {strides = array<i32>} : memref<400x64xf32, #tpu.memory_space<vmem>>, vector<1x16xf32>,
        %get3A_651 = vector.shape_cast %get3A_650 : vector<1x16xf32> to vector<16xf32>
        %add3A_652 = arith.addf %add3A_624, %get3A_651 : vector<16xf32>
        %add3A_653 = arith.constant 24 : i32
        %add3A_654 = arith.addi %mul3A_305, %add3A_653 : i32
        %get3A_655 = arith.index_cast %add3A_654 : i32 to index
        %get3A_656 = arith.constant 0 : index
        %get3A_657 = tpu.vector_load %arg10[%get3A_655, %get3A_656] {strides = array<i32>} : memref<400x64xf32, #tpu.memory_space<vmem>>, vector<1x16xf32>,
        %get3A_658 = vector.shape_cast %get3A_657 : vector<1x16xf32> to vector<16xf32>
        %add3A_659 = arith.addf %add3A_631, %get3A_658 : vector<16xf32>
        %add3A_660 = arith.constant 24 : i32
        %add3A_661 = arith.addi %mul3A_305, %add3A_660 : i32
        %get3A_662 = arith.index_cast %add3A_661 : i32 to index
        %get3A_663 = arith.constant 16 : index
        %get3A_664 = tpu.vector_load %arg10[%get3A_662, %get3A_663] {strides = array<i32>} : memref<400x64xf32, #tpu.memory_space<vmem>>, vector<1x16xf32>,
        %get3A_665 = vector.shape_cast %get3A_664 : vector<1x16xf32> to vector<16xf32>
        %add3A_666 = arith.addf %add3A_638, %get3A_665 : vector<16xf32>
        %add3A_667 = arith.constant 24 : i32
        %add3A_668 = arith.addi %mul3A_305, %add3A_667 : i32
        %get3A_669 = arith.index_cast %add3A_668 : i32 to index
        %get3A_670 = arith.constant 32 : index
        %get3A_671 = tpu.vector_load %arg10[%get3A_669, %get3A_670] {strides = array<i32>} : memref<400x64xf32, #tpu.memory_space<vmem>>, vector<1x16xf32>,
        %get3A_672 = vector.shape_cast %get3A_671 : vector<1x16xf32> to vector<16xf32>
        %add3A_673 = arith.addf %add3A_645, %get3A_672 : vector<16xf32>
        %add3A_674 = arith.constant 24 : i32
        %add3A_675 = arith.addi %mul3A_305, %add3A_674 : i32
        %get3A_676 = arith.index_cast %add3A_675 : i32 to index
        %get3A_677 = arith.constant 48 : index
        %get3A_678 = tpu.vector_load %arg10[%get3A_676, %get3A_677] {strides = array<i32>} : memref<400x64xf32, #tpu.memory_space<vmem>>, vector<1x16xf32>,
        %get3A_679 = vector.shape_cast %get3A_678 : vector<1x16xf32> to vector<16xf32>
        %add3A_680 = arith.addf %add3A_652, %get3A_679 : vector<16xf32>
        %add3A_681 = arith.constant 26 : i32
        %add3A_682 = arith.addi %mul3A_305, %add3A_681 : i32
        %get3A_683 = arith.index_cast %add3A_682 : i32 to index
        %get3A_684 = arith.constant 0 : index
        %get3A_685 = tpu.vector_load %arg10[%get3A_683, %get3A_684] {strides = array<i32>} : memref<400x64xf32, #tpu.memory_space<vmem>>, vector<1x16xf32>,
        %get3A_686 = vector.shape_cast %get3A_685 : vector<1x16xf32> to vector<16xf32>
        %add3A_687 = arith.addf %add3A_659, %get3A_686 : vector<16xf32>
        %add3A_688 = arith.constant 26 : i32
        %add3A_689 = arith.addi %mul3A_305, %add3A_688 : i32
        %get3A_690 = arith.index_cast %add3A_689 : i32 to index
        %get3A_691 = arith.constant 16 : index
        %get3A_692 = tpu.vector_load %arg10[%get3A_690, %get3A_691] {strides = array<i32>} : memref<400x64xf32, #tpu.memory_space<vmem>>, vector<1x16xf32>,
        %get3A_693 = vector.shape_cast %get3A_692 : vector<1x16xf32> to vector<16xf32>
        %add3A_694 = arith.addf %add3A_666, %get3A_693 : vector<16xf32>
        %add3A_695 = arith.constant 26 : i32
        %add3A_696 = arith.addi %mul3A_305, %add3A_695 : i32
        %get3A_697 = arith.index_cast %add3A_696 : i32 to index
        %get3A_698 = arith.constant 32 : index
        %get3A_699 = tpu.vector_load %arg10[%get3A_697, %get3A_698] {strides = array<i32>} : memref<400x64xf32, #tpu.memory_space<vmem>>, vector<1x16xf32>,
        %get3A_700 = vector.shape_cast %get3A_699 : vector<1x16xf32> to vector<16xf32>
        %add3A_701 = arith.addf %add3A_673, %get3A_700 : vector<16xf32>
        %add3A_702 = arith.constant 26 : i32
        %add3A_703 = arith.addi %mul3A_305, %add3A_702 : i32
        %get3A_704 = arith.index_cast %add3A_703 : i32 to index
        %get3A_705 = arith.constant 48 : index
        %get3A_706 = tpu.vector_load %arg10[%get3A_704, %get3A_705] {strides = array<i32>} : memref<400x64xf32, #tpu.memory_space<vmem>>, vector<1x16xf32>,
        %get3A_707 = vector.shape_cast %get3A_706 : vector<1x16xf32> to vector<16xf32>
        %add3A_708 = arith.addf %add3A_680, %get3A_707 : vector<16xf32>
        %add3A_709 = arith.constant 28 : i32
        %add3A_710 = arith.addi %mul3A_305, %add3A_709 : i32
        %get3A_711 = arith.index_cast %add3A_710 : i32 to index
        %get3A_712 = arith.constant 0 : index
        %get3A_713 = tpu.vector_load %arg10[%get3A_711, %get3A_712] {strides = array<i32>} : memref<400x64xf32, #tpu.memory_space<vmem>>, vector<1x16xf32>,
        %get3A_714 = vector.shape_cast %get3A_713 : vector<1x16xf32> to vector<16xf32>
        %add3A_715 = arith.addf %add3A_687, %get3A_714 : vector<16xf32>
        %add3A_716 = arith.constant 28 : i32
        %add3A_717 = arith.addi %mul3A_305, %add3A_716 : i32
        %get3A_718 = arith.index_cast %add3A_717 : i32 to index
        %get3A_719 = arith.constant 16 : index
        %get3A_720 = tpu.vector_load %arg10[%get3A_718, %get3A_719] {strides = array<i32>} : memref<400x64xf32, #tpu.memory_space<vmem>>, vector<1x16xf32>,
        %get3A_721 = vector.shape_cast %get3A_720 : vector<1x16xf32> to vector<16xf32>
        %add3A_722 = arith.addf %add3A_694, %get3A_721 : vector<16xf32>
        %add3A_723 = arith.constant 28 : i32
        %add3A_724 = arith.addi %mul3A_305, %add3A_723 : i32
        %get3A_725 = arith.index_cast %add3A_724 : i32 to index
        %get3A_726 = arith.constant 32 : index
        %get3A_727 = tpu.vector_load %arg10[%get3A_725, %get3A_726] {strides = array<i32>} : memref<400x64xf32, #tpu.memory_space<vmem>>, vector<1x16xf32>,
        %get3A_728 = vector.shape_cast %get3A_727 : vector<1x16xf32> to vector<16xf32>
        %add3A_729 = arith.addf %add3A_701, %get3A_728 : vector<16xf32>
        %add3A_730 = arith.constant 28 : i32
        %add3A_731 = arith.addi %mul3A_305, %add3A_730 : i32
        %get3A_732 = arith.index_cast %add3A_731 : i32 to index
        %get3A_733 = arith.constant 48 : index
        %get3A_734 = tpu.vector_load %arg10[%get3A_732, %get3A_733] {strides = array<i32>} : memref<400x64xf32, #tpu.memory_space<vmem>>, vector<1x16xf32>,
        %get3A_735 = vector.shape_cast %get3A_734 : vector<1x16xf32> to vector<16xf32>
        %add3A_736 = arith.addf %add3A_708, %get3A_735 : vector<16xf32>
        %add3A_737 = arith.constant 30 : i32
        %add3A_738 = arith.addi %mul3A_305, %add3A_737 : i32
        %get3A_739 = arith.index_cast %add3A_738 : i32 to index
        %get3A_740 = arith.constant 0 : index
        %get3A_741 = tpu.vector_load %arg10[%get3A_739, %get3A_740] {strides = array<i32>} : memref<400x64xf32, #tpu.memory_space<vmem>>, vector<1x16xf32>,
        %get3A_742 = vector.shape_cast %get3A_741 : vector<1x16xf32> to vector<16xf32>
        %add3A_743 = arith.addf %add3A_715, %get3A_742 : vector<16xf32>
        %add3A_744 = arith.constant 30 : i32
        %add3A_745 = arith.addi %mul3A_305, %add3A_744 : i32
        %get3A_746 = arith.index_cast %add3A_745 : i32 to index
        %get3A_747 = arith.constant 16 : index
        %get3A_748 = tpu.vector_load %arg10[%get3A_746, %get3A_747] {strides = array<i32>} : memref<400x64xf32, #tpu.memory_space<vmem>>, vector<1x16xf32>,
        %get3A_749 = vector.shape_cast %get3A_748 : vector<1x16xf32> to vector<16xf32>
        %add3A_750 = arith.addf %add3A_722, %get3A_749 : vector<16xf32>
        %add3A_751 = arith.constant 30 : i32
        %add3A_752 = arith.addi %mul3A_305, %add3A_751 : i32
        %get3A_753 = arith.index_cast %add3A_752 : i32 to index
        %get3A_754 = arith.constant 32 : index
        %get3A_755 = tpu.vector_load %arg10[%get3A_753, %get3A_754] {strides = array<i32>} : memref<400x64xf32, #tpu.memory_space<vmem>>, vector<1x16xf32>,
        %get3A_756 = vector.shape_cast %get3A_755 : vector<1x16xf32> to vector<16xf32>
        %add3A_757 = arith.addf %add3A_729, %get3A_756 : vector<16xf32>
        %add3A_758 = arith.constant 30 : i32
        %add3A_759 = arith.addi %mul3A_305, %add3A_758 : i32
        %get3A_760 = arith.index_cast %add3A_759 : i32 to index
        %get3A_761 = arith.constant 48 : index
        %get3A_762 = tpu.vector_load %arg10[%get3A_760, %get3A_761] {strides = array<i32>} : memref<400x64xf32, #tpu.memory_space<vmem>>, vector<1x16xf32>,
        %get3A_763 = vector.shape_cast %get3A_762 : vector<1x16xf32> to vector<16xf32>
        %add3A_764 = arith.addf %add3A_736, %get3A_763 : vector<16xf32>
        %add3A_765 = arith.constant 32 : i32
        %add3A_766 = arith.addi %mul3A_305, %add3A_765 : i32
        %get3A_767 = arith.index_cast %add3A_766 : i32 to index
        %get3A_768 = arith.constant 0 : index
        %get3A_769 = tpu.vector_load %arg10[%get3A_767, %get3A_768] {strides = array<i32>} : memref<400x64xf32, #tpu.memory_space<vmem>>, vector<1x16xf32>,
        %get3A_770 = vector.shape_cast %get3A_769 : vector<1x16xf32> to vector<16xf32>
        %add3A_771 = arith.addf %add3A_743, %get3A_770 : vector<16xf32>
        %add3A_772 = arith.constant 32 : i32
        %add3A_773 = arith.addi %mul3A_305, %add3A_772 : i32
        %get3A_774 = arith.index_cast %add3A_773 : i32 to index
        %get3A_775 = arith.constant 16 : index
        %get3A_776 = tpu.vector_load %arg10[%get3A_774, %get3A_775] {strides = array<i32>} : memref<400x64xf32, #tpu.memory_space<vmem>>, vector<1x16xf32>,
        %get3A_777 = vector.shape_cast %get3A_776 : vector<1x16xf32> to vector<16xf32>
        %add3A_778 = arith.addf %add3A_750, %get3A_777 : vector<16xf32>
        %add3A_779 = arith.constant 32 : i32
        %add3A_780 = arith.addi %mul3A_305, %add3A_779 : i32
        %get3A_781 = arith.index_cast %add3A_780 : i32 to index
        %get3A_782 = arith.constant 32 : index
        %get3A_783 = tpu.vector_load %arg10[%get3A_781, %get3A_782] {strides = array<i32>} : memref<400x64xf32, #tpu.memory_space<vmem>>, vector<1x16xf32>,
        %get3A_784 = vector.shape_cast %get3A_783 : vector<1x16xf32> to vector<16xf32>
        %add3A_785 = arith.addf %add3A_757, %get3A_784 : vector<16xf32>
        %add3A_786 = arith.constant 32 : i32
        %add3A_787 = arith.addi %mul3A_305, %add3A_786 : i32
        %get3A_788 = arith.index_cast %add3A_787 : i32 to index
        %get3A_789 = arith.constant 48 : index
        %get3A_790 = tpu.vector_load %arg10[%get3A_788, %get3A_789] {strides = array<i32>} : memref<400x64xf32, #tpu.memory_space<vmem>>, vector<1x16xf32>,
        %get3A_791 = vector.shape_cast %get3A_790 : vector<1x16xf32> to vector<16xf32>
        %add3A_792 = arith.addf %add3A_764, %get3A_791 : vector<16xf32>
        %add3A_793 = arith.constant 34 : i32
        %add3A_794 = arith.addi %mul3A_305, %add3A_793 : i32
        %get3A_795 = arith.index_cast %add3A_794 : i32 to index
        %get3A_796 = arith.constant 0 : index
        %get3A_797 = tpu.vector_load %arg10[%get3A_795, %get3A_796] {strides = array<i32>} : memref<400x64xf32, #tpu.memory_space<vmem>>, vector<1x16xf32>,
        %get3A_798 = vector.shape_cast %get3A_797 : vector<1x16xf32> to vector<16xf32>
        %add3A_799 = arith.addf %add3A_771, %get3A_798 : vector<16xf32>
        %add3A_800 = arith.constant 34 : i32
        %add3A_801 = arith.addi %mul3A_305, %add3A_800 : i32
        %get3A_802 = arith.index_cast %add3A_801 : i32 to index
        %get3A_803 = arith.constant 16 : index
        %get3A_804 = tpu.vector_load %arg10[%get3A_802, %get3A_803] {strides = array<i32>} : memref<400x64xf32, #tpu.memory_space<vmem>>, vector<1x16xf32>,
        %get3A_805 = vector.shape_cast %get3A_804 : vector<1x16xf32> to vector<16xf32>
        %add3A_806 = arith.addf %add3A_778, %get3A_805 : vector<16xf32>
        %add3A_807 = arith.constant 34 : i32
        %add3A_808 = arith.addi %mul3A_305, %add3A_807 : i32
        %get3A_809 = arith.index_cast %add3A_808 : i32 to index
        %get3A_810 = arith.constant 32 : index
        %get3A_811 = tpu.vector_load %arg10[%get3A_809, %get3A_810] {strides = array<i32>} : memref<400x64xf32, #tpu.memory_space<vmem>>, vector<1x16xf32>,
        %get3A_812 = vector.shape_cast %get3A_811 : vector<1x16xf32> to vector<16xf32>
        %add3A_813 = arith.addf %add3A_785, %get3A_812 : vector<16xf32>
        %add3A_814 = arith.constant 34 : i32
        %add3A_815 = arith.addi %mul3A_305, %add3A_814 : i32
        %get3A_816 = arith.index_cast %add3A_815 : i32 to index
        %get3A_817 = arith.constant 48 : index
        %get3A_818 = tpu.vector_load %arg10[%get3A_816, %get3A_817] {strides = array<i32>} : memref<400x64xf32, #tpu.memory_space<vmem>>, vector<1x16xf32>,
        %get3A_819 = vector.shape_cast %get3A_818 : vector<1x16xf32> to vector<16xf32>
        %add3A_820 = arith.addf %add3A_792, %get3A_819 : vector<16xf32>
        %add3A_821 = arith.constant 36 : i32
        %add3A_822 = arith.addi %mul3A_305, %add3A_821 : i32
        %get3A_823 = arith.index_cast %add3A_822 : i32 to index
        %get3A_824 = arith.constant 0 : index
        %get3A_825 = tpu.vector_load %arg10[%get3A_823, %get3A_824] {strides = array<i32>} : memref<400x64xf32, #tpu.memory_space<vmem>>, vector<1x16xf32>,
        %get3A_826 = vector.shape_cast %get3A_825 : vector<1x16xf32> to vector<16xf32>
        %add3A_827 = arith.addf %add3A_799, %get3A_826 : vector<16xf32>
        %add3A_828 = arith.constant 36 : i32
        %add3A_829 = arith.addi %mul3A_305, %add3A_828 : i32
        %get3A_830 = arith.index_cast %add3A_829 : i32 to index
        %get3A_831 = arith.constant 16 : index
        %get3A_832 = tpu.vector_load %arg10[%get3A_830, %get3A_831] {strides = array<i32>} : memref<400x64xf32, #tpu.memory_space<vmem>>, vector<1x16xf32>,
        %get3A_833 = vector.shape_cast %get3A_832 : vector<1x16xf32> to vector<16xf32>
        %add3A_834 = arith.addf %add3A_806, %get3A_833 : vector<16xf32>
        %add3A_835 = arith.constant 36 : i32
        %add3A_836 = arith.addi %mul3A_305, %add3A_835 : i32
        %get3A_837 = arith.index_cast %add3A_836 : i32 to index
        %get3A_838 = arith.constant 32 : index
        %get3A_839 = tpu.vector_load %arg10[%get3A_837, %get3A_838] {strides = array<i32>} : memref<400x64xf32, #tpu.memory_space<vmem>>, vector<1x16xf32>,
        %get3A_840 = vector.shape_cast %get3A_839 : vector<1x16xf32> to vector<16xf32>
        %add3A_841 = arith.addf %add3A_813, %get3A_840 : vector<16xf32>
        %add3A_842 = arith.constant 36 : i32
        %add3A_843 = arith.addi %mul3A_305, %add3A_842 : i32
        %get3A_844 = arith.index_cast %add3A_843 : i32 to index
        %get3A_845 = arith.constant 48 : index
        %get3A_846 = tpu.vector_load %arg10[%get3A_844, %get3A_845] {strides = array<i32>} : memref<400x64xf32, #tpu.memory_space<vmem>>, vector<1x16xf32>,
        %get3A_847 = vector.shape_cast %get3A_846 : vector<1x16xf32> to vector<16xf32>
        %add3A_848 = arith.addf %add3A_820, %get3A_847 : vector<16xf32>
        %add3A_849 = arith.constant 38 : i32
        %add3A_850 = arith.addi %mul3A_305, %add3A_849 : i32
        %get3A_851 = arith.index_cast %add3A_850 : i32 to index
        %get3A_852 = arith.constant 0 : index
        %get3A_853 = tpu.vector_load %arg10[%get3A_851, %get3A_852] {strides = array<i32>} : memref<400x64xf32, #tpu.memory_space<vmem>>, vector<1x16xf32>,
        %get3A_854 = vector.shape_cast %get3A_853 : vector<1x16xf32> to vector<16xf32>
        %add3A_855 = arith.addf %add3A_827, %get3A_854 : vector<16xf32>
        %add3A_856 = arith.constant 38 : i32
        %add3A_857 = arith.addi %mul3A_305, %add3A_856 : i32
        %get3A_858 = arith.index_cast %add3A_857 : i32 to index
        %get3A_859 = arith.constant 16 : index
        %get3A_860 = tpu.vector_load %arg10[%get3A_858, %get3A_859] {strides = array<i32>} : memref<400x64xf32, #tpu.memory_space<vmem>>, vector<1x16xf32>,
        %get3A_861 = vector.shape_cast %get3A_860 : vector<1x16xf32> to vector<16xf32>
        %add3A_862 = arith.addf %add3A_834, %get3A_861 : vector<16xf32>
        %add3A_863 = arith.constant 38 : i32
        %add3A_864 = arith.addi %mul3A_305, %add3A_863 : i32
        %get3A_865 = arith.index_cast %add3A_864 : i32 to index
        %get3A_866 = arith.constant 32 : index
        %get3A_867 = tpu.vector_load %arg10[%get3A_865, %get3A_866] {strides = array<i32>} : memref<400x64xf32, #tpu.memory_space<vmem>>, vector<1x16xf32>,
        %get3A_868 = vector.shape_cast %get3A_867 : vector<1x16xf32> to vector<16xf32>
        %add3A_869 = arith.addf %add3A_841, %get3A_868 : vector<16xf32>
        %add3A_870 = arith.constant 38 : i32
        %add3A_871 = arith.addi %mul3A_305, %add3A_870 : i32
        %get3A_872 = arith.index_cast %add3A_871 : i32 to index
        %get3A_873 = arith.constant 48 : index
        %get3A_874 = tpu.vector_load %arg10[%get3A_872, %get3A_873] {strides = array<i32>} : memref<400x64xf32, #tpu.memory_space<vmem>>, vector<1x16xf32>,
        %get3A_875 = vector.shape_cast %get3A_874 : vector<1x16xf32> to vector<16xf32>
        %add3A_876 = arith.addf %add3A_848, %get3A_875 : vector<16xf32>
        %add3A_877 = arith.constant 40 : i32
        %add3A_878 = arith.addi %mul3A_305, %add3A_877 : i32
        %get3A_879 = arith.index_cast %add3A_878 : i32 to index
        %get3A_880 = arith.constant 0 : index
        %get3A_881 = tpu.vector_load %arg10[%get3A_879, %get3A_880] {strides = array<i32>} : memref<400x64xf32, #tpu.memory_space<vmem>>, vector<1x16xf32>,
        %get3A_882 = vector.shape_cast %get3A_881 : vector<1x16xf32> to vector<16xf32>
        %add3A_883 = arith.addf %add3A_855, %get3A_882 : vector<16xf32>
        %add3A_884 = arith.constant 40 : i32
        %add3A_885 = arith.addi %mul3A_305, %add3A_884 : i32
        %get3A_886 = arith.index_cast %add3A_885 : i32 to index
        %get3A_887 = arith.constant 16 : index
        %get3A_888 = tpu.vector_load %arg10[%get3A_886, %get3A_887] {strides = array<i32>} : memref<400x64xf32, #tpu.memory_space<vmem>>, vector<1x16xf32>,
        %get3A_889 = vector.shape_cast %get3A_888 : vector<1x16xf32> to vector<16xf32>
        %add3A_890 = arith.addf %add3A_862, %get3A_889 : vector<16xf32>
        %add3A_891 = arith.constant 40 : i32
        %add3A_892 = arith.addi %mul3A_305, %add3A_891 : i32
        %get3A_893 = arith.index_cast %add3A_892 : i32 to index
        %get3A_894 = arith.constant 32 : index
        %get3A_895 = tpu.vector_load %arg10[%get3A_893, %get3A_894] {strides = array<i32>} : memref<400x64xf32, #tpu.memory_space<vmem>>, vector<1x16xf32>,
        %get3A_896 = vector.shape_cast %get3A_895 : vector<1x16xf32> to vector<16xf32>
        %add3A_897 = arith.addf %add3A_869, %get3A_896 : vector<16xf32>
        %add3A_898 = arith.constant 40 : i32
        %add3A_899 = arith.addi %mul3A_305, %add3A_898 : i32
        %get3A_900 = arith.index_cast %add3A_899 : i32 to index
        %get3A_901 = arith.constant 48 : index
        %get3A_902 = tpu.vector_load %arg10[%get3A_900, %get3A_901] {strides = array<i32>} : memref<400x64xf32, #tpu.memory_space<vmem>>, vector<1x16xf32>,
        %get3A_903 = vector.shape_cast %get3A_902 : vector<1x16xf32> to vector<16xf32>
        %add3A_904 = arith.addf %add3A_876, %get3A_903 : vector<16xf32>
        %add3A_905 = arith.constant 42 : i32
        %add3A_906 = arith.addi %mul3A_305, %add3A_905 : i32
        %get3A_907 = arith.index_cast %add3A_906 : i32 to index
        %get3A_908 = arith.constant 0 : index
        %get3A_909 = tpu.vector_load %arg10[%get3A_907, %get3A_908] {strides = array<i32>} : memref<400x64xf32, #tpu.memory_space<vmem>>, vector<1x16xf32>,
        %get3A_910 = vector.shape_cast %get3A_909 : vector<1x16xf32> to vector<16xf32>
        %add3A_911 = arith.addf %add3A_883, %get3A_910 : vector<16xf32>
        %add3A_912 = arith.constant 42 : i32
        %add3A_913 = arith.addi %mul3A_305, %add3A_912 : i32
        %get3A_914 = arith.index_cast %add3A_913 : i32 to index
        %get3A_915 = arith.constant 16 : index
        %get3A_916 = tpu.vector_load %arg10[%get3A_914, %get3A_915] {strides = array<i32>} : memref<400x64xf32, #tpu.memory_space<vmem>>, vector<1x16xf32>,
        %get3A_917 = vector.shape_cast %get3A_916 : vector<1x16xf32> to vector<16xf32>
        %add3A_918 = arith.addf %add3A_890, %get3A_917 : vector<16xf32>
        %add3A_919 = arith.constant 42 : i32
        %add3A_920 = arith.addi %mul3A_305, %add3A_919 : i32
        %get3A_921 = arith.index_cast %add3A_920 : i32 to index
        %get3A_922 = arith.constant 32 : index
        %get3A_923 = tpu.vector_load %arg10[%get3A_921, %get3A_922] {strides = array<i32>} : memref<400x64xf32, #tpu.memory_space<vmem>>, vector<1x16xf32>,
        %get3A_924 = vector.shape_cast %get3A_923 : vector<1x16xf32> to vector<16xf32>
        %add3A_925 = arith.addf %add3A_897, %get3A_924 : vector<16xf32>
        %add3A_926 = arith.constant 42 : i32
        %add3A_927 = arith.addi %mul3A_305, %add3A_926 : i32
        %get3A_928 = arith.index_cast %add3A_927 : i32 to index
        %get3A_929 = arith.constant 48 : index
        %get3A_930 = tpu.vector_load %arg10[%get3A_928, %get3A_929] {strides = array<i32>} : memref<400x64xf32, #tpu.memory_space<vmem>>, vector<1x16xf32>,
        %get3A_931 = vector.shape_cast %get3A_930 : vector<1x16xf32> to vector<16xf32>
        %add3A_932 = arith.addf %add3A_904, %get3A_931 : vector<16xf32>
        %add3A_933 = arith.constant 44 : i32
        %add3A_934 = arith.addi %mul3A_305, %add3A_933 : i32
        %get3A_935 = arith.index_cast %add3A_934 : i32 to index
        %get3A_936 = arith.constant 0 : index
        %get3A_937 = tpu.vector_load %arg10[%get3A_935, %get3A_936] {strides = array<i32>} : memref<400x64xf32, #tpu.memory_space<vmem>>, vector<1x16xf32>,
        %get3A_938 = vector.shape_cast %get3A_937 : vector<1x16xf32> to vector<16xf32>
        %add3A_939 = arith.addf %add3A_911, %get3A_938 : vector<16xf32>
        %add3A_940 = arith.constant 44 : i32
        %add3A_941 = arith.addi %mul3A_305, %add3A_940 : i32
        %get3A_942 = arith.index_cast %add3A_941 : i32 to index
        %get3A_943 = arith.constant 16 : index
        %get3A_944 = tpu.vector_load %arg10[%get3A_942, %get3A_943] {strides = array<i32>} : memref<400x64xf32, #tpu.memory_space<vmem>>, vector<1x16xf32>,
        %get3A_945 = vector.shape_cast %get3A_944 : vector<1x16xf32> to vector<16xf32>
        %add3A_946 = arith.addf %add3A_918, %get3A_945 : vector<16xf32>
        %add3A_947 = arith.constant 44 : i32
        %add3A_948 = arith.addi %mul3A_305, %add3A_947 : i32
        %get3A_949 = arith.index_cast %add3A_948 : i32 to index
        %get3A_950 = arith.constant 32 : index
        %get3A_951 = tpu.vector_load %arg10[%get3A_949, %get3A_950] {strides = array<i32>} : memref<400x64xf32, #tpu.memory_space<vmem>>, vector<1x16xf32>,
        %get3A_952 = vector.shape_cast %get3A_951 : vector<1x16xf32> to vector<16xf32>
        %add3A_953 = arith.addf %add3A_925, %get3A_952 : vector<16xf32>
        %add3A_954 = arith.constant 44 : i32
        %add3A_955 = arith.addi %mul3A_305, %add3A_954 : i32
        %get3A_956 = arith.index_cast %add3A_955 : i32 to index
        %get3A_957 = arith.constant 48 : index
        %get3A_958 = tpu.vector_load %arg10[%get3A_956, %get3A_957] {strides = array<i32>} : memref<400x64xf32, #tpu.memory_space<vmem>>, vector<1x16xf32>,
        %get3A_959 = vector.shape_cast %get3A_958 : vector<1x16xf32> to vector<16xf32>
        %add3A_960 = arith.addf %add3A_932, %get3A_959 : vector<16xf32>
        %add3A_961 = arith.constant 46 : i32
        %add3A_962 = arith.addi %mul3A_305, %add3A_961 : i32
        %get3A_963 = arith.index_cast %add3A_962 : i32 to index
        %get3A_964 = arith.constant 0 : index
        %get3A_965 = tpu.vector_load %arg10[%get3A_963, %get3A_964] {strides = array<i32>} : memref<400x64xf32, #tpu.memory_space<vmem>>, vector<1x16xf32>,
        %get3A_966 = vector.shape_cast %get3A_965 : vector<1x16xf32> to vector<16xf32>
        %add3A_967 = arith.addf %add3A_939, %get3A_966 : vector<16xf32>
        %add3A_968 = arith.constant 46 : i32
        %add3A_969 = arith.addi %mul3A_305, %add3A_968 : i32
        %get3A_970 = arith.index_cast %add3A_969 : i32 to index
        %get3A_971 = arith.constant 16 : index
        %get3A_972 = tpu.vector_load %arg10[%get3A_970, %get3A_971] {strides = array<i32>} : memref<400x64xf32, #tpu.memory_space<vmem>>, vector<1x16xf32>,
        %get3A_973 = vector.shape_cast %get3A_972 : vector<1x16xf32> to vector<16xf32>
        %add3A_974 = arith.addf %add3A_946, %get3A_973 : vector<16xf32>
        %add3A_975 = arith.constant 46 : i32
        %add3A_976 = arith.addi %mul3A_305, %add3A_975 : i32
        %get3A_977 = arith.index_cast %add3A_976 : i32 to index
        %get3A_978 = arith.constant 32 : index
        %get3A_979 = tpu.vector_load %arg10[%get3A_977, %get3A_978] {strides = array<i32>} : memref<400x64xf32, #tpu.memory_space<vmem>>, vector<1x16xf32>,
        %get3A_980 = vector.shape_cast %get3A_979 : vector<1x16xf32> to vector<16xf32>
        %add3A_981 = arith.addf %add3A_953, %get3A_980 : vector<16xf32>
        %add3A_982 = arith.constant 46 : i32
        %add3A_983 = arith.addi %mul3A_305, %add3A_982 : i32
        %get3A_984 = arith.index_cast %add3A_983 : i32 to index
        %get3A_985 = arith.constant 48 : index
        %get3A_986 = tpu.vector_load %arg10[%get3A_984, %get3A_985] {strides = array<i32>} : memref<400x64xf32, #tpu.memory_space<vmem>>, vector<1x16xf32>,
        %get3A_987 = vector.shape_cast %get3A_986 : vector<1x16xf32> to vector<16xf32>
        %add3A_988 = arith.addf %add3A_960, %get3A_987 : vector<16xf32>
        %add3A_989 = arith.constant 48 : i32
        %add3A_990 = arith.addi %mul3A_305, %add3A_989 : i32
        %get3A_991 = arith.index_cast %add3A_990 : i32 to index
        %get3A_992 = arith.constant 0 : index
        %get3A_993 = tpu.vector_load %arg10[%get3A_991, %get3A_992] {strides = array<i32>} : memref<400x64xf32, #tpu.memory_space<vmem>>, vector<1x16xf32>,
        %get3A_994 = vector.shape_cast %get3A_993 : vector<1x16xf32> to vector<16xf32>
        %add3A_995 = arith.addf %add3A_967, %get3A_994 : vector<16xf32>
        %add3A_996 = arith.constant 48 : i32
        %add3A_997 = arith.addi %mul3A_305, %add3A_996 : i32
        %get3A_998 = arith.index_cast %add3A_997 : i32 to index
        %get3A_999 = arith.constant 16 : index
        %get3A_1000 = tpu.vector_load %arg10[%get3A_998, %get3A_999] {strides = array<i32>} : memref<400x64xf32, #tpu.memory_space<vmem>>, vector<1x16xf32>,
        %get3A_1001 = vector.shape_cast %get3A_1000 : vector<1x16xf32> to vector<16xf32>
        %add3A_1002 = arith.addf %add3A_974, %get3A_1001 : vector<16xf32>
        %add3A_1003 = arith.constant 48 : i32
        %add3A_1004 = arith.addi %mul3A_305, %add3A_1003 : i32
        %get3A_1005 = arith.index_cast %add3A_1004 : i32 to index
        %get3A_1006 = arith.constant 32 : index
        %get3A_1007 = tpu.vector_load %arg10[%get3A_1005, %get3A_1006] {strides = array<i32>} : memref<400x64xf32, #tpu.memory_space<vmem>>, vector<1x16xf32>,
        %get3A_1008 = vector.shape_cast %get3A_1007 : vector<1x16xf32> to vector<16xf32>
        %add3A_1009 = arith.addf %add3A_981, %get3A_1008 : vector<16xf32>
        %add3A_1010 = arith.constant 48 : i32
        %add3A_1011 = arith.addi %mul3A_305, %add3A_1010 : i32
        %get3A_1012 = arith.index_cast %add3A_1011 : i32 to index
        %get3A_1013 = arith.constant 48 : index
        %get3A_1014 = tpu.vector_load %arg10[%get3A_1012, %get3A_1013] {strides = array<i32>} : memref<400x64xf32, #tpu.memory_space<vmem>>, vector<1x16xf32>,
        %get3A_1015 = vector.shape_cast %get3A_1014 : vector<1x16xf32> to vector<16xf32>
        %add3A_1016 = arith.addf %add3A_988, %get3A_1015 : vector<16xf32>
        %add3A_1017 = arith.constant 3 : i32
        %add3A_1018 = arith.addi %mul3A_305, %add3A_1017 : i32
        %get3A_1019 = arith.index_cast %add3A_1018 : i32 to index
        %get3A_1020 = arith.constant 0 : index
        %get3A_1021 = tpu.vector_load %arg10[%get3A_1019, %get3A_1020] {strides = array<i32>} : memref<400x64xf32, #tpu.memory_space<vmem>>, vector<1x16xf32>,
        %get3A_1022 = vector.shape_cast %get3A_1021 : vector<1x16xf32> to vector<16xf32>
        %add3A_1023 = arith.addf %get3A_326, %get3A_1022 : vector<16xf32>
        %add3A_1024 = arith.constant 3 : i32
        %add3A_1025 = arith.addi %mul3A_305, %add3A_1024 : i32
        %get3A_1026 = arith.index_cast %add3A_1025 : i32 to index
        %get3A_1027 = arith.constant 16 : index
        %get3A_1028 = tpu.vector_load %arg10[%get3A_1026, %get3A_1027] {strides = array<i32>} : memref<400x64xf32, #tpu.memory_space<vmem>>, vector<1x16xf32>,
        %get3A_1029 = vector.shape_cast %get3A_1028 : vector<1x16xf32> to vector<16xf32>
        %add3A_1030 = arith.addf %get3A_332, %get3A_1029 : vector<16xf32>
        %add3A_1031 = arith.constant 3 : i32
        %add3A_1032 = arith.addi %mul3A_305, %add3A_1031 : i32
        %get3A_1033 = arith.index_cast %add3A_1032 : i32 to index
        %get3A_1034 = arith.constant 32 : index
        %get3A_1035 = tpu.vector_load %arg10[%get3A_1033, %get3A_1034] {strides = array<i32>} : memref<400x64xf32, #tpu.memory_space<vmem>>, vector<1x16xf32>,
        %get3A_1036 = vector.shape_cast %get3A_1035 : vector<1x16xf32> to vector<16xf32>
        %add3A_1037 = arith.addf %get3A_338, %get3A_1036 : vector<16xf32>
        %add3A_1038 = arith.constant 3 : i32
        %add3A_1039 = arith.addi %mul3A_305, %add3A_1038 : i32
        %get3A_1040 = arith.index_cast %add3A_1039 : i32 to index
        %get3A_1041 = arith.constant 48 : index
        %get3A_1042 = tpu.vector_load %arg10[%get3A_1040, %get3A_1041] {strides = array<i32>} : memref<400x64xf32, #tpu.memory_space<vmem>>, vector<1x16xf32>,
        %get3A_1043 = vector.shape_cast %get3A_1042 : vector<1x16xf32> to vector<16xf32>
        %add3A_1044 = arith.addf %get3A_344, %get3A_1043 : vector<16xf32>
        %add3A_1045 = arith.constant 5 : i32
        %add3A_1046 = arith.addi %mul3A_305, %add3A_1045 : i32
        %get3A_1047 = arith.index_cast %add3A_1046 : i32 to index
        %get3A_1048 = arith.constant 0 : index
        %get3A_1049 = tpu.vector_load %arg10[%get3A_1047, %get3A_1048] {strides = array<i32>} : memref<400x64xf32, #tpu.memory_space<vmem>>, vector<1x16xf32>,
        %get3A_1050 = vector.shape_cast %get3A_1049 : vector<1x16xf32> to vector<16xf32>
        %add3A_1051 = arith.addf %add3A_1023, %get3A_1050 : vector<16xf32>
        %add3A_1052 = arith.constant 5 : i32
        %add3A_1053 = arith.addi %mul3A_305, %add3A_1052 : i32
        %get3A_1054 = arith.index_cast %add3A_1053 : i32 to index
        %get3A_1055 = arith.constant 16 : index
        %get3A_1056 = tpu.vector_load %arg10[%get3A_1054, %get3A_1055] {strides = array<i32>} : memref<400x64xf32, #tpu.memory_space<vmem>>, vector<1x16xf32>,
        %get3A_1057 = vector.shape_cast %get3A_1056 : vector<1x16xf32> to vector<16xf32>
        %add3A_1058 = arith.addf %add3A_1030, %get3A_1057 : vector<16xf32>
        %add3A_1059 = arith.constant 5 : i32
        %add3A_1060 = arith.addi %mul3A_305, %add3A_1059 : i32
        %get3A_1061 = arith.index_cast %add3A_1060 : i32 to index
        %get3A_1062 = arith.constant 32 : index
        %get3A_1063 = tpu.vector_load %arg10[%get3A_1061, %get3A_1062] {strides = array<i32>} : memref<400x64xf32, #tpu.memory_space<vmem>>, vector<1x16xf32>,
        %get3A_1064 = vector.shape_cast %get3A_1063 : vector<1x16xf32> to vector<16xf32>
        %add3A_1065 = arith.addf %add3A_1037, %get3A_1064 : vector<16xf32>
        %add3A_1066 = arith.constant 5 : i32
        %add3A_1067 = arith.addi %mul3A_305, %add3A_1066 : i32
        %get3A_1068 = arith.index_cast %add3A_1067 : i32 to index
        %get3A_1069 = arith.constant 48 : index
        %get3A_1070 = tpu.vector_load %arg10[%get3A_1068, %get3A_1069] {strides = array<i32>} : memref<400x64xf32, #tpu.memory_space<vmem>>, vector<1x16xf32>,
        %get3A_1071 = vector.shape_cast %get3A_1070 : vector<1x16xf32> to vector<16xf32>
        %add3A_1072 = arith.addf %add3A_1044, %get3A_1071 : vector<16xf32>
        %add3A_1073 = arith.constant 7 : i32
        %add3A_1074 = arith.addi %mul3A_305, %add3A_1073 : i32
        %get3A_1075 = arith.index_cast %add3A_1074 : i32 to index
        %get3A_1076 = arith.constant 0 : index
        %get3A_1077 = tpu.vector_load %arg10[%get3A_1075, %get3A_1076] {strides = array<i32>} : memref<400x64xf32, #tpu.memory_space<vmem>>, vector<1x16xf32>,
        %get3A_1078 = vector.shape_cast %get3A_1077 : vector<1x16xf32> to vector<16xf32>
        %add3A_1079 = arith.addf %add3A_1051, %get3A_1078 : vector<16xf32>
        %add3A_1080 = arith.constant 7 : i32
        %add3A_1081 = arith.addi %mul3A_305, %add3A_1080 : i32
        %get3A_1082 = arith.index_cast %add3A_1081 : i32 to index
        %get3A_1083 = arith.constant 16 : index
        %get3A_1084 = tpu.vector_load %arg10[%get3A_1082, %get3A_1083] {strides = array<i32>} : memref<400x64xf32, #tpu.memory_space<vmem>>, vector<1x16xf32>,
        %get3A_1085 = vector.shape_cast %get3A_1084 : vector<1x16xf32> to vector<16xf32>
        %add3A_1086 = arith.addf %add3A_1058, %get3A_1085 : vector<16xf32>
        %add3A_1087 = arith.constant 7 : i32
        %add3A_1088 = arith.addi %mul3A_305, %add3A_1087 : i32
        %get3A_1089 = arith.index_cast %add3A_1088 : i32 to index
        %get3A_1090 = arith.constant 32 : index
        %get3A_1091 = tpu.vector_load %arg10[%get3A_1089, %get3A_1090] {strides = array<i32>} : memref<400x64xf32, #tpu.memory_space<vmem>>, vector<1x16xf32>,
        %get3A_1092 = vector.shape_cast %get3A_1091 : vector<1x16xf32> to vector<16xf32>
        %add3A_1093 = arith.addf %add3A_1065, %get3A_1092 : vector<16xf32>
        %add3A_1094 = arith.constant 7 : i32
        %add3A_1095 = arith.addi %mul3A_305, %add3A_1094 : i32
        %get3A_1096 = arith.index_cast %add3A_1095 : i32 to index
        %get3A_1097 = arith.constant 48 : index
        %get3A_1098 = tpu.vector_load %arg10[%get3A_1096, %get3A_1097] {strides = array<i32>} : memref<400x64xf32, #tpu.memory_space<vmem>>, vector<1x16xf32>,
        %get3A_1099 = vector.shape_cast %get3A_1098 : vector<1x16xf32> to vector<16xf32>
        %add3A_1100 = arith.addf %add3A_1072, %get3A_1099 : vector<16xf32>
        %add3A_1101 = arith.constant 9 : i32
        %add3A_1102 = arith.addi %mul3A_305, %add3A_1101 : i32
        %get3A_1103 = arith.index_cast %add3A_1102 : i32 to index
        %get3A_1104 = arith.constant 0 : index
        %get3A_1105 = tpu.vector_load %arg10[%get3A_1103, %get3A_1104] {strides = array<i32>} : memref<400x64xf32, #tpu.memory_space<vmem>>, vector<1x16xf32>,
        %get3A_1106 = vector.shape_cast %get3A_1105 : vector<1x16xf32> to vector<16xf32>
        %add3A_1107 = arith.addf %add3A_1079, %get3A_1106 : vector<16xf32>
        %add3A_1108 = arith.constant 9 : i32
        %add3A_1109 = arith.addi %mul3A_305, %add3A_1108 : i32
        %get3A_1110 = arith.index_cast %add3A_1109 : i32 to index
        %get3A_1111 = arith.constant 16 : index
        %get3A_1112 = tpu.vector_load %arg10[%get3A_1110, %get3A_1111] {strides = array<i32>} : memref<400x64xf32, #tpu.memory_space<vmem>>, vector<1x16xf32>,
        %get3A_1113 = vector.shape_cast %get3A_1112 : vector<1x16xf32> to vector<16xf32>
        %add3A_1114 = arith.addf %add3A_1086, %get3A_1113 : vector<16xf32>
        %add3A_1115 = arith.constant 9 : i32
        %add3A_1116 = arith.addi %mul3A_305, %add3A_1115 : i32
        %get3A_1117 = arith.index_cast %add3A_1116 : i32 to index
        %get3A_1118 = arith.constant 32 : index
        %get3A_1119 = tpu.vector_load %arg10[%get3A_1117, %get3A_1118] {strides = array<i32>} : memref<400x64xf32, #tpu.memory_space<vmem>>, vector<1x16xf32>,
        %get3A_1120 = vector.shape_cast %get3A_1119 : vector<1x16xf32> to vector<16xf32>
        %add3A_1121 = arith.addf %add3A_1093, %get3A_1120 : vector<16xf32>
        %add3A_1122 = arith.constant 9 : i32
        %add3A_1123 = arith.addi %mul3A_305, %add3A_1122 : i32
        %get3A_1124 = arith.index_cast %add3A_1123 : i32 to index
        %get3A_1125 = arith.constant 48 : index
        %get3A_1126 = tpu.vector_load %arg10[%get3A_1124, %get3A_1125] {strides = array<i32>} : memref<400x64xf32, #tpu.memory_space<vmem>>, vector<1x16xf32>,
        %get3A_1127 = vector.shape_cast %get3A_1126 : vector<1x16xf32> to vector<16xf32>
        %add3A_1128 = arith.addf %add3A_1100, %get3A_1127 : vector<16xf32>
        %add3A_1129 = arith.constant 11 : i32
        %add3A_1130 = arith.addi %mul3A_305, %add3A_1129 : i32
        %get3A_1131 = arith.index_cast %add3A_1130 : i32 to index
        %get3A_1132 = arith.constant 0 : index
        %get3A_1133 = tpu.vector_load %arg10[%get3A_1131, %get3A_1132] {strides = array<i32>} : memref<400x64xf32, #tpu.memory_space<vmem>>, vector<1x16xf32>,
        %get3A_1134 = vector.shape_cast %get3A_1133 : vector<1x16xf32> to vector<16xf32>
        %add3A_1135 = arith.addf %add3A_1107, %get3A_1134 : vector<16xf32>
        %add3A_1136 = arith.constant 11 : i32
        %add3A_1137 = arith.addi %mul3A_305, %add3A_1136 : i32
        %get3A_1138 = arith.index_cast %add3A_1137 : i32 to index
        %get3A_1139 = arith.constant 16 : index
        %get3A_1140 = tpu.vector_load %arg10[%get3A_1138, %get3A_1139] {strides = array<i32>} : memref<400x64xf32, #tpu.memory_space<vmem>>, vector<1x16xf32>,
        %get3A_1141 = vector.shape_cast %get3A_1140 : vector<1x16xf32> to vector<16xf32>
        %add3A_1142 = arith.addf %add3A_1114, %get3A_1141 : vector<16xf32>
        %add3A_1143 = arith.constant 11 : i32
        %add3A_1144 = arith.addi %mul3A_305, %add3A_1143 : i32
        %get3A_1145 = arith.index_cast %add3A_1144 : i32 to index
        %get3A_1146 = arith.constant 32 : index
        %get3A_1147 = tpu.vector_load %arg10[%get3A_1145, %get3A_1146] {strides = array<i32>} : memref<400x64xf32, #tpu.memory_space<vmem>>, vector<1x16xf32>,
        %get3A_1148 = vector.shape_cast %get3A_1147 : vector<1x16xf32> to vector<16xf32>
        %add3A_1149 = arith.addf %add3A_1121, %get3A_1148 : vector<16xf32>
        %add3A_1150 = arith.constant 11 : i32
        %add3A_1151 = arith.addi %mul3A_305, %add3A_1150 : i32
        %get3A_1152 = arith.index_cast %add3A_1151 : i32 to index
        %get3A_1153 = arith.constant 48 : index
        %get3A_1154 = tpu.vector_load %arg10[%get3A_1152, %get3A_1153] {strides = array<i32>} : memref<400x64xf32, #tpu.memory_space<vmem>>, vector<1x16xf32>,
        %get3A_1155 = vector.shape_cast %get3A_1154 : vector<1x16xf32> to vector<16xf32>
        %add3A_1156 = arith.addf %add3A_1128, %get3A_1155 : vector<16xf32>
        %add3A_1157 = arith.constant 13 : i32
        %add3A_1158 = arith.addi %mul3A_305, %add3A_1157 : i32
        %get3A_1159 = arith.index_cast %add3A_1158 : i32 to index
        %get3A_1160 = arith.constant 0 : index
        %get3A_1161 = tpu.vector_load %arg10[%get3A_1159, %get3A_1160] {strides = array<i32>} : memref<400x64xf32, #tpu.memory_space<vmem>>, vector<1x16xf32>,
        %get3A_1162 = vector.shape_cast %get3A_1161 : vector<1x16xf32> to vector<16xf32>
        %add3A_1163 = arith.addf %add3A_1135, %get3A_1162 : vector<16xf32>
        %add3A_1164 = arith.constant 13 : i32
        %add3A_1165 = arith.addi %mul3A_305, %add3A_1164 : i32
        %get3A_1166 = arith.index_cast %add3A_1165 : i32 to index
        %get3A_1167 = arith.constant 16 : index
        %get3A_1168 = tpu.vector_load %arg10[%get3A_1166, %get3A_1167] {strides = array<i32>} : memref<400x64xf32, #tpu.memory_space<vmem>>, vector<1x16xf32>,
        %get3A_1169 = vector.shape_cast %get3A_1168 : vector<1x16xf32> to vector<16xf32>
        %add3A_1170 = arith.addf %add3A_1142, %get3A_1169 : vector<16xf32>
        %add3A_1171 = arith.constant 13 : i32
        %add3A_1172 = arith.addi %mul3A_305, %add3A_1171 : i32
        %get3A_1173 = arith.index_cast %add3A_1172 : i32 to index
        %get3A_1174 = arith.constant 32 : index
        %get3A_1175 = tpu.vector_load %arg10[%get3A_1173, %get3A_1174] {strides = array<i32>} : memref<400x64xf32, #tpu.memory_space<vmem>>, vector<1x16xf32>,
        %get3A_1176 = vector.shape_cast %get3A_1175 : vector<1x16xf32> to vector<16xf32>
        %add3A_1177 = arith.addf %add3A_1149, %get3A_1176 : vector<16xf32>
        %add3A_1178 = arith.constant 13 : i32
        %add3A_1179 = arith.addi %mul3A_305, %add3A_1178 : i32
        %get3A_1180 = arith.index_cast %add3A_1179 : i32 to index
        %get3A_1181 = arith.constant 48 : index
        %get3A_1182 = tpu.vector_load %arg10[%get3A_1180, %get3A_1181] {strides = array<i32>} : memref<400x64xf32, #tpu.memory_space<vmem>>, vector<1x16xf32>,
        %get3A_1183 = vector.shape_cast %get3A_1182 : vector<1x16xf32> to vector<16xf32>
        %add3A_1184 = arith.addf %add3A_1156, %get3A_1183 : vector<16xf32>
        %add3A_1185 = arith.constant 15 : i32
        %add3A_1186 = arith.addi %mul3A_305, %add3A_1185 : i32
        %get3A_1187 = arith.index_cast %add3A_1186 : i32 to index
        %get3A_1188 = arith.constant 0 : index
        %get3A_1189 = tpu.vector_load %arg10[%get3A_1187, %get3A_1188] {strides = array<i32>} : memref<400x64xf32, #tpu.memory_space<vmem>>, vector<1x16xf32>,
        %get3A_1190 = vector.shape_cast %get3A_1189 : vector<1x16xf32> to vector<16xf32>
        %add3A_1191 = arith.addf %add3A_1163, %get3A_1190 : vector<16xf32>
        %add3A_1192 = arith.constant 15 : i32
        %add3A_1193 = arith.addi %mul3A_305, %add3A_1192 : i32
        %get3A_1194 = arith.index_cast %add3A_1193 : i32 to index
        %get3A_1195 = arith.constant 16 : index
        %get3A_1196 = tpu.vector_load %arg10[%get3A_1194, %get3A_1195] {strides = array<i32>} : memref<400x64xf32, #tpu.memory_space<vmem>>, vector<1x16xf32>,
        %get3A_1197 = vector.shape_cast %get3A_1196 : vector<1x16xf32> to vector<16xf32>
        %add3A_1198 = arith.addf %add3A_1170, %get3A_1197 : vector<16xf32>
        %add3A_1199 = arith.constant 15 : i32
        %add3A_1200 = arith.addi %mul3A_305, %add3A_1199 : i32
        %get3A_1201 = arith.index_cast %add3A_1200 : i32 to index
        %get3A_1202 = arith.constant 32 : index
        %get3A_1203 = tpu.vector_load %arg10[%get3A_1201, %get3A_1202] {strides = array<i32>} : memref<400x64xf32, #tpu.memory_space<vmem>>, vector<1x16xf32>,
        %get3A_1204 = vector.shape_cast %get3A_1203 : vector<1x16xf32> to vector<16xf32>
        %add3A_1205 = arith.addf %add3A_1177, %get3A_1204 : vector<16xf32>
        %add3A_1206 = arith.constant 15 : i32
        %add3A_1207 = arith.addi %mul3A_305, %add3A_1206 : i32
        %get3A_1208 = arith.index_cast %add3A_1207 : i32 to index
        %get3A_1209 = arith.constant 48 : index
        %get3A_1210 = tpu.vector_load %arg10[%get3A_1208, %get3A_1209] {strides = array<i32>} : memref<400x64xf32, #tpu.memory_space<vmem>>, vector<1x16xf32>,
        %get3A_1211 = vector.shape_cast %get3A_1210 : vector<1x16xf32> to vector<16xf32>
        %add3A_1212 = arith.addf %add3A_1184, %get3A_1211 : vector<16xf32>
        %add3A_1213 = arith.constant 17 : i32
        %add3A_1214 = arith.addi %mul3A_305, %add3A_1213 : i32
        %get3A_1215 = arith.index_cast %add3A_1214 : i32 to index
        %get3A_1216 = arith.constant 0 : index
        %get3A_1217 = tpu.vector_load %arg10[%get3A_1215, %get3A_1216] {strides = array<i32>} : memref<400x64xf32, #tpu.memory_space<vmem>>, vector<1x16xf32>,
        %get3A_1218 = vector.shape_cast %get3A_1217 : vector<1x16xf32> to vector<16xf32>
        %add3A_1219 = arith.addf %add3A_1191, %get3A_1218 : vector<16xf32>
        %add3A_1220 = arith.constant 17 : i32
        %add3A_1221 = arith.addi %mul3A_305, %add3A_1220 : i32
        %get3A_1222 = arith.index_cast %add3A_1221 : i32 to index
        %get3A_1223 = arith.constant 16 : index
        %get3A_1224 = tpu.vector_load %arg10[%get3A_1222, %get3A_1223] {strides = array<i32>} : memref<400x64xf32, #tpu.memory_space<vmem>>, vector<1x16xf32>,
        %get3A_1225 = vector.shape_cast %get3A_1224 : vector<1x16xf32> to vector<16xf32>
        %add3A_1226 = arith.addf %add3A_1198, %get3A_1225 : vector<16xf32>
        %add3A_1227 = arith.constant 17 : i32
        %add3A_1228 = arith.addi %mul3A_305, %add3A_1227 : i32
        %get3A_1229 = arith.index_cast %add3A_1228 : i32 to index
        %get3A_1230 = arith.constant 32 : index
        %get3A_1231 = tpu.vector_load %arg10[%get3A_1229, %get3A_1230] {strides = array<i32>} : memref<400x64xf32, #tpu.memory_space<vmem>>, vector<1x16xf32>,
        %get3A_1232 = vector.shape_cast %get3A_1231 : vector<1x16xf32> to vector<16xf32>
        %add3A_1233 = arith.addf %add3A_1205, %get3A_1232 : vector<16xf32>
        %add3A_1234 = arith.constant 17 : i32
        %add3A_1235 = arith.addi %mul3A_305, %add3A_1234 : i32
        %get3A_1236 = arith.index_cast %add3A_1235 : i32 to index
        %get3A_1237 = arith.constant 48 : index
        %get3A_1238 = tpu.vector_load %arg10[%get3A_1236, %get3A_1237] {strides = array<i32>} : memref<400x64xf32, #tpu.memory_space<vmem>>, vector<1x16xf32>,
        %get3A_1239 = vector.shape_cast %get3A_1238 : vector<1x16xf32> to vector<16xf32>
        %add3A_1240 = arith.addf %add3A_1212, %get3A_1239 : vector<16xf32>
        %add3A_1241 = arith.constant 19 : i32
        %add3A_1242 = arith.addi %mul3A_305, %add3A_1241 : i32
        %get3A_1243 = arith.index_cast %add3A_1242 : i32 to index
        %get3A_1244 = arith.constant 0 : index
        %get3A_1245 = tpu.vector_load %arg10[%get3A_1243, %get3A_1244] {strides = array<i32>} : memref<400x64xf32, #tpu.memory_space<vmem>>, vector<1x16xf32>,
        %get3A_1246 = vector.shape_cast %get3A_1245 : vector<1x16xf32> to vector<16xf32>
        %add3A_1247 = arith.addf %add3A_1219, %get3A_1246 : vector<16xf32>
        %add3A_1248 = arith.constant 19 : i32
        %add3A_1249 = arith.addi %mul3A_305, %add3A_1248 : i32
        %get3A_1250 = arith.index_cast %add3A_1249 : i32 to index
        %get3A_1251 = arith.constant 16 : index
        %get3A_1252 = tpu.vector_load %arg10[%get3A_1250, %get3A_1251] {strides = array<i32>} : memref<400x64xf32, #tpu.memory_space<vmem>>, vector<1x16xf32>,
        %get3A_1253 = vector.shape_cast %get3A_1252 : vector<1x16xf32> to vector<16xf32>
        %add3A_1254 = arith.addf %add3A_1226, %get3A_1253 : vector<16xf32>
        %add3A_1255 = arith.constant 19 : i32
        %add3A_1256 = arith.addi %mul3A_305, %add3A_1255 : i32
        %get3A_1257 = arith.index_cast %add3A_1256 : i32 to index
        %get3A_1258 = arith.constant 32 : index
        %get3A_1259 = tpu.vector_load %arg10[%get3A_1257, %get3A_1258] {strides = array<i32>} : memref<400x64xf32, #tpu.memory_space<vmem>>, vector<1x16xf32>,
        %get3A_1260 = vector.shape_cast %get3A_1259 : vector<1x16xf32> to vector<16xf32>
        %add3A_1261 = arith.addf %add3A_1233, %get3A_1260 : vector<16xf32>
        %add3A_1262 = arith.constant 19 : i32
        %add3A_1263 = arith.addi %mul3A_305, %add3A_1262 : i32
        %get3A_1264 = arith.index_cast %add3A_1263 : i32 to index
        %get3A_1265 = arith.constant 48 : index
        %get3A_1266 = tpu.vector_load %arg10[%get3A_1264, %get3A_1265] {strides = array<i32>} : memref<400x64xf32, #tpu.memory_space<vmem>>, vector<1x16xf32>,
        %get3A_1267 = vector.shape_cast %get3A_1266 : vector<1x16xf32> to vector<16xf32>
        %add3A_1268 = arith.addf %add3A_1240, %get3A_1267 : vector<16xf32>
        %add3A_1269 = arith.constant 21 : i32
        %add3A_1270 = arith.addi %mul3A_305, %add3A_1269 : i32
        %get3A_1271 = arith.index_cast %add3A_1270 : i32 to index
        %get3A_1272 = arith.constant 0 : index
        %get3A_1273 = tpu.vector_load %arg10[%get3A_1271, %get3A_1272] {strides = array<i32>} : memref<400x64xf32, #tpu.memory_space<vmem>>, vector<1x16xf32>,
        %get3A_1274 = vector.shape_cast %get3A_1273 : vector<1x16xf32> to vector<16xf32>
        %add3A_1275 = arith.addf %add3A_1247, %get3A_1274 : vector<16xf32>
        %add3A_1276 = arith.constant 21 : i32
        %add3A_1277 = arith.addi %mul3A_305, %add3A_1276 : i32
        %get3A_1278 = arith.index_cast %add3A_1277 : i32 to index
        %get3A_1279 = arith.constant 16 : index
        %get3A_1280 = tpu.vector_load %arg10[%get3A_1278, %get3A_1279] {strides = array<i32>} : memref<400x64xf32, #tpu.memory_space<vmem>>, vector<1x16xf32>,
        %get3A_1281 = vector.shape_cast %get3A_1280 : vector<1x16xf32> to vector<16xf32>
        %add3A_1282 = arith.addf %add3A_1254, %get3A_1281 : vector<16xf32>
        %add3A_1283 = arith.constant 21 : i32
        %add3A_1284 = arith.addi %mul3A_305, %add3A_1283 : i32
        %get3A_1285 = arith.index_cast %add3A_1284 : i32 to index
        %get3A_1286 = arith.constant 32 : index
        %get3A_1287 = tpu.vector_load %arg10[%get3A_1285, %get3A_1286] {strides = array<i32>} : memref<400x64xf32, #tpu.memory_space<vmem>>, vector<1x16xf32>,
        %get3A_1288 = vector.shape_cast %get3A_1287 : vector<1x16xf32> to vector<16xf32>
        %add3A_1289 = arith.addf %add3A_1261, %get3A_1288 : vector<16xf32>
        %add3A_1290 = arith.constant 21 : i32
        %add3A_1291 = arith.addi %mul3A_305, %add3A_1290 : i32
        %get3A_1292 = arith.index_cast %add3A_1291 : i32 to index
        %get3A_1293 = arith.constant 48 : index
        %get3A_1294 = tpu.vector_load %arg10[%get3A_1292, %get3A_1293] {strides = array<i32>} : memref<400x64xf32, #tpu.memory_space<vmem>>, vector<1x16xf32>,
        %get3A_1295 = vector.shape_cast %get3A_1294 : vector<1x16xf32> to vector<16xf32>
        %add3A_1296 = arith.addf %add3A_1268, %get3A_1295 : vector<16xf32>
        %add3A_1297 = arith.constant 23 : i32
        %add3A_1298 = arith.addi %mul3A_305, %add3A_1297 : i32
        %get3A_1299 = arith.index_cast %add3A_1298 : i32 to index
        %get3A_1300 = arith.constant 0 : index
        %get3A_1301 = tpu.vector_load %arg10[%get3A_1299, %get3A_1300] {strides = array<i32>} : memref<400x64xf32, #tpu.memory_space<vmem>>, vector<1x16xf32>,
        %get3A_1302 = vector.shape_cast %get3A_1301 : vector<1x16xf32> to vector<16xf32>
        %add3A_1303 = arith.addf %add3A_1275, %get3A_1302 : vector<16xf32>
        %add3A_1304 = arith.constant 23 : i32
        %add3A_1305 = arith.addi %mul3A_305, %add3A_1304 : i32
        %get3A_1306 = arith.index_cast %add3A_1305 : i32 to index
        %get3A_1307 = arith.constant 16 : index
        %get3A_1308 = tpu.vector_load %arg10[%get3A_1306, %get3A_1307] {strides = array<i32>} : memref<400x64xf32, #tpu.memory_space<vmem>>, vector<1x16xf32>,
        %get3A_1309 = vector.shape_cast %get3A_1308 : vector<1x16xf32> to vector<16xf32>
        %add3A_1310 = arith.addf %add3A_1282, %get3A_1309 : vector<16xf32>
        %add3A_1311 = arith.constant 23 : i32
        %add3A_1312 = arith.addi %mul3A_305, %add3A_1311 : i32
        %get3A_1313 = arith.index_cast %add3A_1312 : i32 to index
        %get3A_1314 = arith.constant 32 : index
        %get3A_1315 = tpu.vector_load %arg10[%get3A_1313, %get3A_1314] {strides = array<i32>} : memref<400x64xf32, #tpu.memory_space<vmem>>, vector<1x16xf32>,
        %get3A_1316 = vector.shape_cast %get3A_1315 : vector<1x16xf32> to vector<16xf32>
        %add3A_1317 = arith.addf %add3A_1289, %get3A_1316 : vector<16xf32>
        %add3A_1318 = arith.constant 23 : i32
        %add3A_1319 = arith.addi %mul3A_305, %add3A_1318 : i32
        %get3A_1320 = arith.index_cast %add3A_1319 : i32 to index
        %get3A_1321 = arith.constant 48 : index
        %get3A_1322 = tpu.vector_load %arg10[%get3A_1320, %get3A_1321] {strides = array<i32>} : memref<400x64xf32, #tpu.memory_space<vmem>>, vector<1x16xf32>,
        %get3A_1323 = vector.shape_cast %get3A_1322 : vector<1x16xf32> to vector<16xf32>
        %add3A_1324 = arith.addf %add3A_1296, %get3A_1323 : vector<16xf32>
        %add3A_1325 = arith.constant 25 : i32
        %add3A_1326 = arith.addi %mul3A_305, %add3A_1325 : i32
        %get3A_1327 = arith.index_cast %add3A_1326 : i32 to index
        %get3A_1328 = arith.constant 0 : index
        %get3A_1329 = tpu.vector_load %arg10[%get3A_1327, %get3A_1328] {strides = array<i32>} : memref<400x64xf32, #tpu.memory_space<vmem>>, vector<1x16xf32>,
        %get3A_1330 = vector.shape_cast %get3A_1329 : vector<1x16xf32> to vector<16xf32>
        %add3A_1331 = arith.addf %add3A_1303, %get3A_1330 : vector<16xf32>
        %add3A_1332 = arith.constant 25 : i32
        %add3A_1333 = arith.addi %mul3A_305, %add3A_1332 : i32
        %get3A_1334 = arith.index_cast %add3A_1333 : i32 to index
        %get3A_1335 = arith.constant 16 : index
        %get3A_1336 = tpu.vector_load %arg10[%get3A_1334, %get3A_1335] {strides = array<i32>} : memref<400x64xf32, #tpu.memory_space<vmem>>, vector<1x16xf32>,
        %get3A_1337 = vector.shape_cast %get3A_1336 : vector<1x16xf32> to vector<16xf32>
        %add3A_1338 = arith.addf %add3A_1310, %get3A_1337 : vector<16xf32>
        %add3A_1339 = arith.constant 25 : i32
        %add3A_1340 = arith.addi %mul3A_305, %add3A_1339 : i32
        %get3A_1341 = arith.index_cast %add3A_1340 : i32 to index
        %get3A_1342 = arith.constant 32 : index
        %get3A_1343 = tpu.vector_load %arg10[%get3A_1341, %get3A_1342] {strides = array<i32>} : memref<400x64xf32, #tpu.memory_space<vmem>>, vector<1x16xf32>,
        %get3A_1344 = vector.shape_cast %get3A_1343 : vector<1x16xf32> to vector<16xf32>
        %add3A_1345 = arith.addf %add3A_1317, %get3A_1344 : vector<16xf32>
        %add3A_1346 = arith.constant 25 : i32
        %add3A_1347 = arith.addi %mul3A_305, %add3A_1346 : i32
        %get3A_1348 = arith.index_cast %add3A_1347 : i32 to index
        %get3A_1349 = arith.constant 48 : index
        %get3A_1350 = tpu.vector_load %arg10[%get3A_1348, %get3A_1349] {strides = array<i32>} : memref<400x64xf32, #tpu.memory_space<vmem>>, vector<1x16xf32>,
        %get3A_1351 = vector.shape_cast %get3A_1350 : vector<1x16xf32> to vector<16xf32>
        %add3A_1352 = arith.addf %add3A_1324, %get3A_1351 : vector<16xf32>
        %add3A_1353 = arith.constant 27 : i32
        %add3A_1354 = arith.addi %mul3A_305, %add3A_1353 : i32
        %get3A_1355 = arith.index_cast %add3A_1354 : i32 to index
        %get3A_1356 = arith.constant 0 : index
        %get3A_1357 = tpu.vector_load %arg10[%get3A_1355, %get3A_1356] {strides = array<i32>} : memref<400x64xf32, #tpu.memory_space<vmem>>, vector<1x16xf32>,
        %get3A_1358 = vector.shape_cast %get3A_1357 : vector<1x16xf32> to vector<16xf32>
        %add3A_1359 = arith.addf %add3A_1331, %get3A_1358 : vector<16xf32>
        %add3A_1360 = arith.constant 27 : i32
        %add3A_1361 = arith.addi %mul3A_305, %add3A_1360 : i32
        %get3A_1362 = arith.index_cast %add3A_1361 : i32 to index
        %get3A_1363 = arith.constant 16 : index
        %get3A_1364 = tpu.vector_load %arg10[%get3A_1362, %get3A_1363] {strides = array<i32>} : memref<400x64xf32, #tpu.memory_space<vmem>>, vector<1x16xf32>,
        %get3A_1365 = vector.shape_cast %get3A_1364 : vector<1x16xf32> to vector<16xf32>
        %add3A_1366 = arith.addf %add3A_1338, %get3A_1365 : vector<16xf32>
        %add3A_1367 = arith.constant 27 : i32
        %add3A_1368 = arith.addi %mul3A_305, %add3A_1367 : i32
        %get3A_1369 = arith.index_cast %add3A_1368 : i32 to index
        %get3A_1370 = arith.constant 32 : index
        %get3A_1371 = tpu.vector_load %arg10[%get3A_1369, %get3A_1370] {strides = array<i32>} : memref<400x64xf32, #tpu.memory_space<vmem>>, vector<1x16xf32>,
        %get3A_1372 = vector.shape_cast %get3A_1371 : vector<1x16xf32> to vector<16xf32>
        %add3A_1373 = arith.addf %add3A_1345, %get3A_1372 : vector<16xf32>
        %add3A_1374 = arith.constant 27 : i32
        %add3A_1375 = arith.addi %mul3A_305, %add3A_1374 : i32
        %get3A_1376 = arith.index_cast %add3A_1375 : i32 to index
        %get3A_1377 = arith.constant 48 : index
        %get3A_1378 = tpu.vector_load %arg10[%get3A_1376, %get3A_1377] {strides = array<i32>} : memref<400x64xf32, #tpu.memory_space<vmem>>, vector<1x16xf32>,
        %get3A_1379 = vector.shape_cast %get3A_1378 : vector<1x16xf32> to vector<16xf32>
        %add3A_1380 = arith.addf %add3A_1352, %get3A_1379 : vector<16xf32>
        %add3A_1381 = arith.constant 29 : i32
        %add3A_1382 = arith.addi %mul3A_305, %add3A_1381 : i32
        %get3A_1383 = arith.index_cast %add3A_1382 : i32 to index
        %get3A_1384 = arith.constant 0 : index
        %get3A_1385 = tpu.vector_load %arg10[%get3A_1383, %get3A_1384] {strides = array<i32>} : memref<400x64xf32, #tpu.memory_space<vmem>>, vector<1x16xf32>,
        %get3A_1386 = vector.shape_cast %get3A_1385 : vector<1x16xf32> to vector<16xf32>
        %add3A_1387 = arith.addf %add3A_1359, %get3A_1386 : vector<16xf32>
        %add3A_1388 = arith.constant 29 : i32
        %add3A_1389 = arith.addi %mul3A_305, %add3A_1388 : i32
        %get3A_1390 = arith.index_cast %add3A_1389 : i32 to index
        %get3A_1391 = arith.constant 16 : index
        %get3A_1392 = tpu.vector_load %arg10[%get3A_1390, %get3A_1391] {strides = array<i32>} : memref<400x64xf32, #tpu.memory_space<vmem>>, vector<1x16xf32>,
        %get3A_1393 = vector.shape_cast %get3A_1392 : vector<1x16xf32> to vector<16xf32>
        %add3A_1394 = arith.addf %add3A_1366, %get3A_1393 : vector<16xf32>
        %add3A_1395 = arith.constant 29 : i32
        %add3A_1396 = arith.addi %mul3A_305, %add3A_1395 : i32
        %get3A_1397 = arith.index_cast %add3A_1396 : i32 to index
        %get3A_1398 = arith.constant 32 : index
        %get3A_1399 = tpu.vector_load %arg10[%get3A_1397, %get3A_1398] {strides = array<i32>} : memref<400x64xf32, #tpu.memory_space<vmem>>, vector<1x16xf32>,
        %get3A_1400 = vector.shape_cast %get3A_1399 : vector<1x16xf32> to vector<16xf32>
        %add3A_1401 = arith.addf %add3A_1373, %get3A_1400 : vector<16xf32>
        %add3A_1402 = arith.constant 29 : i32
        %add3A_1403 = arith.addi %mul3A_305, %add3A_1402 : i32
        %get3A_1404 = arith.index_cast %add3A_1403 : i32 to index
        %get3A_1405 = arith.constant 48 : index
        %get3A_1406 = tpu.vector_load %arg10[%get3A_1404, %get3A_1405] {strides = array<i32>} : memref<400x64xf32, #tpu.memory_space<vmem>>, vector<1x16xf32>,
        %get3A_1407 = vector.shape_cast %get3A_1406 : vector<1x16xf32> to vector<16xf32>
        %add3A_1408 = arith.addf %add3A_1380, %get3A_1407 : vector<16xf32>
        %add3A_1409 = arith.constant 31 : i32
        %add3A_1410 = arith.addi %mul3A_305, %add3A_1409 : i32
        %get3A_1411 = arith.index_cast %add3A_1410 : i32 to index
        %get3A_1412 = arith.constant 0 : index
        %get3A_1413 = tpu.vector_load %arg10[%get3A_1411, %get3A_1412] {strides = array<i32>} : memref<400x64xf32, #tpu.memory_space<vmem>>, vector<1x16xf32>,
        %get3A_1414 = vector.shape_cast %get3A_1413 : vector<1x16xf32> to vector<16xf32>
        %add3A_1415 = arith.addf %add3A_1387, %get3A_1414 : vector<16xf32>
        %add3A_1416 = arith.constant 31 : i32
        %add3A_1417 = arith.addi %mul3A_305, %add3A_1416 : i32
        %get3A_1418 = arith.index_cast %add3A_1417 : i32 to index
        %get3A_1419 = arith.constant 16 : index
        %get3A_1420 = tpu.vector_load %arg10[%get3A_1418, %get3A_1419] {strides = array<i32>} : memref<400x64xf32, #tpu.memory_space<vmem>>, vector<1x16xf32>,
        %get3A_1421 = vector.shape_cast %get3A_1420 : vector<1x16xf32> to vector<16xf32>
        %add3A_1422 = arith.addf %add3A_1394, %get3A_1421 : vector<16xf32>
        %add3A_1423 = arith.constant 31 : i32
        %add3A_1424 = arith.addi %mul3A_305, %add3A_1423 : i32
        %get3A_1425 = arith.index_cast %add3A_1424 : i32 to index
        %get3A_1426 = arith.constant 32 : index
        %get3A_1427 = tpu.vector_load %arg10[%get3A_1425, %get3A_1426] {strides = array<i32>} : memref<400x64xf32, #tpu.memory_space<vmem>>, vector<1x16xf32>,
        %get3A_1428 = vector.shape_cast %get3A_1427 : vector<1x16xf32> to vector<16xf32>
        %add3A_1429 = arith.addf %add3A_1401, %get3A_1428 : vector<16xf32>
        %add3A_1430 = arith.constant 31 : i32
        %add3A_1431 = arith.addi %mul3A_305, %add3A_1430 : i32
        %get3A_1432 = arith.index_cast %add3A_1431 : i32 to index
        %get3A_1433 = arith.constant 48 : index
        %get3A_1434 = tpu.vector_load %arg10[%get3A_1432, %get3A_1433] {strides = array<i32>} : memref<400x64xf32, #tpu.memory_space<vmem>>, vector<1x16xf32>,
        %get3A_1435 = vector.shape_cast %get3A_1434 : vector<1x16xf32> to vector<16xf32>
        %add3A_1436 = arith.addf %add3A_1408, %get3A_1435 : vector<16xf32>
        %add3A_1437 = arith.constant 33 : i32
        %add3A_1438 = arith.addi %mul3A_305, %add3A_1437 : i32
        %get3A_1439 = arith.index_cast %add3A_1438 : i32 to index
        %get3A_1440 = arith.constant 0 : index
        %get3A_1441 = tpu.vector_load %arg10[%get3A_1439, %get3A_1440] {strides = array<i32>} : memref<400x64xf32, #tpu.memory_space<vmem>>, vector<1x16xf32>,
        %get3A_1442 = vector.shape_cast %get3A_1441 : vector<1x16xf32> to vector<16xf32>
        %add3A_1443 = arith.addf %add3A_1415, %get3A_1442 : vector<16xf32>
        %add3A_1444 = arith.constant 33 : i32
        %add3A_1445 = arith.addi %mul3A_305, %add3A_1444 : i32
        %get3A_1446 = arith.index_cast %add3A_1445 : i32 to index
        %get3A_1447 = arith.constant 16 : index
        %get3A_1448 = tpu.vector_load %arg10[%get3A_1446, %get3A_1447] {strides = array<i32>} : memref<400x64xf32, #tpu.memory_space<vmem>>, vector<1x16xf32>,
        %get3A_1449 = vector.shape_cast %get3A_1448 : vector<1x16xf32> to vector<16xf32>
        %add3A_1450 = arith.addf %add3A_1422, %get3A_1449 : vector<16xf32>
        %add3A_1451 = arith.constant 33 : i32
        %add3A_1452 = arith.addi %mul3A_305, %add3A_1451 : i32
        %get3A_1453 = arith.index_cast %add3A_1452 : i32 to index
        %get3A_1454 = arith.constant 32 : index
        %get3A_1455 = tpu.vector_load %arg10[%get3A_1453, %get3A_1454] {strides = array<i32>} : memref<400x64xf32, #tpu.memory_space<vmem>>, vector<1x16xf32>,
        %get3A_1456 = vector.shape_cast %get3A_1455 : vector<1x16xf32> to vector<16xf32>
        %add3A_1457 = arith.addf %add3A_1429, %get3A_1456 : vector<16xf32>
        %add3A_1458 = arith.constant 33 : i32
        %add3A_1459 = arith.addi %mul3A_305, %add3A_1458 : i32
        %get3A_1460 = arith.index_cast %add3A_1459 : i32 to index
        %get3A_1461 = arith.constant 48 : index
        %get3A_1462 = tpu.vector_load %arg10[%get3A_1460, %get3A_1461] {strides = array<i32>} : memref<400x64xf32, #tpu.memory_space<vmem>>, vector<1x16xf32>,
        %get3A_1463 = vector.shape_cast %get3A_1462 : vector<1x16xf32> to vector<16xf32>
        %add3A_1464 = arith.addf %add3A_1436, %get3A_1463 : vector<16xf32>
        %add3A_1465 = arith.constant 35 : i32
        %add3A_1466 = arith.addi %mul3A_305, %add3A_1465 : i32
        %get3A_1467 = arith.index_cast %add3A_1466 : i32 to index
        %get3A_1468 = arith.constant 0 : index
        %get3A_1469 = tpu.vector_load %arg10[%get3A_1467, %get3A_1468] {strides = array<i32>} : memref<400x64xf32, #tpu.memory_space<vmem>>, vector<1x16xf32>,
        %get3A_1470 = vector.shape_cast %get3A_1469 : vector<1x16xf32> to vector<16xf32>
        %add3A_1471 = arith.addf %add3A_1443, %get3A_1470 : vector<16xf32>
        %add3A_1472 = arith.constant 35 : i32
        %add3A_1473 = arith.addi %mul3A_305, %add3A_1472 : i32
        %get3A_1474 = arith.index_cast %add3A_1473 : i32 to index
        %get3A_1475 = arith.constant 16 : index
        %get3A_1476 = tpu.vector_load %arg10[%get3A_1474, %get3A_1475] {strides = array<i32>} : memref<400x64xf32, #tpu.memory_space<vmem>>, vector<1x16xf32>,
        %get3A_1477 = vector.shape_cast %get3A_1476 : vector<1x16xf32> to vector<16xf32>
        %add3A_1478 = arith.addf %add3A_1450, %get3A_1477 : vector<16xf32>
        %add3A_1479 = arith.constant 35 : i32
        %add3A_1480 = arith.addi %mul3A_305, %add3A_1479 : i32
        %get3A_1481 = arith.index_cast %add3A_1480 : i32 to index
        %get3A_1482 = arith.constant 32 : index
        %get3A_1483 = tpu.vector_load %arg10[%get3A_1481, %get3A_1482] {strides = array<i32>} : memref<400x64xf32, #tpu.memory_space<vmem>>, vector<1x16xf32>,
        %get3A_1484 = vector.shape_cast %get3A_1483 : vector<1x16xf32> to vector<16xf32>
        %add3A_1485 = arith.addf %add3A_1457, %get3A_1484 : vector<16xf32>
        %add3A_1486 = arith.constant 35 : i32
        %add3A_1487 = arith.addi %mul3A_305, %add3A_1486 : i32
        %get3A_1488 = arith.index_cast %add3A_1487 : i32 to index
        %get3A_1489 = arith.constant 48 : index
        %get3A_1490 = tpu.vector_load %arg10[%get3A_1488, %get3A_1489] {strides = array<i32>} : memref<400x64xf32, #tpu.memory_space<vmem>>, vector<1x16xf32>,
        %get3A_1491 = vector.shape_cast %get3A_1490 : vector<1x16xf32> to vector<16xf32>
        %add3A_1492 = arith.addf %add3A_1464, %get3A_1491 : vector<16xf32>
        %add3A_1493 = arith.constant 37 : i32
        %add3A_1494 = arith.addi %mul3A_305, %add3A_1493 : i32
        %get3A_1495 = arith.index_cast %add3A_1494 : i32 to index
        %get3A_1496 = arith.constant 0 : index
        %get3A_1497 = tpu.vector_load %arg10[%get3A_1495, %get3A_1496] {strides = array<i32>} : memref<400x64xf32, #tpu.memory_space<vmem>>, vector<1x16xf32>,
        %get3A_1498 = vector.shape_cast %get3A_1497 : vector<1x16xf32> to vector<16xf32>
        %add3A_1499 = arith.addf %add3A_1471, %get3A_1498 : vector<16xf32>
        %add3A_1500 = arith.constant 37 : i32
        %add3A_1501 = arith.addi %mul3A_305, %add3A_1500 : i32
        %get3A_1502 = arith.index_cast %add3A_1501 : i32 to index
        %get3A_1503 = arith.constant 16 : index
        %get3A_1504 = tpu.vector_load %arg10[%get3A_1502, %get3A_1503] {strides = array<i32>} : memref<400x64xf32, #tpu.memory_space<vmem>>, vector<1x16xf32>,
        %get3A_1505 = vector.shape_cast %get3A_1504 : vector<1x16xf32> to vector<16xf32>
        %add3A_1506 = arith.addf %add3A_1478, %get3A_1505 : vector<16xf32>
        %add3A_1507 = arith.constant 37 : i32
        %add3A_1508 = arith.addi %mul3A_305, %add3A_1507 : i32
        %get3A_1509 = arith.index_cast %add3A_1508 : i32 to index
        %get3A_1510 = arith.constant 32 : index
        %get3A_1511 = tpu.vector_load %arg10[%get3A_1509, %get3A_1510] {strides = array<i32>} : memref<400x64xf32, #tpu.memory_space<vmem>>, vector<1x16xf32>,
        %get3A_1512 = vector.shape_cast %get3A_1511 : vector<1x16xf32> to vector<16xf32>
        %add3A_1513 = arith.addf %add3A_1485, %get3A_1512 : vector<16xf32>
        %add3A_1514 = arith.constant 37 : i32
        %add3A_1515 = arith.addi %mul3A_305, %add3A_1514 : i32
        %get3A_1516 = arith.index_cast %add3A_1515 : i32 to index
        %get3A_1517 = arith.constant 48 : index
        %get3A_1518 = tpu.vector_load %arg10[%get3A_1516, %get3A_1517] {strides = array<i32>} : memref<400x64xf32, #tpu.memory_space<vmem>>, vector<1x16xf32>,
        %get3A_1519 = vector.shape_cast %get3A_1518 : vector<1x16xf32> to vector<16xf32>
        %add3A_1520 = arith.addf %add3A_1492, %get3A_1519 : vector<16xf32>
        %add3A_1521 = arith.constant 39 : i32
        %add3A_1522 = arith.addi %mul3A_305, %add3A_1521 : i32
        %get3A_1523 = arith.index_cast %add3A_1522 : i32 to index
        %get3A_1524 = arith.constant 0 : index
        %get3A_1525 = tpu.vector_load %arg10[%get3A_1523, %get3A_1524] {strides = array<i32>} : memref<400x64xf32, #tpu.memory_space<vmem>>, vector<1x16xf32>,
        %get3A_1526 = vector.shape_cast %get3A_1525 : vector<1x16xf32> to vector<16xf32>
        %add3A_1527 = arith.addf %add3A_1499, %get3A_1526 : vector<16xf32>
        %add3A_1528 = arith.constant 39 : i32
        %add3A_1529 = arith.addi %mul3A_305, %add3A_1528 : i32
        %get3A_1530 = arith.index_cast %add3A_1529 : i32 to index
        %get3A_1531 = arith.constant 16 : index
        %get3A_1532 = tpu.vector_load %arg10[%get3A_1530, %get3A_1531] {strides = array<i32>} : memref<400x64xf32, #tpu.memory_space<vmem>>, vector<1x16xf32>,
        %get3A_1533 = vector.shape_cast %get3A_1532 : vector<1x16xf32> to vector<16xf32>
        %add3A_1534 = arith.addf %add3A_1506, %get3A_1533 : vector<16xf32>
        %add3A_1535 = arith.constant 39 : i32
        %add3A_1536 = arith.addi %mul3A_305, %add3A_1535 : i32
        %get3A_1537 = arith.index_cast %add3A_1536 : i32 to index
        %get3A_1538 = arith.constant 32 : index
        %get3A_1539 = tpu.vector_load %arg10[%get3A_1537, %get3A_1538] {strides = array<i32>} : memref<400x64xf32, #tpu.memory_space<vmem>>, vector<1x16xf32>,
        %get3A_1540 = vector.shape_cast %get3A_1539 : vector<1x16xf32> to vector<16xf32>
        %add3A_1541 = arith.addf %add3A_1513, %get3A_1540 : vector<16xf32>
        %add3A_1542 = arith.constant 39 : i32
        %add3A_1543 = arith.addi %mul3A_305, %add3A_1542 : i32
        %get3A_1544 = arith.index_cast %add3A_1543 : i32 to index
        %get3A_1545 = arith.constant 48 : index
        %get3A_1546 = tpu.vector_load %arg10[%get3A_1544, %get3A_1545] {strides = array<i32>} : memref<400x64xf32, #tpu.memory_space<vmem>>, vector<1x16xf32>,
        %get3A_1547 = vector.shape_cast %get3A_1546 : vector<1x16xf32> to vector<16xf32>
        %add3A_1548 = arith.addf %add3A_1520, %get3A_1547 : vector<16xf32>
        %add3A_1549 = arith.constant 41 : i32
        %add3A_1550 = arith.addi %mul3A_305, %add3A_1549 : i32
        %get3A_1551 = arith.index_cast %add3A_1550 : i32 to index
        %get3A_1552 = arith.constant 0 : index
        %get3A_1553 = tpu.vector_load %arg10[%get3A_1551, %get3A_1552] {strides = array<i32>} : memref<400x64xf32, #tpu.memory_space<vmem>>, vector<1x16xf32>,
        %get3A_1554 = vector.shape_cast %get3A_1553 : vector<1x16xf32> to vector<16xf32>
        %add3A_1555 = arith.addf %add3A_1527, %get3A_1554 : vector<16xf32>
        %add3A_1556 = arith.constant 41 : i32
        %add3A_1557 = arith.addi %mul3A_305, %add3A_1556 : i32
        %get3A_1558 = arith.index_cast %add3A_1557 : i32 to index
        %get3A_1559 = arith.constant 16 : index
        %get3A_1560 = tpu.vector_load %arg10[%get3A_1558, %get3A_1559] {strides = array<i32>} : memref<400x64xf32, #tpu.memory_space<vmem>>, vector<1x16xf32>,
        %get3A_1561 = vector.shape_cast %get3A_1560 : vector<1x16xf32> to vector<16xf32>
        %add3A_1562 = arith.addf %add3A_1534, %get3A_1561 : vector<16xf32>
        %add3A_1563 = arith.constant 41 : i32
        %add3A_1564 = arith.addi %mul3A_305, %add3A_1563 : i32
        %get3A_1565 = arith.index_cast %add3A_1564 : i32 to index
        %get3A_1566 = arith.constant 32 : index
        %get3A_1567 = tpu.vector_load %arg10[%get3A_1565, %get3A_1566] {strides = array<i32>} : memref<400x64xf32, #tpu.memory_space<vmem>>, vector<1x16xf32>,
        %get3A_1568 = vector.shape_cast %get3A_1567 : vector<1x16xf32> to vector<16xf32>
        %add3A_1569 = arith.addf %add3A_1541, %get3A_1568 : vector<16xf32>
        %add3A_1570 = arith.constant 41 : i32
        %add3A_1571 = arith.addi %mul3A_305, %add3A_1570 : i32
        %get3A_1572 = arith.index_cast %add3A_1571 : i32 to index
        %get3A_1573 = arith.constant 48 : index
        %get3A_1574 = tpu.vector_load %arg10[%get3A_1572, %get3A_1573] {strides = array<i32>} : memref<400x64xf32, #tpu.memory_space<vmem>>, vector<1x16xf32>,
        %get3A_1575 = vector.shape_cast %get3A_1574 : vector<1x16xf32> to vector<16xf32>
        %add3A_1576 = arith.addf %add3A_1548, %get3A_1575 : vector<16xf32>
        %add3A_1577 = arith.constant 43 : i32
        %add3A_1578 = arith.addi %mul3A_305, %add3A_1577 : i32
        %get3A_1579 = arith.index_cast %add3A_1578 : i32 to index
        %get3A_1580 = arith.constant 0 : index
        %get3A_1581 = tpu.vector_load %arg10[%get3A_1579, %get3A_1580] {strides = array<i32>} : memref<400x64xf32, #tpu.memory_space<vmem>>, vector<1x16xf32>,
        %get3A_1582 = vector.shape_cast %get3A_1581 : vector<1x16xf32> to vector<16xf32>
        %add3A_1583 = arith.addf %add3A_1555, %get3A_1582 : vector<16xf32>
        %add3A_1584 = arith.constant 43 : i32
        %add3A_1585 = arith.addi %mul3A_305, %add3A_1584 : i32
        %get3A_1586 = arith.index_cast %add3A_1585 : i32 to index
        %get3A_1587 = arith.constant 16 : index
        %get3A_1588 = tpu.vector_load %arg10[%get3A_1586, %get3A_1587] {strides = array<i32>} : memref<400x64xf32, #tpu.memory_space<vmem>>, vector<1x16xf32>,
        %get3A_1589 = vector.shape_cast %get3A_1588 : vector<1x16xf32> to vector<16xf32>
        %add3A_1590 = arith.addf %add3A_1562, %get3A_1589 : vector<16xf32>
        %add3A_1591 = arith.constant 43 : i32
        %add3A_1592 = arith.addi %mul3A_305, %add3A_1591 : i32
        %get3A_1593 = arith.index_cast %add3A_1592 : i32 to index
        %get3A_1594 = arith.constant 32 : index
        %get3A_1595 = tpu.vector_load %arg10[%get3A_1593, %get3A_1594] {strides = array<i32>} : memref<400x64xf32, #tpu.memory_space<vmem>>, vector<1x16xf32>,
        %get3A_1596 = vector.shape_cast %get3A_1595 : vector<1x16xf32> to vector<16xf32>
        %add3A_1597 = arith.addf %add3A_1569, %get3A_1596 : vector<16xf32>
        %add3A_1598 = arith.constant 43 : i32
        %add3A_1599 = arith.addi %mul3A_305, %add3A_1598 : i32
        %get3A_1600 = arith.index_cast %add3A_1599 : i32 to index
        %get3A_1601 = arith.constant 48 : index
        %get3A_1602 = tpu.vector_load %arg10[%get3A_1600, %get3A_1601] {strides = array<i32>} : memref<400x64xf32, #tpu.memory_space<vmem>>, vector<1x16xf32>,
        %get3A_1603 = vector.shape_cast %get3A_1602 : vector<1x16xf32> to vector<16xf32>
        %add3A_1604 = arith.addf %add3A_1576, %get3A_1603 : vector<16xf32>
        %add3A_1605 = arith.constant 45 : i32
        %add3A_1606 = arith.addi %mul3A_305, %add3A_1605 : i32
        %get3A_1607 = arith.index_cast %add3A_1606 : i32 to index
        %get3A_1608 = arith.constant 0 : index
        %get3A_1609 = tpu.vector_load %arg10[%get3A_1607, %get3A_1608] {strides = array<i32>} : memref<400x64xf32, #tpu.memory_space<vmem>>, vector<1x16xf32>,
        %get3A_1610 = vector.shape_cast %get3A_1609 : vector<1x16xf32> to vector<16xf32>
        %add3A_1611 = arith.addf %add3A_1583, %get3A_1610 : vector<16xf32>
        %add3A_1612 = arith.constant 45 : i32
        %add3A_1613 = arith.addi %mul3A_305, %add3A_1612 : i32
        %get3A_1614 = arith.index_cast %add3A_1613 : i32 to index
        %get3A_1615 = arith.constant 16 : index
        %get3A_1616 = tpu.vector_load %arg10[%get3A_1614, %get3A_1615] {strides = array<i32>} : memref<400x64xf32, #tpu.memory_space<vmem>>, vector<1x16xf32>,
        %get3A_1617 = vector.shape_cast %get3A_1616 : vector<1x16xf32> to vector<16xf32>
        %add3A_1618 = arith.addf %add3A_1590, %get3A_1617 : vector<16xf32>
        %add3A_1619 = arith.constant 45 : i32
        %add3A_1620 = arith.addi %mul3A_305, %add3A_1619 : i32
        %get3A_1621 = arith.index_cast %add3A_1620 : i32 to index
        %get3A_1622 = arith.constant 32 : index
        %get3A_1623 = tpu.vector_load %arg10[%get3A_1621, %get3A_1622] {strides = array<i32>} : memref<400x64xf32, #tpu.memory_space<vmem>>, vector<1x16xf32>,
        %get3A_1624 = vector.shape_cast %get3A_1623 : vector<1x16xf32> to vector<16xf32>
        %add3A_1625 = arith.addf %add3A_1597, %get3A_1624 : vector<16xf32>
        %add3A_1626 = arith.constant 45 : i32
        %add3A_1627 = arith.addi %mul3A_305, %add3A_1626 : i32
        %get3A_1628 = arith.index_cast %add3A_1627 : i32 to index
        %get3A_1629 = arith.constant 48 : index
        %get3A_1630 = tpu.vector_load %arg10[%get3A_1628, %get3A_1629] {strides = array<i32>} : memref<400x64xf32, #tpu.memory_space<vmem>>, vector<1x16xf32>,
        %get3A_1631 = vector.shape_cast %get3A_1630 : vector<1x16xf32> to vector<16xf32>
        %add3A_1632 = arith.addf %add3A_1604, %get3A_1631 : vector<16xf32>
        %add3A_1633 = arith.constant 47 : i32
        %add3A_1634 = arith.addi %mul3A_305, %add3A_1633 : i32
        %get3A_1635 = arith.index_cast %add3A_1634 : i32 to index
        %get3A_1636 = arith.constant 0 : index
        %get3A_1637 = tpu.vector_load %arg10[%get3A_1635, %get3A_1636] {strides = array<i32>} : memref<400x64xf32, #tpu.memory_space<vmem>>, vector<1x16xf32>,
        %get3A_1638 = vector.shape_cast %get3A_1637 : vector<1x16xf32> to vector<16xf32>
        %add3A_1639 = arith.addf %add3A_1611, %get3A_1638 : vector<16xf32>
        %add3A_1640 = arith.constant 47 : i32
        %add3A_1641 = arith.addi %mul3A_305, %add3A_1640 : i32
        %get3A_1642 = arith.index_cast %add3A_1641 : i32 to index
        %get3A_1643 = arith.constant 16 : index
        %get3A_1644 = tpu.vector_load %arg10[%get3A_1642, %get3A_1643] {strides = array<i32>} : memref<400x64xf32, #tpu.memory_space<vmem>>, vector<1x16xf32>,
        %get3A_1645 = vector.shape_cast %get3A_1644 : vector<1x16xf32> to vector<16xf32>
        %add3A_1646 = arith.addf %add3A_1618, %get3A_1645 : vector<16xf32>
        %add3A_1647 = arith.constant 47 : i32
        %add3A_1648 = arith.addi %mul3A_305, %add3A_1647 : i32
        %get3A_1649 = arith.index_cast %add3A_1648 : i32 to index
        %get3A_1650 = arith.constant 32 : index
        %get3A_1651 = tpu.vector_load %arg10[%get3A_1649, %get3A_1650] {strides = array<i32>} : memref<400x64xf32, #tpu.memory_space<vmem>>, vector<1x16xf32>,
        %get3A_1652 = vector.shape_cast %get3A_1651 : vector<1x16xf32> to vector<16xf32>
        %add3A_1653 = arith.addf %add3A_1625, %get3A_1652 : vector<16xf32>
        %add3A_1654 = arith.constant 47 : i32
        %add3A_1655 = arith.addi %mul3A_305, %add3A_1654 : i32
        %get3A_1656 = arith.index_cast %add3A_1655 : i32 to index
        %get3A_1657 = arith.constant 48 : index
        %get3A_1658 = tpu.vector_load %arg10[%get3A_1656, %get3A_1657] {strides = array<i32>} : memref<400x64xf32, #tpu.memory_space<vmem>>, vector<1x16xf32>,
        %get3A_1659 = vector.shape_cast %get3A_1658 : vector<1x16xf32> to vector<16xf32>
        %add3A_1660 = arith.addf %add3A_1632, %get3A_1659 : vector<16xf32>
        %add3A_1661 = arith.constant 49 : i32
        %add3A_1662 = arith.addi %mul3A_305, %add3A_1661 : i32
        %get3A_1663 = arith.index_cast %add3A_1662 : i32 to index
        %get3A_1664 = arith.constant 0 : index
        %get3A_1665 = tpu.vector_load %arg10[%get3A_1663, %get3A_1664] {strides = array<i32>} : memref<400x64xf32, #tpu.memory_space<vmem>>, vector<1x16xf32>,
        %get3A_1666 = vector.shape_cast %get3A_1665 : vector<1x16xf32> to vector<16xf32>
        %add3A_1667 = arith.addf %add3A_1639, %get3A_1666 : vector<16xf32>
        %add3A_1668 = arith.constant 49 : i32
        %add3A_1669 = arith.addi %mul3A_305, %add3A_1668 : i32
        %get3A_1670 = arith.index_cast %add3A_1669 : i32 to index
        %get3A_1671 = arith.constant 16 : index
        %get3A_1672 = tpu.vector_load %arg10[%get3A_1670, %get3A_1671] {strides = array<i32>} : memref<400x64xf32, #tpu.memory_space<vmem>>, vector<1x16xf32>,
        %get3A_1673 = vector.shape_cast %get3A_1672 : vector<1x16xf32> to vector<16xf32>
        %add3A_1674 = arith.addf %add3A_1646, %get3A_1673 : vector<16xf32>
        %add3A_1675 = arith.constant 49 : i32
        %add3A_1676 = arith.addi %mul3A_305, %add3A_1675 : i32
        %get3A_1677 = arith.index_cast %add3A_1676 : i32 to index
        %get3A_1678 = arith.constant 32 : index
        %get3A_1679 = tpu.vector_load %arg10[%get3A_1677, %get3A_1678] {strides = array<i32>} : memref<400x64xf32, #tpu.memory_space<vmem>>, vector<1x16xf32>,
        %get3A_1680 = vector.shape_cast %get3A_1679 : vector<1x16xf32> to vector<16xf32>
        %add3A_1681 = arith.addf %add3A_1653, %get3A_1680 : vector<16xf32>
        %add3A_1682 = arith.constant 49 : i32
        %add3A_1683 = arith.addi %mul3A_305, %add3A_1682 : i32
        %get3A_1684 = arith.index_cast %add3A_1683 : i32 to index
        %get3A_1685 = arith.constant 48 : index
        %get3A_1686 = tpu.vector_load %arg10[%get3A_1684, %get3A_1685] {strides = array<i32>} : memref<400x64xf32, #tpu.memory_space<vmem>>, vector<1x16xf32>,
        %get3A_1687 = vector.shape_cast %get3A_1686 : vector<1x16xf32> to vector<16xf32>
        %add3A_1688 = arith.addf %add3A_1660, %get3A_1687 : vector<16xf32>
        %add3A_1689 = arith.addf %add3A_995, %add3A_1667 : vector<16xf32>
        %mul3A_1690 = arith.constant 2.000000e-02 : f32
        %mul3A_1691 = vector.broadcast %mul3A_1690 : f32 to vector<16xf32>
        %mul3A_1692 = arith.mulf %add3A_1689, %mul3A_1691 : vector<16xf32>
        %swap3A = arith.index_cast %scan3A_302 : i32 to index
        %swap3A_1693 = arith.constant 0 : index
        %swap3A_1694 = tpu.vector_load %arg13[%swap3A, %swap3A_1693] {strides = array<i32>} : memref<8x64xf32, #tpu.memory_space<vmem>>, vector<1x16xf32>,
        %swap3A_1695 = vector.shape_cast %swap3A_1694 : vector<1x16xf32> to vector<16xf32>
        %swap3A_1696 = vector.shape_cast %mul3A_1692 : vector<16xf32> to vector<1x16xf32>
        tpu.vector_store %arg13[%swap3A, %swap3A_1693], %swap3A_1696 {strides = array<i32>} : memref<8x64xf32, #tpu.memory_space<vmem>>, vector<1x16xf32>,
        %add3A_1697 = arith.addf %add3A_1002, %add3A_1674 : vector<16xf32>
        %mul3A_1698 = arith.constant 2.000000e-02 : f32
        %mul3A_1699 = vector.broadcast %mul3A_1698 : f32 to vector<16xf32>
        %mul3A_1700 = arith.mulf %add3A_1697, %mul3A_1699 : vector<16xf32>
        %swap3A_1701 = arith.index_cast %scan3A_302 : i32 to index
        %swap3A_1702 = arith.constant 16 : index
        %swap3A_1703 = tpu.vector_load %arg13[%swap3A_1701, %swap3A_1702] {strides = array<i32>} : memref<8x64xf32, #tpu.memory_space<vmem>>, vector<1x16xf32>,
        %swap3A_1704 = vector.shape_cast %swap3A_1703 : vector<1x16xf32> to vector<16xf32>
        %swap3A_1705 = vector.shape_cast %mul3A_1700 : vector<16xf32> to vector<1x16xf32>
        tpu.vector_store %arg13[%swap3A_1701, %swap3A_1702], %swap3A_1705 {strides = array<i32>} : memref<8x64xf32, #tpu.memory_space<vmem>>, vector<1x16xf32>,
        %add3A_1706 = arith.addf %add3A_1009, %add3A_1681 : vector<16xf32>
        %mul3A_1707 = arith.constant 2.000000e-02 : f32
        %mul3A_1708 = vector.broadcast %mul3A_1707 : f32 to vector<16xf32>
        %mul3A_1709 = arith.mulf %add3A_1706, %mul3A_1708 : vector<16xf32>
        %swap3A_1710 = arith.index_cast %scan3A_302 : i32 to index
        %swap3A_1711 = arith.constant 32 : index
        %swap3A_1712 = tpu.vector_load %arg13[%swap3A_1710, %swap3A_1711] {strides = array<i32>} : memref<8x64xf32, #tpu.memory_space<vmem>>, vector<1x16xf32>,
        %swap3A_1713 = vector.shape_cast %swap3A_1712 : vector<1x16xf32> to vector<16xf32>
        %swap3A_1714 = vector.shape_cast %mul3A_1709 : vector<16xf32> to vector<1x16xf32>
        tpu.vector_store %arg13[%swap3A_1710, %swap3A_1711], %swap3A_1714 {strides = array<i32>} : memref<8x64xf32, #tpu.memory_space<vmem>>, vector<1x16xf32>,
        %add3A_1715 = arith.addf %add3A_1016, %add3A_1688 : vector<16xf32>
        %mul3A_1716 = arith.constant 2.000000e-02 : f32
        %mul3A_1717 = vector.broadcast %mul3A_1716 : f32 to vector<16xf32>
        %mul3A_1718 = arith.mulf %add3A_1715, %mul3A_1717 : vector<16xf32>
        %swap3A_1719 = arith.index_cast %scan3A_302 : i32 to index
        %swap3A_1720 = arith.constant 48 : index
        %swap3A_1721 = tpu.vector_load %arg13[%swap3A_1719, %swap3A_1720] {strides = array<i32>} : memref<8x64xf32, #tpu.memory_space<vmem>>, vector<1x16xf32>,
        %swap3A_1722 = vector.shape_cast %swap3A_1721 : vector<1x16xf32> to vector<16xf32>
        %swap3A_1723 = vector.shape_cast %mul3A_1718 : vector<16xf32> to vector<1x16xf32>
        tpu.vector_store %arg13[%swap3A_1719, %swap3A_1720], %swap3A_1723 {strides = array<i32>} : memref<8x64xf32, #tpu.memory_space<vmem>>, vector<1x16xf32>,
        %scan3A_1724 = arith.constant 0 : i32
        scf.yield %scan3A_1724 : i32
      }
      %scan3A_87 = arith.constant 8 : i32
      %jit3A = arith.constant 64 : i32
      %div3A = arith.divsi %mul3A_62, %jit3A : i32
      %sign3A = arith.constant 0 : i32
      %sign3A_88 = arith.cmpi sgt, %mul3A_62, %sign3A : i32
      %sign3A_89 = arith.extui %sign3A_88 : i1 to i32
      %sign3A_90 = arith.constant 0 : i32
      %sign3A_91 = arith.cmpi slt, %mul3A_62, %sign3A_90 : i32
      %sign3A_92 = arith.extui %sign3A_91 : i1 to i32
      %sign3A_93 = arith.subi %sign3A_89, %sign3A_92 : i32
      %sign3A_94 = arith.constant 0 : i32
      %sign3A_95 = arith.cmpi sgt, %jit3A, %sign3A_94 : i32
      %sign3A_96 = arith.extui %sign3A_95 : i1 to i32
      %sign3A_97 = arith.constant 0 : i32
      %sign3A_98 = arith.cmpi slt, %jit3A, %sign3A_97 : i32
      %sign3A_99 = arith.extui %sign3A_98 : i1 to i32
      %sign3A_100 = arith.subi %sign3A_96, %sign3A_99 : i32
      %ne3A = arith.cmpi ne, %sign3A_93, %sign3A_100 : i32
      %rem3A = arith.remsi %mul3A_62, %jit3A : i32
      %ne3A_101 = arith.constant 0 : i32
      %ne3A_102 = arith.cmpi ne, %rem3A, %ne3A_101 : i32
      %and3A = arith.andi %ne3A, %ne3A_102 : i1
      %sub3A = arith.constant 1 : i32
      %sub3A_103 = arith.subi %div3A, %sub3A : i32
      %select_n3A = arith.select %and3A, %sub3A_103, %div3A : i32
      %mul3A_104 = arith.constant 16384 : i32
      %mul3A_105 = arith.muli %select_n3A, %mul3A_104 : i32
      %mul3A_106 = arith.constant 512 : i32
      %mul3A_107 = arith.muli %add3A, %mul3A_106 : i32
      %add3A_108 = arith.addi %mul3A_105, %mul3A_107 : i32
      %jit3A_109 = arith.constant 64 : i32
      %eq3A = arith.constant 0 : i32
      %eq3A_110 = arith.cmpi eq, %jit3A_109, %eq3A : i32
      %jit3A_111 = arith.constant 1 : i32
      %select_n3A_112 = arith.select %eq3A_110, %jit3A_111, %jit3A_109 : i32
      %rem3A_113 = arith.remsi %mul3A_62, %select_n3A_112 : i32
      %ne3A_114 = arith.constant 0 : i32
      %ne3A_115 = arith.cmpi ne, %rem3A_113, %ne3A_114 : i32
      %lt3A_116 = arith.constant 0 : i32
      %lt3A_117 = arith.cmpi slt, %rem3A_113, %lt3A_116 : i32
      %lt3A_118 = arith.constant 0 : i32
      %lt3A_119 = arith.cmpi slt, %select_n3A_112, %lt3A_118 : i32
      %ne3A_120 = arith.xori %lt3A_117, %lt3A_119 : i1
      %and3A_121 = arith.andi %ne3A_120, %ne3A_115 : i1
      %add3A_122 = arith.addi %rem3A_113, %select_n3A_112 : i32
      %select_n3A_123 = arith.select %and3A_121, %add3A_122, %rem3A_113 : i32
      %mul3A_124 = arith.constant 8 : i32
      %mul3A_125 = arith.muli %select_n3A_123, %mul3A_124 : i32
      %add3A_126 = arith.addi %add3A_108, %mul3A_125 : i32
      %dma_start3A_127 = arith.constant 0 : i32
      %dma_start3A_128 = tpu.memref_slice %arg6[%add3A_126, %dma_start3A_127] : memref<49152x64xf32, #tpu.memory_space<hbm>> -> memref<8x64xf32, #tpu.memory_space<hbm>>
      %dma_start3A_129 = arith.constant 0 : i32
      %dma_start3A_130 = tpu.memref_slice %arg6[%add3A_126, %dma_start3A_129] : memref<49152x64xf32, #tpu.memory_space<hbm>> -> memref<8x64xf32, #tpu.memory_space<hbm>>
      tpu.enqueue_dma source(%arg13 : memref<8x64xf32, #tpu.memory_space<vmem>>) target(%dma_start3A_130 : memref<8x64xf32, #tpu.memory_space<hbm>>) target_semaphore(%arg22 : memref<!tpu.dma_semaphore, #tpu.memory_space<semaphore_mem>>)
      %mul3A_131 = arith.constant 3 : i32
      %mul3A_132 = arith.muli %mul3A_131, %scan3A_59 : i32
      %add3A_133 = arith.constant 1 : i32
      %add3A_134 = arith.addi %mul3A_132, %add3A_133 : i32
      %dma_wait3A_135 = arith.constant 0 : i32
      %dma_wait3A_136 = arith.constant 0 : i32
      %dma_wait3A_137 = tpu.memref_slice %arg5[%dma_wait3A_135, %dma_wait3A_136] : memref<1000000x64xf32, #tpu.memory_space<hbm>> -> memref<1000000x64xf32, #tpu.memory_space<hbm>>
      tpu.wait_indirect_dma semaphore(%arg17 : memref<!tpu.dma_semaphore, #tpu.memory_space<semaphore_mem>>) src(%dma_wait3A_137 : memref<1000000x64xf32, #tpu.memory_space<hbm>>) dst(%arg11 : memref<400x64xf32, #tpu.memory_space<vmem>>)
      %add3A_138 = arith.constant 3 : i32
      %add3A_139 = arith.addi %add3A_134, %add3A_138 : i32
      %lt3A_140 = arith.constant 192 : i32
      %lt3A_141 = arith.cmpi slt, %add3A_139, %lt3A_140 : i32
      %convert_element_type3A_142 = arith.extui %lt3A_141 : i1 to i32
      %cond3A_143 = arith.constant 0 : i32
      %cond3A_144 = arith.cmpi ne, %convert_element_type3A_142, %cond3A_143 : i32
      scf.if %cond3A_144 {
        %add3A_302 = arith.constant 3 : i32
        %add3A_303 = arith.addi %add3A_134, %add3A_302 : i32
        %jit3A_304 = arith.constant 64 : i32
        %div3A_305 = arith.divsi %add3A_303, %jit3A_304 : i32
        %sign3A_306 = arith.constant 0 : i32
        %sign3A_307 = arith.cmpi sgt, %add3A_303, %sign3A_306 : i32
        %sign3A_308 = arith.extui %sign3A_307 : i1 to i32
        %sign3A_309 = arith.constant 0 : i32
        %sign3A_310 = arith.cmpi slt, %add3A_303, %sign3A_309 : i32
        %sign3A_311 = arith.extui %sign3A_310 : i1 to i32
        %sign3A_312 = arith.subi %sign3A_308, %sign3A_311 : i32
        %sign3A_313 = arith.constant 0 : i32
        %sign3A_314 = arith.cmpi sgt, %jit3A_304, %sign3A_313 : i32
        %sign3A_315 = arith.extui %sign3A_314 : i1 to i32
        %sign3A_316 = arith.constant 0 : i32
        %sign3A_317 = arith.cmpi slt, %jit3A_304, %sign3A_316 : i32
        %sign3A_318 = arith.extui %sign3A_317 : i1 to i32
        %sign3A_319 = arith.subi %sign3A_315, %sign3A_318 : i32
        %ne3A_320 = arith.cmpi ne, %sign3A_312, %sign3A_319 : i32
        %rem3A_321 = arith.remsi %add3A_303, %jit3A_304 : i32
        %ne3A_322 = arith.constant 0 : i32
        %ne3A_323 = arith.cmpi ne, %rem3A_321, %ne3A_322 : i32
        %and3A_324 = arith.andi %ne3A_320, %ne3A_323 : i1
        %sub3A_325 = arith.constant 1 : i32
        %sub3A_326 = arith.subi %div3A_305, %sub3A_325 : i32
        %select_n3A_327 = arith.select %and3A_324, %sub3A_326, %div3A_305 : i32
        %mul3A_328 = arith.constant 512 : i32
        %mul3A_329 = arith.muli %add3A, %mul3A_328 : i32
        %jit3A_330 = arith.constant 64 : i32
        %eq3A_331 = arith.constant 0 : i32
        %eq3A_332 = arith.cmpi eq, %jit3A_330, %eq3A_331 : i32
        %jit3A_333 = arith.constant 1 : i32
        %select_n3A_334 = arith.select %eq3A_332, %jit3A_333, %jit3A_330 : i32
        %rem3A_335 = arith.remsi %add3A_303, %select_n3A_334 : i32
        %ne3A_336 = arith.constant 0 : i32
        %ne3A_337 = arith.cmpi ne, %rem3A_335, %ne3A_336 : i32
        %lt3A_338 = arith.constant 0 : i32
        %lt3A_339 = arith.cmpi slt, %rem3A_335, %lt3A_338 : i32
        %lt3A_340 = arith.constant 0 : i32
        %lt3A_341 = arith.cmpi slt, %select_n3A_334, %lt3A_340 : i32
        %ne3A_342 = arith.xori %lt3A_339, %lt3A_341 : i1
        %and3A_343 = arith.andi %ne3A_342, %ne3A_337 : i1
        %add3A_344 = arith.addi %rem3A_335, %select_n3A_334 : i32
        %select_n3A_345 = arith.select %and3A_343, %add3A_344, %rem3A_335 : i32
        %mul3A_346 = arith.constant 8 : i32
        %mul3A_347 = arith.muli %select_n3A_345, %mul3A_346 : i32
        %add3A_348 = arith.addi %mul3A_329, %mul3A_347 : i32
        %mul3A_349 = arith.constant 50 : i32
        %mul3A_350 = arith.muli %add3A_348, %mul3A_349 : i32
        %eq3A_351 = arith.constant 0 : i32
        %eq3A_352 = arith.cmpi eq, %select_n3A_327, %eq3A_351 : i32
        %convert_element_type3A_353 = arith.extui %eq3A_352 : i1 to i32
        %cond3A_354 = arith.constant 0 : i32
        %cond3A_355 = arith.cmpi ne, %convert_element_type3A_353, %cond3A_354 : i32
        scf.if %cond3A_355 {
          %dma_start3A_366 = tpu.memref_slice %arg2[%mul3A_350] : memref<819200xi32, #tpu.memory_space<hbm>> -> memref<400xi32, #tpu.memory_space<hbm>>
          %dma_start3A_367 = tpu.memref_slice %arg2[%mul3A_350] : memref<819200xi32, #tpu.memory_space<hbm>> -> memref<400xi32, #tpu.memory_space<hbm>>
          tpu.enqueue_dma source(%dma_start3A_367 : memref<400xi32, #tpu.memory_space<hbm>>) target(%arg8 : memref<400xi32, #tpu.memory_space<vmem>>) target_semaphore(%arg20 : memref<!tpu.dma_semaphore, #tpu.memory_space<semaphore_mem>>)
        } else {
        }
        %eq3A_356 = arith.constant 1 : i32
        %eq3A_357 = arith.cmpi eq, %select_n3A_327, %eq3A_356 : i32
        %convert_element_type3A_358 = arith.extui %eq3A_357 : i1 to i32
        %cond3A_359 = arith.constant 0 : i32
        %cond3A_360 = arith.cmpi ne, %convert_element_type3A_358, %cond3A_359 : i32
        scf.if %cond3A_360 {
          %dma_start3A_366 = tpu.memref_slice %arg3[%mul3A_350] : memref<819200xi32, #tpu.memory_space<hbm>> -> memref<400xi32, #tpu.memory_space<hbm>>
          %dma_start3A_367 = tpu.memref_slice %arg3[%mul3A_350] : memref<819200xi32, #tpu.memory_space<hbm>> -> memref<400xi32, #tpu.memory_space<hbm>>
          tpu.enqueue_dma source(%dma_start3A_367 : memref<400xi32, #tpu.memory_space<hbm>>) target(%arg8 : memref<400xi32, #tpu.memory_space<vmem>>) target_semaphore(%arg20 : memref<!tpu.dma_semaphore, #tpu.memory_space<semaphore_mem>>)
        } else {
        }
        %eq3A_361 = arith.constant 2 : i32
        %eq3A_362 = arith.cmpi eq, %select_n3A_327, %eq3A_361 : i32
        %convert_element_type3A_363 = arith.extui %eq3A_362 : i1 to i32
        %cond3A_364 = arith.constant 0 : i32
        %cond3A_365 = arith.cmpi ne, %convert_element_type3A_363, %cond3A_364 : i32
        scf.if %cond3A_365 {
          %dma_start3A_366 = tpu.memref_slice %arg4[%mul3A_350] : memref<819200xi32, #tpu.memory_space<hbm>> -> memref<400xi32, #tpu.memory_space<hbm>>
          %dma_start3A_367 = tpu.memref_slice %arg4[%mul3A_350] : memref<819200xi32, #tpu.memory_space<hbm>> -> memref<400xi32, #tpu.memory_space<hbm>>
          tpu.enqueue_dma source(%dma_start3A_367 : memref<400xi32, #tpu.memory_space<hbm>>) target(%arg8 : memref<400xi32, #tpu.memory_space<vmem>>) target_semaphore(%arg20 : memref<!tpu.dma_semaphore, #tpu.memory_space<semaphore_mem>>)
        } else {
        }
      } else {
      }
      %add3A_145 = arith.constant 2 : i32
      %add3A_146 = arith.addi %add3A_134, %add3A_145 : i32
      %lt3A_147 = arith.constant 192 : i32
      %lt3A_148 = arith.cmpi slt, %add3A_146, %lt3A_147 : i32
      %convert_element_type3A_149 = arith.extui %lt3A_148 : i1 to i32
      %cond3A_150 = arith.constant 0 : i32
      %cond3A_151 = arith.cmpi ne, %convert_element_type3A_149, %cond3A_150 : i32
      scf.if %cond3A_151 {
        %dma_wait3A_302 = arith.constant 0 : i32
        %dma_wait3A_303 = tpu.memref_slice %arg2[%dma_wait3A_302] : memref<819200xi32, #tpu.memory_space<hbm>> -> memref<400xi32, #tpu.memory_space<hbm>>
        %dma_wait3A_304 = arith.constant 0 : i32
        %dma_wait3A_305 = tpu.memref_slice %arg2[%dma_wait3A_304] : memref<819200xi32, #tpu.memory_space<hbm>> -> memref<400xi32, #tpu.memory_space<hbm>>
        tpu.wait_dma2 semaphore(%arg19 : memref<!tpu.dma_semaphore, #tpu.memory_space<semaphore_mem>>) src(%dma_wait3A_305 : memref<400xi32, #tpu.memory_space<hbm>>) dst(%arg7 : memref<400xi32, #tpu.memory_space<vmem>>)
        %dma_start3A_306 = arith.constant 0 : i32
        %dma_start3A_307 = arith.constant 0 : i32
        %dma_start3A_308 = tpu.memref_slice %arg5[%dma_start3A_306, %dma_start3A_307] : memref<1000000x64xf32, #tpu.memory_space<hbm>> -> memref<1000000x64xf32, #tpu.memory_space<hbm>>
        tpu.enqueue_indirect_dma source(%dma_start3A_308 : memref<1000000x64xf32, #tpu.memory_space<hbm>>) target(%arg10 : memref<400x64xf32, #tpu.memory_space<vmem>>) offsets(%arg7 : memref<400xi32, #tpu.memory_space<vmem>>) semaphore(%arg16 : memref<!tpu.dma_semaphore, #tpu.memory_space<semaphore_mem>>)
      } else {
      }
      %ge3A_152 = arith.constant 3 : i32
      %ge3A_153 = arith.cmpi sge, %add3A_134, %ge3A_152 : i32
      %convert_element_type3A_154 = arith.extui %ge3A_153 : i1 to i32
      %cond3A_155 = arith.constant 0 : i32
      %cond3A_156 = arith.cmpi ne, %convert_element_type3A_154, %cond3A_155 : i32
      scf.if %cond3A_156 {
        %sub3A_302 = arith.constant 3 : i32
        %sub3A_303 = arith.subi %add3A_134, %sub3A_302 : i32
        %jit3A_304 = arith.constant 64 : i32
        %div3A_305 = arith.divsi %sub3A_303, %jit3A_304 : i32
        %sign3A_306 = arith.constant 0 : i32
        %sign3A_307 = arith.cmpi sgt, %sub3A_303, %sign3A_306 : i32
        %sign3A_308 = arith.extui %sign3A_307 : i1 to i32
        %sign3A_309 = arith.constant 0 : i32
        %sign3A_310 = arith.cmpi slt, %sub3A_303, %sign3A_309 : i32
        %sign3A_311 = arith.extui %sign3A_310 : i1 to i32
        %sign3A_312 = arith.subi %sign3A_308, %sign3A_311 : i32
        %sign3A_313 = arith.constant 0 : i32
        %sign3A_314 = arith.cmpi sgt, %jit3A_304, %sign3A_313 : i32
        %sign3A_315 = arith.extui %sign3A_314 : i1 to i32
        %sign3A_316 = arith.constant 0 : i32
        %sign3A_317 = arith.cmpi slt, %jit3A_304, %sign3A_316 : i32
        %sign3A_318 = arith.extui %sign3A_317 : i1 to i32
        %sign3A_319 = arith.subi %sign3A_315, %sign3A_318 : i32
        %ne3A_320 = arith.cmpi ne, %sign3A_312, %sign3A_319 : i32
        %rem3A_321 = arith.remsi %sub3A_303, %jit3A_304 : i32
        %ne3A_322 = arith.constant 0 : i32
        %ne3A_323 = arith.cmpi ne, %rem3A_321, %ne3A_322 : i32
        %and3A_324 = arith.andi %ne3A_320, %ne3A_323 : i1
        %sub3A_325 = arith.constant 1 : i32
        %sub3A_326 = arith.subi %div3A_305, %sub3A_325 : i32
        %select_n3A_327 = arith.select %and3A_324, %sub3A_326, %div3A_305 : i32
        %mul3A_328 = arith.constant 16384 : i32
        %mul3A_329 = arith.muli %select_n3A_327, %mul3A_328 : i32
        %mul3A_330 = arith.constant 512 : i32
        %mul3A_331 = arith.muli %add3A, %mul3A_330 : i32
        %add3A_332 = arith.addi %mul3A_329, %mul3A_331 : i32
        %jit3A_333 = arith.constant 64 : i32
        %eq3A_334 = arith.constant 0 : i32
        %eq3A_335 = arith.cmpi eq, %jit3A_333, %eq3A_334 : i32
        %jit3A_336 = arith.constant 1 : i32
        %select_n3A_337 = arith.select %eq3A_335, %jit3A_336, %jit3A_333 : i32
        %rem3A_338 = arith.remsi %sub3A_303, %select_n3A_337 : i32
        %ne3A_339 = arith.constant 0 : i32
        %ne3A_340 = arith.cmpi ne, %rem3A_338, %ne3A_339 : i32
        %lt3A_341 = arith.constant 0 : i32
        %lt3A_342 = arith.cmpi slt, %rem3A_338, %lt3A_341 : i32
        %lt3A_343 = arith.constant 0 : i32
        %lt3A_344 = arith.cmpi slt, %select_n3A_337, %lt3A_343 : i32
        %ne3A_345 = arith.xori %lt3A_342, %lt3A_344 : i1
        %and3A_346 = arith.andi %ne3A_345, %ne3A_340 : i1
        %add3A_347 = arith.addi %rem3A_338, %select_n3A_337 : i32
        %select_n3A_348 = arith.select %and3A_346, %add3A_347, %rem3A_338 : i32
        %mul3A_349 = arith.constant 8 : i32
        %mul3A_350 = arith.muli %select_n3A_348, %mul3A_349 : i32
        %add3A_351 = arith.addi %add3A_332, %mul3A_350 : i32
        %dma_wait3A_352 = arith.constant 0 : i32
        %dma_wait3A_353 = tpu.memref_slice %arg6[%add3A_351, %dma_wait3A_352] : memref<49152x64xf32, #tpu.memory_space<hbm>> -> memref<8x64xf32, #tpu.memory_space<hbm>>
        %dma_wait3A_354 = arith.constant 0 : i32
        %dma_wait3A_355 = tpu.memref_slice %arg6[%add3A_351, %dma_wait3A_354] : memref<49152x64xf32, #tpu.memory_space<hbm>> -> memref<8x64xf32, #tpu.memory_space<hbm>>
        tpu.wait_dma2 semaphore(%arg23 : memref<!tpu.dma_semaphore, #tpu.memory_space<semaphore_mem>>) src(%arg14 : memref<8x64xf32, #tpu.memory_space<vmem>>) dst(%dma_wait3A_355 : memref<8x64xf32, #tpu.memory_space<hbm>>)
      } else {
      }
      %scan3A_157 = arith.constant 0 : i32
      %scan3A_158 = arith.constant 0 : i32
      %scan3A_159 = arith.constant 8 : i32
      %scan3A_160 = arith.addi %scan3A_158, %scan3A_159 : i32
      %scan3A_161 = arith.constant 1 : i32
      %scan3A_162 = scf.for %scan3A_302 = %scan3A_158 to %scan3A_160 step %scan3A_161 iter_args(%scan3A_303 = %scan3A_157) -> (i32)  : i32 {
        %mul3A_304 = arith.constant 50 : i32
        %mul3A_305 = arith.muli %scan3A_302, %mul3A_304 : i32
        %get3A = arith.index_cast %mul3A_305 : i32 to index
        %get3A_306 = arith.constant 0 : index
        %get3A_307 = tpu.vector_load %arg11[%get3A, %get3A_306] {strides = array<i32>} : memref<400x64xf32, #tpu.memory_space<vmem>>, vector<1x16xf32>,
        %get3A_308 = vector.shape_cast %get3A_307 : vector<1x16xf32> to vector<16xf32>
        %get3A_309 = arith.index_cast %mul3A_305 : i32 to index
        %get3A_310 = arith.constant 16 : index
        %get3A_311 = tpu.vector_load %arg11[%get3A_309, %get3A_310] {strides = array<i32>} : memref<400x64xf32, #tpu.memory_space<vmem>>, vector<1x16xf32>,
        %get3A_312 = vector.shape_cast %get3A_311 : vector<1x16xf32> to vector<16xf32>
        %get3A_313 = arith.index_cast %mul3A_305 : i32 to index
        %get3A_314 = arith.constant 32 : index
        %get3A_315 = tpu.vector_load %arg11[%get3A_313, %get3A_314] {strides = array<i32>} : memref<400x64xf32, #tpu.memory_space<vmem>>, vector<1x16xf32>,
        %get3A_316 = vector.shape_cast %get3A_315 : vector<1x16xf32> to vector<16xf32>
        %get3A_317 = arith.index_cast %mul3A_305 : i32 to index
        %get3A_318 = arith.constant 48 : index
        %get3A_319 = tpu.vector_load %arg11[%get3A_317, %get3A_318] {strides = array<i32>} : memref<400x64xf32, #tpu.memory_space<vmem>>, vector<1x16xf32>,
        %get3A_320 = vector.shape_cast %get3A_319 : vector<1x16xf32> to vector<16xf32>
        %add3A_321 = arith.constant 1 : i32
        %add3A_322 = arith.addi %mul3A_305, %add3A_321 : i32
        %get3A_323 = arith.index_cast %add3A_322 : i32 to index
        %get3A_324 = arith.constant 0 : index
        %get3A_325 = tpu.vector_load %arg11[%get3A_323, %get3A_324] {strides = array<i32>} : memref<400x64xf32, #tpu.memory_space<vmem>>, vector<1x16xf32>,
        %get3A_326 = vector.shape_cast %get3A_325 : vector<1x16xf32> to vector<16xf32>
        %add3A_327 = arith.constant 1 : i32
        %add3A_328 = arith.addi %mul3A_305, %add3A_327 : i32
        %get3A_329 = arith.index_cast %add3A_328 : i32 to index
        %get3A_330 = arith.constant 16 : index
        %get3A_331 = tpu.vector_load %arg11[%get3A_329, %get3A_330] {strides = array<i32>} : memref<400x64xf32, #tpu.memory_space<vmem>>, vector<1x16xf32>,
        %get3A_332 = vector.shape_cast %get3A_331 : vector<1x16xf32> to vector<16xf32>
        %add3A_333 = arith.constant 1 : i32
        %add3A_334 = arith.addi %mul3A_305, %add3A_333 : i32
        %get3A_335 = arith.index_cast %add3A_334 : i32 to index
        %get3A_336 = arith.constant 32 : index
        %get3A_337 = tpu.vector_load %arg11[%get3A_335, %get3A_336] {strides = array<i32>} : memref<400x64xf32, #tpu.memory_space<vmem>>, vector<1x16xf32>,
        %get3A_338 = vector.shape_cast %get3A_337 : vector<1x16xf32> to vector<16xf32>
        %add3A_339 = arith.constant 1 : i32
        %add3A_340 = arith.addi %mul3A_305, %add3A_339 : i32
        %get3A_341 = arith.index_cast %add3A_340 : i32 to index
        %get3A_342 = arith.constant 48 : index
        %get3A_343 = tpu.vector_load %arg11[%get3A_341, %get3A_342] {strides = array<i32>} : memref<400x64xf32, #tpu.memory_space<vmem>>, vector<1x16xf32>,
        %get3A_344 = vector.shape_cast %get3A_343 : vector<1x16xf32> to vector<16xf32>
        %add3A_345 = arith.constant 2 : i32
        %add3A_346 = arith.addi %mul3A_305, %add3A_345 : i32
        %get3A_347 = arith.index_cast %add3A_346 : i32 to index
        %get3A_348 = arith.constant 0 : index
        %get3A_349 = tpu.vector_load %arg11[%get3A_347, %get3A_348] {strides = array<i32>} : memref<400x64xf32, #tpu.memory_space<vmem>>, vector<1x16xf32>,
        %get3A_350 = vector.shape_cast %get3A_349 : vector<1x16xf32> to vector<16xf32>
        %add3A_351 = arith.addf %get3A_308, %get3A_350 : vector<16xf32>
        %add3A_352 = arith.constant 2 : i32
        %add3A_353 = arith.addi %mul3A_305, %add3A_352 : i32
        %get3A_354 = arith.index_cast %add3A_353 : i32 to index
        %get3A_355 = arith.constant 16 : index
        %get3A_356 = tpu.vector_load %arg11[%get3A_354, %get3A_355] {strides = array<i32>} : memref<400x64xf32, #tpu.memory_space<vmem>>, vector<1x16xf32>,
        %get3A_357 = vector.shape_cast %get3A_356 : vector<1x16xf32> to vector<16xf32>
        %add3A_358 = arith.addf %get3A_312, %get3A_357 : vector<16xf32>
        %add3A_359 = arith.constant 2 : i32
        %add3A_360 = arith.addi %mul3A_305, %add3A_359 : i32
        %get3A_361 = arith.index_cast %add3A_360 : i32 to index
        %get3A_362 = arith.constant 32 : index
        %get3A_363 = tpu.vector_load %arg11[%get3A_361, %get3A_362] {strides = array<i32>} : memref<400x64xf32, #tpu.memory_space<vmem>>, vector<1x16xf32>,
        %get3A_364 = vector.shape_cast %get3A_363 : vector<1x16xf32> to vector<16xf32>
        %add3A_365 = arith.addf %get3A_316, %get3A_364 : vector<16xf32>
        %add3A_366 = arith.constant 2 : i32
        %add3A_367 = arith.addi %mul3A_305, %add3A_366 : i32
        %get3A_368 = arith.index_cast %add3A_367 : i32 to index
        %get3A_369 = arith.constant 48 : index
        %get3A_370 = tpu.vector_load %arg11[%get3A_368, %get3A_369] {strides = array<i32>} : memref<400x64xf32, #tpu.memory_space<vmem>>, vector<1x16xf32>,
        %get3A_371 = vector.shape_cast %get3A_370 : vector<1x16xf32> to vector<16xf32>
        %add3A_372 = arith.addf %get3A_320, %get3A_371 : vector<16xf32>
        %add3A_373 = arith.constant 4 : i32
        %add3A_374 = arith.addi %mul3A_305, %add3A_373 : i32
        %get3A_375 = arith.index_cast %add3A_374 : i32 to index
        %get3A_376 = arith.constant 0 : index
        %get3A_377 = tpu.vector_load %arg11[%get3A_375, %get3A_376] {strides = array<i32>} : memref<400x64xf32, #tpu.memory_space<vmem>>, vector<1x16xf32>,
        %get3A_378 = vector.shape_cast %get3A_377 : vector<1x16xf32> to vector<16xf32>
        %add3A_379 = arith.addf %add3A_351, %get3A_378 : vector<16xf32>
        %add3A_380 = arith.constant 4 : i32
        %add3A_381 = arith.addi %mul3A_305, %add3A_380 : i32
        %get3A_382 = arith.index_cast %add3A_381 : i32 to index
        %get3A_383 = arith.constant 16 : index
        %get3A_384 = tpu.vector_load %arg11[%get3A_382, %get3A_383] {strides = array<i32>} : memref<400x64xf32, #tpu.memory_space<vmem>>, vector<1x16xf32>,
        %get3A_385 = vector.shape_cast %get3A_384 : vector<1x16xf32> to vector<16xf32>
        %add3A_386 = arith.addf %add3A_358, %get3A_385 : vector<16xf32>
        %add3A_387 = arith.constant 4 : i32
        %add3A_388 = arith.addi %mul3A_305, %add3A_387 : i32
        %get3A_389 = arith.index_cast %add3A_388 : i32 to index
        %get3A_390 = arith.constant 32 : index
        %get3A_391 = tpu.vector_load %arg11[%get3A_389, %get3A_390] {strides = array<i32>} : memref<400x64xf32, #tpu.memory_space<vmem>>, vector<1x16xf32>,
        %get3A_392 = vector.shape_cast %get3A_391 : vector<1x16xf32> to vector<16xf32>
        %add3A_393 = arith.addf %add3A_365, %get3A_392 : vector<16xf32>
        %add3A_394 = arith.constant 4 : i32
        %add3A_395 = arith.addi %mul3A_305, %add3A_394 : i32
        %get3A_396 = arith.index_cast %add3A_395 : i32 to index
        %get3A_397 = arith.constant 48 : index
        %get3A_398 = tpu.vector_load %arg11[%get3A_396, %get3A_397] {strides = array<i32>} : memref<400x64xf32, #tpu.memory_space<vmem>>, vector<1x16xf32>,
        %get3A_399 = vector.shape_cast %get3A_398 : vector<1x16xf32> to vector<16xf32>
        %add3A_400 = arith.addf %add3A_372, %get3A_399 : vector<16xf32>
        %add3A_401 = arith.constant 6 : i32
        %add3A_402 = arith.addi %mul3A_305, %add3A_401 : i32
        %get3A_403 = arith.index_cast %add3A_402 : i32 to index
        %get3A_404 = arith.constant 0 : index
        %get3A_405 = tpu.vector_load %arg11[%get3A_403, %get3A_404] {strides = array<i32>} : memref<400x64xf32, #tpu.memory_space<vmem>>, vector<1x16xf32>,
        %get3A_406 = vector.shape_cast %get3A_405 : vector<1x16xf32> to vector<16xf32>
        %add3A_407 = arith.addf %add3A_379, %get3A_406 : vector<16xf32>
        %add3A_408 = arith.constant 6 : i32
        %add3A_409 = arith.addi %mul3A_305, %add3A_408 : i32
        %get3A_410 = arith.index_cast %add3A_409 : i32 to index
        %get3A_411 = arith.constant 16 : index
        %get3A_412 = tpu.vector_load %arg11[%get3A_410, %get3A_411] {strides = array<i32>} : memref<400x64xf32, #tpu.memory_space<vmem>>, vector<1x16xf32>,
        %get3A_413 = vector.shape_cast %get3A_412 : vector<1x16xf32> to vector<16xf32>
        %add3A_414 = arith.addf %add3A_386, %get3A_413 : vector<16xf32>
        %add3A_415 = arith.constant 6 : i32
        %add3A_416 = arith.addi %mul3A_305, %add3A_415 : i32
        %get3A_417 = arith.index_cast %add3A_416 : i32 to index
        %get3A_418 = arith.constant 32 : index
        %get3A_419 = tpu.vector_load %arg11[%get3A_417, %get3A_418] {strides = array<i32>} : memref<400x64xf32, #tpu.memory_space<vmem>>, vector<1x16xf32>,
        %get3A_420 = vector.shape_cast %get3A_419 : vector<1x16xf32> to vector<16xf32>
        %add3A_421 = arith.addf %add3A_393, %get3A_420 : vector<16xf32>
        %add3A_422 = arith.constant 6 : i32
        %add3A_423 = arith.addi %mul3A_305, %add3A_422 : i32
        %get3A_424 = arith.index_cast %add3A_423 : i32 to index
        %get3A_425 = arith.constant 48 : index
        %get3A_426 = tpu.vector_load %arg11[%get3A_424, %get3A_425] {strides = array<i32>} : memref<400x64xf32, #tpu.memory_space<vmem>>, vector<1x16xf32>,
        %get3A_427 = vector.shape_cast %get3A_426 : vector<1x16xf32> to vector<16xf32>
        %add3A_428 = arith.addf %add3A_400, %get3A_427 : vector<16xf32>
        %add3A_429 = arith.constant 8 : i32
        %add3A_430 = arith.addi %mul3A_305, %add3A_429 : i32
        %get3A_431 = arith.index_cast %add3A_430 : i32 to index
        %get3A_432 = arith.constant 0 : index
        %get3A_433 = tpu.vector_load %arg11[%get3A_431, %get3A_432] {strides = array<i32>} : memref<400x64xf32, #tpu.memory_space<vmem>>, vector<1x16xf32>,
        %get3A_434 = vector.shape_cast %get3A_433 : vector<1x16xf32> to vector<16xf32>
        %add3A_435 = arith.addf %add3A_407, %get3A_434 : vector<16xf32>
        %add3A_436 = arith.constant 8 : i32
        %add3A_437 = arith.addi %mul3A_305, %add3A_436 : i32
        %get3A_438 = arith.index_cast %add3A_437 : i32 to index
        %get3A_439 = arith.constant 16 : index
        %get3A_440 = tpu.vector_load %arg11[%get3A_438, %get3A_439] {strides = array<i32>} : memref<400x64xf32, #tpu.memory_space<vmem>>, vector<1x16xf32>,
        %get3A_441 = vector.shape_cast %get3A_440 : vector<1x16xf32> to vector<16xf32>
        %add3A_442 = arith.addf %add3A_414, %get3A_441 : vector<16xf32>
        %add3A_443 = arith.constant 8 : i32
        %add3A_444 = arith.addi %mul3A_305, %add3A_443 : i32
        %get3A_445 = arith.index_cast %add3A_444 : i32 to index
        %get3A_446 = arith.constant 32 : index
        %get3A_447 = tpu.vector_load %arg11[%get3A_445, %get3A_446] {strides = array<i32>} : memref<400x64xf32, #tpu.memory_space<vmem>>, vector<1x16xf32>,
        %get3A_448 = vector.shape_cast %get3A_447 : vector<1x16xf32> to vector<16xf32>
        %add3A_449 = arith.addf %add3A_421, %get3A_448 : vector<16xf32>
        %add3A_450 = arith.constant 8 : i32
        %add3A_451 = arith.addi %mul3A_305, %add3A_450 : i32
        %get3A_452 = arith.index_cast %add3A_451 : i32 to index
        %get3A_453 = arith.constant 48 : index
        %get3A_454 = tpu.vector_load %arg11[%get3A_452, %get3A_453] {strides = array<i32>} : memref<400x64xf32, #tpu.memory_space<vmem>>, vector<1x16xf32>,
        %get3A_455 = vector.shape_cast %get3A_454 : vector<1x16xf32> to vector<16xf32>
        %add3A_456 = arith.addf %add3A_428, %get3A_455 : vector<16xf32>
        %add3A_457 = arith.constant 10 : i32
        %add3A_458 = arith.addi %mul3A_305, %add3A_457 : i32
        %get3A_459 = arith.index_cast %add3A_458 : i32 to index
        %get3A_460 = arith.constant 0 : index
        %get3A_461 = tpu.vector_load %arg11[%get3A_459, %get3A_460] {strides = array<i32>} : memref<400x64xf32, #tpu.memory_space<vmem>>, vector<1x16xf32>,
        %get3A_462 = vector.shape_cast %get3A_461 : vector<1x16xf32> to vector<16xf32>
        %add3A_463 = arith.addf %add3A_435, %get3A_462 : vector<16xf32>
        %add3A_464 = arith.constant 10 : i32
        %add3A_465 = arith.addi %mul3A_305, %add3A_464 : i32
        %get3A_466 = arith.index_cast %add3A_465 : i32 to index
        %get3A_467 = arith.constant 16 : index
        %get3A_468 = tpu.vector_load %arg11[%get3A_466, %get3A_467] {strides = array<i32>} : memref<400x64xf32, #tpu.memory_space<vmem>>, vector<1x16xf32>,
        %get3A_469 = vector.shape_cast %get3A_468 : vector<1x16xf32> to vector<16xf32>
        %add3A_470 = arith.addf %add3A_442, %get3A_469 : vector<16xf32>
        %add3A_471 = arith.constant 10 : i32
        %add3A_472 = arith.addi %mul3A_305, %add3A_471 : i32
        %get3A_473 = arith.index_cast %add3A_472 : i32 to index
        %get3A_474 = arith.constant 32 : index
        %get3A_475 = tpu.vector_load %arg11[%get3A_473, %get3A_474] {strides = array<i32>} : memref<400x64xf32, #tpu.memory_space<vmem>>, vector<1x16xf32>,
        %get3A_476 = vector.shape_cast %get3A_475 : vector<1x16xf32> to vector<16xf32>
        %add3A_477 = arith.addf %add3A_449, %get3A_476 : vector<16xf32>
        %add3A_478 = arith.constant 10 : i32
        %add3A_479 = arith.addi %mul3A_305, %add3A_478 : i32
        %get3A_480 = arith.index_cast %add3A_479 : i32 to index
        %get3A_481 = arith.constant 48 : index
        %get3A_482 = tpu.vector_load %arg11[%get3A_480, %get3A_481] {strides = array<i32>} : memref<400x64xf32, #tpu.memory_space<vmem>>, vector<1x16xf32>,
        %get3A_483 = vector.shape_cast %get3A_482 : vector<1x16xf32> to vector<16xf32>
        %add3A_484 = arith.addf %add3A_456, %get3A_483 : vector<16xf32>
        %add3A_485 = arith.constant 12 : i32
        %add3A_486 = arith.addi %mul3A_305, %add3A_485 : i32
        %get3A_487 = arith.index_cast %add3A_486 : i32 to index
        %get3A_488 = arith.constant 0 : index
        %get3A_489 = tpu.vector_load %arg11[%get3A_487, %get3A_488] {strides = array<i32>} : memref<400x64xf32, #tpu.memory_space<vmem>>, vector<1x16xf32>,
        %get3A_490 = vector.shape_cast %get3A_489 : vector<1x16xf32> to vector<16xf32>
        %add3A_491 = arith.addf %add3A_463, %get3A_490 : vector<16xf32>
        %add3A_492 = arith.constant 12 : i32
        %add3A_493 = arith.addi %mul3A_305, %add3A_492 : i32
        %get3A_494 = arith.index_cast %add3A_493 : i32 to index
        %get3A_495 = arith.constant 16 : index
        %get3A_496 = tpu.vector_load %arg11[%get3A_494, %get3A_495] {strides = array<i32>} : memref<400x64xf32, #tpu.memory_space<vmem>>, vector<1x16xf32>,
        %get3A_497 = vector.shape_cast %get3A_496 : vector<1x16xf32> to vector<16xf32>
        %add3A_498 = arith.addf %add3A_470, %get3A_497 : vector<16xf32>
        %add3A_499 = arith.constant 12 : i32
        %add3A_500 = arith.addi %mul3A_305, %add3A_499 : i32
        %get3A_501 = arith.index_cast %add3A_500 : i32 to index
        %get3A_502 = arith.constant 32 : index
        %get3A_503 = tpu.vector_load %arg11[%get3A_501, %get3A_502] {strides = array<i32>} : memref<400x64xf32, #tpu.memory_space<vmem>>, vector<1x16xf32>,
        %get3A_504 = vector.shape_cast %get3A_503 : vector<1x16xf32> to vector<16xf32>
        %add3A_505 = arith.addf %add3A_477, %get3A_504 : vector<16xf32>
        %add3A_506 = arith.constant 12 : i32
        %add3A_507 = arith.addi %mul3A_305, %add3A_506 : i32
        %get3A_508 = arith.index_cast %add3A_507 : i32 to index
        %get3A_509 = arith.constant 48 : index
        %get3A_510 = tpu.vector_load %arg11[%get3A_508, %get3A_509] {strides = array<i32>} : memref<400x64xf32, #tpu.memory_space<vmem>>, vector<1x16xf32>,
        %get3A_511 = vector.shape_cast %get3A_510 : vector<1x16xf32> to vector<16xf32>
        %add3A_512 = arith.addf %add3A_484, %get3A_511 : vector<16xf32>
        %add3A_513 = arith.constant 14 : i32
        %add3A_514 = arith.addi %mul3A_305, %add3A_513 : i32
        %get3A_515 = arith.index_cast %add3A_514 : i32 to index
        %get3A_516 = arith.constant 0 : index
        %get3A_517 = tpu.vector_load %arg11[%get3A_515, %get3A_516] {strides = array<i32>} : memref<400x64xf32, #tpu.memory_space<vmem>>, vector<1x16xf32>,
        %get3A_518 = vector.shape_cast %get3A_517 : vector<1x16xf32> to vector<16xf32>
        %add3A_519 = arith.addf %add3A_491, %get3A_518 : vector<16xf32>
        %add3A_520 = arith.constant 14 : i32
        %add3A_521 = arith.addi %mul3A_305, %add3A_520 : i32
        %get3A_522 = arith.index_cast %add3A_521 : i32 to index
        %get3A_523 = arith.constant 16 : index
        %get3A_524 = tpu.vector_load %arg11[%get3A_522, %get3A_523] {strides = array<i32>} : memref<400x64xf32, #tpu.memory_space<vmem>>, vector<1x16xf32>,
        %get3A_525 = vector.shape_cast %get3A_524 : vector<1x16xf32> to vector<16xf32>
        %add3A_526 = arith.addf %add3A_498, %get3A_525 : vector<16xf32>
        %add3A_527 = arith.constant 14 : i32
        %add3A_528 = arith.addi %mul3A_305, %add3A_527 : i32
        %get3A_529 = arith.index_cast %add3A_528 : i32 to index
        %get3A_530 = arith.constant 32 : index
        %get3A_531 = tpu.vector_load %arg11[%get3A_529, %get3A_530] {strides = array<i32>} : memref<400x64xf32, #tpu.memory_space<vmem>>, vector<1x16xf32>,
        %get3A_532 = vector.shape_cast %get3A_531 : vector<1x16xf32> to vector<16xf32>
        %add3A_533 = arith.addf %add3A_505, %get3A_532 : vector<16xf32>
        %add3A_534 = arith.constant 14 : i32
        %add3A_535 = arith.addi %mul3A_305, %add3A_534 : i32
        %get3A_536 = arith.index_cast %add3A_535 : i32 to index
        %get3A_537 = arith.constant 48 : index
        %get3A_538 = tpu.vector_load %arg11[%get3A_536, %get3A_537] {strides = array<i32>} : memref<400x64xf32, #tpu.memory_space<vmem>>, vector<1x16xf32>,
        %get3A_539 = vector.shape_cast %get3A_538 : vector<1x16xf32> to vector<16xf32>
        %add3A_540 = arith.addf %add3A_512, %get3A_539 : vector<16xf32>
        %add3A_541 = arith.constant 16 : i32
        %add3A_542 = arith.addi %mul3A_305, %add3A_541 : i32
        %get3A_543 = arith.index_cast %add3A_542 : i32 to index
        %get3A_544 = arith.constant 0 : index
        %get3A_545 = tpu.vector_load %arg11[%get3A_543, %get3A_544] {strides = array<i32>} : memref<400x64xf32, #tpu.memory_space<vmem>>, vector<1x16xf32>,
        %get3A_546 = vector.shape_cast %get3A_545 : vector<1x16xf32> to vector<16xf32>
        %add3A_547 = arith.addf %add3A_519, %get3A_546 : vector<16xf32>
        %add3A_548 = arith.constant 16 : i32
        %add3A_549 = arith.addi %mul3A_305, %add3A_548 : i32
        %get3A_550 = arith.index_cast %add3A_549 : i32 to index
        %get3A_551 = arith.constant 16 : index
        %get3A_552 = tpu.vector_load %arg11[%get3A_550, %get3A_551] {strides = array<i32>} : memref<400x64xf32, #tpu.memory_space<vmem>>, vector<1x16xf32>,
        %get3A_553 = vector.shape_cast %get3A_552 : vector<1x16xf32> to vector<16xf32>
        %add3A_554 = arith.addf %add3A_526, %get3A_553 : vector<16xf32>
        %add3A_555 = arith.constant 16 : i32
        %add3A_556 = arith.addi %mul3A_305, %add3A_555 : i32
        %get3A_557 = arith.index_cast %add3A_556 : i32 to index
        %get3A_558 = arith.constant 32 : index
        %get3A_559 = tpu.vector_load %arg11[%get3A_557, %get3A_558] {strides = array<i32>} : memref<400x64xf32, #tpu.memory_space<vmem>>, vector<1x16xf32>,
        %get3A_560 = vector.shape_cast %get3A_559 : vector<1x16xf32> to vector<16xf32>
        %add3A_561 = arith.addf %add3A_533, %get3A_560 : vector<16xf32>
        %add3A_562 = arith.constant 16 : i32
        %add3A_563 = arith.addi %mul3A_305, %add3A_562 : i32
        %get3A_564 = arith.index_cast %add3A_563 : i32 to index
        %get3A_565 = arith.constant 48 : index
        %get3A_566 = tpu.vector_load %arg11[%get3A_564, %get3A_565] {strides = array<i32>} : memref<400x64xf32, #tpu.memory_space<vmem>>, vector<1x16xf32>,
        %get3A_567 = vector.shape_cast %get3A_566 : vector<1x16xf32> to vector<16xf32>
        %add3A_568 = arith.addf %add3A_540, %get3A_567 : vector<16xf32>
        %add3A_569 = arith.constant 18 : i32
        %add3A_570 = arith.addi %mul3A_305, %add3A_569 : i32
        %get3A_571 = arith.index_cast %add3A_570 : i32 to index
        %get3A_572 = arith.constant 0 : index
        %get3A_573 = tpu.vector_load %arg11[%get3A_571, %get3A_572] {strides = array<i32>} : memref<400x64xf32, #tpu.memory_space<vmem>>, vector<1x16xf32>,
        %get3A_574 = vector.shape_cast %get3A_573 : vector<1x16xf32> to vector<16xf32>
        %add3A_575 = arith.addf %add3A_547, %get3A_574 : vector<16xf32>
        %add3A_576 = arith.constant 18 : i32
        %add3A_577 = arith.addi %mul3A_305, %add3A_576 : i32
        %get3A_578 = arith.index_cast %add3A_577 : i32 to index
        %get3A_579 = arith.constant 16 : index
        %get3A_580 = tpu.vector_load %arg11[%get3A_578, %get3A_579] {strides = array<i32>} : memref<400x64xf32, #tpu.memory_space<vmem>>, vector<1x16xf32>,
        %get3A_581 = vector.shape_cast %get3A_580 : vector<1x16xf32> to vector<16xf32>
        %add3A_582 = arith.addf %add3A_554, %get3A_581 : vector<16xf32>
        %add3A_583 = arith.constant 18 : i32
        %add3A_584 = arith.addi %mul3A_305, %add3A_583 : i32
        %get3A_585 = arith.index_cast %add3A_584 : i32 to index
        %get3A_586 = arith.constant 32 : index
        %get3A_587 = tpu.vector_load %arg11[%get3A_585, %get3A_586] {strides = array<i32>} : memref<400x64xf32, #tpu.memory_space<vmem>>, vector<1x16xf32>,
        %get3A_588 = vector.shape_cast %get3A_587 : vector<1x16xf32> to vector<16xf32>
        %add3A_589 = arith.addf %add3A_561, %get3A_588 : vector<16xf32>
        %add3A_590 = arith.constant 18 : i32
        %add3A_591 = arith.addi %mul3A_305, %add3A_590 : i32
        %get3A_592 = arith.index_cast %add3A_591 : i32 to index
        %get3A_593 = arith.constant 48 : index
        %get3A_594 = tpu.vector_load %arg11[%get3A_592, %get3A_593] {strides = array<i32>} : memref<400x64xf32, #tpu.memory_space<vmem>>, vector<1x16xf32>,
        %get3A_595 = vector.shape_cast %get3A_594 : vector<1x16xf32> to vector<16xf32>
        %add3A_596 = arith.addf %add3A_568, %get3A_595 : vector<16xf32>
        %add3A_597 = arith.constant 20 : i32
        %add3A_598 = arith.addi %mul3A_305, %add3A_597 : i32
        %get3A_599 = arith.index_cast %add3A_598 : i32 to index
        %get3A_600 = arith.constant 0 : index
        %get3A_601 = tpu.vector_load %arg11[%get3A_599, %get3A_600] {strides = array<i32>} : memref<400x64xf32, #tpu.memory_space<vmem>>, vector<1x16xf32>,
        %get3A_602 = vector.shape_cast %get3A_601 : vector<1x16xf32> to vector<16xf32>
        %add3A_603 = arith.addf %add3A_575, %get3A_602 : vector<16xf32>
        %add3A_604 = arith.constant 20 : i32
        %add3A_605 = arith.addi %mul3A_305, %add3A_604 : i32
        %get3A_606 = arith.index_cast %add3A_605 : i32 to index
        %get3A_607 = arith.constant 16 : index
        %get3A_608 = tpu.vector_load %arg11[%get3A_606, %get3A_607] {strides = array<i32>} : memref<400x64xf32, #tpu.memory_space<vmem>>, vector<1x16xf32>,
        %get3A_609 = vector.shape_cast %get3A_608 : vector<1x16xf32> to vector<16xf32>
        %add3A_610 = arith.addf %add3A_582, %get3A_609 : vector<16xf32>
        %add3A_611 = arith.constant 20 : i32
        %add3A_612 = arith.addi %mul3A_305, %add3A_611 : i32
        %get3A_613 = arith.index_cast %add3A_612 : i32 to index
        %get3A_614 = arith.constant 32 : index
        %get3A_615 = tpu.vector_load %arg11[%get3A_613, %get3A_614] {strides = array<i32>} : memref<400x64xf32, #tpu.memory_space<vmem>>, vector<1x16xf32>,
        %get3A_616 = vector.shape_cast %get3A_615 : vector<1x16xf32> to vector<16xf32>
        %add3A_617 = arith.addf %add3A_589, %get3A_616 : vector<16xf32>
        %add3A_618 = arith.constant 20 : i32
        %add3A_619 = arith.addi %mul3A_305, %add3A_618 : i32
        %get3A_620 = arith.index_cast %add3A_619 : i32 to index
        %get3A_621 = arith.constant 48 : index
        %get3A_622 = tpu.vector_load %arg11[%get3A_620, %get3A_621] {strides = array<i32>} : memref<400x64xf32, #tpu.memory_space<vmem>>, vector<1x16xf32>,
        %get3A_623 = vector.shape_cast %get3A_622 : vector<1x16xf32> to vector<16xf32>
        %add3A_624 = arith.addf %add3A_596, %get3A_623 : vector<16xf32>
        %add3A_625 = arith.constant 22 : i32
        %add3A_626 = arith.addi %mul3A_305, %add3A_625 : i32
        %get3A_627 = arith.index_cast %add3A_626 : i32 to index
        %get3A_628 = arith.constant 0 : index
        %get3A_629 = tpu.vector_load %arg11[%get3A_627, %get3A_628] {strides = array<i32>} : memref<400x64xf32, #tpu.memory_space<vmem>>, vector<1x16xf32>,
        %get3A_630 = vector.shape_cast %get3A_629 : vector<1x16xf32> to vector<16xf32>
        %add3A_631 = arith.addf %add3A_603, %get3A_630 : vector<16xf32>
        %add3A_632 = arith.constant 22 : i32
        %add3A_633 = arith.addi %mul3A_305, %add3A_632 : i32
        %get3A_634 = arith.index_cast %add3A_633 : i32 to index
        %get3A_635 = arith.constant 16 : index
        %get3A_636 = tpu.vector_load %arg11[%get3A_634, %get3A_635] {strides = array<i32>} : memref<400x64xf32, #tpu.memory_space<vmem>>, vector<1x16xf32>,
        %get3A_637 = vector.shape_cast %get3A_636 : vector<1x16xf32> to vector<16xf32>
        %add3A_638 = arith.addf %add3A_610, %get3A_637 : vector<16xf32>
        %add3A_639 = arith.constant 22 : i32
        %add3A_640 = arith.addi %mul3A_305, %add3A_639 : i32
        %get3A_641 = arith.index_cast %add3A_640 : i32 to index
        %get3A_642 = arith.constant 32 : index
        %get3A_643 = tpu.vector_load %arg11[%get3A_641, %get3A_642] {strides = array<i32>} : memref<400x64xf32, #tpu.memory_space<vmem>>, vector<1x16xf32>,
        %get3A_644 = vector.shape_cast %get3A_643 : vector<1x16xf32> to vector<16xf32>
        %add3A_645 = arith.addf %add3A_617, %get3A_644 : vector<16xf32>
        %add3A_646 = arith.constant 22 : i32
        %add3A_647 = arith.addi %mul3A_305, %add3A_646 : i32
        %get3A_648 = arith.index_cast %add3A_647 : i32 to index
        %get3A_649 = arith.constant 48 : index
        %get3A_650 = tpu.vector_load %arg11[%get3A_648, %get3A_649] {strides = array<i32>} : memref<400x64xf32, #tpu.memory_space<vmem>>, vector<1x16xf32>,
        %get3A_651 = vector.shape_cast %get3A_650 : vector<1x16xf32> to vector<16xf32>
        %add3A_652 = arith.addf %add3A_624, %get3A_651 : vector<16xf32>
        %add3A_653 = arith.constant 24 : i32
        %add3A_654 = arith.addi %mul3A_305, %add3A_653 : i32
        %get3A_655 = arith.index_cast %add3A_654 : i32 to index
        %get3A_656 = arith.constant 0 : index
        %get3A_657 = tpu.vector_load %arg11[%get3A_655, %get3A_656] {strides = array<i32>} : memref<400x64xf32, #tpu.memory_space<vmem>>, vector<1x16xf32>,
        %get3A_658 = vector.shape_cast %get3A_657 : vector<1x16xf32> to vector<16xf32>
        %add3A_659 = arith.addf %add3A_631, %get3A_658 : vector<16xf32>
        %add3A_660 = arith.constant 24 : i32
        %add3A_661 = arith.addi %mul3A_305, %add3A_660 : i32
        %get3A_662 = arith.index_cast %add3A_661 : i32 to index
        %get3A_663 = arith.constant 16 : index
        %get3A_664 = tpu.vector_load %arg11[%get3A_662, %get3A_663] {strides = array<i32>} : memref<400x64xf32, #tpu.memory_space<vmem>>, vector<1x16xf32>,
        %get3A_665 = vector.shape_cast %get3A_664 : vector<1x16xf32> to vector<16xf32>
        %add3A_666 = arith.addf %add3A_638, %get3A_665 : vector<16xf32>
        %add3A_667 = arith.constant 24 : i32
        %add3A_668 = arith.addi %mul3A_305, %add3A_667 : i32
        %get3A_669 = arith.index_cast %add3A_668 : i32 to index
        %get3A_670 = arith.constant 32 : index
        %get3A_671 = tpu.vector_load %arg11[%get3A_669, %get3A_670] {strides = array<i32>} : memref<400x64xf32, #tpu.memory_space<vmem>>, vector<1x16xf32>,
        %get3A_672 = vector.shape_cast %get3A_671 : vector<1x16xf32> to vector<16xf32>
        %add3A_673 = arith.addf %add3A_645, %get3A_672 : vector<16xf32>
        %add3A_674 = arith.constant 24 : i32
        %add3A_675 = arith.addi %mul3A_305, %add3A_674 : i32
        %get3A_676 = arith.index_cast %add3A_675 : i32 to index
        %get3A_677 = arith.constant 48 : index
        %get3A_678 = tpu.vector_load %arg11[%get3A_676, %get3A_677] {strides = array<i32>} : memref<400x64xf32, #tpu.memory_space<vmem>>, vector<1x16xf32>,
        %get3A_679 = vector.shape_cast %get3A_678 : vector<1x16xf32> to vector<16xf32>
        %add3A_680 = arith.addf %add3A_652, %get3A_679 : vector<16xf32>
        %add3A_681 = arith.constant 26 : i32
        %add3A_682 = arith.addi %mul3A_305, %add3A_681 : i32
        %get3A_683 = arith.index_cast %add3A_682 : i32 to index
        %get3A_684 = arith.constant 0 : index
        %get3A_685 = tpu.vector_load %arg11[%get3A_683, %get3A_684] {strides = array<i32>} : memref<400x64xf32, #tpu.memory_space<vmem>>, vector<1x16xf32>,
        %get3A_686 = vector.shape_cast %get3A_685 : vector<1x16xf32> to vector<16xf32>
        %add3A_687 = arith.addf %add3A_659, %get3A_686 : vector<16xf32>
        %add3A_688 = arith.constant 26 : i32
        %add3A_689 = arith.addi %mul3A_305, %add3A_688 : i32
        %get3A_690 = arith.index_cast %add3A_689 : i32 to index
        %get3A_691 = arith.constant 16 : index
        %get3A_692 = tpu.vector_load %arg11[%get3A_690, %get3A_691] {strides = array<i32>} : memref<400x64xf32, #tpu.memory_space<vmem>>, vector<1x16xf32>,
        %get3A_693 = vector.shape_cast %get3A_692 : vector<1x16xf32> to vector<16xf32>
        %add3A_694 = arith.addf %add3A_666, %get3A_693 : vector<16xf32>
        %add3A_695 = arith.constant 26 : i32
        %add3A_696 = arith.addi %mul3A_305, %add3A_695 : i32
        %get3A_697 = arith.index_cast %add3A_696 : i32 to index
        %get3A_698 = arith.constant 32 : index
        %get3A_699 = tpu.vector_load %arg11[%get3A_697, %get3A_698] {strides = array<i32>} : memref<400x64xf32, #tpu.memory_space<vmem>>, vector<1x16xf32>,
        %get3A_700 = vector.shape_cast %get3A_699 : vector<1x16xf32> to vector<16xf32>
        %add3A_701 = arith.addf %add3A_673, %get3A_700 : vector<16xf32>
        %add3A_702 = arith.constant 26 : i32
        %add3A_703 = arith.addi %mul3A_305, %add3A_702 : i32
        %get3A_704 = arith.index_cast %add3A_703 : i32 to index
        %get3A_705 = arith.constant 48 : index
        %get3A_706 = tpu.vector_load %arg11[%get3A_704, %get3A_705] {strides = array<i32>} : memref<400x64xf32, #tpu.memory_space<vmem>>, vector<1x16xf32>,
        %get3A_707 = vector.shape_cast %get3A_706 : vector<1x16xf32> to vector<16xf32>
        %add3A_708 = arith.addf %add3A_680, %get3A_707 : vector<16xf32>
        %add3A_709 = arith.constant 28 : i32
        %add3A_710 = arith.addi %mul3A_305, %add3A_709 : i32
        %get3A_711 = arith.index_cast %add3A_710 : i32 to index
        %get3A_712 = arith.constant 0 : index
        %get3A_713 = tpu.vector_load %arg11[%get3A_711, %get3A_712] {strides = array<i32>} : memref<400x64xf32, #tpu.memory_space<vmem>>, vector<1x16xf32>,
        %get3A_714 = vector.shape_cast %get3A_713 : vector<1x16xf32> to vector<16xf32>
        %add3A_715 = arith.addf %add3A_687, %get3A_714 : vector<16xf32>
        %add3A_716 = arith.constant 28 : i32
        %add3A_717 = arith.addi %mul3A_305, %add3A_716 : i32
        %get3A_718 = arith.index_cast %add3A_717 : i32 to index
        %get3A_719 = arith.constant 16 : index
        %get3A_720 = tpu.vector_load %arg11[%get3A_718, %get3A_719] {strides = array<i32>} : memref<400x64xf32, #tpu.memory_space<vmem>>, vector<1x16xf32>,
        %get3A_721 = vector.shape_cast %get3A_720 : vector<1x16xf32> to vector<16xf32>
        %add3A_722 = arith.addf %add3A_694, %get3A_721 : vector<16xf32>
        %add3A_723 = arith.constant 28 : i32
        %add3A_724 = arith.addi %mul3A_305, %add3A_723 : i32
        %get3A_725 = arith.index_cast %add3A_724 : i32 to index
        %get3A_726 = arith.constant 32 : index
        %get3A_727 = tpu.vector_load %arg11[%get3A_725, %get3A_726] {strides = array<i32>} : memref<400x64xf32, #tpu.memory_space<vmem>>, vector<1x16xf32>,
        %get3A_728 = vector.shape_cast %get3A_727 : vector<1x16xf32> to vector<16xf32>
        %add3A_729 = arith.addf %add3A_701, %get3A_728 : vector<16xf32>
        %add3A_730 = arith.constant 28 : i32
        %add3A_731 = arith.addi %mul3A_305, %add3A_730 : i32
        %get3A_732 = arith.index_cast %add3A_731 : i32 to index
        %get3A_733 = arith.constant 48 : index
        %get3A_734 = tpu.vector_load %arg11[%get3A_732, %get3A_733] {strides = array<i32>} : memref<400x64xf32, #tpu.memory_space<vmem>>, vector<1x16xf32>,
        %get3A_735 = vector.shape_cast %get3A_734 : vector<1x16xf32> to vector<16xf32>
        %add3A_736 = arith.addf %add3A_708, %get3A_735 : vector<16xf32>
        %add3A_737 = arith.constant 30 : i32
        %add3A_738 = arith.addi %mul3A_305, %add3A_737 : i32
        %get3A_739 = arith.index_cast %add3A_738 : i32 to index
        %get3A_740 = arith.constant 0 : index
        %get3A_741 = tpu.vector_load %arg11[%get3A_739, %get3A_740] {strides = array<i32>} : memref<400x64xf32, #tpu.memory_space<vmem>>, vector<1x16xf32>,
        %get3A_742 = vector.shape_cast %get3A_741 : vector<1x16xf32> to vector<16xf32>
        %add3A_743 = arith.addf %add3A_715, %get3A_742 : vector<16xf32>
        %add3A_744 = arith.constant 30 : i32
        %add3A_745 = arith.addi %mul3A_305, %add3A_744 : i32
        %get3A_746 = arith.index_cast %add3A_745 : i32 to index
        %get3A_747 = arith.constant 16 : index
        %get3A_748 = tpu.vector_load %arg11[%get3A_746, %get3A_747] {strides = array<i32>} : memref<400x64xf32, #tpu.memory_space<vmem>>, vector<1x16xf32>,
        %get3A_749 = vector.shape_cast %get3A_748 : vector<1x16xf32> to vector<16xf32>
        %add3A_750 = arith.addf %add3A_722, %get3A_749 : vector<16xf32>
        %add3A_751 = arith.constant 30 : i32
        %add3A_752 = arith.addi %mul3A_305, %add3A_751 : i32
        %get3A_753 = arith.index_cast %add3A_752 : i32 to index
        %get3A_754 = arith.constant 32 : index
        %get3A_755 = tpu.vector_load %arg11[%get3A_753, %get3A_754] {strides = array<i32>} : memref<400x64xf32, #tpu.memory_space<vmem>>, vector<1x16xf32>,
        %get3A_756 = vector.shape_cast %get3A_755 : vector<1x16xf32> to vector<16xf32>
        %add3A_757 = arith.addf %add3A_729, %get3A_756 : vector<16xf32>
        %add3A_758 = arith.constant 30 : i32
        %add3A_759 = arith.addi %mul3A_305, %add3A_758 : i32
        %get3A_760 = arith.index_cast %add3A_759 : i32 to index
        %get3A_761 = arith.constant 48 : index
        %get3A_762 = tpu.vector_load %arg11[%get3A_760, %get3A_761] {strides = array<i32>} : memref<400x64xf32, #tpu.memory_space<vmem>>, vector<1x16xf32>,
        %get3A_763 = vector.shape_cast %get3A_762 : vector<1x16xf32> to vector<16xf32>
        %add3A_764 = arith.addf %add3A_736, %get3A_763 : vector<16xf32>
        %add3A_765 = arith.constant 32 : i32
        %add3A_766 = arith.addi %mul3A_305, %add3A_765 : i32
        %get3A_767 = arith.index_cast %add3A_766 : i32 to index
        %get3A_768 = arith.constant 0 : index
        %get3A_769 = tpu.vector_load %arg11[%get3A_767, %get3A_768] {strides = array<i32>} : memref<400x64xf32, #tpu.memory_space<vmem>>, vector<1x16xf32>,
        %get3A_770 = vector.shape_cast %get3A_769 : vector<1x16xf32> to vector<16xf32>
        %add3A_771 = arith.addf %add3A_743, %get3A_770 : vector<16xf32>
        %add3A_772 = arith.constant 32 : i32
        %add3A_773 = arith.addi %mul3A_305, %add3A_772 : i32
        %get3A_774 = arith.index_cast %add3A_773 : i32 to index
        %get3A_775 = arith.constant 16 : index
        %get3A_776 = tpu.vector_load %arg11[%get3A_774, %get3A_775] {strides = array<i32>} : memref<400x64xf32, #tpu.memory_space<vmem>>, vector<1x16xf32>,
        %get3A_777 = vector.shape_cast %get3A_776 : vector<1x16xf32> to vector<16xf32>
        %add3A_778 = arith.addf %add3A_750, %get3A_777 : vector<16xf32>
        %add3A_779 = arith.constant 32 : i32
        %add3A_780 = arith.addi %mul3A_305, %add3A_779 : i32
        %get3A_781 = arith.index_cast %add3A_780 : i32 to index
        %get3A_782 = arith.constant 32 : index
        %get3A_783 = tpu.vector_load %arg11[%get3A_781, %get3A_782] {strides = array<i32>} : memref<400x64xf32, #tpu.memory_space<vmem>>, vector<1x16xf32>,
        %get3A_784 = vector.shape_cast %get3A_783 : vector<1x16xf32> to vector<16xf32>
        %add3A_785 = arith.addf %add3A_757, %get3A_784 : vector<16xf32>
        %add3A_786 = arith.constant 32 : i32
        %add3A_787 = arith.addi %mul3A_305, %add3A_786 : i32
        %get3A_788 = arith.index_cast %add3A_787 : i32 to index
        %get3A_789 = arith.constant 48 : index
        %get3A_790 = tpu.vector_load %arg11[%get3A_788, %get3A_789] {strides = array<i32>} : memref<400x64xf32, #tpu.memory_space<vmem>>, vector<1x16xf32>,
        %get3A_791 = vector.shape_cast %get3A_790 : vector<1x16xf32> to vector<16xf32>
        %add3A_792 = arith.addf %add3A_764, %get3A_791 : vector<16xf32>
        %add3A_793 = arith.constant 34 : i32
        %add3A_794 = arith.addi %mul3A_305, %add3A_793 : i32
        %get3A_795 = arith.index_cast %add3A_794 : i32 to index
        %get3A_796 = arith.constant 0 : index
        %get3A_797 = tpu.vector_load %arg11[%get3A_795, %get3A_796] {strides = array<i32>} : memref<400x64xf32, #tpu.memory_space<vmem>>, vector<1x16xf32>,
        %get3A_798 = vector.shape_cast %get3A_797 : vector<1x16xf32> to vector<16xf32>
        %add3A_799 = arith.addf %add3A_771, %get3A_798 : vector<16xf32>
        %add3A_800 = arith.constant 34 : i32
        %add3A_801 = arith.addi %mul3A_305, %add3A_800 : i32
        %get3A_802 = arith.index_cast %add3A_801 : i32 to index
        %get3A_803 = arith.constant 16 : index
        %get3A_804 = tpu.vector_load %arg11[%get3A_802, %get3A_803] {strides = array<i32>} : memref<400x64xf32, #tpu.memory_space<vmem>>, vector<1x16xf32>,
        %get3A_805 = vector.shape_cast %get3A_804 : vector<1x16xf32> to vector<16xf32>
        %add3A_806 = arith.addf %add3A_778, %get3A_805 : vector<16xf32>
        %add3A_807 = arith.constant 34 : i32
        %add3A_808 = arith.addi %mul3A_305, %add3A_807 : i32
        %get3A_809 = arith.index_cast %add3A_808 : i32 to index
        %get3A_810 = arith.constant 32 : index
        %get3A_811 = tpu.vector_load %arg11[%get3A_809, %get3A_810] {strides = array<i32>} : memref<400x64xf32, #tpu.memory_space<vmem>>, vector<1x16xf32>,
        %get3A_812 = vector.shape_cast %get3A_811 : vector<1x16xf32> to vector<16xf32>
        %add3A_813 = arith.addf %add3A_785, %get3A_812 : vector<16xf32>
        %add3A_814 = arith.constant 34 : i32
        %add3A_815 = arith.addi %mul3A_305, %add3A_814 : i32
        %get3A_816 = arith.index_cast %add3A_815 : i32 to index
        %get3A_817 = arith.constant 48 : index
        %get3A_818 = tpu.vector_load %arg11[%get3A_816, %get3A_817] {strides = array<i32>} : memref<400x64xf32, #tpu.memory_space<vmem>>, vector<1x16xf32>,
        %get3A_819 = vector.shape_cast %get3A_818 : vector<1x16xf32> to vector<16xf32>
        %add3A_820 = arith.addf %add3A_792, %get3A_819 : vector<16xf32>
        %add3A_821 = arith.constant 36 : i32
        %add3A_822 = arith.addi %mul3A_305, %add3A_821 : i32
        %get3A_823 = arith.index_cast %add3A_822 : i32 to index
        %get3A_824 = arith.constant 0 : index
        %get3A_825 = tpu.vector_load %arg11[%get3A_823, %get3A_824] {strides = array<i32>} : memref<400x64xf32, #tpu.memory_space<vmem>>, vector<1x16xf32>,
        %get3A_826 = vector.shape_cast %get3A_825 : vector<1x16xf32> to vector<16xf32>
        %add3A_827 = arith.addf %add3A_799, %get3A_826 : vector<16xf32>
        %add3A_828 = arith.constant 36 : i32
        %add3A_829 = arith.addi %mul3A_305, %add3A_828 : i32
        %get3A_830 = arith.index_cast %add3A_829 : i32 to index
        %get3A_831 = arith.constant 16 : index
        %get3A_832 = tpu.vector_load %arg11[%get3A_830, %get3A_831] {strides = array<i32>} : memref<400x64xf32, #tpu.memory_space<vmem>>, vector<1x16xf32>,
        %get3A_833 = vector.shape_cast %get3A_832 : vector<1x16xf32> to vector<16xf32>
        %add3A_834 = arith.addf %add3A_806, %get3A_833 : vector<16xf32>
        %add3A_835 = arith.constant 36 : i32
        %add3A_836 = arith.addi %mul3A_305, %add3A_835 : i32
        %get3A_837 = arith.index_cast %add3A_836 : i32 to index
        %get3A_838 = arith.constant 32 : index
        %get3A_839 = tpu.vector_load %arg11[%get3A_837, %get3A_838] {strides = array<i32>} : memref<400x64xf32, #tpu.memory_space<vmem>>, vector<1x16xf32>,
        %get3A_840 = vector.shape_cast %get3A_839 : vector<1x16xf32> to vector<16xf32>
        %add3A_841 = arith.addf %add3A_813, %get3A_840 : vector<16xf32>
        %add3A_842 = arith.constant 36 : i32
        %add3A_843 = arith.addi %mul3A_305, %add3A_842 : i32
        %get3A_844 = arith.index_cast %add3A_843 : i32 to index
        %get3A_845 = arith.constant 48 : index
        %get3A_846 = tpu.vector_load %arg11[%get3A_844, %get3A_845] {strides = array<i32>} : memref<400x64xf32, #tpu.memory_space<vmem>>, vector<1x16xf32>,
        %get3A_847 = vector.shape_cast %get3A_846 : vector<1x16xf32> to vector<16xf32>
        %add3A_848 = arith.addf %add3A_820, %get3A_847 : vector<16xf32>
        %add3A_849 = arith.constant 38 : i32
        %add3A_850 = arith.addi %mul3A_305, %add3A_849 : i32
        %get3A_851 = arith.index_cast %add3A_850 : i32 to index
        %get3A_852 = arith.constant 0 : index
        %get3A_853 = tpu.vector_load %arg11[%get3A_851, %get3A_852] {strides = array<i32>} : memref<400x64xf32, #tpu.memory_space<vmem>>, vector<1x16xf32>,
        %get3A_854 = vector.shape_cast %get3A_853 : vector<1x16xf32> to vector<16xf32>
        %add3A_855 = arith.addf %add3A_827, %get3A_854 : vector<16xf32>
        %add3A_856 = arith.constant 38 : i32
        %add3A_857 = arith.addi %mul3A_305, %add3A_856 : i32
        %get3A_858 = arith.index_cast %add3A_857 : i32 to index
        %get3A_859 = arith.constant 16 : index
        %get3A_860 = tpu.vector_load %arg11[%get3A_858, %get3A_859] {strides = array<i32>} : memref<400x64xf32, #tpu.memory_space<vmem>>, vector<1x16xf32>,
        %get3A_861 = vector.shape_cast %get3A_860 : vector<1x16xf32> to vector<16xf32>
        %add3A_862 = arith.addf %add3A_834, %get3A_861 : vector<16xf32>
        %add3A_863 = arith.constant 38 : i32
        %add3A_864 = arith.addi %mul3A_305, %add3A_863 : i32
        %get3A_865 = arith.index_cast %add3A_864 : i32 to index
        %get3A_866 = arith.constant 32 : index
        %get3A_867 = tpu.vector_load %arg11[%get3A_865, %get3A_866] {strides = array<i32>} : memref<400x64xf32, #tpu.memory_space<vmem>>, vector<1x16xf32>,
        %get3A_868 = vector.shape_cast %get3A_867 : vector<1x16xf32> to vector<16xf32>
        %add3A_869 = arith.addf %add3A_841, %get3A_868 : vector<16xf32>
        %add3A_870 = arith.constant 38 : i32
        %add3A_871 = arith.addi %mul3A_305, %add3A_870 : i32
        %get3A_872 = arith.index_cast %add3A_871 : i32 to index
        %get3A_873 = arith.constant 48 : index
        %get3A_874 = tpu.vector_load %arg11[%get3A_872, %get3A_873] {strides = array<i32>} : memref<400x64xf32, #tpu.memory_space<vmem>>, vector<1x16xf32>,
        %get3A_875 = vector.shape_cast %get3A_874 : vector<1x16xf32> to vector<16xf32>
        %add3A_876 = arith.addf %add3A_848, %get3A_875 : vector<16xf32>
        %add3A_877 = arith.constant 40 : i32
        %add3A_878 = arith.addi %mul3A_305, %add3A_877 : i32
        %get3A_879 = arith.index_cast %add3A_878 : i32 to index
        %get3A_880 = arith.constant 0 : index
        %get3A_881 = tpu.vector_load %arg11[%get3A_879, %get3A_880] {strides = array<i32>} : memref<400x64xf32, #tpu.memory_space<vmem>>, vector<1x16xf32>,
        %get3A_882 = vector.shape_cast %get3A_881 : vector<1x16xf32> to vector<16xf32>
        %add3A_883 = arith.addf %add3A_855, %get3A_882 : vector<16xf32>
        %add3A_884 = arith.constant 40 : i32
        %add3A_885 = arith.addi %mul3A_305, %add3A_884 : i32
        %get3A_886 = arith.index_cast %add3A_885 : i32 to index
        %get3A_887 = arith.constant 16 : index
        %get3A_888 = tpu.vector_load %arg11[%get3A_886, %get3A_887] {strides = array<i32>} : memref<400x64xf32, #tpu.memory_space<vmem>>, vector<1x16xf32>,
        %get3A_889 = vector.shape_cast %get3A_888 : vector<1x16xf32> to vector<16xf32>
        %add3A_890 = arith.addf %add3A_862, %get3A_889 : vector<16xf32>
        %add3A_891 = arith.constant 40 : i32
        %add3A_892 = arith.addi %mul3A_305, %add3A_891 : i32
        %get3A_893 = arith.index_cast %add3A_892 : i32 to index
        %get3A_894 = arith.constant 32 : index
        %get3A_895 = tpu.vector_load %arg11[%get3A_893, %get3A_894] {strides = array<i32>} : memref<400x64xf32, #tpu.memory_space<vmem>>, vector<1x16xf32>,
        %get3A_896 = vector.shape_cast %get3A_895 : vector<1x16xf32> to vector<16xf32>
        %add3A_897 = arith.addf %add3A_869, %get3A_896 : vector<16xf32>
        %add3A_898 = arith.constant 40 : i32
        %add3A_899 = arith.addi %mul3A_305, %add3A_898 : i32
        %get3A_900 = arith.index_cast %add3A_899 : i32 to index
        %get3A_901 = arith.constant 48 : index
        %get3A_902 = tpu.vector_load %arg11[%get3A_900, %get3A_901] {strides = array<i32>} : memref<400x64xf32, #tpu.memory_space<vmem>>, vector<1x16xf32>,
        %get3A_903 = vector.shape_cast %get3A_902 : vector<1x16xf32> to vector<16xf32>
        %add3A_904 = arith.addf %add3A_876, %get3A_903 : vector<16xf32>
        %add3A_905 = arith.constant 42 : i32
        %add3A_906 = arith.addi %mul3A_305, %add3A_905 : i32
        %get3A_907 = arith.index_cast %add3A_906 : i32 to index
        %get3A_908 = arith.constant 0 : index
        %get3A_909 = tpu.vector_load %arg11[%get3A_907, %get3A_908] {strides = array<i32>} : memref<400x64xf32, #tpu.memory_space<vmem>>, vector<1x16xf32>,
        %get3A_910 = vector.shape_cast %get3A_909 : vector<1x16xf32> to vector<16xf32>
        %add3A_911 = arith.addf %add3A_883, %get3A_910 : vector<16xf32>
        %add3A_912 = arith.constant 42 : i32
        %add3A_913 = arith.addi %mul3A_305, %add3A_912 : i32
        %get3A_914 = arith.index_cast %add3A_913 : i32 to index
        %get3A_915 = arith.constant 16 : index
        %get3A_916 = tpu.vector_load %arg11[%get3A_914, %get3A_915] {strides = array<i32>} : memref<400x64xf32, #tpu.memory_space<vmem>>, vector<1x16xf32>,
        %get3A_917 = vector.shape_cast %get3A_916 : vector<1x16xf32> to vector<16xf32>
        %add3A_918 = arith.addf %add3A_890, %get3A_917 : vector<16xf32>
        %add3A_919 = arith.constant 42 : i32
        %add3A_920 = arith.addi %mul3A_305, %add3A_919 : i32
        %get3A_921 = arith.index_cast %add3A_920 : i32 to index
        %get3A_922 = arith.constant 32 : index
        %get3A_923 = tpu.vector_load %arg11[%get3A_921, %get3A_922] {strides = array<i32>} : memref<400x64xf32, #tpu.memory_space<vmem>>, vector<1x16xf32>,
        %get3A_924 = vector.shape_cast %get3A_923 : vector<1x16xf32> to vector<16xf32>
        %add3A_925 = arith.addf %add3A_897, %get3A_924 : vector<16xf32>
        %add3A_926 = arith.constant 42 : i32
        %add3A_927 = arith.addi %mul3A_305, %add3A_926 : i32
        %get3A_928 = arith.index_cast %add3A_927 : i32 to index
        %get3A_929 = arith.constant 48 : index
        %get3A_930 = tpu.vector_load %arg11[%get3A_928, %get3A_929] {strides = array<i32>} : memref<400x64xf32, #tpu.memory_space<vmem>>, vector<1x16xf32>,
        %get3A_931 = vector.shape_cast %get3A_930 : vector<1x16xf32> to vector<16xf32>
        %add3A_932 = arith.addf %add3A_904, %get3A_931 : vector<16xf32>
        %add3A_933 = arith.constant 44 : i32
        %add3A_934 = arith.addi %mul3A_305, %add3A_933 : i32
        %get3A_935 = arith.index_cast %add3A_934 : i32 to index
        %get3A_936 = arith.constant 0 : index
        %get3A_937 = tpu.vector_load %arg11[%get3A_935, %get3A_936] {strides = array<i32>} : memref<400x64xf32, #tpu.memory_space<vmem>>, vector<1x16xf32>,
        %get3A_938 = vector.shape_cast %get3A_937 : vector<1x16xf32> to vector<16xf32>
        %add3A_939 = arith.addf %add3A_911, %get3A_938 : vector<16xf32>
        %add3A_940 = arith.constant 44 : i32
        %add3A_941 = arith.addi %mul3A_305, %add3A_940 : i32
        %get3A_942 = arith.index_cast %add3A_941 : i32 to index
        %get3A_943 = arith.constant 16 : index
        %get3A_944 = tpu.vector_load %arg11[%get3A_942, %get3A_943] {strides = array<i32>} : memref<400x64xf32, #tpu.memory_space<vmem>>, vector<1x16xf32>,
        %get3A_945 = vector.shape_cast %get3A_944 : vector<1x16xf32> to vector<16xf32>
        %add3A_946 = arith.addf %add3A_918, %get3A_945 : vector<16xf32>
        %add3A_947 = arith.constant 44 : i32
        %add3A_948 = arith.addi %mul3A_305, %add3A_947 : i32
        %get3A_949 = arith.index_cast %add3A_948 : i32 to index
        %get3A_950 = arith.constant 32 : index
        %get3A_951 = tpu.vector_load %arg11[%get3A_949, %get3A_950] {strides = array<i32>} : memref<400x64xf32, #tpu.memory_space<vmem>>, vector<1x16xf32>,
        %get3A_952 = vector.shape_cast %get3A_951 : vector<1x16xf32> to vector<16xf32>
        %add3A_953 = arith.addf %add3A_925, %get3A_952 : vector<16xf32>
        %add3A_954 = arith.constant 44 : i32
        %add3A_955 = arith.addi %mul3A_305, %add3A_954 : i32
        %get3A_956 = arith.index_cast %add3A_955 : i32 to index
        %get3A_957 = arith.constant 48 : index
        %get3A_958 = tpu.vector_load %arg11[%get3A_956, %get3A_957] {strides = array<i32>} : memref<400x64xf32, #tpu.memory_space<vmem>>, vector<1x16xf32>,
        %get3A_959 = vector.shape_cast %get3A_958 : vector<1x16xf32> to vector<16xf32>
        %add3A_960 = arith.addf %add3A_932, %get3A_959 : vector<16xf32>
        %add3A_961 = arith.constant 46 : i32
        %add3A_962 = arith.addi %mul3A_305, %add3A_961 : i32
        %get3A_963 = arith.index_cast %add3A_962 : i32 to index
        %get3A_964 = arith.constant 0 : index
        %get3A_965 = tpu.vector_load %arg11[%get3A_963, %get3A_964] {strides = array<i32>} : memref<400x64xf32, #tpu.memory_space<vmem>>, vector<1x16xf32>,
        %get3A_966 = vector.shape_cast %get3A_965 : vector<1x16xf32> to vector<16xf32>
        %add3A_967 = arith.addf %add3A_939, %get3A_966 : vector<16xf32>
        %add3A_968 = arith.constant 46 : i32
        %add3A_969 = arith.addi %mul3A_305, %add3A_968 : i32
        %get3A_970 = arith.index_cast %add3A_969 : i32 to index
        %get3A_971 = arith.constant 16 : index
        %get3A_972 = tpu.vector_load %arg11[%get3A_970, %get3A_971] {strides = array<i32>} : memref<400x64xf32, #tpu.memory_space<vmem>>, vector<1x16xf32>,
        %get3A_973 = vector.shape_cast %get3A_972 : vector<1x16xf32> to vector<16xf32>
        %add3A_974 = arith.addf %add3A_946, %get3A_973 : vector<16xf32>
        %add3A_975 = arith.constant 46 : i32
        %add3A_976 = arith.addi %mul3A_305, %add3A_975 : i32
        %get3A_977 = arith.index_cast %add3A_976 : i32 to index
        %get3A_978 = arith.constant 32 : index
        %get3A_979 = tpu.vector_load %arg11[%get3A_977, %get3A_978] {strides = array<i32>} : memref<400x64xf32, #tpu.memory_space<vmem>>, vector<1x16xf32>,
        %get3A_980 = vector.shape_cast %get3A_979 : vector<1x16xf32> to vector<16xf32>
        %add3A_981 = arith.addf %add3A_953, %get3A_980 : vector<16xf32>
        %add3A_982 = arith.constant 46 : i32
        %add3A_983 = arith.addi %mul3A_305, %add3A_982 : i32
        %get3A_984 = arith.index_cast %add3A_983 : i32 to index
        %get3A_985 = arith.constant 48 : index
        %get3A_986 = tpu.vector_load %arg11[%get3A_984, %get3A_985] {strides = array<i32>} : memref<400x64xf32, #tpu.memory_space<vmem>>, vector<1x16xf32>,
        %get3A_987 = vector.shape_cast %get3A_986 : vector<1x16xf32> to vector<16xf32>
        %add3A_988 = arith.addf %add3A_960, %get3A_987 : vector<16xf32>
        %add3A_989 = arith.constant 48 : i32
        %add3A_990 = arith.addi %mul3A_305, %add3A_989 : i32
        %get3A_991 = arith.index_cast %add3A_990 : i32 to index
        %get3A_992 = arith.constant 0 : index
        %get3A_993 = tpu.vector_load %arg11[%get3A_991, %get3A_992] {strides = array<i32>} : memref<400x64xf32, #tpu.memory_space<vmem>>, vector<1x16xf32>,
        %get3A_994 = vector.shape_cast %get3A_993 : vector<1x16xf32> to vector<16xf32>
        %add3A_995 = arith.addf %add3A_967, %get3A_994 : vector<16xf32>
        %add3A_996 = arith.constant 48 : i32
        %add3A_997 = arith.addi %mul3A_305, %add3A_996 : i32
        %get3A_998 = arith.index_cast %add3A_997 : i32 to index
        %get3A_999 = arith.constant 16 : index
        %get3A_1000 = tpu.vector_load %arg11[%get3A_998, %get3A_999] {strides = array<i32>} : memref<400x64xf32, #tpu.memory_space<vmem>>, vector<1x16xf32>,
        %get3A_1001 = vector.shape_cast %get3A_1000 : vector<1x16xf32> to vector<16xf32>
        %add3A_1002 = arith.addf %add3A_974, %get3A_1001 : vector<16xf32>
        %add3A_1003 = arith.constant 48 : i32
        %add3A_1004 = arith.addi %mul3A_305, %add3A_1003 : i32
        %get3A_1005 = arith.index_cast %add3A_1004 : i32 to index
        %get3A_1006 = arith.constant 32 : index
        %get3A_1007 = tpu.vector_load %arg11[%get3A_1005, %get3A_1006] {strides = array<i32>} : memref<400x64xf32, #tpu.memory_space<vmem>>, vector<1x16xf32>,
        %get3A_1008 = vector.shape_cast %get3A_1007 : vector<1x16xf32> to vector<16xf32>
        %add3A_1009 = arith.addf %add3A_981, %get3A_1008 : vector<16xf32>
        %add3A_1010 = arith.constant 48 : i32
        %add3A_1011 = arith.addi %mul3A_305, %add3A_1010 : i32
        %get3A_1012 = arith.index_cast %add3A_1011 : i32 to index
        %get3A_1013 = arith.constant 48 : index
        %get3A_1014 = tpu.vector_load %arg11[%get3A_1012, %get3A_1013] {strides = array<i32>} : memref<400x64xf32, #tpu.memory_space<vmem>>, vector<1x16xf32>,
        %get3A_1015 = vector.shape_cast %get3A_1014 : vector<1x16xf32> to vector<16xf32>
        %add3A_1016 = arith.addf %add3A_988, %get3A_1015 : vector<16xf32>
        %add3A_1017 = arith.constant 3 : i32
        %add3A_1018 = arith.addi %mul3A_305, %add3A_1017 : i32
        %get3A_1019 = arith.index_cast %add3A_1018 : i32 to index
        %get3A_1020 = arith.constant 0 : index
        %get3A_1021 = tpu.vector_load %arg11[%get3A_1019, %get3A_1020] {strides = array<i32>} : memref<400x64xf32, #tpu.memory_space<vmem>>, vector<1x16xf32>,
        %get3A_1022 = vector.shape_cast %get3A_1021 : vector<1x16xf32> to vector<16xf32>
        %add3A_1023 = arith.addf %get3A_326, %get3A_1022 : vector<16xf32>
        %add3A_1024 = arith.constant 3 : i32
        %add3A_1025 = arith.addi %mul3A_305, %add3A_1024 : i32
        %get3A_1026 = arith.index_cast %add3A_1025 : i32 to index
        %get3A_1027 = arith.constant 16 : index
        %get3A_1028 = tpu.vector_load %arg11[%get3A_1026, %get3A_1027] {strides = array<i32>} : memref<400x64xf32, #tpu.memory_space<vmem>>, vector<1x16xf32>,
        %get3A_1029 = vector.shape_cast %get3A_1028 : vector<1x16xf32> to vector<16xf32>
        %add3A_1030 = arith.addf %get3A_332, %get3A_1029 : vector<16xf32>
        %add3A_1031 = arith.constant 3 : i32
        %add3A_1032 = arith.addi %mul3A_305, %add3A_1031 : i32
        %get3A_1033 = arith.index_cast %add3A_1032 : i32 to index
        %get3A_1034 = arith.constant 32 : index
        %get3A_1035 = tpu.vector_load %arg11[%get3A_1033, %get3A_1034] {strides = array<i32>} : memref<400x64xf32, #tpu.memory_space<vmem>>, vector<1x16xf32>,
        %get3A_1036 = vector.shape_cast %get3A_1035 : vector<1x16xf32> to vector<16xf32>
        %add3A_1037 = arith.addf %get3A_338, %get3A_1036 : vector<16xf32>
        %add3A_1038 = arith.constant 3 : i32
        %add3A_1039 = arith.addi %mul3A_305, %add3A_1038 : i32
        %get3A_1040 = arith.index_cast %add3A_1039 : i32 to index
        %get3A_1041 = arith.constant 48 : index
        %get3A_1042 = tpu.vector_load %arg11[%get3A_1040, %get3A_1041] {strides = array<i32>} : memref<400x64xf32, #tpu.memory_space<vmem>>, vector<1x16xf32>,
        %get3A_1043 = vector.shape_cast %get3A_1042 : vector<1x16xf32> to vector<16xf32>
        %add3A_1044 = arith.addf %get3A_344, %get3A_1043 : vector<16xf32>
        %add3A_1045 = arith.constant 5 : i32
        %add3A_1046 = arith.addi %mul3A_305, %add3A_1045 : i32
        %get3A_1047 = arith.index_cast %add3A_1046 : i32 to index
        %get3A_1048 = arith.constant 0 : index
        %get3A_1049 = tpu.vector_load %arg11[%get3A_1047, %get3A_1048] {strides = array<i32>} : memref<400x64xf32, #tpu.memory_space<vmem>>, vector<1x16xf32>,
        %get3A_1050 = vector.shape_cast %get3A_1049 : vector<1x16xf32> to vector<16xf32>
        %add3A_1051 = arith.addf %add3A_1023, %get3A_1050 : vector<16xf32>
        %add3A_1052 = arith.constant 5 : i32
        %add3A_1053 = arith.addi %mul3A_305, %add3A_1052 : i32
        %get3A_1054 = arith.index_cast %add3A_1053 : i32 to index
        %get3A_1055 = arith.constant 16 : index
        %get3A_1056 = tpu.vector_load %arg11[%get3A_1054, %get3A_1055] {strides = array<i32>} : memref<400x64xf32, #tpu.memory_space<vmem>>, vector<1x16xf32>,
        %get3A_1057 = vector.shape_cast %get3A_1056 : vector<1x16xf32> to vector<16xf32>
        %add3A_1058 = arith.addf %add3A_1030, %get3A_1057 : vector<16xf32>
        %add3A_1059 = arith.constant 5 : i32
        %add3A_1060 = arith.addi %mul3A_305, %add3A_1059 : i32
        %get3A_1061 = arith.index_cast %add3A_1060 : i32 to index
        %get3A_1062 = arith.constant 32 : index
        %get3A_1063 = tpu.vector_load %arg11[%get3A_1061, %get3A_1062] {strides = array<i32>} : memref<400x64xf32, #tpu.memory_space<vmem>>, vector<1x16xf32>,
        %get3A_1064 = vector.shape_cast %get3A_1063 : vector<1x16xf32> to vector<16xf32>
        %add3A_1065 = arith.addf %add3A_1037, %get3A_1064 : vector<16xf32>
        %add3A_1066 = arith.constant 5 : i32
        %add3A_1067 = arith.addi %mul3A_305, %add3A_1066 : i32
        %get3A_1068 = arith.index_cast %add3A_1067 : i32 to index
        %get3A_1069 = arith.constant 48 : index
        %get3A_1070 = tpu.vector_load %arg11[%get3A_1068, %get3A_1069] {strides = array<i32>} : memref<400x64xf32, #tpu.memory_space<vmem>>, vector<1x16xf32>,
        %get3A_1071 = vector.shape_cast %get3A_1070 : vector<1x16xf32> to vector<16xf32>
        %add3A_1072 = arith.addf %add3A_1044, %get3A_1071 : vector<16xf32>
        %add3A_1073 = arith.constant 7 : i32
        %add3A_1074 = arith.addi %mul3A_305, %add3A_1073 : i32
        %get3A_1075 = arith.index_cast %add3A_1074 : i32 to index
        %get3A_1076 = arith.constant 0 : index
        %get3A_1077 = tpu.vector_load %arg11[%get3A_1075, %get3A_1076] {strides = array<i32>} : memref<400x64xf32, #tpu.memory_space<vmem>>, vector<1x16xf32>,
        %get3A_1078 = vector.shape_cast %get3A_1077 : vector<1x16xf32> to vector<16xf32>
        %add3A_1079 = arith.addf %add3A_1051, %get3A_1078 : vector<16xf32>
        %add3A_1080 = arith.constant 7 : i32
        %add3A_1081 = arith.addi %mul3A_305, %add3A_1080 : i32
        %get3A_1082 = arith.index_cast %add3A_1081 : i32 to index
        %get3A_1083 = arith.constant 16 : index
        %get3A_1084 = tpu.vector_load %arg11[%get3A_1082, %get3A_1083] {strides = array<i32>} : memref<400x64xf32, #tpu.memory_space<vmem>>, vector<1x16xf32>,
        %get3A_1085 = vector.shape_cast %get3A_1084 : vector<1x16xf32> to vector<16xf32>
        %add3A_1086 = arith.addf %add3A_1058, %get3A_1085 : vector<16xf32>
        %add3A_1087 = arith.constant 7 : i32
        %add3A_1088 = arith.addi %mul3A_305, %add3A_1087 : i32
        %get3A_1089 = arith.index_cast %add3A_1088 : i32 to index
        %get3A_1090 = arith.constant 32 : index
        %get3A_1091 = tpu.vector_load %arg11[%get3A_1089, %get3A_1090] {strides = array<i32>} : memref<400x64xf32, #tpu.memory_space<vmem>>, vector<1x16xf32>,
        %get3A_1092 = vector.shape_cast %get3A_1091 : vector<1x16xf32> to vector<16xf32>
        %add3A_1093 = arith.addf %add3A_1065, %get3A_1092 : vector<16xf32>
        %add3A_1094 = arith.constant 7 : i32
        %add3A_1095 = arith.addi %mul3A_305, %add3A_1094 : i32
        %get3A_1096 = arith.index_cast %add3A_1095 : i32 to index
        %get3A_1097 = arith.constant 48 : index
        %get3A_1098 = tpu.vector_load %arg11[%get3A_1096, %get3A_1097] {strides = array<i32>} : memref<400x64xf32, #tpu.memory_space<vmem>>, vector<1x16xf32>,
        %get3A_1099 = vector.shape_cast %get3A_1098 : vector<1x16xf32> to vector<16xf32>
        %add3A_1100 = arith.addf %add3A_1072, %get3A_1099 : vector<16xf32>
        %add3A_1101 = arith.constant 9 : i32
        %add3A_1102 = arith.addi %mul3A_305, %add3A_1101 : i32
        %get3A_1103 = arith.index_cast %add3A_1102 : i32 to index
        %get3A_1104 = arith.constant 0 : index
        %get3A_1105 = tpu.vector_load %arg11[%get3A_1103, %get3A_1104] {strides = array<i32>} : memref<400x64xf32, #tpu.memory_space<vmem>>, vector<1x16xf32>,
        %get3A_1106 = vector.shape_cast %get3A_1105 : vector<1x16xf32> to vector<16xf32>
        %add3A_1107 = arith.addf %add3A_1079, %get3A_1106 : vector<16xf32>
        %add3A_1108 = arith.constant 9 : i32
        %add3A_1109 = arith.addi %mul3A_305, %add3A_1108 : i32
        %get3A_1110 = arith.index_cast %add3A_1109 : i32 to index
        %get3A_1111 = arith.constant 16 : index
        %get3A_1112 = tpu.vector_load %arg11[%get3A_1110, %get3A_1111] {strides = array<i32>} : memref<400x64xf32, #tpu.memory_space<vmem>>, vector<1x16xf32>,
        %get3A_1113 = vector.shape_cast %get3A_1112 : vector<1x16xf32> to vector<16xf32>
        %add3A_1114 = arith.addf %add3A_1086, %get3A_1113 : vector<16xf32>
        %add3A_1115 = arith.constant 9 : i32
        %add3A_1116 = arith.addi %mul3A_305, %add3A_1115 : i32
        %get3A_1117 = arith.index_cast %add3A_1116 : i32 to index
        %get3A_1118 = arith.constant 32 : index
        %get3A_1119 = tpu.vector_load %arg11[%get3A_1117, %get3A_1118] {strides = array<i32>} : memref<400x64xf32, #tpu.memory_space<vmem>>, vector<1x16xf32>,
        %get3A_1120 = vector.shape_cast %get3A_1119 : vector<1x16xf32> to vector<16xf32>
        %add3A_1121 = arith.addf %add3A_1093, %get3A_1120 : vector<16xf32>
        %add3A_1122 = arith.constant 9 : i32
        %add3A_1123 = arith.addi %mul3A_305, %add3A_1122 : i32
        %get3A_1124 = arith.index_cast %add3A_1123 : i32 to index
        %get3A_1125 = arith.constant 48 : index
        %get3A_1126 = tpu.vector_load %arg11[%get3A_1124, %get3A_1125] {strides = array<i32>} : memref<400x64xf32, #tpu.memory_space<vmem>>, vector<1x16xf32>,
        %get3A_1127 = vector.shape_cast %get3A_1126 : vector<1x16xf32> to vector<16xf32>
        %add3A_1128 = arith.addf %add3A_1100, %get3A_1127 : vector<16xf32>
        %add3A_1129 = arith.constant 11 : i32
        %add3A_1130 = arith.addi %mul3A_305, %add3A_1129 : i32
        %get3A_1131 = arith.index_cast %add3A_1130 : i32 to index
        %get3A_1132 = arith.constant 0 : index
        %get3A_1133 = tpu.vector_load %arg11[%get3A_1131, %get3A_1132] {strides = array<i32>} : memref<400x64xf32, #tpu.memory_space<vmem>>, vector<1x16xf32>,
        %get3A_1134 = vector.shape_cast %get3A_1133 : vector<1x16xf32> to vector<16xf32>
        %add3A_1135 = arith.addf %add3A_1107, %get3A_1134 : vector<16xf32>
        %add3A_1136 = arith.constant 11 : i32
        %add3A_1137 = arith.addi %mul3A_305, %add3A_1136 : i32
        %get3A_1138 = arith.index_cast %add3A_1137 : i32 to index
        %get3A_1139 = arith.constant 16 : index
        %get3A_1140 = tpu.vector_load %arg11[%get3A_1138, %get3A_1139] {strides = array<i32>} : memref<400x64xf32, #tpu.memory_space<vmem>>, vector<1x16xf32>,
        %get3A_1141 = vector.shape_cast %get3A_1140 : vector<1x16xf32> to vector<16xf32>
        %add3A_1142 = arith.addf %add3A_1114, %get3A_1141 : vector<16xf32>
        %add3A_1143 = arith.constant 11 : i32
        %add3A_1144 = arith.addi %mul3A_305, %add3A_1143 : i32
        %get3A_1145 = arith.index_cast %add3A_1144 : i32 to index
        %get3A_1146 = arith.constant 32 : index
        %get3A_1147 = tpu.vector_load %arg11[%get3A_1145, %get3A_1146] {strides = array<i32>} : memref<400x64xf32, #tpu.memory_space<vmem>>, vector<1x16xf32>,
        %get3A_1148 = vector.shape_cast %get3A_1147 : vector<1x16xf32> to vector<16xf32>
        %add3A_1149 = arith.addf %add3A_1121, %get3A_1148 : vector<16xf32>
        %add3A_1150 = arith.constant 11 : i32
        %add3A_1151 = arith.addi %mul3A_305, %add3A_1150 : i32
        %get3A_1152 = arith.index_cast %add3A_1151 : i32 to index
        %get3A_1153 = arith.constant 48 : index
        %get3A_1154 = tpu.vector_load %arg11[%get3A_1152, %get3A_1153] {strides = array<i32>} : memref<400x64xf32, #tpu.memory_space<vmem>>, vector<1x16xf32>,
        %get3A_1155 = vector.shape_cast %get3A_1154 : vector<1x16xf32> to vector<16xf32>
        %add3A_1156 = arith.addf %add3A_1128, %get3A_1155 : vector<16xf32>
        %add3A_1157 = arith.constant 13 : i32
        %add3A_1158 = arith.addi %mul3A_305, %add3A_1157 : i32
        %get3A_1159 = arith.index_cast %add3A_1158 : i32 to index
        %get3A_1160 = arith.constant 0 : index
        %get3A_1161 = tpu.vector_load %arg11[%get3A_1159, %get3A_1160] {strides = array<i32>} : memref<400x64xf32, #tpu.memory_space<vmem>>, vector<1x16xf32>,
        %get3A_1162 = vector.shape_cast %get3A_1161 : vector<1x16xf32> to vector<16xf32>
        %add3A_1163 = arith.addf %add3A_1135, %get3A_1162 : vector<16xf32>
        %add3A_1164 = arith.constant 13 : i32
        %add3A_1165 = arith.addi %mul3A_305, %add3A_1164 : i32
        %get3A_1166 = arith.index_cast %add3A_1165 : i32 to index
        %get3A_1167 = arith.constant 16 : index
        %get3A_1168 = tpu.vector_load %arg11[%get3A_1166, %get3A_1167] {strides = array<i32>} : memref<400x64xf32, #tpu.memory_space<vmem>>, vector<1x16xf32>,
        %get3A_1169 = vector.shape_cast %get3A_1168 : vector<1x16xf32> to vector<16xf32>
        %add3A_1170 = arith.addf %add3A_1142, %get3A_1169 : vector<16xf32>
        %add3A_1171 = arith.constant 13 : i32
        %add3A_1172 = arith.addi %mul3A_305, %add3A_1171 : i32
        %get3A_1173 = arith.index_cast %add3A_1172 : i32 to index
        %get3A_1174 = arith.constant 32 : index
        %get3A_1175 = tpu.vector_load %arg11[%get3A_1173, %get3A_1174] {strides = array<i32>} : memref<400x64xf32, #tpu.memory_space<vmem>>, vector<1x16xf32>,
        %get3A_1176 = vector.shape_cast %get3A_1175 : vector<1x16xf32> to vector<16xf32>
        %add3A_1177 = arith.addf %add3A_1149, %get3A_1176 : vector<16xf32>
        %add3A_1178 = arith.constant 13 : i32
        %add3A_1179 = arith.addi %mul3A_305, %add3A_1178 : i32
        %get3A_1180 = arith.index_cast %add3A_1179 : i32 to index
        %get3A_1181 = arith.constant 48 : index
        %get3A_1182 = tpu.vector_load %arg11[%get3A_1180, %get3A_1181] {strides = array<i32>} : memref<400x64xf32, #tpu.memory_space<vmem>>, vector<1x16xf32>,
        %get3A_1183 = vector.shape_cast %get3A_1182 : vector<1x16xf32> to vector<16xf32>
        %add3A_1184 = arith.addf %add3A_1156, %get3A_1183 : vector<16xf32>
        %add3A_1185 = arith.constant 15 : i32
        %add3A_1186 = arith.addi %mul3A_305, %add3A_1185 : i32
        %get3A_1187 = arith.index_cast %add3A_1186 : i32 to index
        %get3A_1188 = arith.constant 0 : index
        %get3A_1189 = tpu.vector_load %arg11[%get3A_1187, %get3A_1188] {strides = array<i32>} : memref<400x64xf32, #tpu.memory_space<vmem>>, vector<1x16xf32>,
        %get3A_1190 = vector.shape_cast %get3A_1189 : vector<1x16xf32> to vector<16xf32>
        %add3A_1191 = arith.addf %add3A_1163, %get3A_1190 : vector<16xf32>
        %add3A_1192 = arith.constant 15 : i32
        %add3A_1193 = arith.addi %mul3A_305, %add3A_1192 : i32
        %get3A_1194 = arith.index_cast %add3A_1193 : i32 to index
        %get3A_1195 = arith.constant 16 : index
        %get3A_1196 = tpu.vector_load %arg11[%get3A_1194, %get3A_1195] {strides = array<i32>} : memref<400x64xf32, #tpu.memory_space<vmem>>, vector<1x16xf32>,
        %get3A_1197 = vector.shape_cast %get3A_1196 : vector<1x16xf32> to vector<16xf32>
        %add3A_1198 = arith.addf %add3A_1170, %get3A_1197 : vector<16xf32>
        %add3A_1199 = arith.constant 15 : i32
        %add3A_1200 = arith.addi %mul3A_305, %add3A_1199 : i32
        %get3A_1201 = arith.index_cast %add3A_1200 : i32 to index
        %get3A_1202 = arith.constant 32 : index
        %get3A_1203 = tpu.vector_load %arg11[%get3A_1201, %get3A_1202] {strides = array<i32>} : memref<400x64xf32, #tpu.memory_space<vmem>>, vector<1x16xf32>,
        %get3A_1204 = vector.shape_cast %get3A_1203 : vector<1x16xf32> to vector<16xf32>
        %add3A_1205 = arith.addf %add3A_1177, %get3A_1204 : vector<16xf32>
        %add3A_1206 = arith.constant 15 : i32
        %add3A_1207 = arith.addi %mul3A_305, %add3A_1206 : i32
        %get3A_1208 = arith.index_cast %add3A_1207 : i32 to index
        %get3A_1209 = arith.constant 48 : index
        %get3A_1210 = tpu.vector_load %arg11[%get3A_1208, %get3A_1209] {strides = array<i32>} : memref<400x64xf32, #tpu.memory_space<vmem>>, vector<1x16xf32>,
        %get3A_1211 = vector.shape_cast %get3A_1210 : vector<1x16xf32> to vector<16xf32>
        %add3A_1212 = arith.addf %add3A_1184, %get3A_1211 : vector<16xf32>
        %add3A_1213 = arith.constant 17 : i32
        %add3A_1214 = arith.addi %mul3A_305, %add3A_1213 : i32
        %get3A_1215 = arith.index_cast %add3A_1214 : i32 to index
        %get3A_1216 = arith.constant 0 : index
        %get3A_1217 = tpu.vector_load %arg11[%get3A_1215, %get3A_1216] {strides = array<i32>} : memref<400x64xf32, #tpu.memory_space<vmem>>, vector<1x16xf32>,
        %get3A_1218 = vector.shape_cast %get3A_1217 : vector<1x16xf32> to vector<16xf32>
        %add3A_1219 = arith.addf %add3A_1191, %get3A_1218 : vector<16xf32>
        %add3A_1220 = arith.constant 17 : i32
        %add3A_1221 = arith.addi %mul3A_305, %add3A_1220 : i32
        %get3A_1222 = arith.index_cast %add3A_1221 : i32 to index
        %get3A_1223 = arith.constant 16 : index
        %get3A_1224 = tpu.vector_load %arg11[%get3A_1222, %get3A_1223] {strides = array<i32>} : memref<400x64xf32, #tpu.memory_space<vmem>>, vector<1x16xf32>,
        %get3A_1225 = vector.shape_cast %get3A_1224 : vector<1x16xf32> to vector<16xf32>
        %add3A_1226 = arith.addf %add3A_1198, %get3A_1225 : vector<16xf32>
        %add3A_1227 = arith.constant 17 : i32
        %add3A_1228 = arith.addi %mul3A_305, %add3A_1227 : i32
        %get3A_1229 = arith.index_cast %add3A_1228 : i32 to index
        %get3A_1230 = arith.constant 32 : index
        %get3A_1231 = tpu.vector_load %arg11[%get3A_1229, %get3A_1230] {strides = array<i32>} : memref<400x64xf32, #tpu.memory_space<vmem>>, vector<1x16xf32>,
        %get3A_1232 = vector.shape_cast %get3A_1231 : vector<1x16xf32> to vector<16xf32>
        %add3A_1233 = arith.addf %add3A_1205, %get3A_1232 : vector<16xf32>
        %add3A_1234 = arith.constant 17 : i32
        %add3A_1235 = arith.addi %mul3A_305, %add3A_1234 : i32
        %get3A_1236 = arith.index_cast %add3A_1235 : i32 to index
        %get3A_1237 = arith.constant 48 : index
        %get3A_1238 = tpu.vector_load %arg11[%get3A_1236, %get3A_1237] {strides = array<i32>} : memref<400x64xf32, #tpu.memory_space<vmem>>, vector<1x16xf32>,
        %get3A_1239 = vector.shape_cast %get3A_1238 : vector<1x16xf32> to vector<16xf32>
        %add3A_1240 = arith.addf %add3A_1212, %get3A_1239 : vector<16xf32>
        %add3A_1241 = arith.constant 19 : i32
        %add3A_1242 = arith.addi %mul3A_305, %add3A_1241 : i32
        %get3A_1243 = arith.index_cast %add3A_1242 : i32 to index
        %get3A_1244 = arith.constant 0 : index
        %get3A_1245 = tpu.vector_load %arg11[%get3A_1243, %get3A_1244] {strides = array<i32>} : memref<400x64xf32, #tpu.memory_space<vmem>>, vector<1x16xf32>,
        %get3A_1246 = vector.shape_cast %get3A_1245 : vector<1x16xf32> to vector<16xf32>
        %add3A_1247 = arith.addf %add3A_1219, %get3A_1246 : vector<16xf32>
        %add3A_1248 = arith.constant 19 : i32
        %add3A_1249 = arith.addi %mul3A_305, %add3A_1248 : i32
        %get3A_1250 = arith.index_cast %add3A_1249 : i32 to index
        %get3A_1251 = arith.constant 16 : index
        %get3A_1252 = tpu.vector_load %arg11[%get3A_1250, %get3A_1251] {strides = array<i32>} : memref<400x64xf32, #tpu.memory_space<vmem>>, vector<1x16xf32>,
        %get3A_1253 = vector.shape_cast %get3A_1252 : vector<1x16xf32> to vector<16xf32>
        %add3A_1254 = arith.addf %add3A_1226, %get3A_1253 : vector<16xf32>
        %add3A_1255 = arith.constant 19 : i32
        %add3A_1256 = arith.addi %mul3A_305, %add3A_1255 : i32
        %get3A_1257 = arith.index_cast %add3A_1256 : i32 to index
        %get3A_1258 = arith.constant 32 : index
        %get3A_1259 = tpu.vector_load %arg11[%get3A_1257, %get3A_1258] {strides = array<i32>} : memref<400x64xf32, #tpu.memory_space<vmem>>, vector<1x16xf32>,
        %get3A_1260 = vector.shape_cast %get3A_1259 : vector<1x16xf32> to vector<16xf32>
        %add3A_1261 = arith.addf %add3A_1233, %get3A_1260 : vector<16xf32>
        %add3A_1262 = arith.constant 19 : i32
        %add3A_1263 = arith.addi %mul3A_305, %add3A_1262 : i32
        %get3A_1264 = arith.index_cast %add3A_1263 : i32 to index
        %get3A_1265 = arith.constant 48 : index
        %get3A_1266 = tpu.vector_load %arg11[%get3A_1264, %get3A_1265] {strides = array<i32>} : memref<400x64xf32, #tpu.memory_space<vmem>>, vector<1x16xf32>,
        %get3A_1267 = vector.shape_cast %get3A_1266 : vector<1x16xf32> to vector<16xf32>
        %add3A_1268 = arith.addf %add3A_1240, %get3A_1267 : vector<16xf32>
        %add3A_1269 = arith.constant 21 : i32
        %add3A_1270 = arith.addi %mul3A_305, %add3A_1269 : i32
        %get3A_1271 = arith.index_cast %add3A_1270 : i32 to index
        %get3A_1272 = arith.constant 0 : index
        %get3A_1273 = tpu.vector_load %arg11[%get3A_1271, %get3A_1272] {strides = array<i32>} : memref<400x64xf32, #tpu.memory_space<vmem>>, vector<1x16xf32>,
        %get3A_1274 = vector.shape_cast %get3A_1273 : vector<1x16xf32> to vector<16xf32>
        %add3A_1275 = arith.addf %add3A_1247, %get3A_1274 : vector<16xf32>
        %add3A_1276 = arith.constant 21 : i32
        %add3A_1277 = arith.addi %mul3A_305, %add3A_1276 : i32
        %get3A_1278 = arith.index_cast %add3A_1277 : i32 to index
        %get3A_1279 = arith.constant 16 : index
        %get3A_1280 = tpu.vector_load %arg11[%get3A_1278, %get3A_1279] {strides = array<i32>} : memref<400x64xf32, #tpu.memory_space<vmem>>, vector<1x16xf32>,
        %get3A_1281 = vector.shape_cast %get3A_1280 : vector<1x16xf32> to vector<16xf32>
        %add3A_1282 = arith.addf %add3A_1254, %get3A_1281 : vector<16xf32>
        %add3A_1283 = arith.constant 21 : i32
        %add3A_1284 = arith.addi %mul3A_305, %add3A_1283 : i32
        %get3A_1285 = arith.index_cast %add3A_1284 : i32 to index
        %get3A_1286 = arith.constant 32 : index
        %get3A_1287 = tpu.vector_load %arg11[%get3A_1285, %get3A_1286] {strides = array<i32>} : memref<400x64xf32, #tpu.memory_space<vmem>>, vector<1x16xf32>,
        %get3A_1288 = vector.shape_cast %get3A_1287 : vector<1x16xf32> to vector<16xf32>
        %add3A_1289 = arith.addf %add3A_1261, %get3A_1288 : vector<16xf32>
        %add3A_1290 = arith.constant 21 : i32
        %add3A_1291 = arith.addi %mul3A_305, %add3A_1290 : i32
        %get3A_1292 = arith.index_cast %add3A_1291 : i32 to index
        %get3A_1293 = arith.constant 48 : index
        %get3A_1294 = tpu.vector_load %arg11[%get3A_1292, %get3A_1293] {strides = array<i32>} : memref<400x64xf32, #tpu.memory_space<vmem>>, vector<1x16xf32>,
        %get3A_1295 = vector.shape_cast %get3A_1294 : vector<1x16xf32> to vector<16xf32>
        %add3A_1296 = arith.addf %add3A_1268, %get3A_1295 : vector<16xf32>
        %add3A_1297 = arith.constant 23 : i32
        %add3A_1298 = arith.addi %mul3A_305, %add3A_1297 : i32
        %get3A_1299 = arith.index_cast %add3A_1298 : i32 to index
        %get3A_1300 = arith.constant 0 : index
        %get3A_1301 = tpu.vector_load %arg11[%get3A_1299, %get3A_1300] {strides = array<i32>} : memref<400x64xf32, #tpu.memory_space<vmem>>, vector<1x16xf32>,
        %get3A_1302 = vector.shape_cast %get3A_1301 : vector<1x16xf32> to vector<16xf32>
        %add3A_1303 = arith.addf %add3A_1275, %get3A_1302 : vector<16xf32>
        %add3A_1304 = arith.constant 23 : i32
        %add3A_1305 = arith.addi %mul3A_305, %add3A_1304 : i32
        %get3A_1306 = arith.index_cast %add3A_1305 : i32 to index
        %get3A_1307 = arith.constant 16 : index
        %get3A_1308 = tpu.vector_load %arg11[%get3A_1306, %get3A_1307] {strides = array<i32>} : memref<400x64xf32, #tpu.memory_space<vmem>>, vector<1x16xf32>,
        %get3A_1309 = vector.shape_cast %get3A_1308 : vector<1x16xf32> to vector<16xf32>
        %add3A_1310 = arith.addf %add3A_1282, %get3A_1309 : vector<16xf32>
        %add3A_1311 = arith.constant 23 : i32
        %add3A_1312 = arith.addi %mul3A_305, %add3A_1311 : i32
        %get3A_1313 = arith.index_cast %add3A_1312 : i32 to index
        %get3A_1314 = arith.constant 32 : index
        %get3A_1315 = tpu.vector_load %arg11[%get3A_1313, %get3A_1314] {strides = array<i32>} : memref<400x64xf32, #tpu.memory_space<vmem>>, vector<1x16xf32>,
        %get3A_1316 = vector.shape_cast %get3A_1315 : vector<1x16xf32> to vector<16xf32>
        %add3A_1317 = arith.addf %add3A_1289, %get3A_1316 : vector<16xf32>
        %add3A_1318 = arith.constant 23 : i32
        %add3A_1319 = arith.addi %mul3A_305, %add3A_1318 : i32
        %get3A_1320 = arith.index_cast %add3A_1319 : i32 to index
        %get3A_1321 = arith.constant 48 : index
        %get3A_1322 = tpu.vector_load %arg11[%get3A_1320, %get3A_1321] {strides = array<i32>} : memref<400x64xf32, #tpu.memory_space<vmem>>, vector<1x16xf32>,
        %get3A_1323 = vector.shape_cast %get3A_1322 : vector<1x16xf32> to vector<16xf32>
        %add3A_1324 = arith.addf %add3A_1296, %get3A_1323 : vector<16xf32>
        %add3A_1325 = arith.constant 25 : i32
        %add3A_1326 = arith.addi %mul3A_305, %add3A_1325 : i32
        %get3A_1327 = arith.index_cast %add3A_1326 : i32 to index
        %get3A_1328 = arith.constant 0 : index
        %get3A_1329 = tpu.vector_load %arg11[%get3A_1327, %get3A_1328] {strides = array<i32>} : memref<400x64xf32, #tpu.memory_space<vmem>>, vector<1x16xf32>,
        %get3A_1330 = vector.shape_cast %get3A_1329 : vector<1x16xf32> to vector<16xf32>
        %add3A_1331 = arith.addf %add3A_1303, %get3A_1330 : vector<16xf32>
        %add3A_1332 = arith.constant 25 : i32
        %add3A_1333 = arith.addi %mul3A_305, %add3A_1332 : i32
        %get3A_1334 = arith.index_cast %add3A_1333 : i32 to index
        %get3A_1335 = arith.constant 16 : index
        %get3A_1336 = tpu.vector_load %arg11[%get3A_1334, %get3A_1335] {strides = array<i32>} : memref<400x64xf32, #tpu.memory_space<vmem>>, vector<1x16xf32>,
        %get3A_1337 = vector.shape_cast %get3A_1336 : vector<1x16xf32> to vector<16xf32>
        %add3A_1338 = arith.addf %add3A_1310, %get3A_1337 : vector<16xf32>
        %add3A_1339 = arith.constant 25 : i32
        %add3A_1340 = arith.addi %mul3A_305, %add3A_1339 : i32
        %get3A_1341 = arith.index_cast %add3A_1340 : i32 to index
        %get3A_1342 = arith.constant 32 : index
        %get3A_1343 = tpu.vector_load %arg11[%get3A_1341, %get3A_1342] {strides = array<i32>} : memref<400x64xf32, #tpu.memory_space<vmem>>, vector<1x16xf32>,
        %get3A_1344 = vector.shape_cast %get3A_1343 : vector<1x16xf32> to vector<16xf32>
        %add3A_1345 = arith.addf %add3A_1317, %get3A_1344 : vector<16xf32>
        %add3A_1346 = arith.constant 25 : i32
        %add3A_1347 = arith.addi %mul3A_305, %add3A_1346 : i32
        %get3A_1348 = arith.index_cast %add3A_1347 : i32 to index
        %get3A_1349 = arith.constant 48 : index
        %get3A_1350 = tpu.vector_load %arg11[%get3A_1348, %get3A_1349] {strides = array<i32>} : memref<400x64xf32, #tpu.memory_space<vmem>>, vector<1x16xf32>,
        %get3A_1351 = vector.shape_cast %get3A_1350 : vector<1x16xf32> to vector<16xf32>
        %add3A_1352 = arith.addf %add3A_1324, %get3A_1351 : vector<16xf32>
        %add3A_1353 = arith.constant 27 : i32
        %add3A_1354 = arith.addi %mul3A_305, %add3A_1353 : i32
        %get3A_1355 = arith.index_cast %add3A_1354 : i32 to index
        %get3A_1356 = arith.constant 0 : index
        %get3A_1357 = tpu.vector_load %arg11[%get3A_1355, %get3A_1356] {strides = array<i32>} : memref<400x64xf32, #tpu.memory_space<vmem>>, vector<1x16xf32>,
        %get3A_1358 = vector.shape_cast %get3A_1357 : vector<1x16xf32> to vector<16xf32>
        %add3A_1359 = arith.addf %add3A_1331, %get3A_1358 : vector<16xf32>
        %add3A_1360 = arith.constant 27 : i32
        %add3A_1361 = arith.addi %mul3A_305, %add3A_1360 : i32
        %get3A_1362 = arith.index_cast %add3A_1361 : i32 to index
        %get3A_1363 = arith.constant 16 : index
        %get3A_1364 = tpu.vector_load %arg11[%get3A_1362, %get3A_1363] {strides = array<i32>} : memref<400x64xf32, #tpu.memory_space<vmem>>, vector<1x16xf32>,
        %get3A_1365 = vector.shape_cast %get3A_1364 : vector<1x16xf32> to vector<16xf32>
        %add3A_1366 = arith.addf %add3A_1338, %get3A_1365 : vector<16xf32>
        %add3A_1367 = arith.constant 27 : i32
        %add3A_1368 = arith.addi %mul3A_305, %add3A_1367 : i32
        %get3A_1369 = arith.index_cast %add3A_1368 : i32 to index
        %get3A_1370 = arith.constant 32 : index
        %get3A_1371 = tpu.vector_load %arg11[%get3A_1369, %get3A_1370] {strides = array<i32>} : memref<400x64xf32, #tpu.memory_space<vmem>>, vector<1x16xf32>,
        %get3A_1372 = vector.shape_cast %get3A_1371 : vector<1x16xf32> to vector<16xf32>
        %add3A_1373 = arith.addf %add3A_1345, %get3A_1372 : vector<16xf32>
        %add3A_1374 = arith.constant 27 : i32
        %add3A_1375 = arith.addi %mul3A_305, %add3A_1374 : i32
        %get3A_1376 = arith.index_cast %add3A_1375 : i32 to index
        %get3A_1377 = arith.constant 48 : index
        %get3A_1378 = tpu.vector_load %arg11[%get3A_1376, %get3A_1377] {strides = array<i32>} : memref<400x64xf32, #tpu.memory_space<vmem>>, vector<1x16xf32>,
        %get3A_1379 = vector.shape_cast %get3A_1378 : vector<1x16xf32> to vector<16xf32>
        %add3A_1380 = arith.addf %add3A_1352, %get3A_1379 : vector<16xf32>
        %add3A_1381 = arith.constant 29 : i32
        %add3A_1382 = arith.addi %mul3A_305, %add3A_1381 : i32
        %get3A_1383 = arith.index_cast %add3A_1382 : i32 to index
        %get3A_1384 = arith.constant 0 : index
        %get3A_1385 = tpu.vector_load %arg11[%get3A_1383, %get3A_1384] {strides = array<i32>} : memref<400x64xf32, #tpu.memory_space<vmem>>, vector<1x16xf32>,
        %get3A_1386 = vector.shape_cast %get3A_1385 : vector<1x16xf32> to vector<16xf32>
        %add3A_1387 = arith.addf %add3A_1359, %get3A_1386 : vector<16xf32>
        %add3A_1388 = arith.constant 29 : i32
        %add3A_1389 = arith.addi %mul3A_305, %add3A_1388 : i32
        %get3A_1390 = arith.index_cast %add3A_1389 : i32 to index
        %get3A_1391 = arith.constant 16 : index
        %get3A_1392 = tpu.vector_load %arg11[%get3A_1390, %get3A_1391] {strides = array<i32>} : memref<400x64xf32, #tpu.memory_space<vmem>>, vector<1x16xf32>,
        %get3A_1393 = vector.shape_cast %get3A_1392 : vector<1x16xf32> to vector<16xf32>
        %add3A_1394 = arith.addf %add3A_1366, %get3A_1393 : vector<16xf32>
        %add3A_1395 = arith.constant 29 : i32
        %add3A_1396 = arith.addi %mul3A_305, %add3A_1395 : i32
        %get3A_1397 = arith.index_cast %add3A_1396 : i32 to index
        %get3A_1398 = arith.constant 32 : index
        %get3A_1399 = tpu.vector_load %arg11[%get3A_1397, %get3A_1398] {strides = array<i32>} : memref<400x64xf32, #tpu.memory_space<vmem>>, vector<1x16xf32>,
        %get3A_1400 = vector.shape_cast %get3A_1399 : vector<1x16xf32> to vector<16xf32>
        %add3A_1401 = arith.addf %add3A_1373, %get3A_1400 : vector<16xf32>
        %add3A_1402 = arith.constant 29 : i32
        %add3A_1403 = arith.addi %mul3A_305, %add3A_1402 : i32
        %get3A_1404 = arith.index_cast %add3A_1403 : i32 to index
        %get3A_1405 = arith.constant 48 : index
        %get3A_1406 = tpu.vector_load %arg11[%get3A_1404, %get3A_1405] {strides = array<i32>} : memref<400x64xf32, #tpu.memory_space<vmem>>, vector<1x16xf32>,
        %get3A_1407 = vector.shape_cast %get3A_1406 : vector<1x16xf32> to vector<16xf32>
        %add3A_1408 = arith.addf %add3A_1380, %get3A_1407 : vector<16xf32>
        %add3A_1409 = arith.constant 31 : i32
        %add3A_1410 = arith.addi %mul3A_305, %add3A_1409 : i32
        %get3A_1411 = arith.index_cast %add3A_1410 : i32 to index
        %get3A_1412 = arith.constant 0 : index
        %get3A_1413 = tpu.vector_load %arg11[%get3A_1411, %get3A_1412] {strides = array<i32>} : memref<400x64xf32, #tpu.memory_space<vmem>>, vector<1x16xf32>,
        %get3A_1414 = vector.shape_cast %get3A_1413 : vector<1x16xf32> to vector<16xf32>
        %add3A_1415 = arith.addf %add3A_1387, %get3A_1414 : vector<16xf32>
        %add3A_1416 = arith.constant 31 : i32
        %add3A_1417 = arith.addi %mul3A_305, %add3A_1416 : i32
        %get3A_1418 = arith.index_cast %add3A_1417 : i32 to index
        %get3A_1419 = arith.constant 16 : index
        %get3A_1420 = tpu.vector_load %arg11[%get3A_1418, %get3A_1419] {strides = array<i32>} : memref<400x64xf32, #tpu.memory_space<vmem>>, vector<1x16xf32>,
        %get3A_1421 = vector.shape_cast %get3A_1420 : vector<1x16xf32> to vector<16xf32>
        %add3A_1422 = arith.addf %add3A_1394, %get3A_1421 : vector<16xf32>
        %add3A_1423 = arith.constant 31 : i32
        %add3A_1424 = arith.addi %mul3A_305, %add3A_1423 : i32
        %get3A_1425 = arith.index_cast %add3A_1424 : i32 to index
        %get3A_1426 = arith.constant 32 : index
        %get3A_1427 = tpu.vector_load %arg11[%get3A_1425, %get3A_1426] {strides = array<i32>} : memref<400x64xf32, #tpu.memory_space<vmem>>, vector<1x16xf32>,
        %get3A_1428 = vector.shape_cast %get3A_1427 : vector<1x16xf32> to vector<16xf32>
        %add3A_1429 = arith.addf %add3A_1401, %get3A_1428 : vector<16xf32>
        %add3A_1430 = arith.constant 31 : i32
        %add3A_1431 = arith.addi %mul3A_305, %add3A_1430 : i32
        %get3A_1432 = arith.index_cast %add3A_1431 : i32 to index
        %get3A_1433 = arith.constant 48 : index
        %get3A_1434 = tpu.vector_load %arg11[%get3A_1432, %get3A_1433] {strides = array<i32>} : memref<400x64xf32, #tpu.memory_space<vmem>>, vector<1x16xf32>,
        %get3A_1435 = vector.shape_cast %get3A_1434 : vector<1x16xf32> to vector<16xf32>
        %add3A_1436 = arith.addf %add3A_1408, %get3A_1435 : vector<16xf32>
        %add3A_1437 = arith.constant 33 : i32
        %add3A_1438 = arith.addi %mul3A_305, %add3A_1437 : i32
        %get3A_1439 = arith.index_cast %add3A_1438 : i32 to index
        %get3A_1440 = arith.constant 0 : index
        %get3A_1441 = tpu.vector_load %arg11[%get3A_1439, %get3A_1440] {strides = array<i32>} : memref<400x64xf32, #tpu.memory_space<vmem>>, vector<1x16xf32>,
        %get3A_1442 = vector.shape_cast %get3A_1441 : vector<1x16xf32> to vector<16xf32>
        %add3A_1443 = arith.addf %add3A_1415, %get3A_1442 : vector<16xf32>
        %add3A_1444 = arith.constant 33 : i32
        %add3A_1445 = arith.addi %mul3A_305, %add3A_1444 : i32
        %get3A_1446 = arith.index_cast %add3A_1445 : i32 to index
        %get3A_1447 = arith.constant 16 : index
        %get3A_1448 = tpu.vector_load %arg11[%get3A_1446, %get3A_1447] {strides = array<i32>} : memref<400x64xf32, #tpu.memory_space<vmem>>, vector<1x16xf32>,
        %get3A_1449 = vector.shape_cast %get3A_1448 : vector<1x16xf32> to vector<16xf32>
        %add3A_1450 = arith.addf %add3A_1422, %get3A_1449 : vector<16xf32>
        %add3A_1451 = arith.constant 33 : i32
        %add3A_1452 = arith.addi %mul3A_305, %add3A_1451 : i32
        %get3A_1453 = arith.index_cast %add3A_1452 : i32 to index
        %get3A_1454 = arith.constant 32 : index
        %get3A_1455 = tpu.vector_load %arg11[%get3A_1453, %get3A_1454] {strides = array<i32>} : memref<400x64xf32, #tpu.memory_space<vmem>>, vector<1x16xf32>,
        %get3A_1456 = vector.shape_cast %get3A_1455 : vector<1x16xf32> to vector<16xf32>
        %add3A_1457 = arith.addf %add3A_1429, %get3A_1456 : vector<16xf32>
        %add3A_1458 = arith.constant 33 : i32
        %add3A_1459 = arith.addi %mul3A_305, %add3A_1458 : i32
        %get3A_1460 = arith.index_cast %add3A_1459 : i32 to index
        %get3A_1461 = arith.constant 48 : index
        %get3A_1462 = tpu.vector_load %arg11[%get3A_1460, %get3A_1461] {strides = array<i32>} : memref<400x64xf32, #tpu.memory_space<vmem>>, vector<1x16xf32>,
        %get3A_1463 = vector.shape_cast %get3A_1462 : vector<1x16xf32> to vector<16xf32>
        %add3A_1464 = arith.addf %add3A_1436, %get3A_1463 : vector<16xf32>
        %add3A_1465 = arith.constant 35 : i32
        %add3A_1466 = arith.addi %mul3A_305, %add3A_1465 : i32
        %get3A_1467 = arith.index_cast %add3A_1466 : i32 to index
        %get3A_1468 = arith.constant 0 : index
        %get3A_1469 = tpu.vector_load %arg11[%get3A_1467, %get3A_1468] {strides = array<i32>} : memref<400x64xf32, #tpu.memory_space<vmem>>, vector<1x16xf32>,
        %get3A_1470 = vector.shape_cast %get3A_1469 : vector<1x16xf32> to vector<16xf32>
        %add3A_1471 = arith.addf %add3A_1443, %get3A_1470 : vector<16xf32>
        %add3A_1472 = arith.constant 35 : i32
        %add3A_1473 = arith.addi %mul3A_305, %add3A_1472 : i32
        %get3A_1474 = arith.index_cast %add3A_1473 : i32 to index
        %get3A_1475 = arith.constant 16 : index
        %get3A_1476 = tpu.vector_load %arg11[%get3A_1474, %get3A_1475] {strides = array<i32>} : memref<400x64xf32, #tpu.memory_space<vmem>>, vector<1x16xf32>,
        %get3A_1477 = vector.shape_cast %get3A_1476 : vector<1x16xf32> to vector<16xf32>
        %add3A_1478 = arith.addf %add3A_1450, %get3A_1477 : vector<16xf32>
        %add3A_1479 = arith.constant 35 : i32
        %add3A_1480 = arith.addi %mul3A_305, %add3A_1479 : i32
        %get3A_1481 = arith.index_cast %add3A_1480 : i32 to index
        %get3A_1482 = arith.constant 32 : index
        %get3A_1483 = tpu.vector_load %arg11[%get3A_1481, %get3A_1482] {strides = array<i32>} : memref<400x64xf32, #tpu.memory_space<vmem>>, vector<1x16xf32>,
        %get3A_1484 = vector.shape_cast %get3A_1483 : vector<1x16xf32> to vector<16xf32>
        %add3A_1485 = arith.addf %add3A_1457, %get3A_1484 : vector<16xf32>
        %add3A_1486 = arith.constant 35 : i32
        %add3A_1487 = arith.addi %mul3A_305, %add3A_1486 : i32
        %get3A_1488 = arith.index_cast %add3A_1487 : i32 to index
        %get3A_1489 = arith.constant 48 : index
        %get3A_1490 = tpu.vector_load %arg11[%get3A_1488, %get3A_1489] {strides = array<i32>} : memref<400x64xf32, #tpu.memory_space<vmem>>, vector<1x16xf32>,
        %get3A_1491 = vector.shape_cast %get3A_1490 : vector<1x16xf32> to vector<16xf32>
        %add3A_1492 = arith.addf %add3A_1464, %get3A_1491 : vector<16xf32>
        %add3A_1493 = arith.constant 37 : i32
        %add3A_1494 = arith.addi %mul3A_305, %add3A_1493 : i32
        %get3A_1495 = arith.index_cast %add3A_1494 : i32 to index
        %get3A_1496 = arith.constant 0 : index
        %get3A_1497 = tpu.vector_load %arg11[%get3A_1495, %get3A_1496] {strides = array<i32>} : memref<400x64xf32, #tpu.memory_space<vmem>>, vector<1x16xf32>,
        %get3A_1498 = vector.shape_cast %get3A_1497 : vector<1x16xf32> to vector<16xf32>
        %add3A_1499 = arith.addf %add3A_1471, %get3A_1498 : vector<16xf32>
        %add3A_1500 = arith.constant 37 : i32
        %add3A_1501 = arith.addi %mul3A_305, %add3A_1500 : i32
        %get3A_1502 = arith.index_cast %add3A_1501 : i32 to index
        %get3A_1503 = arith.constant 16 : index
        %get3A_1504 = tpu.vector_load %arg11[%get3A_1502, %get3A_1503] {strides = array<i32>} : memref<400x64xf32, #tpu.memory_space<vmem>>, vector<1x16xf32>,
        %get3A_1505 = vector.shape_cast %get3A_1504 : vector<1x16xf32> to vector<16xf32>
        %add3A_1506 = arith.addf %add3A_1478, %get3A_1505 : vector<16xf32>
        %add3A_1507 = arith.constant 37 : i32
        %add3A_1508 = arith.addi %mul3A_305, %add3A_1507 : i32
        %get3A_1509 = arith.index_cast %add3A_1508 : i32 to index
        %get3A_1510 = arith.constant 32 : index
        %get3A_1511 = tpu.vector_load %arg11[%get3A_1509, %get3A_1510] {strides = array<i32>} : memref<400x64xf32, #tpu.memory_space<vmem>>, vector<1x16xf32>,
        %get3A_1512 = vector.shape_cast %get3A_1511 : vector<1x16xf32> to vector<16xf32>
        %add3A_1513 = arith.addf %add3A_1485, %get3A_1512 : vector<16xf32>
        %add3A_1514 = arith.constant 37 : i32
        %add3A_1515 = arith.addi %mul3A_305, %add3A_1514 : i32
        %get3A_1516 = arith.index_cast %add3A_1515 : i32 to index
        %get3A_1517 = arith.constant 48 : index
        %get3A_1518 = tpu.vector_load %arg11[%get3A_1516, %get3A_1517] {strides = array<i32>} : memref<400x64xf32, #tpu.memory_space<vmem>>, vector<1x16xf32>,
        %get3A_1519 = vector.shape_cast %get3A_1518 : vector<1x16xf32> to vector<16xf32>
        %add3A_1520 = arith.addf %add3A_1492, %get3A_1519 : vector<16xf32>
        %add3A_1521 = arith.constant 39 : i32
        %add3A_1522 = arith.addi %mul3A_305, %add3A_1521 : i32
        %get3A_1523 = arith.index_cast %add3A_1522 : i32 to index
        %get3A_1524 = arith.constant 0 : index
        %get3A_1525 = tpu.vector_load %arg11[%get3A_1523, %get3A_1524] {strides = array<i32>} : memref<400x64xf32, #tpu.memory_space<vmem>>, vector<1x16xf32>,
        %get3A_1526 = vector.shape_cast %get3A_1525 : vector<1x16xf32> to vector<16xf32>
        %add3A_1527 = arith.addf %add3A_1499, %get3A_1526 : vector<16xf32>
        %add3A_1528 = arith.constant 39 : i32
        %add3A_1529 = arith.addi %mul3A_305, %add3A_1528 : i32
        %get3A_1530 = arith.index_cast %add3A_1529 : i32 to index
        %get3A_1531 = arith.constant 16 : index
        %get3A_1532 = tpu.vector_load %arg11[%get3A_1530, %get3A_1531] {strides = array<i32>} : memref<400x64xf32, #tpu.memory_space<vmem>>, vector<1x16xf32>,
        %get3A_1533 = vector.shape_cast %get3A_1532 : vector<1x16xf32> to vector<16xf32>
        %add3A_1534 = arith.addf %add3A_1506, %get3A_1533 : vector<16xf32>
        %add3A_1535 = arith.constant 39 : i32
        %add3A_1536 = arith.addi %mul3A_305, %add3A_1535 : i32
        %get3A_1537 = arith.index_cast %add3A_1536 : i32 to index
        %get3A_1538 = arith.constant 32 : index
        %get3A_1539 = tpu.vector_load %arg11[%get3A_1537, %get3A_1538] {strides = array<i32>} : memref<400x64xf32, #tpu.memory_space<vmem>>, vector<1x16xf32>,
        %get3A_1540 = vector.shape_cast %get3A_1539 : vector<1x16xf32> to vector<16xf32>
        %add3A_1541 = arith.addf %add3A_1513, %get3A_1540 : vector<16xf32>
        %add3A_1542 = arith.constant 39 : i32
        %add3A_1543 = arith.addi %mul3A_305, %add3A_1542 : i32
        %get3A_1544 = arith.index_cast %add3A_1543 : i32 to index
        %get3A_1545 = arith.constant 48 : index
        %get3A_1546 = tpu.vector_load %arg11[%get3A_1544, %get3A_1545] {strides = array<i32>} : memref<400x64xf32, #tpu.memory_space<vmem>>, vector<1x16xf32>,
        %get3A_1547 = vector.shape_cast %get3A_1546 : vector<1x16xf32> to vector<16xf32>
        %add3A_1548 = arith.addf %add3A_1520, %get3A_1547 : vector<16xf32>
        %add3A_1549 = arith.constant 41 : i32
        %add3A_1550 = arith.addi %mul3A_305, %add3A_1549 : i32
        %get3A_1551 = arith.index_cast %add3A_1550 : i32 to index
        %get3A_1552 = arith.constant 0 : index
        %get3A_1553 = tpu.vector_load %arg11[%get3A_1551, %get3A_1552] {strides = array<i32>} : memref<400x64xf32, #tpu.memory_space<vmem>>, vector<1x16xf32>,
        %get3A_1554 = vector.shape_cast %get3A_1553 : vector<1x16xf32> to vector<16xf32>
        %add3A_1555 = arith.addf %add3A_1527, %get3A_1554 : vector<16xf32>
        %add3A_1556 = arith.constant 41 : i32
        %add3A_1557 = arith.addi %mul3A_305, %add3A_1556 : i32
        %get3A_1558 = arith.index_cast %add3A_1557 : i32 to index
        %get3A_1559 = arith.constant 16 : index
        %get3A_1560 = tpu.vector_load %arg11[%get3A_1558, %get3A_1559] {strides = array<i32>} : memref<400x64xf32, #tpu.memory_space<vmem>>, vector<1x16xf32>,
        %get3A_1561 = vector.shape_cast %get3A_1560 : vector<1x16xf32> to vector<16xf32>
        %add3A_1562 = arith.addf %add3A_1534, %get3A_1561 : vector<16xf32>
        %add3A_1563 = arith.constant 41 : i32
        %add3A_1564 = arith.addi %mul3A_305, %add3A_1563 : i32
        %get3A_1565 = arith.index_cast %add3A_1564 : i32 to index
        %get3A_1566 = arith.constant 32 : index
        %get3A_1567 = tpu.vector_load %arg11[%get3A_1565, %get3A_1566] {strides = array<i32>} : memref<400x64xf32, #tpu.memory_space<vmem>>, vector<1x16xf32>,
        %get3A_1568 = vector.shape_cast %get3A_1567 : vector<1x16xf32> to vector<16xf32>
        %add3A_1569 = arith.addf %add3A_1541, %get3A_1568 : vector<16xf32>
        %add3A_1570 = arith.constant 41 : i32
        %add3A_1571 = arith.addi %mul3A_305, %add3A_1570 : i32
        %get3A_1572 = arith.index_cast %add3A_1571 : i32 to index
        %get3A_1573 = arith.constant 48 : index
        %get3A_1574 = tpu.vector_load %arg11[%get3A_1572, %get3A_1573] {strides = array<i32>} : memref<400x64xf32, #tpu.memory_space<vmem>>, vector<1x16xf32>,
        %get3A_1575 = vector.shape_cast %get3A_1574 : vector<1x16xf32> to vector<16xf32>
        %add3A_1576 = arith.addf %add3A_1548, %get3A_1575 : vector<16xf32>
        %add3A_1577 = arith.constant 43 : i32
        %add3A_1578 = arith.addi %mul3A_305, %add3A_1577 : i32
        %get3A_1579 = arith.index_cast %add3A_1578 : i32 to index
        %get3A_1580 = arith.constant 0 : index
        %get3A_1581 = tpu.vector_load %arg11[%get3A_1579, %get3A_1580] {strides = array<i32>} : memref<400x64xf32, #tpu.memory_space<vmem>>, vector<1x16xf32>,
        %get3A_1582 = vector.shape_cast %get3A_1581 : vector<1x16xf32> to vector<16xf32>
        %add3A_1583 = arith.addf %add3A_1555, %get3A_1582 : vector<16xf32>
        %add3A_1584 = arith.constant 43 : i32
        %add3A_1585 = arith.addi %mul3A_305, %add3A_1584 : i32
        %get3A_1586 = arith.index_cast %add3A_1585 : i32 to index
        %get3A_1587 = arith.constant 16 : index
        %get3A_1588 = tpu.vector_load %arg11[%get3A_1586, %get3A_1587] {strides = array<i32>} : memref<400x64xf32, #tpu.memory_space<vmem>>, vector<1x16xf32>,
        %get3A_1589 = vector.shape_cast %get3A_1588 : vector<1x16xf32> to vector<16xf32>
        %add3A_1590 = arith.addf %add3A_1562, %get3A_1589 : vector<16xf32>
        %add3A_1591 = arith.constant 43 : i32
        %add3A_1592 = arith.addi %mul3A_305, %add3A_1591 : i32
        %get3A_1593 = arith.index_cast %add3A_1592 : i32 to index
        %get3A_1594 = arith.constant 32 : index
        %get3A_1595 = tpu.vector_load %arg11[%get3A_1593, %get3A_1594] {strides = array<i32>} : memref<400x64xf32, #tpu.memory_space<vmem>>, vector<1x16xf32>,
        %get3A_1596 = vector.shape_cast %get3A_1595 : vector<1x16xf32> to vector<16xf32>
        %add3A_1597 = arith.addf %add3A_1569, %get3A_1596 : vector<16xf32>
        %add3A_1598 = arith.constant 43 : i32
        %add3A_1599 = arith.addi %mul3A_305, %add3A_1598 : i32
        %get3A_1600 = arith.index_cast %add3A_1599 : i32 to index
        %get3A_1601 = arith.constant 48 : index
        %get3A_1602 = tpu.vector_load %arg11[%get3A_1600, %get3A_1601] {strides = array<i32>} : memref<400x64xf32, #tpu.memory_space<vmem>>, vector<1x16xf32>,
        %get3A_1603 = vector.shape_cast %get3A_1602 : vector<1x16xf32> to vector<16xf32>
        %add3A_1604 = arith.addf %add3A_1576, %get3A_1603 : vector<16xf32>
        %add3A_1605 = arith.constant 45 : i32
        %add3A_1606 = arith.addi %mul3A_305, %add3A_1605 : i32
        %get3A_1607 = arith.index_cast %add3A_1606 : i32 to index
        %get3A_1608 = arith.constant 0 : index
        %get3A_1609 = tpu.vector_load %arg11[%get3A_1607, %get3A_1608] {strides = array<i32>} : memref<400x64xf32, #tpu.memory_space<vmem>>, vector<1x16xf32>,
        %get3A_1610 = vector.shape_cast %get3A_1609 : vector<1x16xf32> to vector<16xf32>
        %add3A_1611 = arith.addf %add3A_1583, %get3A_1610 : vector<16xf32>
        %add3A_1612 = arith.constant 45 : i32
        %add3A_1613 = arith.addi %mul3A_305, %add3A_1612 : i32
        %get3A_1614 = arith.index_cast %add3A_1613 : i32 to index
        %get3A_1615 = arith.constant 16 : index
        %get3A_1616 = tpu.vector_load %arg11[%get3A_1614, %get3A_1615] {strides = array<i32>} : memref<400x64xf32, #tpu.memory_space<vmem>>, vector<1x16xf32>,
        %get3A_1617 = vector.shape_cast %get3A_1616 : vector<1x16xf32> to vector<16xf32>
        %add3A_1618 = arith.addf %add3A_1590, %get3A_1617 : vector<16xf32>
        %add3A_1619 = arith.constant 45 : i32
        %add3A_1620 = arith.addi %mul3A_305, %add3A_1619 : i32
        %get3A_1621 = arith.index_cast %add3A_1620 : i32 to index
        %get3A_1622 = arith.constant 32 : index
        %get3A_1623 = tpu.vector_load %arg11[%get3A_1621, %get3A_1622] {strides = array<i32>} : memref<400x64xf32, #tpu.memory_space<vmem>>, vector<1x16xf32>,
        %get3A_1624 = vector.shape_cast %get3A_1623 : vector<1x16xf32> to vector<16xf32>
        %add3A_1625 = arith.addf %add3A_1597, %get3A_1624 : vector<16xf32>
        %add3A_1626 = arith.constant 45 : i32
        %add3A_1627 = arith.addi %mul3A_305, %add3A_1626 : i32
        %get3A_1628 = arith.index_cast %add3A_1627 : i32 to index
        %get3A_1629 = arith.constant 48 : index
        %get3A_1630 = tpu.vector_load %arg11[%get3A_1628, %get3A_1629] {strides = array<i32>} : memref<400x64xf32, #tpu.memory_space<vmem>>, vector<1x16xf32>,
        %get3A_1631 = vector.shape_cast %get3A_1630 : vector<1x16xf32> to vector<16xf32>
        %add3A_1632 = arith.addf %add3A_1604, %get3A_1631 : vector<16xf32>
        %add3A_1633 = arith.constant 47 : i32
        %add3A_1634 = arith.addi %mul3A_305, %add3A_1633 : i32
        %get3A_1635 = arith.index_cast %add3A_1634 : i32 to index
        %get3A_1636 = arith.constant 0 : index
        %get3A_1637 = tpu.vector_load %arg11[%get3A_1635, %get3A_1636] {strides = array<i32>} : memref<400x64xf32, #tpu.memory_space<vmem>>, vector<1x16xf32>,
        %get3A_1638 = vector.shape_cast %get3A_1637 : vector<1x16xf32> to vector<16xf32>
        %add3A_1639 = arith.addf %add3A_1611, %get3A_1638 : vector<16xf32>
        %add3A_1640 = arith.constant 47 : i32
        %add3A_1641 = arith.addi %mul3A_305, %add3A_1640 : i32
        %get3A_1642 = arith.index_cast %add3A_1641 : i32 to index
        %get3A_1643 = arith.constant 16 : index
        %get3A_1644 = tpu.vector_load %arg11[%get3A_1642, %get3A_1643] {strides = array<i32>} : memref<400x64xf32, #tpu.memory_space<vmem>>, vector<1x16xf32>,
        %get3A_1645 = vector.shape_cast %get3A_1644 : vector<1x16xf32> to vector<16xf32>
        %add3A_1646 = arith.addf %add3A_1618, %get3A_1645 : vector<16xf32>
        %add3A_1647 = arith.constant 47 : i32
        %add3A_1648 = arith.addi %mul3A_305, %add3A_1647 : i32
        %get3A_1649 = arith.index_cast %add3A_1648 : i32 to index
        %get3A_1650 = arith.constant 32 : index
        %get3A_1651 = tpu.vector_load %arg11[%get3A_1649, %get3A_1650] {strides = array<i32>} : memref<400x64xf32, #tpu.memory_space<vmem>>, vector<1x16xf32>,
        %get3A_1652 = vector.shape_cast %get3A_1651 : vector<1x16xf32> to vector<16xf32>
        %add3A_1653 = arith.addf %add3A_1625, %get3A_1652 : vector<16xf32>
        %add3A_1654 = arith.constant 47 : i32
        %add3A_1655 = arith.addi %mul3A_305, %add3A_1654 : i32
        %get3A_1656 = arith.index_cast %add3A_1655 : i32 to index
        %get3A_1657 = arith.constant 48 : index
        %get3A_1658 = tpu.vector_load %arg11[%get3A_1656, %get3A_1657] {strides = array<i32>} : memref<400x64xf32, #tpu.memory_space<vmem>>, vector<1x16xf32>,
        %get3A_1659 = vector.shape_cast %get3A_1658 : vector<1x16xf32> to vector<16xf32>
        %add3A_1660 = arith.addf %add3A_1632, %get3A_1659 : vector<16xf32>
        %add3A_1661 = arith.constant 49 : i32
        %add3A_1662 = arith.addi %mul3A_305, %add3A_1661 : i32
        %get3A_1663 = arith.index_cast %add3A_1662 : i32 to index
        %get3A_1664 = arith.constant 0 : index
        %get3A_1665 = tpu.vector_load %arg11[%get3A_1663, %get3A_1664] {strides = array<i32>} : memref<400x64xf32, #tpu.memory_space<vmem>>, vector<1x16xf32>,
        %get3A_1666 = vector.shape_cast %get3A_1665 : vector<1x16xf32> to vector<16xf32>
        %add3A_1667 = arith.addf %add3A_1639, %get3A_1666 : vector<16xf32>
        %add3A_1668 = arith.constant 49 : i32
        %add3A_1669 = arith.addi %mul3A_305, %add3A_1668 : i32
        %get3A_1670 = arith.index_cast %add3A_1669 : i32 to index
        %get3A_1671 = arith.constant 16 : index
        %get3A_1672 = tpu.vector_load %arg11[%get3A_1670, %get3A_1671] {strides = array<i32>} : memref<400x64xf32, #tpu.memory_space<vmem>>, vector<1x16xf32>,
        %get3A_1673 = vector.shape_cast %get3A_1672 : vector<1x16xf32> to vector<16xf32>
        %add3A_1674 = arith.addf %add3A_1646, %get3A_1673 : vector<16xf32>
        %add3A_1675 = arith.constant 49 : i32
        %add3A_1676 = arith.addi %mul3A_305, %add3A_1675 : i32
        %get3A_1677 = arith.index_cast %add3A_1676 : i32 to index
        %get3A_1678 = arith.constant 32 : index
        %get3A_1679 = tpu.vector_load %arg11[%get3A_1677, %get3A_1678] {strides = array<i32>} : memref<400x64xf32, #tpu.memory_space<vmem>>, vector<1x16xf32>,
        %get3A_1680 = vector.shape_cast %get3A_1679 : vector<1x16xf32> to vector<16xf32>
        %add3A_1681 = arith.addf %add3A_1653, %get3A_1680 : vector<16xf32>
        %add3A_1682 = arith.constant 49 : i32
        %add3A_1683 = arith.addi %mul3A_305, %add3A_1682 : i32
        %get3A_1684 = arith.index_cast %add3A_1683 : i32 to index
        %get3A_1685 = arith.constant 48 : index
        %get3A_1686 = tpu.vector_load %arg11[%get3A_1684, %get3A_1685] {strides = array<i32>} : memref<400x64xf32, #tpu.memory_space<vmem>>, vector<1x16xf32>,
        %get3A_1687 = vector.shape_cast %get3A_1686 : vector<1x16xf32> to vector<16xf32>
        %add3A_1688 = arith.addf %add3A_1660, %get3A_1687 : vector<16xf32>
        %add3A_1689 = arith.addf %add3A_995, %add3A_1667 : vector<16xf32>
        %mul3A_1690 = arith.constant 2.000000e-02 : f32
        %mul3A_1691 = vector.broadcast %mul3A_1690 : f32 to vector<16xf32>
        %mul3A_1692 = arith.mulf %add3A_1689, %mul3A_1691 : vector<16xf32>
        %swap3A = arith.index_cast %scan3A_302 : i32 to index
        %swap3A_1693 = arith.constant 0 : index
        %swap3A_1694 = tpu.vector_load %arg14[%swap3A, %swap3A_1693] {strides = array<i32>} : memref<8x64xf32, #tpu.memory_space<vmem>>, vector<1x16xf32>,
        %swap3A_1695 = vector.shape_cast %swap3A_1694 : vector<1x16xf32> to vector<16xf32>
        %swap3A_1696 = vector.shape_cast %mul3A_1692 : vector<16xf32> to vector<1x16xf32>
        tpu.vector_store %arg14[%swap3A, %swap3A_1693], %swap3A_1696 {strides = array<i32>} : memref<8x64xf32, #tpu.memory_space<vmem>>, vector<1x16xf32>,
        %add3A_1697 = arith.addf %add3A_1002, %add3A_1674 : vector<16xf32>
        %mul3A_1698 = arith.constant 2.000000e-02 : f32
        %mul3A_1699 = vector.broadcast %mul3A_1698 : f32 to vector<16xf32>
        %mul3A_1700 = arith.mulf %add3A_1697, %mul3A_1699 : vector<16xf32>
        %swap3A_1701 = arith.index_cast %scan3A_302 : i32 to index
        %swap3A_1702 = arith.constant 16 : index
        %swap3A_1703 = tpu.vector_load %arg14[%swap3A_1701, %swap3A_1702] {strides = array<i32>} : memref<8x64xf32, #tpu.memory_space<vmem>>, vector<1x16xf32>,
        %swap3A_1704 = vector.shape_cast %swap3A_1703 : vector<1x16xf32> to vector<16xf32>
        %swap3A_1705 = vector.shape_cast %mul3A_1700 : vector<16xf32> to vector<1x16xf32>
        tpu.vector_store %arg14[%swap3A_1701, %swap3A_1702], %swap3A_1705 {strides = array<i32>} : memref<8x64xf32, #tpu.memory_space<vmem>>, vector<1x16xf32>,
        %add3A_1706 = arith.addf %add3A_1009, %add3A_1681 : vector<16xf32>
        %mul3A_1707 = arith.constant 2.000000e-02 : f32
        %mul3A_1708 = vector.broadcast %mul3A_1707 : f32 to vector<16xf32>
        %mul3A_1709 = arith.mulf %add3A_1706, %mul3A_1708 : vector<16xf32>
        %swap3A_1710 = arith.index_cast %scan3A_302 : i32 to index
        %swap3A_1711 = arith.constant 32 : index
        %swap3A_1712 = tpu.vector_load %arg14[%swap3A_1710, %swap3A_1711] {strides = array<i32>} : memref<8x64xf32, #tpu.memory_space<vmem>>, vector<1x16xf32>,
        %swap3A_1713 = vector.shape_cast %swap3A_1712 : vector<1x16xf32> to vector<16xf32>
        %swap3A_1714 = vector.shape_cast %mul3A_1709 : vector<16xf32> to vector<1x16xf32>
        tpu.vector_store %arg14[%swap3A_1710, %swap3A_1711], %swap3A_1714 {strides = array<i32>} : memref<8x64xf32, #tpu.memory_space<vmem>>, vector<1x16xf32>,
        %add3A_1715 = arith.addf %add3A_1016, %add3A_1688 : vector<16xf32>
        %mul3A_1716 = arith.constant 2.000000e-02 : f32
        %mul3A_1717 = vector.broadcast %mul3A_1716 : f32 to vector<16xf32>
        %mul3A_1718 = arith.mulf %add3A_1715, %mul3A_1717 : vector<16xf32>
        %swap3A_1719 = arith.index_cast %scan3A_302 : i32 to index
        %swap3A_1720 = arith.constant 48 : index
        %swap3A_1721 = tpu.vector_load %arg14[%swap3A_1719, %swap3A_1720] {strides = array<i32>} : memref<8x64xf32, #tpu.memory_space<vmem>>, vector<1x16xf32>,
        %swap3A_1722 = vector.shape_cast %swap3A_1721 : vector<1x16xf32> to vector<16xf32>
        %swap3A_1723 = vector.shape_cast %mul3A_1718 : vector<16xf32> to vector<1x16xf32>
        tpu.vector_store %arg14[%swap3A_1719, %swap3A_1720], %swap3A_1723 {strides = array<i32>} : memref<8x64xf32, #tpu.memory_space<vmem>>, vector<1x16xf32>,
        %scan3A_1724 = arith.constant 0 : i32
        scf.yield %scan3A_1724 : i32
      }
      %scan3A_163 = arith.constant 8 : i32
      %jit3A_164 = arith.constant 64 : i32
      %div3A_165 = arith.divsi %add3A_134, %jit3A_164 : i32
      %sign3A_166 = arith.constant 0 : i32
      %sign3A_167 = arith.cmpi sgt, %add3A_134, %sign3A_166 : i32
      %sign3A_168 = arith.extui %sign3A_167 : i1 to i32
      %sign3A_169 = arith.constant 0 : i32
      %sign3A_170 = arith.cmpi slt, %add3A_134, %sign3A_169 : i32
      %sign3A_171 = arith.extui %sign3A_170 : i1 to i32
      %sign3A_172 = arith.subi %sign3A_168, %sign3A_171 : i32
      %sign3A_173 = arith.constant 0 : i32
      %sign3A_174 = arith.cmpi sgt, %jit3A_164, %sign3A_173 : i32
      %sign3A_175 = arith.extui %sign3A_174 : i1 to i32
      %sign3A_176 = arith.constant 0 : i32
      %sign3A_177 = arith.cmpi slt, %jit3A_164, %sign3A_176 : i32
      %sign3A_178 = arith.extui %sign3A_177 : i1 to i32
      %sign3A_179 = arith.subi %sign3A_175, %sign3A_178 : i32
      %ne3A_180 = arith.cmpi ne, %sign3A_172, %sign3A_179 : i32
      %rem3A_181 = arith.remsi %add3A_134, %jit3A_164 : i32
      %ne3A_182 = arith.constant 0 : i32
      %ne3A_183 = arith.cmpi ne, %rem3A_181, %ne3A_182 : i32
      %and3A_184 = arith.andi %ne3A_180, %ne3A_183 : i1
      %sub3A_185 = arith.constant 1 : i32
      %sub3A_186 = arith.subi %div3A_165, %sub3A_185 : i32
      %select_n3A_187 = arith.select %and3A_184, %sub3A_186, %div3A_165 : i32
      %mul3A_188 = arith.constant 16384 : i32
      %mul3A_189 = arith.muli %select_n3A_187, %mul3A_188 : i32
      %mul3A_190 = arith.constant 512 : i32
      %mul3A_191 = arith.muli %add3A, %mul3A_190 : i32
      %add3A_192 = arith.addi %mul3A_189, %mul3A_191 : i32
      %jit3A_193 = arith.constant 64 : i32
      %eq3A_194 = arith.constant 0 : i32
      %eq3A_195 = arith.cmpi eq, %jit3A_193, %eq3A_194 : i32
      %jit3A_196 = arith.constant 1 : i32
      %select_n3A_197 = arith.select %eq3A_195, %jit3A_196, %jit3A_193 : i32
      %rem3A_198 = arith.remsi %add3A_134, %select_n3A_197 : i32
      %ne3A_199 = arith.constant 0 : i32
      %ne3A_200 = arith.cmpi ne, %rem3A_198, %ne3A_199 : i32
      %lt3A_201 = arith.constant 0 : i32
      %lt3A_202 = arith.cmpi slt, %rem3A_198, %lt3A_201 : i32
      %lt3A_203 = arith.constant 0 : i32
      %lt3A_204 = arith.cmpi slt, %select_n3A_197, %lt3A_203 : i32
      %ne3A_205 = arith.xori %lt3A_202, %lt3A_204 : i1
      %and3A_206 = arith.andi %ne3A_205, %ne3A_200 : i1
      %add3A_207 = arith.addi %rem3A_198, %select_n3A_197 : i32
      %select_n3A_208 = arith.select %and3A_206, %add3A_207, %rem3A_198 : i32
      %mul3A_209 = arith.constant 8 : i32
      %mul3A_210 = arith.muli %select_n3A_208, %mul3A_209 : i32
      %add3A_211 = arith.addi %add3A_192, %mul3A_210 : i32
      %dma_start3A_212 = arith.constant 0 : i32
      %dma_start3A_213 = tpu.memref_slice %arg6[%add3A_211, %dma_start3A_212] : memref<49152x64xf32, #tpu.memory_space<hbm>> -> memref<8x64xf32, #tpu.memory_space<hbm>>
      %dma_start3A_214 = arith.constant 0 : i32
      %dma_start3A_215 = tpu.memref_slice %arg6[%add3A_211, %dma_start3A_214] : memref<49152x64xf32, #tpu.memory_space<hbm>> -> memref<8x64xf32, #tpu.memory_space<hbm>>
      tpu.enqueue_dma source(%arg14 : memref<8x64xf32, #tpu.memory_space<vmem>>) target(%dma_start3A_215 : memref<8x64xf32, #tpu.memory_space<hbm>>) target_semaphore(%arg23 : memref<!tpu.dma_semaphore, #tpu.memory_space<semaphore_mem>>)
      %mul3A_216 = arith.constant 3 : i32
      %mul3A_217 = arith.muli %mul3A_216, %scan3A_59 : i32
      %add3A_218 = arith.constant 2 : i32
      %add3A_219 = arith.addi %mul3A_217, %add3A_218 : i32
      %dma_wait3A_220 = arith.constant 0 : i32
      %dma_wait3A_221 = arith.constant 0 : i32
      %dma_wait3A_222 = tpu.memref_slice %arg5[%dma_wait3A_220, %dma_wait3A_221] : memref<1000000x64xf32, #tpu.memory_space<hbm>> -> memref<1000000x64xf32, #tpu.memory_space<hbm>>
      tpu.wait_indirect_dma semaphore(%arg18 : memref<!tpu.dma_semaphore, #tpu.memory_space<semaphore_mem>>) src(%dma_wait3A_222 : memref<1000000x64xf32, #tpu.memory_space<hbm>>) dst(%arg12 : memref<400x64xf32, #tpu.memory_space<vmem>>)
      %add3A_223 = arith.constant 3 : i32
      %add3A_224 = arith.addi %add3A_219, %add3A_223 : i32
      %lt3A_225 = arith.constant 192 : i32
      %lt3A_226 = arith.cmpi slt, %add3A_224, %lt3A_225 : i32
      %convert_element_type3A_227 = arith.extui %lt3A_226 : i1 to i32
      %cond3A_228 = arith.constant 0 : i32
      %cond3A_229 = arith.cmpi ne, %convert_element_type3A_227, %cond3A_228 : i32
      scf.if %cond3A_229 {
        %add3A_302 = arith.constant 3 : i32
        %add3A_303 = arith.addi %add3A_219, %add3A_302 : i32
        %jit3A_304 = arith.constant 64 : i32
        %div3A_305 = arith.divsi %add3A_303, %jit3A_304 : i32
        %sign3A_306 = arith.constant 0 : i32
        %sign3A_307 = arith.cmpi sgt, %add3A_303, %sign3A_306 : i32
        %sign3A_308 = arith.extui %sign3A_307 : i1 to i32
        %sign3A_309 = arith.constant 0 : i32
        %sign3A_310 = arith.cmpi slt, %add3A_303, %sign3A_309 : i32
        %sign3A_311 = arith.extui %sign3A_310 : i1 to i32
        %sign3A_312 = arith.subi %sign3A_308, %sign3A_311 : i32
        %sign3A_313 = arith.constant 0 : i32
        %sign3A_314 = arith.cmpi sgt, %jit3A_304, %sign3A_313 : i32
        %sign3A_315 = arith.extui %sign3A_314 : i1 to i32
        %sign3A_316 = arith.constant 0 : i32
        %sign3A_317 = arith.cmpi slt, %jit3A_304, %sign3A_316 : i32
        %sign3A_318 = arith.extui %sign3A_317 : i1 to i32
        %sign3A_319 = arith.subi %sign3A_315, %sign3A_318 : i32
        %ne3A_320 = arith.cmpi ne, %sign3A_312, %sign3A_319 : i32
        %rem3A_321 = arith.remsi %add3A_303, %jit3A_304 : i32
        %ne3A_322 = arith.constant 0 : i32
        %ne3A_323 = arith.cmpi ne, %rem3A_321, %ne3A_322 : i32
        %and3A_324 = arith.andi %ne3A_320, %ne3A_323 : i1
        %sub3A_325 = arith.constant 1 : i32
        %sub3A_326 = arith.subi %div3A_305, %sub3A_325 : i32
        %select_n3A_327 = arith.select %and3A_324, %sub3A_326, %div3A_305 : i32
        %mul3A_328 = arith.constant 512 : i32
        %mul3A_329 = arith.muli %add3A, %mul3A_328 : i32
        %jit3A_330 = arith.constant 64 : i32
        %eq3A_331 = arith.constant 0 : i32
        %eq3A_332 = arith.cmpi eq, %jit3A_330, %eq3A_331 : i32
        %jit3A_333 = arith.constant 1 : i32
        %select_n3A_334 = arith.select %eq3A_332, %jit3A_333, %jit3A_330 : i32
        %rem3A_335 = arith.remsi %add3A_303, %select_n3A_334 : i32
        %ne3A_336 = arith.constant 0 : i32
        %ne3A_337 = arith.cmpi ne, %rem3A_335, %ne3A_336 : i32
        %lt3A_338 = arith.constant 0 : i32
        %lt3A_339 = arith.cmpi slt, %rem3A_335, %lt3A_338 : i32
        %lt3A_340 = arith.constant 0 : i32
        %lt3A_341 = arith.cmpi slt, %select_n3A_334, %lt3A_340 : i32
        %ne3A_342 = arith.xori %lt3A_339, %lt3A_341 : i1
        %and3A_343 = arith.andi %ne3A_342, %ne3A_337 : i1
        %add3A_344 = arith.addi %rem3A_335, %select_n3A_334 : i32
        %select_n3A_345 = arith.select %and3A_343, %add3A_344, %rem3A_335 : i32
        %mul3A_346 = arith.constant 8 : i32
        %mul3A_347 = arith.muli %select_n3A_345, %mul3A_346 : i32
        %add3A_348 = arith.addi %mul3A_329, %mul3A_347 : i32
        %mul3A_349 = arith.constant 50 : i32
        %mul3A_350 = arith.muli %add3A_348, %mul3A_349 : i32
        %eq3A_351 = arith.constant 0 : i32
        %eq3A_352 = arith.cmpi eq, %select_n3A_327, %eq3A_351 : i32
        %convert_element_type3A_353 = arith.extui %eq3A_352 : i1 to i32
        %cond3A_354 = arith.constant 0 : i32
        %cond3A_355 = arith.cmpi ne, %convert_element_type3A_353, %cond3A_354 : i32
        scf.if %cond3A_355 {
          %dma_start3A_366 = tpu.memref_slice %arg2[%mul3A_350] : memref<819200xi32, #tpu.memory_space<hbm>> -> memref<400xi32, #tpu.memory_space<hbm>>
          %dma_start3A_367 = tpu.memref_slice %arg2[%mul3A_350] : memref<819200xi32, #tpu.memory_space<hbm>> -> memref<400xi32, #tpu.memory_space<hbm>>
          tpu.enqueue_dma source(%dma_start3A_367 : memref<400xi32, #tpu.memory_space<hbm>>) target(%arg9 : memref<400xi32, #tpu.memory_space<vmem>>) target_semaphore(%arg21 : memref<!tpu.dma_semaphore, #tpu.memory_space<semaphore_mem>>)
        } else {
        }
        %eq3A_356 = arith.constant 1 : i32
        %eq3A_357 = arith.cmpi eq, %select_n3A_327, %eq3A_356 : i32
        %convert_element_type3A_358 = arith.extui %eq3A_357 : i1 to i32
        %cond3A_359 = arith.constant 0 : i32
        %cond3A_360 = arith.cmpi ne, %convert_element_type3A_358, %cond3A_359 : i32
        scf.if %cond3A_360 {
          %dma_start3A_366 = tpu.memref_slice %arg3[%mul3A_350] : memref<819200xi32, #tpu.memory_space<hbm>> -> memref<400xi32, #tpu.memory_space<hbm>>
          %dma_start3A_367 = tpu.memref_slice %arg3[%mul3A_350] : memref<819200xi32, #tpu.memory_space<hbm>> -> memref<400xi32, #tpu.memory_space<hbm>>
          tpu.enqueue_dma source(%dma_start3A_367 : memref<400xi32, #tpu.memory_space<hbm>>) target(%arg9 : memref<400xi32, #tpu.memory_space<vmem>>) target_semaphore(%arg21 : memref<!tpu.dma_semaphore, #tpu.memory_space<semaphore_mem>>)
        } else {
        }
        %eq3A_361 = arith.constant 2 : i32
        %eq3A_362 = arith.cmpi eq, %select_n3A_327, %eq3A_361 : i32
        %convert_element_type3A_363 = arith.extui %eq3A_362 : i1 to i32
        %cond3A_364 = arith.constant 0 : i32
        %cond3A_365 = arith.cmpi ne, %convert_element_type3A_363, %cond3A_364 : i32
        scf.if %cond3A_365 {
          %dma_start3A_366 = tpu.memref_slice %arg4[%mul3A_350] : memref<819200xi32, #tpu.memory_space<hbm>> -> memref<400xi32, #tpu.memory_space<hbm>>
          %dma_start3A_367 = tpu.memref_slice %arg4[%mul3A_350] : memref<819200xi32, #tpu.memory_space<hbm>> -> memref<400xi32, #tpu.memory_space<hbm>>
          tpu.enqueue_dma source(%dma_start3A_367 : memref<400xi32, #tpu.memory_space<hbm>>) target(%arg9 : memref<400xi32, #tpu.memory_space<vmem>>) target_semaphore(%arg21 : memref<!tpu.dma_semaphore, #tpu.memory_space<semaphore_mem>>)
        } else {
        }
      } else {
      }
      %add3A_230 = arith.constant 2 : i32
      %add3A_231 = arith.addi %add3A_219, %add3A_230 : i32
      %lt3A_232 = arith.constant 192 : i32
      %lt3A_233 = arith.cmpi slt, %add3A_231, %lt3A_232 : i32
      %convert_element_type3A_234 = arith.extui %lt3A_233 : i1 to i32
      %cond3A_235 = arith.constant 0 : i32
      %cond3A_236 = arith.cmpi ne, %convert_element_type3A_234, %cond3A_235 : i32
      scf.if %cond3A_236 {
        %dma_wait3A_302 = arith.constant 0 : i32
        %dma_wait3A_303 = tpu.memref_slice %arg2[%dma_wait3A_302] : memref<819200xi32, #tpu.memory_space<hbm>> -> memref<400xi32, #tpu.memory_space<hbm>>
        %dma_wait3A_304 = arith.constant 0 : i32
        %dma_wait3A_305 = tpu.memref_slice %arg2[%dma_wait3A_304] : memref<819200xi32, #tpu.memory_space<hbm>> -> memref<400xi32, #tpu.memory_space<hbm>>
        tpu.wait_dma2 semaphore(%arg20 : memref<!tpu.dma_semaphore, #tpu.memory_space<semaphore_mem>>) src(%dma_wait3A_305 : memref<400xi32, #tpu.memory_space<hbm>>) dst(%arg8 : memref<400xi32, #tpu.memory_space<vmem>>)
        %dma_start3A_306 = arith.constant 0 : i32
        %dma_start3A_307 = arith.constant 0 : i32
        %dma_start3A_308 = tpu.memref_slice %arg5[%dma_start3A_306, %dma_start3A_307] : memref<1000000x64xf32, #tpu.memory_space<hbm>> -> memref<1000000x64xf32, #tpu.memory_space<hbm>>
        tpu.enqueue_indirect_dma source(%dma_start3A_308 : memref<1000000x64xf32, #tpu.memory_space<hbm>>) target(%arg11 : memref<400x64xf32, #tpu.memory_space<vmem>>) offsets(%arg8 : memref<400xi32, #tpu.memory_space<vmem>>) semaphore(%arg17 : memref<!tpu.dma_semaphore, #tpu.memory_space<semaphore_mem>>)
      } else {
      }
      %ge3A_237 = arith.constant 3 : i32
      %ge3A_238 = arith.cmpi sge, %add3A_219, %ge3A_237 : i32
      %convert_element_type3A_239 = arith.extui %ge3A_238 : i1 to i32
      %cond3A_240 = arith.constant 0 : i32
      %cond3A_241 = arith.cmpi ne, %convert_element_type3A_239, %cond3A_240 : i32
      scf.if %cond3A_241 {
        %sub3A_302 = arith.constant 3 : i32
        %sub3A_303 = arith.subi %add3A_219, %sub3A_302 : i32
        %jit3A_304 = arith.constant 64 : i32
        %div3A_305 = arith.divsi %sub3A_303, %jit3A_304 : i32
        %sign3A_306 = arith.constant 0 : i32
        %sign3A_307 = arith.cmpi sgt, %sub3A_303, %sign3A_306 : i32
        %sign3A_308 = arith.extui %sign3A_307 : i1 to i32
        %sign3A_309 = arith.constant 0 : i32
        %sign3A_310 = arith.cmpi slt, %sub3A_303, %sign3A_309 : i32
        %sign3A_311 = arith.extui %sign3A_310 : i1 to i32
        %sign3A_312 = arith.subi %sign3A_308, %sign3A_311 : i32
        %sign3A_313 = arith.constant 0 : i32
        %sign3A_314 = arith.cmpi sgt, %jit3A_304, %sign3A_313 : i32
        %sign3A_315 = arith.extui %sign3A_314 : i1 to i32
        %sign3A_316 = arith.constant 0 : i32
        %sign3A_317 = arith.cmpi slt, %jit3A_304, %sign3A_316 : i32
        %sign3A_318 = arith.extui %sign3A_317 : i1 to i32
        %sign3A_319 = arith.subi %sign3A_315, %sign3A_318 : i32
        %ne3A_320 = arith.cmpi ne, %sign3A_312, %sign3A_319 : i32
        %rem3A_321 = arith.remsi %sub3A_303, %jit3A_304 : i32
        %ne3A_322 = arith.constant 0 : i32
        %ne3A_323 = arith.cmpi ne, %rem3A_321, %ne3A_322 : i32
        %and3A_324 = arith.andi %ne3A_320, %ne3A_323 : i1
        %sub3A_325 = arith.constant 1 : i32
        %sub3A_326 = arith.subi %div3A_305, %sub3A_325 : i32
        %select_n3A_327 = arith.select %and3A_324, %sub3A_326, %div3A_305 : i32
        %mul3A_328 = arith.constant 16384 : i32
        %mul3A_329 = arith.muli %select_n3A_327, %mul3A_328 : i32
        %mul3A_330 = arith.constant 512 : i32
        %mul3A_331 = arith.muli %add3A, %mul3A_330 : i32
        %add3A_332 = arith.addi %mul3A_329, %mul3A_331 : i32
        %jit3A_333 = arith.constant 64 : i32
        %eq3A_334 = arith.constant 0 : i32
        %eq3A_335 = arith.cmpi eq, %jit3A_333, %eq3A_334 : i32
        %jit3A_336 = arith.constant 1 : i32
        %select_n3A_337 = arith.select %eq3A_335, %jit3A_336, %jit3A_333 : i32
        %rem3A_338 = arith.remsi %sub3A_303, %select_n3A_337 : i32
        %ne3A_339 = arith.constant 0 : i32
        %ne3A_340 = arith.cmpi ne, %rem3A_338, %ne3A_339 : i32
        %lt3A_341 = arith.constant 0 : i32
        %lt3A_342 = arith.cmpi slt, %rem3A_338, %lt3A_341 : i32
        %lt3A_343 = arith.constant 0 : i32
        %lt3A_344 = arith.cmpi slt, %select_n3A_337, %lt3A_343 : i32
        %ne3A_345 = arith.xori %lt3A_342, %lt3A_344 : i1
        %and3A_346 = arith.andi %ne3A_345, %ne3A_340 : i1
        %add3A_347 = arith.addi %rem3A_338, %select_n3A_337 : i32
        %select_n3A_348 = arith.select %and3A_346, %add3A_347, %rem3A_338 : i32
        %mul3A_349 = arith.constant 8 : i32
        %mul3A_350 = arith.muli %select_n3A_348, %mul3A_349 : i32
        %add3A_351 = arith.addi %add3A_332, %mul3A_350 : i32
        %dma_wait3A_352 = arith.constant 0 : i32
        %dma_wait3A_353 = tpu.memref_slice %arg6[%add3A_351, %dma_wait3A_352] : memref<49152x64xf32, #tpu.memory_space<hbm>> -> memref<8x64xf32, #tpu.memory_space<hbm>>
        %dma_wait3A_354 = arith.constant 0 : i32
        %dma_wait3A_355 = tpu.memref_slice %arg6[%add3A_351, %dma_wait3A_354] : memref<49152x64xf32, #tpu.memory_space<hbm>> -> memref<8x64xf32, #tpu.memory_space<hbm>>
        tpu.wait_dma2 semaphore(%arg24 : memref<!tpu.dma_semaphore, #tpu.memory_space<semaphore_mem>>) src(%arg15 : memref<8x64xf32, #tpu.memory_space<vmem>>) dst(%dma_wait3A_355 : memref<8x64xf32, #tpu.memory_space<hbm>>)
      } else {
      }
      %scan3A_242 = arith.constant 0 : i32
      %scan3A_243 = arith.constant 0 : i32
      %scan3A_244 = arith.constant 8 : i32
      %scan3A_245 = arith.addi %scan3A_243, %scan3A_244 : i32
      %scan3A_246 = arith.constant 1 : i32
      %scan3A_247 = scf.for %scan3A_302 = %scan3A_243 to %scan3A_245 step %scan3A_246 iter_args(%scan3A_303 = %scan3A_242) -> (i32)  : i32 {
        %mul3A_304 = arith.constant 50 : i32
        %mul3A_305 = arith.muli %scan3A_302, %mul3A_304 : i32
        %get3A = arith.index_cast %mul3A_305 : i32 to index
        %get3A_306 = arith.constant 0 : index
        %get3A_307 = tpu.vector_load %arg12[%get3A, %get3A_306] {strides = array<i32>} : memref<400x64xf32, #tpu.memory_space<vmem>>, vector<1x16xf32>,
        %get3A_308 = vector.shape_cast %get3A_307 : vector<1x16xf32> to vector<16xf32>
        %get3A_309 = arith.index_cast %mul3A_305 : i32 to index
        %get3A_310 = arith.constant 16 : index
        %get3A_311 = tpu.vector_load %arg12[%get3A_309, %get3A_310] {strides = array<i32>} : memref<400x64xf32, #tpu.memory_space<vmem>>, vector<1x16xf32>,
        %get3A_312 = vector.shape_cast %get3A_311 : vector<1x16xf32> to vector<16xf32>
        %get3A_313 = arith.index_cast %mul3A_305 : i32 to index
        %get3A_314 = arith.constant 32 : index
        %get3A_315 = tpu.vector_load %arg12[%get3A_313, %get3A_314] {strides = array<i32>} : memref<400x64xf32, #tpu.memory_space<vmem>>, vector<1x16xf32>,
        %get3A_316 = vector.shape_cast %get3A_315 : vector<1x16xf32> to vector<16xf32>
        %get3A_317 = arith.index_cast %mul3A_305 : i32 to index
        %get3A_318 = arith.constant 48 : index
        %get3A_319 = tpu.vector_load %arg12[%get3A_317, %get3A_318] {strides = array<i32>} : memref<400x64xf32, #tpu.memory_space<vmem>>, vector<1x16xf32>,
        %get3A_320 = vector.shape_cast %get3A_319 : vector<1x16xf32> to vector<16xf32>
        %add3A_321 = arith.constant 1 : i32
        %add3A_322 = arith.addi %mul3A_305, %add3A_321 : i32
        %get3A_323 = arith.index_cast %add3A_322 : i32 to index
        %get3A_324 = arith.constant 0 : index
        %get3A_325 = tpu.vector_load %arg12[%get3A_323, %get3A_324] {strides = array<i32>} : memref<400x64xf32, #tpu.memory_space<vmem>>, vector<1x16xf32>,
        %get3A_326 = vector.shape_cast %get3A_325 : vector<1x16xf32> to vector<16xf32>
        %add3A_327 = arith.constant 1 : i32
        %add3A_328 = arith.addi %mul3A_305, %add3A_327 : i32
        %get3A_329 = arith.index_cast %add3A_328 : i32 to index
        %get3A_330 = arith.constant 16 : index
        %get3A_331 = tpu.vector_load %arg12[%get3A_329, %get3A_330] {strides = array<i32>} : memref<400x64xf32, #tpu.memory_space<vmem>>, vector<1x16xf32>,
        %get3A_332 = vector.shape_cast %get3A_331 : vector<1x16xf32> to vector<16xf32>
        %add3A_333 = arith.constant 1 : i32
        %add3A_334 = arith.addi %mul3A_305, %add3A_333 : i32
        %get3A_335 = arith.index_cast %add3A_334 : i32 to index
        %get3A_336 = arith.constant 32 : index
        %get3A_337 = tpu.vector_load %arg12[%get3A_335, %get3A_336] {strides = array<i32>} : memref<400x64xf32, #tpu.memory_space<vmem>>, vector<1x16xf32>,
        %get3A_338 = vector.shape_cast %get3A_337 : vector<1x16xf32> to vector<16xf32>
        %add3A_339 = arith.constant 1 : i32
        %add3A_340 = arith.addi %mul3A_305, %add3A_339 : i32
        %get3A_341 = arith.index_cast %add3A_340 : i32 to index
        %get3A_342 = arith.constant 48 : index
        %get3A_343 = tpu.vector_load %arg12[%get3A_341, %get3A_342] {strides = array<i32>} : memref<400x64xf32, #tpu.memory_space<vmem>>, vector<1x16xf32>,
        %get3A_344 = vector.shape_cast %get3A_343 : vector<1x16xf32> to vector<16xf32>
        %add3A_345 = arith.constant 2 : i32
        %add3A_346 = arith.addi %mul3A_305, %add3A_345 : i32
        %get3A_347 = arith.index_cast %add3A_346 : i32 to index
        %get3A_348 = arith.constant 0 : index
        %get3A_349 = tpu.vector_load %arg12[%get3A_347, %get3A_348] {strides = array<i32>} : memref<400x64xf32, #tpu.memory_space<vmem>>, vector<1x16xf32>,
        %get3A_350 = vector.shape_cast %get3A_349 : vector<1x16xf32> to vector<16xf32>
        %add3A_351 = arith.addf %get3A_308, %get3A_350 : vector<16xf32>
        %add3A_352 = arith.constant 2 : i32
        %add3A_353 = arith.addi %mul3A_305, %add3A_352 : i32
        %get3A_354 = arith.index_cast %add3A_353 : i32 to index
        %get3A_355 = arith.constant 16 : index
        %get3A_356 = tpu.vector_load %arg12[%get3A_354, %get3A_355] {strides = array<i32>} : memref<400x64xf32, #tpu.memory_space<vmem>>, vector<1x16xf32>,
        %get3A_357 = vector.shape_cast %get3A_356 : vector<1x16xf32> to vector<16xf32>
        %add3A_358 = arith.addf %get3A_312, %get3A_357 : vector<16xf32>
        %add3A_359 = arith.constant 2 : i32
        %add3A_360 = arith.addi %mul3A_305, %add3A_359 : i32
        %get3A_361 = arith.index_cast %add3A_360 : i32 to index
        %get3A_362 = arith.constant 32 : index
        %get3A_363 = tpu.vector_load %arg12[%get3A_361, %get3A_362] {strides = array<i32>} : memref<400x64xf32, #tpu.memory_space<vmem>>, vector<1x16xf32>,
        %get3A_364 = vector.shape_cast %get3A_363 : vector<1x16xf32> to vector<16xf32>
        %add3A_365 = arith.addf %get3A_316, %get3A_364 : vector<16xf32>
        %add3A_366 = arith.constant 2 : i32
        %add3A_367 = arith.addi %mul3A_305, %add3A_366 : i32
        %get3A_368 = arith.index_cast %add3A_367 : i32 to index
        %get3A_369 = arith.constant 48 : index
        %get3A_370 = tpu.vector_load %arg12[%get3A_368, %get3A_369] {strides = array<i32>} : memref<400x64xf32, #tpu.memory_space<vmem>>, vector<1x16xf32>,
        %get3A_371 = vector.shape_cast %get3A_370 : vector<1x16xf32> to vector<16xf32>
        %add3A_372 = arith.addf %get3A_320, %get3A_371 : vector<16xf32>
        %add3A_373 = arith.constant 4 : i32
        %add3A_374 = arith.addi %mul3A_305, %add3A_373 : i32
        %get3A_375 = arith.index_cast %add3A_374 : i32 to index
        %get3A_376 = arith.constant 0 : index
        %get3A_377 = tpu.vector_load %arg12[%get3A_375, %get3A_376] {strides = array<i32>} : memref<400x64xf32, #tpu.memory_space<vmem>>, vector<1x16xf32>,
        %get3A_378 = vector.shape_cast %get3A_377 : vector<1x16xf32> to vector<16xf32>
        %add3A_379 = arith.addf %add3A_351, %get3A_378 : vector<16xf32>
        %add3A_380 = arith.constant 4 : i32
        %add3A_381 = arith.addi %mul3A_305, %add3A_380 : i32
        %get3A_382 = arith.index_cast %add3A_381 : i32 to index
        %get3A_383 = arith.constant 16 : index
        %get3A_384 = tpu.vector_load %arg12[%get3A_382, %get3A_383] {strides = array<i32>} : memref<400x64xf32, #tpu.memory_space<vmem>>, vector<1x16xf32>,
        %get3A_385 = vector.shape_cast %get3A_384 : vector<1x16xf32> to vector<16xf32>
        %add3A_386 = arith.addf %add3A_358, %get3A_385 : vector<16xf32>
        %add3A_387 = arith.constant 4 : i32
        %add3A_388 = arith.addi %mul3A_305, %add3A_387 : i32
        %get3A_389 = arith.index_cast %add3A_388 : i32 to index
        %get3A_390 = arith.constant 32 : index
        %get3A_391 = tpu.vector_load %arg12[%get3A_389, %get3A_390] {strides = array<i32>} : memref<400x64xf32, #tpu.memory_space<vmem>>, vector<1x16xf32>,
        %get3A_392 = vector.shape_cast %get3A_391 : vector<1x16xf32> to vector<16xf32>
        %add3A_393 = arith.addf %add3A_365, %get3A_392 : vector<16xf32>
        %add3A_394 = arith.constant 4 : i32
        %add3A_395 = arith.addi %mul3A_305, %add3A_394 : i32
        %get3A_396 = arith.index_cast %add3A_395 : i32 to index
        %get3A_397 = arith.constant 48 : index
        %get3A_398 = tpu.vector_load %arg12[%get3A_396, %get3A_397] {strides = array<i32>} : memref<400x64xf32, #tpu.memory_space<vmem>>, vector<1x16xf32>,
        %get3A_399 = vector.shape_cast %get3A_398 : vector<1x16xf32> to vector<16xf32>
        %add3A_400 = arith.addf %add3A_372, %get3A_399 : vector<16xf32>
        %add3A_401 = arith.constant 6 : i32
        %add3A_402 = arith.addi %mul3A_305, %add3A_401 : i32
        %get3A_403 = arith.index_cast %add3A_402 : i32 to index
        %get3A_404 = arith.constant 0 : index
        %get3A_405 = tpu.vector_load %arg12[%get3A_403, %get3A_404] {strides = array<i32>} : memref<400x64xf32, #tpu.memory_space<vmem>>, vector<1x16xf32>,
        %get3A_406 = vector.shape_cast %get3A_405 : vector<1x16xf32> to vector<16xf32>
        %add3A_407 = arith.addf %add3A_379, %get3A_406 : vector<16xf32>
        %add3A_408 = arith.constant 6 : i32
        %add3A_409 = arith.addi %mul3A_305, %add3A_408 : i32
        %get3A_410 = arith.index_cast %add3A_409 : i32 to index
        %get3A_411 = arith.constant 16 : index
        %get3A_412 = tpu.vector_load %arg12[%get3A_410, %get3A_411] {strides = array<i32>} : memref<400x64xf32, #tpu.memory_space<vmem>>, vector<1x16xf32>,
        %get3A_413 = vector.shape_cast %get3A_412 : vector<1x16xf32> to vector<16xf32>
        %add3A_414 = arith.addf %add3A_386, %get3A_413 : vector<16xf32>
        %add3A_415 = arith.constant 6 : i32
        %add3A_416 = arith.addi %mul3A_305, %add3A_415 : i32
        %get3A_417 = arith.index_cast %add3A_416 : i32 to index
        %get3A_418 = arith.constant 32 : index
        %get3A_419 = tpu.vector_load %arg12[%get3A_417, %get3A_418] {strides = array<i32>} : memref<400x64xf32, #tpu.memory_space<vmem>>, vector<1x16xf32>,
        %get3A_420 = vector.shape_cast %get3A_419 : vector<1x16xf32> to vector<16xf32>
        %add3A_421 = arith.addf %add3A_393, %get3A_420 : vector<16xf32>
        %add3A_422 = arith.constant 6 : i32
        %add3A_423 = arith.addi %mul3A_305, %add3A_422 : i32
        %get3A_424 = arith.index_cast %add3A_423 : i32 to index
        %get3A_425 = arith.constant 48 : index
        %get3A_426 = tpu.vector_load %arg12[%get3A_424, %get3A_425] {strides = array<i32>} : memref<400x64xf32, #tpu.memory_space<vmem>>, vector<1x16xf32>,
        %get3A_427 = vector.shape_cast %get3A_426 : vector<1x16xf32> to vector<16xf32>
        %add3A_428 = arith.addf %add3A_400, %get3A_427 : vector<16xf32>
        %add3A_429 = arith.constant 8 : i32
        %add3A_430 = arith.addi %mul3A_305, %add3A_429 : i32
        %get3A_431 = arith.index_cast %add3A_430 : i32 to index
        %get3A_432 = arith.constant 0 : index
        %get3A_433 = tpu.vector_load %arg12[%get3A_431, %get3A_432] {strides = array<i32>} : memref<400x64xf32, #tpu.memory_space<vmem>>, vector<1x16xf32>,
        %get3A_434 = vector.shape_cast %get3A_433 : vector<1x16xf32> to vector<16xf32>
        %add3A_435 = arith.addf %add3A_407, %get3A_434 : vector<16xf32>
        %add3A_436 = arith.constant 8 : i32
        %add3A_437 = arith.addi %mul3A_305, %add3A_436 : i32
        %get3A_438 = arith.index_cast %add3A_437 : i32 to index
        %get3A_439 = arith.constant 16 : index
        %get3A_440 = tpu.vector_load %arg12[%get3A_438, %get3A_439] {strides = array<i32>} : memref<400x64xf32, #tpu.memory_space<vmem>>, vector<1x16xf32>,
        %get3A_441 = vector.shape_cast %get3A_440 : vector<1x16xf32> to vector<16xf32>
        %add3A_442 = arith.addf %add3A_414, %get3A_441 : vector<16xf32>
        %add3A_443 = arith.constant 8 : i32
        %add3A_444 = arith.addi %mul3A_305, %add3A_443 : i32
        %get3A_445 = arith.index_cast %add3A_444 : i32 to index
        %get3A_446 = arith.constant 32 : index
        %get3A_447 = tpu.vector_load %arg12[%get3A_445, %get3A_446] {strides = array<i32>} : memref<400x64xf32, #tpu.memory_space<vmem>>, vector<1x16xf32>,
        %get3A_448 = vector.shape_cast %get3A_447 : vector<1x16xf32> to vector<16xf32>
        %add3A_449 = arith.addf %add3A_421, %get3A_448 : vector<16xf32>
        %add3A_450 = arith.constant 8 : i32
        %add3A_451 = arith.addi %mul3A_305, %add3A_450 : i32
        %get3A_452 = arith.index_cast %add3A_451 : i32 to index
        %get3A_453 = arith.constant 48 : index
        %get3A_454 = tpu.vector_load %arg12[%get3A_452, %get3A_453] {strides = array<i32>} : memref<400x64xf32, #tpu.memory_space<vmem>>, vector<1x16xf32>,
        %get3A_455 = vector.shape_cast %get3A_454 : vector<1x16xf32> to vector<16xf32>
        %add3A_456 = arith.addf %add3A_428, %get3A_455 : vector<16xf32>
        %add3A_457 = arith.constant 10 : i32
        %add3A_458 = arith.addi %mul3A_305, %add3A_457 : i32
        %get3A_459 = arith.index_cast %add3A_458 : i32 to index
        %get3A_460 = arith.constant 0 : index
        %get3A_461 = tpu.vector_load %arg12[%get3A_459, %get3A_460] {strides = array<i32>} : memref<400x64xf32, #tpu.memory_space<vmem>>, vector<1x16xf32>,
        %get3A_462 = vector.shape_cast %get3A_461 : vector<1x16xf32> to vector<16xf32>
        %add3A_463 = arith.addf %add3A_435, %get3A_462 : vector<16xf32>
        %add3A_464 = arith.constant 10 : i32
        %add3A_465 = arith.addi %mul3A_305, %add3A_464 : i32
        %get3A_466 = arith.index_cast %add3A_465 : i32 to index
        %get3A_467 = arith.constant 16 : index
        %get3A_468 = tpu.vector_load %arg12[%get3A_466, %get3A_467] {strides = array<i32>} : memref<400x64xf32, #tpu.memory_space<vmem>>, vector<1x16xf32>,
        %get3A_469 = vector.shape_cast %get3A_468 : vector<1x16xf32> to vector<16xf32>
        %add3A_470 = arith.addf %add3A_442, %get3A_469 : vector<16xf32>
        %add3A_471 = arith.constant 10 : i32
        %add3A_472 = arith.addi %mul3A_305, %add3A_471 : i32
        %get3A_473 = arith.index_cast %add3A_472 : i32 to index
        %get3A_474 = arith.constant 32 : index
        %get3A_475 = tpu.vector_load %arg12[%get3A_473, %get3A_474] {strides = array<i32>} : memref<400x64xf32, #tpu.memory_space<vmem>>, vector<1x16xf32>,
        %get3A_476 = vector.shape_cast %get3A_475 : vector<1x16xf32> to vector<16xf32>
        %add3A_477 = arith.addf %add3A_449, %get3A_476 : vector<16xf32>
        %add3A_478 = arith.constant 10 : i32
        %add3A_479 = arith.addi %mul3A_305, %add3A_478 : i32
        %get3A_480 = arith.index_cast %add3A_479 : i32 to index
        %get3A_481 = arith.constant 48 : index
        %get3A_482 = tpu.vector_load %arg12[%get3A_480, %get3A_481] {strides = array<i32>} : memref<400x64xf32, #tpu.memory_space<vmem>>, vector<1x16xf32>,
        %get3A_483 = vector.shape_cast %get3A_482 : vector<1x16xf32> to vector<16xf32>
        %add3A_484 = arith.addf %add3A_456, %get3A_483 : vector<16xf32>
        %add3A_485 = arith.constant 12 : i32
        %add3A_486 = arith.addi %mul3A_305, %add3A_485 : i32
        %get3A_487 = arith.index_cast %add3A_486 : i32 to index
        %get3A_488 = arith.constant 0 : index
        %get3A_489 = tpu.vector_load %arg12[%get3A_487, %get3A_488] {strides = array<i32>} : memref<400x64xf32, #tpu.memory_space<vmem>>, vector<1x16xf32>,
        %get3A_490 = vector.shape_cast %get3A_489 : vector<1x16xf32> to vector<16xf32>
        %add3A_491 = arith.addf %add3A_463, %get3A_490 : vector<16xf32>
        %add3A_492 = arith.constant 12 : i32
        %add3A_493 = arith.addi %mul3A_305, %add3A_492 : i32
        %get3A_494 = arith.index_cast %add3A_493 : i32 to index
        %get3A_495 = arith.constant 16 : index
        %get3A_496 = tpu.vector_load %arg12[%get3A_494, %get3A_495] {strides = array<i32>} : memref<400x64xf32, #tpu.memory_space<vmem>>, vector<1x16xf32>,
        %get3A_497 = vector.shape_cast %get3A_496 : vector<1x16xf32> to vector<16xf32>
        %add3A_498 = arith.addf %add3A_470, %get3A_497 : vector<16xf32>
        %add3A_499 = arith.constant 12 : i32
        %add3A_500 = arith.addi %mul3A_305, %add3A_499 : i32
        %get3A_501 = arith.index_cast %add3A_500 : i32 to index
        %get3A_502 = arith.constant 32 : index
        %get3A_503 = tpu.vector_load %arg12[%get3A_501, %get3A_502] {strides = array<i32>} : memref<400x64xf32, #tpu.memory_space<vmem>>, vector<1x16xf32>,
        %get3A_504 = vector.shape_cast %get3A_503 : vector<1x16xf32> to vector<16xf32>
        %add3A_505 = arith.addf %add3A_477, %get3A_504 : vector<16xf32>
        %add3A_506 = arith.constant 12 : i32
        %add3A_507 = arith.addi %mul3A_305, %add3A_506 : i32
        %get3A_508 = arith.index_cast %add3A_507 : i32 to index
        %get3A_509 = arith.constant 48 : index
        %get3A_510 = tpu.vector_load %arg12[%get3A_508, %get3A_509] {strides = array<i32>} : memref<400x64xf32, #tpu.memory_space<vmem>>, vector<1x16xf32>,
        %get3A_511 = vector.shape_cast %get3A_510 : vector<1x16xf32> to vector<16xf32>
        %add3A_512 = arith.addf %add3A_484, %get3A_511 : vector<16xf32>
        %add3A_513 = arith.constant 14 : i32
        %add3A_514 = arith.addi %mul3A_305, %add3A_513 : i32
        %get3A_515 = arith.index_cast %add3A_514 : i32 to index
        %get3A_516 = arith.constant 0 : index
        %get3A_517 = tpu.vector_load %arg12[%get3A_515, %get3A_516] {strides = array<i32>} : memref<400x64xf32, #tpu.memory_space<vmem>>, vector<1x16xf32>,
        %get3A_518 = vector.shape_cast %get3A_517 : vector<1x16xf32> to vector<16xf32>
        %add3A_519 = arith.addf %add3A_491, %get3A_518 : vector<16xf32>
        %add3A_520 = arith.constant 14 : i32
        %add3A_521 = arith.addi %mul3A_305, %add3A_520 : i32
        %get3A_522 = arith.index_cast %add3A_521 : i32 to index
        %get3A_523 = arith.constant 16 : index
        %get3A_524 = tpu.vector_load %arg12[%get3A_522, %get3A_523] {strides = array<i32>} : memref<400x64xf32, #tpu.memory_space<vmem>>, vector<1x16xf32>,
        %get3A_525 = vector.shape_cast %get3A_524 : vector<1x16xf32> to vector<16xf32>
        %add3A_526 = arith.addf %add3A_498, %get3A_525 : vector<16xf32>
        %add3A_527 = arith.constant 14 : i32
        %add3A_528 = arith.addi %mul3A_305, %add3A_527 : i32
        %get3A_529 = arith.index_cast %add3A_528 : i32 to index
        %get3A_530 = arith.constant 32 : index
        %get3A_531 = tpu.vector_load %arg12[%get3A_529, %get3A_530] {strides = array<i32>} : memref<400x64xf32, #tpu.memory_space<vmem>>, vector<1x16xf32>,
        %get3A_532 = vector.shape_cast %get3A_531 : vector<1x16xf32> to vector<16xf32>
        %add3A_533 = arith.addf %add3A_505, %get3A_532 : vector<16xf32>
        %add3A_534 = arith.constant 14 : i32
        %add3A_535 = arith.addi %mul3A_305, %add3A_534 : i32
        %get3A_536 = arith.index_cast %add3A_535 : i32 to index
        %get3A_537 = arith.constant 48 : index
        %get3A_538 = tpu.vector_load %arg12[%get3A_536, %get3A_537] {strides = array<i32>} : memref<400x64xf32, #tpu.memory_space<vmem>>, vector<1x16xf32>,
        %get3A_539 = vector.shape_cast %get3A_538 : vector<1x16xf32> to vector<16xf32>
        %add3A_540 = arith.addf %add3A_512, %get3A_539 : vector<16xf32>
        %add3A_541 = arith.constant 16 : i32
        %add3A_542 = arith.addi %mul3A_305, %add3A_541 : i32
        %get3A_543 = arith.index_cast %add3A_542 : i32 to index
        %get3A_544 = arith.constant 0 : index
        %get3A_545 = tpu.vector_load %arg12[%get3A_543, %get3A_544] {strides = array<i32>} : memref<400x64xf32, #tpu.memory_space<vmem>>, vector<1x16xf32>,
        %get3A_546 = vector.shape_cast %get3A_545 : vector<1x16xf32> to vector<16xf32>
        %add3A_547 = arith.addf %add3A_519, %get3A_546 : vector<16xf32>
        %add3A_548 = arith.constant 16 : i32
        %add3A_549 = arith.addi %mul3A_305, %add3A_548 : i32
        %get3A_550 = arith.index_cast %add3A_549 : i32 to index
        %get3A_551 = arith.constant 16 : index
        %get3A_552 = tpu.vector_load %arg12[%get3A_550, %get3A_551] {strides = array<i32>} : memref<400x64xf32, #tpu.memory_space<vmem>>, vector<1x16xf32>,
        %get3A_553 = vector.shape_cast %get3A_552 : vector<1x16xf32> to vector<16xf32>
        %add3A_554 = arith.addf %add3A_526, %get3A_553 : vector<16xf32>
        %add3A_555 = arith.constant 16 : i32
        %add3A_556 = arith.addi %mul3A_305, %add3A_555 : i32
        %get3A_557 = arith.index_cast %add3A_556 : i32 to index
        %get3A_558 = arith.constant 32 : index
        %get3A_559 = tpu.vector_load %arg12[%get3A_557, %get3A_558] {strides = array<i32>} : memref<400x64xf32, #tpu.memory_space<vmem>>, vector<1x16xf32>,
        %get3A_560 = vector.shape_cast %get3A_559 : vector<1x16xf32> to vector<16xf32>
        %add3A_561 = arith.addf %add3A_533, %get3A_560 : vector<16xf32>
        %add3A_562 = arith.constant 16 : i32
        %add3A_563 = arith.addi %mul3A_305, %add3A_562 : i32
        %get3A_564 = arith.index_cast %add3A_563 : i32 to index
        %get3A_565 = arith.constant 48 : index
        %get3A_566 = tpu.vector_load %arg12[%get3A_564, %get3A_565] {strides = array<i32>} : memref<400x64xf32, #tpu.memory_space<vmem>>, vector<1x16xf32>,
        %get3A_567 = vector.shape_cast %get3A_566 : vector<1x16xf32> to vector<16xf32>
        %add3A_568 = arith.addf %add3A_540, %get3A_567 : vector<16xf32>
        %add3A_569 = arith.constant 18 : i32
        %add3A_570 = arith.addi %mul3A_305, %add3A_569 : i32
        %get3A_571 = arith.index_cast %add3A_570 : i32 to index
        %get3A_572 = arith.constant 0 : index
        %get3A_573 = tpu.vector_load %arg12[%get3A_571, %get3A_572] {strides = array<i32>} : memref<400x64xf32, #tpu.memory_space<vmem>>, vector<1x16xf32>,
        %get3A_574 = vector.shape_cast %get3A_573 : vector<1x16xf32> to vector<16xf32>
        %add3A_575 = arith.addf %add3A_547, %get3A_574 : vector<16xf32>
        %add3A_576 = arith.constant 18 : i32
        %add3A_577 = arith.addi %mul3A_305, %add3A_576 : i32
        %get3A_578 = arith.index_cast %add3A_577 : i32 to index
        %get3A_579 = arith.constant 16 : index
        %get3A_580 = tpu.vector_load %arg12[%get3A_578, %get3A_579] {strides = array<i32>} : memref<400x64xf32, #tpu.memory_space<vmem>>, vector<1x16xf32>,
        %get3A_581 = vector.shape_cast %get3A_580 : vector<1x16xf32> to vector<16xf32>
        %add3A_582 = arith.addf %add3A_554, %get3A_581 : vector<16xf32>
        %add3A_583 = arith.constant 18 : i32
        %add3A_584 = arith.addi %mul3A_305, %add3A_583 : i32
        %get3A_585 = arith.index_cast %add3A_584 : i32 to index
        %get3A_586 = arith.constant 32 : index
        %get3A_587 = tpu.vector_load %arg12[%get3A_585, %get3A_586] {strides = array<i32>} : memref<400x64xf32, #tpu.memory_space<vmem>>, vector<1x16xf32>,
        %get3A_588 = vector.shape_cast %get3A_587 : vector<1x16xf32> to vector<16xf32>
        %add3A_589 = arith.addf %add3A_561, %get3A_588 : vector<16xf32>
        %add3A_590 = arith.constant 18 : i32
        %add3A_591 = arith.addi %mul3A_305, %add3A_590 : i32
        %get3A_592 = arith.index_cast %add3A_591 : i32 to index
        %get3A_593 = arith.constant 48 : index
        %get3A_594 = tpu.vector_load %arg12[%get3A_592, %get3A_593] {strides = array<i32>} : memref<400x64xf32, #tpu.memory_space<vmem>>, vector<1x16xf32>,
        %get3A_595 = vector.shape_cast %get3A_594 : vector<1x16xf32> to vector<16xf32>
        %add3A_596 = arith.addf %add3A_568, %get3A_595 : vector<16xf32>
        %add3A_597 = arith.constant 20 : i32
        %add3A_598 = arith.addi %mul3A_305, %add3A_597 : i32
        %get3A_599 = arith.index_cast %add3A_598 : i32 to index
        %get3A_600 = arith.constant 0 : index
        %get3A_601 = tpu.vector_load %arg12[%get3A_599, %get3A_600] {strides = array<i32>} : memref<400x64xf32, #tpu.memory_space<vmem>>, vector<1x16xf32>,
        %get3A_602 = vector.shape_cast %get3A_601 : vector<1x16xf32> to vector<16xf32>
        %add3A_603 = arith.addf %add3A_575, %get3A_602 : vector<16xf32>
        %add3A_604 = arith.constant 20 : i32
        %add3A_605 = arith.addi %mul3A_305, %add3A_604 : i32
        %get3A_606 = arith.index_cast %add3A_605 : i32 to index
        %get3A_607 = arith.constant 16 : index
        %get3A_608 = tpu.vector_load %arg12[%get3A_606, %get3A_607] {strides = array<i32>} : memref<400x64xf32, #tpu.memory_space<vmem>>, vector<1x16xf32>,
        %get3A_609 = vector.shape_cast %get3A_608 : vector<1x16xf32> to vector<16xf32>
        %add3A_610 = arith.addf %add3A_582, %get3A_609 : vector<16xf32>
        %add3A_611 = arith.constant 20 : i32
        %add3A_612 = arith.addi %mul3A_305, %add3A_611 : i32
        %get3A_613 = arith.index_cast %add3A_612 : i32 to index
        %get3A_614 = arith.constant 32 : index
        %get3A_615 = tpu.vector_load %arg12[%get3A_613, %get3A_614] {strides = array<i32>} : memref<400x64xf32, #tpu.memory_space<vmem>>, vector<1x16xf32>,
        %get3A_616 = vector.shape_cast %get3A_615 : vector<1x16xf32> to vector<16xf32>
        %add3A_617 = arith.addf %add3A_589, %get3A_616 : vector<16xf32>
        %add3A_618 = arith.constant 20 : i32
        %add3A_619 = arith.addi %mul3A_305, %add3A_618 : i32
        %get3A_620 = arith.index_cast %add3A_619 : i32 to index
        %get3A_621 = arith.constant 48 : index
        %get3A_622 = tpu.vector_load %arg12[%get3A_620, %get3A_621] {strides = array<i32>} : memref<400x64xf32, #tpu.memory_space<vmem>>, vector<1x16xf32>,
        %get3A_623 = vector.shape_cast %get3A_622 : vector<1x16xf32> to vector<16xf32>
        %add3A_624 = arith.addf %add3A_596, %get3A_623 : vector<16xf32>
        %add3A_625 = arith.constant 22 : i32
        %add3A_626 = arith.addi %mul3A_305, %add3A_625 : i32
        %get3A_627 = arith.index_cast %add3A_626 : i32 to index
        %get3A_628 = arith.constant 0 : index
        %get3A_629 = tpu.vector_load %arg12[%get3A_627, %get3A_628] {strides = array<i32>} : memref<400x64xf32, #tpu.memory_space<vmem>>, vector<1x16xf32>,
        %get3A_630 = vector.shape_cast %get3A_629 : vector<1x16xf32> to vector<16xf32>
        %add3A_631 = arith.addf %add3A_603, %get3A_630 : vector<16xf32>
        %add3A_632 = arith.constant 22 : i32
        %add3A_633 = arith.addi %mul3A_305, %add3A_632 : i32
        %get3A_634 = arith.index_cast %add3A_633 : i32 to index
        %get3A_635 = arith.constant 16 : index
        %get3A_636 = tpu.vector_load %arg12[%get3A_634, %get3A_635] {strides = array<i32>} : memref<400x64xf32, #tpu.memory_space<vmem>>, vector<1x16xf32>,
        %get3A_637 = vector.shape_cast %get3A_636 : vector<1x16xf32> to vector<16xf32>
        %add3A_638 = arith.addf %add3A_610, %get3A_637 : vector<16xf32>
        %add3A_639 = arith.constant 22 : i32
        %add3A_640 = arith.addi %mul3A_305, %add3A_639 : i32
        %get3A_641 = arith.index_cast %add3A_640 : i32 to index
        %get3A_642 = arith.constant 32 : index
        %get3A_643 = tpu.vector_load %arg12[%get3A_641, %get3A_642] {strides = array<i32>} : memref<400x64xf32, #tpu.memory_space<vmem>>, vector<1x16xf32>,
        %get3A_644 = vector.shape_cast %get3A_643 : vector<1x16xf32> to vector<16xf32>
        %add3A_645 = arith.addf %add3A_617, %get3A_644 : vector<16xf32>
        %add3A_646 = arith.constant 22 : i32
        %add3A_647 = arith.addi %mul3A_305, %add3A_646 : i32
        %get3A_648 = arith.index_cast %add3A_647 : i32 to index
        %get3A_649 = arith.constant 48 : index
        %get3A_650 = tpu.vector_load %arg12[%get3A_648, %get3A_649] {strides = array<i32>} : memref<400x64xf32, #tpu.memory_space<vmem>>, vector<1x16xf32>,
        %get3A_651 = vector.shape_cast %get3A_650 : vector<1x16xf32> to vector<16xf32>
        %add3A_652 = arith.addf %add3A_624, %get3A_651 : vector<16xf32>
        %add3A_653 = arith.constant 24 : i32
        %add3A_654 = arith.addi %mul3A_305, %add3A_653 : i32
        %get3A_655 = arith.index_cast %add3A_654 : i32 to index
        %get3A_656 = arith.constant 0 : index
        %get3A_657 = tpu.vector_load %arg12[%get3A_655, %get3A_656] {strides = array<i32>} : memref<400x64xf32, #tpu.memory_space<vmem>>, vector<1x16xf32>,
        %get3A_658 = vector.shape_cast %get3A_657 : vector<1x16xf32> to vector<16xf32>
        %add3A_659 = arith.addf %add3A_631, %get3A_658 : vector<16xf32>
        %add3A_660 = arith.constant 24 : i32
        %add3A_661 = arith.addi %mul3A_305, %add3A_660 : i32
        %get3A_662 = arith.index_cast %add3A_661 : i32 to index
        %get3A_663 = arith.constant 16 : index
        %get3A_664 = tpu.vector_load %arg12[%get3A_662, %get3A_663] {strides = array<i32>} : memref<400x64xf32, #tpu.memory_space<vmem>>, vector<1x16xf32>,
        %get3A_665 = vector.shape_cast %get3A_664 : vector<1x16xf32> to vector<16xf32>
        %add3A_666 = arith.addf %add3A_638, %get3A_665 : vector<16xf32>
        %add3A_667 = arith.constant 24 : i32
        %add3A_668 = arith.addi %mul3A_305, %add3A_667 : i32
        %get3A_669 = arith.index_cast %add3A_668 : i32 to index
        %get3A_670 = arith.constant 32 : index
        %get3A_671 = tpu.vector_load %arg12[%get3A_669, %get3A_670] {strides = array<i32>} : memref<400x64xf32, #tpu.memory_space<vmem>>, vector<1x16xf32>,
        %get3A_672 = vector.shape_cast %get3A_671 : vector<1x16xf32> to vector<16xf32>
        %add3A_673 = arith.addf %add3A_645, %get3A_672 : vector<16xf32>
        %add3A_674 = arith.constant 24 : i32
        %add3A_675 = arith.addi %mul3A_305, %add3A_674 : i32
        %get3A_676 = arith.index_cast %add3A_675 : i32 to index
        %get3A_677 = arith.constant 48 : index
        %get3A_678 = tpu.vector_load %arg12[%get3A_676, %get3A_677] {strides = array<i32>} : memref<400x64xf32, #tpu.memory_space<vmem>>, vector<1x16xf32>,
        %get3A_679 = vector.shape_cast %get3A_678 : vector<1x16xf32> to vector<16xf32>
        %add3A_680 = arith.addf %add3A_652, %get3A_679 : vector<16xf32>
        %add3A_681 = arith.constant 26 : i32
        %add3A_682 = arith.addi %mul3A_305, %add3A_681 : i32
        %get3A_683 = arith.index_cast %add3A_682 : i32 to index
        %get3A_684 = arith.constant 0 : index
        %get3A_685 = tpu.vector_load %arg12[%get3A_683, %get3A_684] {strides = array<i32>} : memref<400x64xf32, #tpu.memory_space<vmem>>, vector<1x16xf32>,
        %get3A_686 = vector.shape_cast %get3A_685 : vector<1x16xf32> to vector<16xf32>
        %add3A_687 = arith.addf %add3A_659, %get3A_686 : vector<16xf32>
        %add3A_688 = arith.constant 26 : i32
        %add3A_689 = arith.addi %mul3A_305, %add3A_688 : i32
        %get3A_690 = arith.index_cast %add3A_689 : i32 to index
        %get3A_691 = arith.constant 16 : index
        %get3A_692 = tpu.vector_load %arg12[%get3A_690, %get3A_691] {strides = array<i32>} : memref<400x64xf32, #tpu.memory_space<vmem>>, vector<1x16xf32>,
        %get3A_693 = vector.shape_cast %get3A_692 : vector<1x16xf32> to vector<16xf32>
        %add3A_694 = arith.addf %add3A_666, %get3A_693 : vector<16xf32>
        %add3A_695 = arith.constant 26 : i32
        %add3A_696 = arith.addi %mul3A_305, %add3A_695 : i32
        %get3A_697 = arith.index_cast %add3A_696 : i32 to index
        %get3A_698 = arith.constant 32 : index
        %get3A_699 = tpu.vector_load %arg12[%get3A_697, %get3A_698] {strides = array<i32>} : memref<400x64xf32, #tpu.memory_space<vmem>>, vector<1x16xf32>,
        %get3A_700 = vector.shape_cast %get3A_699 : vector<1x16xf32> to vector<16xf32>
        %add3A_701 = arith.addf %add3A_673, %get3A_700 : vector<16xf32>
        %add3A_702 = arith.constant 26 : i32
        %add3A_703 = arith.addi %mul3A_305, %add3A_702 : i32
        %get3A_704 = arith.index_cast %add3A_703 : i32 to index
        %get3A_705 = arith.constant 48 : index
        %get3A_706 = tpu.vector_load %arg12[%get3A_704, %get3A_705] {strides = array<i32>} : memref<400x64xf32, #tpu.memory_space<vmem>>, vector<1x16xf32>,
        %get3A_707 = vector.shape_cast %get3A_706 : vector<1x16xf32> to vector<16xf32>
        %add3A_708 = arith.addf %add3A_680, %get3A_707 : vector<16xf32>
        %add3A_709 = arith.constant 28 : i32
        %add3A_710 = arith.addi %mul3A_305, %add3A_709 : i32
        %get3A_711 = arith.index_cast %add3A_710 : i32 to index
        %get3A_712 = arith.constant 0 : index
        %get3A_713 = tpu.vector_load %arg12[%get3A_711, %get3A_712] {strides = array<i32>} : memref<400x64xf32, #tpu.memory_space<vmem>>, vector<1x16xf32>,
        %get3A_714 = vector.shape_cast %get3A_713 : vector<1x16xf32> to vector<16xf32>
        %add3A_715 = arith.addf %add3A_687, %get3A_714 : vector<16xf32>
        %add3A_716 = arith.constant 28 : i32
        %add3A_717 = arith.addi %mul3A_305, %add3A_716 : i32
        %get3A_718 = arith.index_cast %add3A_717 : i32 to index
        %get3A_719 = arith.constant 16 : index
        %get3A_720 = tpu.vector_load %arg12[%get3A_718, %get3A_719] {strides = array<i32>} : memref<400x64xf32, #tpu.memory_space<vmem>>, vector<1x16xf32>,
        %get3A_721 = vector.shape_cast %get3A_720 : vector<1x16xf32> to vector<16xf32>
        %add3A_722 = arith.addf %add3A_694, %get3A_721 : vector<16xf32>
        %add3A_723 = arith.constant 28 : i32
        %add3A_724 = arith.addi %mul3A_305, %add3A_723 : i32
        %get3A_725 = arith.index_cast %add3A_724 : i32 to index
        %get3A_726 = arith.constant 32 : index
        %get3A_727 = tpu.vector_load %arg12[%get3A_725, %get3A_726] {strides = array<i32>} : memref<400x64xf32, #tpu.memory_space<vmem>>, vector<1x16xf32>,
        %get3A_728 = vector.shape_cast %get3A_727 : vector<1x16xf32> to vector<16xf32>
        %add3A_729 = arith.addf %add3A_701, %get3A_728 : vector<16xf32>
        %add3A_730 = arith.constant 28 : i32
        %add3A_731 = arith.addi %mul3A_305, %add3A_730 : i32
        %get3A_732 = arith.index_cast %add3A_731 : i32 to index
        %get3A_733 = arith.constant 48 : index
        %get3A_734 = tpu.vector_load %arg12[%get3A_732, %get3A_733] {strides = array<i32>} : memref<400x64xf32, #tpu.memory_space<vmem>>, vector<1x16xf32>,
        %get3A_735 = vector.shape_cast %get3A_734 : vector<1x16xf32> to vector<16xf32>
        %add3A_736 = arith.addf %add3A_708, %get3A_735 : vector<16xf32>
        %add3A_737 = arith.constant 30 : i32
        %add3A_738 = arith.addi %mul3A_305, %add3A_737 : i32
        %get3A_739 = arith.index_cast %add3A_738 : i32 to index
        %get3A_740 = arith.constant 0 : index
        %get3A_741 = tpu.vector_load %arg12[%get3A_739, %get3A_740] {strides = array<i32>} : memref<400x64xf32, #tpu.memory_space<vmem>>, vector<1x16xf32>,
        %get3A_742 = vector.shape_cast %get3A_741 : vector<1x16xf32> to vector<16xf32>
        %add3A_743 = arith.addf %add3A_715, %get3A_742 : vector<16xf32>
        %add3A_744 = arith.constant 30 : i32
        %add3A_745 = arith.addi %mul3A_305, %add3A_744 : i32
        %get3A_746 = arith.index_cast %add3A_745 : i32 to index
        %get3A_747 = arith.constant 16 : index
        %get3A_748 = tpu.vector_load %arg12[%get3A_746, %get3A_747] {strides = array<i32>} : memref<400x64xf32, #tpu.memory_space<vmem>>, vector<1x16xf32>,
        %get3A_749 = vector.shape_cast %get3A_748 : vector<1x16xf32> to vector<16xf32>
        %add3A_750 = arith.addf %add3A_722, %get3A_749 : vector<16xf32>
        %add3A_751 = arith.constant 30 : i32
        %add3A_752 = arith.addi %mul3A_305, %add3A_751 : i32
        %get3A_753 = arith.index_cast %add3A_752 : i32 to index
        %get3A_754 = arith.constant 32 : index
        %get3A_755 = tpu.vector_load %arg12[%get3A_753, %get3A_754] {strides = array<i32>} : memref<400x64xf32, #tpu.memory_space<vmem>>, vector<1x16xf32>,
        %get3A_756 = vector.shape_cast %get3A_755 : vector<1x16xf32> to vector<16xf32>
        %add3A_757 = arith.addf %add3A_729, %get3A_756 : vector<16xf32>
        %add3A_758 = arith.constant 30 : i32
        %add3A_759 = arith.addi %mul3A_305, %add3A_758 : i32
        %get3A_760 = arith.index_cast %add3A_759 : i32 to index
        %get3A_761 = arith.constant 48 : index
        %get3A_762 = tpu.vector_load %arg12[%get3A_760, %get3A_761] {strides = array<i32>} : memref<400x64xf32, #tpu.memory_space<vmem>>, vector<1x16xf32>,
        %get3A_763 = vector.shape_cast %get3A_762 : vector<1x16xf32> to vector<16xf32>
        %add3A_764 = arith.addf %add3A_736, %get3A_763 : vector<16xf32>
        %add3A_765 = arith.constant 32 : i32
        %add3A_766 = arith.addi %mul3A_305, %add3A_765 : i32
        %get3A_767 = arith.index_cast %add3A_766 : i32 to index
        %get3A_768 = arith.constant 0 : index
        %get3A_769 = tpu.vector_load %arg12[%get3A_767, %get3A_768] {strides = array<i32>} : memref<400x64xf32, #tpu.memory_space<vmem>>, vector<1x16xf32>,
        %get3A_770 = vector.shape_cast %get3A_769 : vector<1x16xf32> to vector<16xf32>
        %add3A_771 = arith.addf %add3A_743, %get3A_770 : vector<16xf32>
        %add3A_772 = arith.constant 32 : i32
        %add3A_773 = arith.addi %mul3A_305, %add3A_772 : i32
        %get3A_774 = arith.index_cast %add3A_773 : i32 to index
        %get3A_775 = arith.constant 16 : index
        %get3A_776 = tpu.vector_load %arg12[%get3A_774, %get3A_775] {strides = array<i32>} : memref<400x64xf32, #tpu.memory_space<vmem>>, vector<1x16xf32>,
        %get3A_777 = vector.shape_cast %get3A_776 : vector<1x16xf32> to vector<16xf32>
        %add3A_778 = arith.addf %add3A_750, %get3A_777 : vector<16xf32>
        %add3A_779 = arith.constant 32 : i32
        %add3A_780 = arith.addi %mul3A_305, %add3A_779 : i32
        %get3A_781 = arith.index_cast %add3A_780 : i32 to index
        %get3A_782 = arith.constant 32 : index
        %get3A_783 = tpu.vector_load %arg12[%get3A_781, %get3A_782] {strides = array<i32>} : memref<400x64xf32, #tpu.memory_space<vmem>>, vector<1x16xf32>,
        %get3A_784 = vector.shape_cast %get3A_783 : vector<1x16xf32> to vector<16xf32>
        %add3A_785 = arith.addf %add3A_757, %get3A_784 : vector<16xf32>
        %add3A_786 = arith.constant 32 : i32
        %add3A_787 = arith.addi %mul3A_305, %add3A_786 : i32
        %get3A_788 = arith.index_cast %add3A_787 : i32 to index
        %get3A_789 = arith.constant 48 : index
        %get3A_790 = tpu.vector_load %arg12[%get3A_788, %get3A_789] {strides = array<i32>} : memref<400x64xf32, #tpu.memory_space<vmem>>, vector<1x16xf32>,
        %get3A_791 = vector.shape_cast %get3A_790 : vector<1x16xf32> to vector<16xf32>
        %add3A_792 = arith.addf %add3A_764, %get3A_791 : vector<16xf32>
        %add3A_793 = arith.constant 34 : i32
        %add3A_794 = arith.addi %mul3A_305, %add3A_793 : i32
        %get3A_795 = arith.index_cast %add3A_794 : i32 to index
        %get3A_796 = arith.constant 0 : index
        %get3A_797 = tpu.vector_load %arg12[%get3A_795, %get3A_796] {strides = array<i32>} : memref<400x64xf32, #tpu.memory_space<vmem>>, vector<1x16xf32>,
        %get3A_798 = vector.shape_cast %get3A_797 : vector<1x16xf32> to vector<16xf32>
        %add3A_799 = arith.addf %add3A_771, %get3A_798 : vector<16xf32>
        %add3A_800 = arith.constant 34 : i32
        %add3A_801 = arith.addi %mul3A_305, %add3A_800 : i32
        %get3A_802 = arith.index_cast %add3A_801 : i32 to index
        %get3A_803 = arith.constant 16 : index
        %get3A_804 = tpu.vector_load %arg12[%get3A_802, %get3A_803] {strides = array<i32>} : memref<400x64xf32, #tpu.memory_space<vmem>>, vector<1x16xf32>,
        %get3A_805 = vector.shape_cast %get3A_804 : vector<1x16xf32> to vector<16xf32>
        %add3A_806 = arith.addf %add3A_778, %get3A_805 : vector<16xf32>
        %add3A_807 = arith.constant 34 : i32
        %add3A_808 = arith.addi %mul3A_305, %add3A_807 : i32
        %get3A_809 = arith.index_cast %add3A_808 : i32 to index
        %get3A_810 = arith.constant 32 : index
        %get3A_811 = tpu.vector_load %arg12[%get3A_809, %get3A_810] {strides = array<i32>} : memref<400x64xf32, #tpu.memory_space<vmem>>, vector<1x16xf32>,
        %get3A_812 = vector.shape_cast %get3A_811 : vector<1x16xf32> to vector<16xf32>
        %add3A_813 = arith.addf %add3A_785, %get3A_812 : vector<16xf32>
        %add3A_814 = arith.constant 34 : i32
        %add3A_815 = arith.addi %mul3A_305, %add3A_814 : i32
        %get3A_816 = arith.index_cast %add3A_815 : i32 to index
        %get3A_817 = arith.constant 48 : index
        %get3A_818 = tpu.vector_load %arg12[%get3A_816, %get3A_817] {strides = array<i32>} : memref<400x64xf32, #tpu.memory_space<vmem>>, vector<1x16xf32>,
        %get3A_819 = vector.shape_cast %get3A_818 : vector<1x16xf32> to vector<16xf32>
        %add3A_820 = arith.addf %add3A_792, %get3A_819 : vector<16xf32>
        %add3A_821 = arith.constant 36 : i32
        %add3A_822 = arith.addi %mul3A_305, %add3A_821 : i32
        %get3A_823 = arith.index_cast %add3A_822 : i32 to index
        %get3A_824 = arith.constant 0 : index
        %get3A_825 = tpu.vector_load %arg12[%get3A_823, %get3A_824] {strides = array<i32>} : memref<400x64xf32, #tpu.memory_space<vmem>>, vector<1x16xf32>,
        %get3A_826 = vector.shape_cast %get3A_825 : vector<1x16xf32> to vector<16xf32>
        %add3A_827 = arith.addf %add3A_799, %get3A_826 : vector<16xf32>
        %add3A_828 = arith.constant 36 : i32
        %add3A_829 = arith.addi %mul3A_305, %add3A_828 : i32
        %get3A_830 = arith.index_cast %add3A_829 : i32 to index
        %get3A_831 = arith.constant 16 : index
        %get3A_832 = tpu.vector_load %arg12[%get3A_830, %get3A_831] {strides = array<i32>} : memref<400x64xf32, #tpu.memory_space<vmem>>, vector<1x16xf32>,
        %get3A_833 = vector.shape_cast %get3A_832 : vector<1x16xf32> to vector<16xf32>
        %add3A_834 = arith.addf %add3A_806, %get3A_833 : vector<16xf32>
        %add3A_835 = arith.constant 36 : i32
        %add3A_836 = arith.addi %mul3A_305, %add3A_835 : i32
        %get3A_837 = arith.index_cast %add3A_836 : i32 to index
        %get3A_838 = arith.constant 32 : index
        %get3A_839 = tpu.vector_load %arg12[%get3A_837, %get3A_838] {strides = array<i32>} : memref<400x64xf32, #tpu.memory_space<vmem>>, vector<1x16xf32>,
        %get3A_840 = vector.shape_cast %get3A_839 : vector<1x16xf32> to vector<16xf32>
        %add3A_841 = arith.addf %add3A_813, %get3A_840 : vector<16xf32>
        %add3A_842 = arith.constant 36 : i32
        %add3A_843 = arith.addi %mul3A_305, %add3A_842 : i32
        %get3A_844 = arith.index_cast %add3A_843 : i32 to index
        %get3A_845 = arith.constant 48 : index
        %get3A_846 = tpu.vector_load %arg12[%get3A_844, %get3A_845] {strides = array<i32>} : memref<400x64xf32, #tpu.memory_space<vmem>>, vector<1x16xf32>,
        %get3A_847 = vector.shape_cast %get3A_846 : vector<1x16xf32> to vector<16xf32>
        %add3A_848 = arith.addf %add3A_820, %get3A_847 : vector<16xf32>
        %add3A_849 = arith.constant 38 : i32
        %add3A_850 = arith.addi %mul3A_305, %add3A_849 : i32
        %get3A_851 = arith.index_cast %add3A_850 : i32 to index
        %get3A_852 = arith.constant 0 : index
        %get3A_853 = tpu.vector_load %arg12[%get3A_851, %get3A_852] {strides = array<i32>} : memref<400x64xf32, #tpu.memory_space<vmem>>, vector<1x16xf32>,
        %get3A_854 = vector.shape_cast %get3A_853 : vector<1x16xf32> to vector<16xf32>
        %add3A_855 = arith.addf %add3A_827, %get3A_854 : vector<16xf32>
        %add3A_856 = arith.constant 38 : i32
        %add3A_857 = arith.addi %mul3A_305, %add3A_856 : i32
        %get3A_858 = arith.index_cast %add3A_857 : i32 to index
        %get3A_859 = arith.constant 16 : index
        %get3A_860 = tpu.vector_load %arg12[%get3A_858, %get3A_859] {strides = array<i32>} : memref<400x64xf32, #tpu.memory_space<vmem>>, vector<1x16xf32>,
        %get3A_861 = vector.shape_cast %get3A_860 : vector<1x16xf32> to vector<16xf32>
        %add3A_862 = arith.addf %add3A_834, %get3A_861 : vector<16xf32>
        %add3A_863 = arith.constant 38 : i32
        %add3A_864 = arith.addi %mul3A_305, %add3A_863 : i32
        %get3A_865 = arith.index_cast %add3A_864 : i32 to index
        %get3A_866 = arith.constant 32 : index
        %get3A_867 = tpu.vector_load %arg12[%get3A_865, %get3A_866] {strides = array<i32>} : memref<400x64xf32, #tpu.memory_space<vmem>>, vector<1x16xf32>,
        %get3A_868 = vector.shape_cast %get3A_867 : vector<1x16xf32> to vector<16xf32>
        %add3A_869 = arith.addf %add3A_841, %get3A_868 : vector<16xf32>
        %add3A_870 = arith.constant 38 : i32
        %add3A_871 = arith.addi %mul3A_305, %add3A_870 : i32
        %get3A_872 = arith.index_cast %add3A_871 : i32 to index
        %get3A_873 = arith.constant 48 : index
        %get3A_874 = tpu.vector_load %arg12[%get3A_872, %get3A_873] {strides = array<i32>} : memref<400x64xf32, #tpu.memory_space<vmem>>, vector<1x16xf32>,
        %get3A_875 = vector.shape_cast %get3A_874 : vector<1x16xf32> to vector<16xf32>
        %add3A_876 = arith.addf %add3A_848, %get3A_875 : vector<16xf32>
        %add3A_877 = arith.constant 40 : i32
        %add3A_878 = arith.addi %mul3A_305, %add3A_877 : i32
        %get3A_879 = arith.index_cast %add3A_878 : i32 to index
        %get3A_880 = arith.constant 0 : index
        %get3A_881 = tpu.vector_load %arg12[%get3A_879, %get3A_880] {strides = array<i32>} : memref<400x64xf32, #tpu.memory_space<vmem>>, vector<1x16xf32>,
        %get3A_882 = vector.shape_cast %get3A_881 : vector<1x16xf32> to vector<16xf32>
        %add3A_883 = arith.addf %add3A_855, %get3A_882 : vector<16xf32>
        %add3A_884 = arith.constant 40 : i32
        %add3A_885 = arith.addi %mul3A_305, %add3A_884 : i32
        %get3A_886 = arith.index_cast %add3A_885 : i32 to index
        %get3A_887 = arith.constant 16 : index
        %get3A_888 = tpu.vector_load %arg12[%get3A_886, %get3A_887] {strides = array<i32>} : memref<400x64xf32, #tpu.memory_space<vmem>>, vector<1x16xf32>,
        %get3A_889 = vector.shape_cast %get3A_888 : vector<1x16xf32> to vector<16xf32>
        %add3A_890 = arith.addf %add3A_862, %get3A_889 : vector<16xf32>
        %add3A_891 = arith.constant 40 : i32
        %add3A_892 = arith.addi %mul3A_305, %add3A_891 : i32
        %get3A_893 = arith.index_cast %add3A_892 : i32 to index
        %get3A_894 = arith.constant 32 : index
        %get3A_895 = tpu.vector_load %arg12[%get3A_893, %get3A_894] {strides = array<i32>} : memref<400x64xf32, #tpu.memory_space<vmem>>, vector<1x16xf32>,
        %get3A_896 = vector.shape_cast %get3A_895 : vector<1x16xf32> to vector<16xf32>
        %add3A_897 = arith.addf %add3A_869, %get3A_896 : vector<16xf32>
        %add3A_898 = arith.constant 40 : i32
        %add3A_899 = arith.addi %mul3A_305, %add3A_898 : i32
        %get3A_900 = arith.index_cast %add3A_899 : i32 to index
        %get3A_901 = arith.constant 48 : index
        %get3A_902 = tpu.vector_load %arg12[%get3A_900, %get3A_901] {strides = array<i32>} : memref<400x64xf32, #tpu.memory_space<vmem>>, vector<1x16xf32>,
        %get3A_903 = vector.shape_cast %get3A_902 : vector<1x16xf32> to vector<16xf32>
        %add3A_904 = arith.addf %add3A_876, %get3A_903 : vector<16xf32>
        %add3A_905 = arith.constant 42 : i32
        %add3A_906 = arith.addi %mul3A_305, %add3A_905 : i32
        %get3A_907 = arith.index_cast %add3A_906 : i32 to index
        %get3A_908 = arith.constant 0 : index
        %get3A_909 = tpu.vector_load %arg12[%get3A_907, %get3A_908] {strides = array<i32>} : memref<400x64xf32, #tpu.memory_space<vmem>>, vector<1x16xf32>,
        %get3A_910 = vector.shape_cast %get3A_909 : vector<1x16xf32> to vector<16xf32>
        %add3A_911 = arith.addf %add3A_883, %get3A_910 : vector<16xf32>
        %add3A_912 = arith.constant 42 : i32
        %add3A_913 = arith.addi %mul3A_305, %add3A_912 : i32
        %get3A_914 = arith.index_cast %add3A_913 : i32 to index
        %get3A_915 = arith.constant 16 : index
        %get3A_916 = tpu.vector_load %arg12[%get3A_914, %get3A_915] {strides = array<i32>} : memref<400x64xf32, #tpu.memory_space<vmem>>, vector<1x16xf32>,
        %get3A_917 = vector.shape_cast %get3A_916 : vector<1x16xf32> to vector<16xf32>
        %add3A_918 = arith.addf %add3A_890, %get3A_917 : vector<16xf32>
        %add3A_919 = arith.constant 42 : i32
        %add3A_920 = arith.addi %mul3A_305, %add3A_919 : i32
        %get3A_921 = arith.index_cast %add3A_920 : i32 to index
        %get3A_922 = arith.constant 32 : index
        %get3A_923 = tpu.vector_load %arg12[%get3A_921, %get3A_922] {strides = array<i32>} : memref<400x64xf32, #tpu.memory_space<vmem>>, vector<1x16xf32>,
        %get3A_924 = vector.shape_cast %get3A_923 : vector<1x16xf32> to vector<16xf32>
        %add3A_925 = arith.addf %add3A_897, %get3A_924 : vector<16xf32>
        %add3A_926 = arith.constant 42 : i32
        %add3A_927 = arith.addi %mul3A_305, %add3A_926 : i32
        %get3A_928 = arith.index_cast %add3A_927 : i32 to index
        %get3A_929 = arith.constant 48 : index
        %get3A_930 = tpu.vector_load %arg12[%get3A_928, %get3A_929] {strides = array<i32>} : memref<400x64xf32, #tpu.memory_space<vmem>>, vector<1x16xf32>,
        %get3A_931 = vector.shape_cast %get3A_930 : vector<1x16xf32> to vector<16xf32>
        %add3A_932 = arith.addf %add3A_904, %get3A_931 : vector<16xf32>
        %add3A_933 = arith.constant 44 : i32
        %add3A_934 = arith.addi %mul3A_305, %add3A_933 : i32
        %get3A_935 = arith.index_cast %add3A_934 : i32 to index
        %get3A_936 = arith.constant 0 : index
        %get3A_937 = tpu.vector_load %arg12[%get3A_935, %get3A_936] {strides = array<i32>} : memref<400x64xf32, #tpu.memory_space<vmem>>, vector<1x16xf32>,
        %get3A_938 = vector.shape_cast %get3A_937 : vector<1x16xf32> to vector<16xf32>
        %add3A_939 = arith.addf %add3A_911, %get3A_938 : vector<16xf32>
        %add3A_940 = arith.constant 44 : i32
        %add3A_941 = arith.addi %mul3A_305, %add3A_940 : i32
        %get3A_942 = arith.index_cast %add3A_941 : i32 to index
        %get3A_943 = arith.constant 16 : index
        %get3A_944 = tpu.vector_load %arg12[%get3A_942, %get3A_943] {strides = array<i32>} : memref<400x64xf32, #tpu.memory_space<vmem>>, vector<1x16xf32>,
        %get3A_945 = vector.shape_cast %get3A_944 : vector<1x16xf32> to vector<16xf32>
        %add3A_946 = arith.addf %add3A_918, %get3A_945 : vector<16xf32>
        %add3A_947 = arith.constant 44 : i32
        %add3A_948 = arith.addi %mul3A_305, %add3A_947 : i32
        %get3A_949 = arith.index_cast %add3A_948 : i32 to index
        %get3A_950 = arith.constant 32 : index
        %get3A_951 = tpu.vector_load %arg12[%get3A_949, %get3A_950] {strides = array<i32>} : memref<400x64xf32, #tpu.memory_space<vmem>>, vector<1x16xf32>,
        %get3A_952 = vector.shape_cast %get3A_951 : vector<1x16xf32> to vector<16xf32>
        %add3A_953 = arith.addf %add3A_925, %get3A_952 : vector<16xf32>
        %add3A_954 = arith.constant 44 : i32
        %add3A_955 = arith.addi %mul3A_305, %add3A_954 : i32
        %get3A_956 = arith.index_cast %add3A_955 : i32 to index
        %get3A_957 = arith.constant 48 : index
        %get3A_958 = tpu.vector_load %arg12[%get3A_956, %get3A_957] {strides = array<i32>} : memref<400x64xf32, #tpu.memory_space<vmem>>, vector<1x16xf32>,
        %get3A_959 = vector.shape_cast %get3A_958 : vector<1x16xf32> to vector<16xf32>
        %add3A_960 = arith.addf %add3A_932, %get3A_959 : vector<16xf32>
        %add3A_961 = arith.constant 46 : i32
        %add3A_962 = arith.addi %mul3A_305, %add3A_961 : i32
        %get3A_963 = arith.index_cast %add3A_962 : i32 to index
        %get3A_964 = arith.constant 0 : index
        %get3A_965 = tpu.vector_load %arg12[%get3A_963, %get3A_964] {strides = array<i32>} : memref<400x64xf32, #tpu.memory_space<vmem>>, vector<1x16xf32>,
        %get3A_966 = vector.shape_cast %get3A_965 : vector<1x16xf32> to vector<16xf32>
        %add3A_967 = arith.addf %add3A_939, %get3A_966 : vector<16xf32>
        %add3A_968 = arith.constant 46 : i32
        %add3A_969 = arith.addi %mul3A_305, %add3A_968 : i32
        %get3A_970 = arith.index_cast %add3A_969 : i32 to index
        %get3A_971 = arith.constant 16 : index
        %get3A_972 = tpu.vector_load %arg12[%get3A_970, %get3A_971] {strides = array<i32>} : memref<400x64xf32, #tpu.memory_space<vmem>>, vector<1x16xf32>,
        %get3A_973 = vector.shape_cast %get3A_972 : vector<1x16xf32> to vector<16xf32>
        %add3A_974 = arith.addf %add3A_946, %get3A_973 : vector<16xf32>
        %add3A_975 = arith.constant 46 : i32
        %add3A_976 = arith.addi %mul3A_305, %add3A_975 : i32
        %get3A_977 = arith.index_cast %add3A_976 : i32 to index
        %get3A_978 = arith.constant 32 : index
        %get3A_979 = tpu.vector_load %arg12[%get3A_977, %get3A_978] {strides = array<i32>} : memref<400x64xf32, #tpu.memory_space<vmem>>, vector<1x16xf32>,
        %get3A_980 = vector.shape_cast %get3A_979 : vector<1x16xf32> to vector<16xf32>
        %add3A_981 = arith.addf %add3A_953, %get3A_980 : vector<16xf32>
        %add3A_982 = arith.constant 46 : i32
        %add3A_983 = arith.addi %mul3A_305, %add3A_982 : i32
        %get3A_984 = arith.index_cast %add3A_983 : i32 to index
        %get3A_985 = arith.constant 48 : index
        %get3A_986 = tpu.vector_load %arg12[%get3A_984, %get3A_985] {strides = array<i32>} : memref<400x64xf32, #tpu.memory_space<vmem>>, vector<1x16xf32>,
        %get3A_987 = vector.shape_cast %get3A_986 : vector<1x16xf32> to vector<16xf32>
        %add3A_988 = arith.addf %add3A_960, %get3A_987 : vector<16xf32>
        %add3A_989 = arith.constant 48 : i32
        %add3A_990 = arith.addi %mul3A_305, %add3A_989 : i32
        %get3A_991 = arith.index_cast %add3A_990 : i32 to index
        %get3A_992 = arith.constant 0 : index
        %get3A_993 = tpu.vector_load %arg12[%get3A_991, %get3A_992] {strides = array<i32>} : memref<400x64xf32, #tpu.memory_space<vmem>>, vector<1x16xf32>,
        %get3A_994 = vector.shape_cast %get3A_993 : vector<1x16xf32> to vector<16xf32>
        %add3A_995 = arith.addf %add3A_967, %get3A_994 : vector<16xf32>
        %add3A_996 = arith.constant 48 : i32
        %add3A_997 = arith.addi %mul3A_305, %add3A_996 : i32
        %get3A_998 = arith.index_cast %add3A_997 : i32 to index
        %get3A_999 = arith.constant 16 : index
        %get3A_1000 = tpu.vector_load %arg12[%get3A_998, %get3A_999] {strides = array<i32>} : memref<400x64xf32, #tpu.memory_space<vmem>>, vector<1x16xf32>,
        %get3A_1001 = vector.shape_cast %get3A_1000 : vector<1x16xf32> to vector<16xf32>
        %add3A_1002 = arith.addf %add3A_974, %get3A_1001 : vector<16xf32>
        %add3A_1003 = arith.constant 48 : i32
        %add3A_1004 = arith.addi %mul3A_305, %add3A_1003 : i32
        %get3A_1005 = arith.index_cast %add3A_1004 : i32 to index
        %get3A_1006 = arith.constant 32 : index
        %get3A_1007 = tpu.vector_load %arg12[%get3A_1005, %get3A_1006] {strides = array<i32>} : memref<400x64xf32, #tpu.memory_space<vmem>>, vector<1x16xf32>,
        %get3A_1008 = vector.shape_cast %get3A_1007 : vector<1x16xf32> to vector<16xf32>
        %add3A_1009 = arith.addf %add3A_981, %get3A_1008 : vector<16xf32>
        %add3A_1010 = arith.constant 48 : i32
        %add3A_1011 = arith.addi %mul3A_305, %add3A_1010 : i32
        %get3A_1012 = arith.index_cast %add3A_1011 : i32 to index
        %get3A_1013 = arith.constant 48 : index
        %get3A_1014 = tpu.vector_load %arg12[%get3A_1012, %get3A_1013] {strides = array<i32>} : memref<400x64xf32, #tpu.memory_space<vmem>>, vector<1x16xf32>,
        %get3A_1015 = vector.shape_cast %get3A_1014 : vector<1x16xf32> to vector<16xf32>
        %add3A_1016 = arith.addf %add3A_988, %get3A_1015 : vector<16xf32>
        %add3A_1017 = arith.constant 3 : i32
        %add3A_1018 = arith.addi %mul3A_305, %add3A_1017 : i32
        %get3A_1019 = arith.index_cast %add3A_1018 : i32 to index
        %get3A_1020 = arith.constant 0 : index
        %get3A_1021 = tpu.vector_load %arg12[%get3A_1019, %get3A_1020] {strides = array<i32>} : memref<400x64xf32, #tpu.memory_space<vmem>>, vector<1x16xf32>,
        %get3A_1022 = vector.shape_cast %get3A_1021 : vector<1x16xf32> to vector<16xf32>
        %add3A_1023 = arith.addf %get3A_326, %get3A_1022 : vector<16xf32>
        %add3A_1024 = arith.constant 3 : i32
        %add3A_1025 = arith.addi %mul3A_305, %add3A_1024 : i32
        %get3A_1026 = arith.index_cast %add3A_1025 : i32 to index
        %get3A_1027 = arith.constant 16 : index
        %get3A_1028 = tpu.vector_load %arg12[%get3A_1026, %get3A_1027] {strides = array<i32>} : memref<400x64xf32, #tpu.memory_space<vmem>>, vector<1x16xf32>,
        %get3A_1029 = vector.shape_cast %get3A_1028 : vector<1x16xf32> to vector<16xf32>
        %add3A_1030 = arith.addf %get3A_332, %get3A_1029 : vector<16xf32>
        %add3A_1031 = arith.constant 3 : i32
        %add3A_1032 = arith.addi %mul3A_305, %add3A_1031 : i32
        %get3A_1033 = arith.index_cast %add3A_1032 : i32 to index
        %get3A_1034 = arith.constant 32 : index
        %get3A_1035 = tpu.vector_load %arg12[%get3A_1033, %get3A_1034] {strides = array<i32>} : memref<400x64xf32, #tpu.memory_space<vmem>>, vector<1x16xf32>,
        %get3A_1036 = vector.shape_cast %get3A_1035 : vector<1x16xf32> to vector<16xf32>
        %add3A_1037 = arith.addf %get3A_338, %get3A_1036 : vector<16xf32>
        %add3A_1038 = arith.constant 3 : i32
        %add3A_1039 = arith.addi %mul3A_305, %add3A_1038 : i32
        %get3A_1040 = arith.index_cast %add3A_1039 : i32 to index
        %get3A_1041 = arith.constant 48 : index
        %get3A_1042 = tpu.vector_load %arg12[%get3A_1040, %get3A_1041] {strides = array<i32>} : memref<400x64xf32, #tpu.memory_space<vmem>>, vector<1x16xf32>,
        %get3A_1043 = vector.shape_cast %get3A_1042 : vector<1x16xf32> to vector<16xf32>
        %add3A_1044 = arith.addf %get3A_344, %get3A_1043 : vector<16xf32>
        %add3A_1045 = arith.constant 5 : i32
        %add3A_1046 = arith.addi %mul3A_305, %add3A_1045 : i32
        %get3A_1047 = arith.index_cast %add3A_1046 : i32 to index
        %get3A_1048 = arith.constant 0 : index
        %get3A_1049 = tpu.vector_load %arg12[%get3A_1047, %get3A_1048] {strides = array<i32>} : memref<400x64xf32, #tpu.memory_space<vmem>>, vector<1x16xf32>,
        %get3A_1050 = vector.shape_cast %get3A_1049 : vector<1x16xf32> to vector<16xf32>
        %add3A_1051 = arith.addf %add3A_1023, %get3A_1050 : vector<16xf32>
        %add3A_1052 = arith.constant 5 : i32
        %add3A_1053 = arith.addi %mul3A_305, %add3A_1052 : i32
        %get3A_1054 = arith.index_cast %add3A_1053 : i32 to index
        %get3A_1055 = arith.constant 16 : index
        %get3A_1056 = tpu.vector_load %arg12[%get3A_1054, %get3A_1055] {strides = array<i32>} : memref<400x64xf32, #tpu.memory_space<vmem>>, vector<1x16xf32>,
        %get3A_1057 = vector.shape_cast %get3A_1056 : vector<1x16xf32> to vector<16xf32>
        %add3A_1058 = arith.addf %add3A_1030, %get3A_1057 : vector<16xf32>
        %add3A_1059 = arith.constant 5 : i32
        %add3A_1060 = arith.addi %mul3A_305, %add3A_1059 : i32
        %get3A_1061 = arith.index_cast %add3A_1060 : i32 to index
        %get3A_1062 = arith.constant 32 : index
        %get3A_1063 = tpu.vector_load %arg12[%get3A_1061, %get3A_1062] {strides = array<i32>} : memref<400x64xf32, #tpu.memory_space<vmem>>, vector<1x16xf32>,
        %get3A_1064 = vector.shape_cast %get3A_1063 : vector<1x16xf32> to vector<16xf32>
        %add3A_1065 = arith.addf %add3A_1037, %get3A_1064 : vector<16xf32>
        %add3A_1066 = arith.constant 5 : i32
        %add3A_1067 = arith.addi %mul3A_305, %add3A_1066 : i32
        %get3A_1068 = arith.index_cast %add3A_1067 : i32 to index
        %get3A_1069 = arith.constant 48 : index
        %get3A_1070 = tpu.vector_load %arg12[%get3A_1068, %get3A_1069] {strides = array<i32>} : memref<400x64xf32, #tpu.memory_space<vmem>>, vector<1x16xf32>,
        %get3A_1071 = vector.shape_cast %get3A_1070 : vector<1x16xf32> to vector<16xf32>
        %add3A_1072 = arith.addf %add3A_1044, %get3A_1071 : vector<16xf32>
        %add3A_1073 = arith.constant 7 : i32
        %add3A_1074 = arith.addi %mul3A_305, %add3A_1073 : i32
        %get3A_1075 = arith.index_cast %add3A_1074 : i32 to index
        %get3A_1076 = arith.constant 0 : index
        %get3A_1077 = tpu.vector_load %arg12[%get3A_1075, %get3A_1076] {strides = array<i32>} : memref<400x64xf32, #tpu.memory_space<vmem>>, vector<1x16xf32>,
        %get3A_1078 = vector.shape_cast %get3A_1077 : vector<1x16xf32> to vector<16xf32>
        %add3A_1079 = arith.addf %add3A_1051, %get3A_1078 : vector<16xf32>
        %add3A_1080 = arith.constant 7 : i32
        %add3A_1081 = arith.addi %mul3A_305, %add3A_1080 : i32
        %get3A_1082 = arith.index_cast %add3A_1081 : i32 to index
        %get3A_1083 = arith.constant 16 : index
        %get3A_1084 = tpu.vector_load %arg12[%get3A_1082, %get3A_1083] {strides = array<i32>} : memref<400x64xf32, #tpu.memory_space<vmem>>, vector<1x16xf32>,
        %get3A_1085 = vector.shape_cast %get3A_1084 : vector<1x16xf32> to vector<16xf32>
        %add3A_1086 = arith.addf %add3A_1058, %get3A_1085 : vector<16xf32>
        %add3A_1087 = arith.constant 7 : i32
        %add3A_1088 = arith.addi %mul3A_305, %add3A_1087 : i32
        %get3A_1089 = arith.index_cast %add3A_1088 : i32 to index
        %get3A_1090 = arith.constant 32 : index
        %get3A_1091 = tpu.vector_load %arg12[%get3A_1089, %get3A_1090] {strides = array<i32>} : memref<400x64xf32, #tpu.memory_space<vmem>>, vector<1x16xf32>,
        %get3A_1092 = vector.shape_cast %get3A_1091 : vector<1x16xf32> to vector<16xf32>
        %add3A_1093 = arith.addf %add3A_1065, %get3A_1092 : vector<16xf32>
        %add3A_1094 = arith.constant 7 : i32
        %add3A_1095 = arith.addi %mul3A_305, %add3A_1094 : i32
        %get3A_1096 = arith.index_cast %add3A_1095 : i32 to index
        %get3A_1097 = arith.constant 48 : index
        %get3A_1098 = tpu.vector_load %arg12[%get3A_1096, %get3A_1097] {strides = array<i32>} : memref<400x64xf32, #tpu.memory_space<vmem>>, vector<1x16xf32>,
        %get3A_1099 = vector.shape_cast %get3A_1098 : vector<1x16xf32> to vector<16xf32>
        %add3A_1100 = arith.addf %add3A_1072, %get3A_1099 : vector<16xf32>
        %add3A_1101 = arith.constant 9 : i32
        %add3A_1102 = arith.addi %mul3A_305, %add3A_1101 : i32
        %get3A_1103 = arith.index_cast %add3A_1102 : i32 to index
        %get3A_1104 = arith.constant 0 : index
        %get3A_1105 = tpu.vector_load %arg12[%get3A_1103, %get3A_1104] {strides = array<i32>} : memref<400x64xf32, #tpu.memory_space<vmem>>, vector<1x16xf32>,
        %get3A_1106 = vector.shape_cast %get3A_1105 : vector<1x16xf32> to vector<16xf32>
        %add3A_1107 = arith.addf %add3A_1079, %get3A_1106 : vector<16xf32>
        %add3A_1108 = arith.constant 9 : i32
        %add3A_1109 = arith.addi %mul3A_305, %add3A_1108 : i32
        %get3A_1110 = arith.index_cast %add3A_1109 : i32 to index
        %get3A_1111 = arith.constant 16 : index
        %get3A_1112 = tpu.vector_load %arg12[%get3A_1110, %get3A_1111] {strides = array<i32>} : memref<400x64xf32, #tpu.memory_space<vmem>>, vector<1x16xf32>,
        %get3A_1113 = vector.shape_cast %get3A_1112 : vector<1x16xf32> to vector<16xf32>
        %add3A_1114 = arith.addf %add3A_1086, %get3A_1113 : vector<16xf32>
        %add3A_1115 = arith.constant 9 : i32
        %add3A_1116 = arith.addi %mul3A_305, %add3A_1115 : i32
        %get3A_1117 = arith.index_cast %add3A_1116 : i32 to index
        %get3A_1118 = arith.constant 32 : index
        %get3A_1119 = tpu.vector_load %arg12[%get3A_1117, %get3A_1118] {strides = array<i32>} : memref<400x64xf32, #tpu.memory_space<vmem>>, vector<1x16xf32>,
        %get3A_1120 = vector.shape_cast %get3A_1119 : vector<1x16xf32> to vector<16xf32>
        %add3A_1121 = arith.addf %add3A_1093, %get3A_1120 : vector<16xf32>
        %add3A_1122 = arith.constant 9 : i32
        %add3A_1123 = arith.addi %mul3A_305, %add3A_1122 : i32
        %get3A_1124 = arith.index_cast %add3A_1123 : i32 to index
        %get3A_1125 = arith.constant 48 : index
        %get3A_1126 = tpu.vector_load %arg12[%get3A_1124, %get3A_1125] {strides = array<i32>} : memref<400x64xf32, #tpu.memory_space<vmem>>, vector<1x16xf32>,
        %get3A_1127 = vector.shape_cast %get3A_1126 : vector<1x16xf32> to vector<16xf32>
        %add3A_1128 = arith.addf %add3A_1100, %get3A_1127 : vector<16xf32>
        %add3A_1129 = arith.constant 11 : i32
        %add3A_1130 = arith.addi %mul3A_305, %add3A_1129 : i32
        %get3A_1131 = arith.index_cast %add3A_1130 : i32 to index
        %get3A_1132 = arith.constant 0 : index
        %get3A_1133 = tpu.vector_load %arg12[%get3A_1131, %get3A_1132] {strides = array<i32>} : memref<400x64xf32, #tpu.memory_space<vmem>>, vector<1x16xf32>,
        %get3A_1134 = vector.shape_cast %get3A_1133 : vector<1x16xf32> to vector<16xf32>
        %add3A_1135 = arith.addf %add3A_1107, %get3A_1134 : vector<16xf32>
        %add3A_1136 = arith.constant 11 : i32
        %add3A_1137 = arith.addi %mul3A_305, %add3A_1136 : i32
        %get3A_1138 = arith.index_cast %add3A_1137 : i32 to index
        %get3A_1139 = arith.constant 16 : index
        %get3A_1140 = tpu.vector_load %arg12[%get3A_1138, %get3A_1139] {strides = array<i32>} : memref<400x64xf32, #tpu.memory_space<vmem>>, vector<1x16xf32>,
        %get3A_1141 = vector.shape_cast %get3A_1140 : vector<1x16xf32> to vector<16xf32>
        %add3A_1142 = arith.addf %add3A_1114, %get3A_1141 : vector<16xf32>
        %add3A_1143 = arith.constant 11 : i32
        %add3A_1144 = arith.addi %mul3A_305, %add3A_1143 : i32
        %get3A_1145 = arith.index_cast %add3A_1144 : i32 to index
        %get3A_1146 = arith.constant 32 : index
        %get3A_1147 = tpu.vector_load %arg12[%get3A_1145, %get3A_1146] {strides = array<i32>} : memref<400x64xf32, #tpu.memory_space<vmem>>, vector<1x16xf32>,
        %get3A_1148 = vector.shape_cast %get3A_1147 : vector<1x16xf32> to vector<16xf32>
        %add3A_1149 = arith.addf %add3A_1121, %get3A_1148 : vector<16xf32>
        %add3A_1150 = arith.constant 11 : i32
        %add3A_1151 = arith.addi %mul3A_305, %add3A_1150 : i32
        %get3A_1152 = arith.index_cast %add3A_1151 : i32 to index
        %get3A_1153 = arith.constant 48 : index
        %get3A_1154 = tpu.vector_load %arg12[%get3A_1152, %get3A_1153] {strides = array<i32>} : memref<400x64xf32, #tpu.memory_space<vmem>>, vector<1x16xf32>,
        %get3A_1155 = vector.shape_cast %get3A_1154 : vector<1x16xf32> to vector<16xf32>
        %add3A_1156 = arith.addf %add3A_1128, %get3A_1155 : vector<16xf32>
        %add3A_1157 = arith.constant 13 : i32
        %add3A_1158 = arith.addi %mul3A_305, %add3A_1157 : i32
        %get3A_1159 = arith.index_cast %add3A_1158 : i32 to index
        %get3A_1160 = arith.constant 0 : index
        %get3A_1161 = tpu.vector_load %arg12[%get3A_1159, %get3A_1160] {strides = array<i32>} : memref<400x64xf32, #tpu.memory_space<vmem>>, vector<1x16xf32>,
        %get3A_1162 = vector.shape_cast %get3A_1161 : vector<1x16xf32> to vector<16xf32>
        %add3A_1163 = arith.addf %add3A_1135, %get3A_1162 : vector<16xf32>
        %add3A_1164 = arith.constant 13 : i32
        %add3A_1165 = arith.addi %mul3A_305, %add3A_1164 : i32
        %get3A_1166 = arith.index_cast %add3A_1165 : i32 to index
        %get3A_1167 = arith.constant 16 : index
        %get3A_1168 = tpu.vector_load %arg12[%get3A_1166, %get3A_1167] {strides = array<i32>} : memref<400x64xf32, #tpu.memory_space<vmem>>, vector<1x16xf32>,
        %get3A_1169 = vector.shape_cast %get3A_1168 : vector<1x16xf32> to vector<16xf32>
        %add3A_1170 = arith.addf %add3A_1142, %get3A_1169 : vector<16xf32>
        %add3A_1171 = arith.constant 13 : i32
        %add3A_1172 = arith.addi %mul3A_305, %add3A_1171 : i32
        %get3A_1173 = arith.index_cast %add3A_1172 : i32 to index
        %get3A_1174 = arith.constant 32 : index
        %get3A_1175 = tpu.vector_load %arg12[%get3A_1173, %get3A_1174] {strides = array<i32>} : memref<400x64xf32, #tpu.memory_space<vmem>>, vector<1x16xf32>,
        %get3A_1176 = vector.shape_cast %get3A_1175 : vector<1x16xf32> to vector<16xf32>
        %add3A_1177 = arith.addf %add3A_1149, %get3A_1176 : vector<16xf32>
        %add3A_1178 = arith.constant 13 : i32
        %add3A_1179 = arith.addi %mul3A_305, %add3A_1178 : i32
        %get3A_1180 = arith.index_cast %add3A_1179 : i32 to index
        %get3A_1181 = arith.constant 48 : index
        %get3A_1182 = tpu.vector_load %arg12[%get3A_1180, %get3A_1181] {strides = array<i32>} : memref<400x64xf32, #tpu.memory_space<vmem>>, vector<1x16xf32>,
        %get3A_1183 = vector.shape_cast %get3A_1182 : vector<1x16xf32> to vector<16xf32>
        %add3A_1184 = arith.addf %add3A_1156, %get3A_1183 : vector<16xf32>
        %add3A_1185 = arith.constant 15 : i32
        %add3A_1186 = arith.addi %mul3A_305, %add3A_1185 : i32
        %get3A_1187 = arith.index_cast %add3A_1186 : i32 to index
        %get3A_1188 = arith.constant 0 : index
        %get3A_1189 = tpu.vector_load %arg12[%get3A_1187, %get3A_1188] {strides = array<i32>} : memref<400x64xf32, #tpu.memory_space<vmem>>, vector<1x16xf32>,
        %get3A_1190 = vector.shape_cast %get3A_1189 : vector<1x16xf32> to vector<16xf32>
        %add3A_1191 = arith.addf %add3A_1163, %get3A_1190 : vector<16xf32>
        %add3A_1192 = arith.constant 15 : i32
        %add3A_1193 = arith.addi %mul3A_305, %add3A_1192 : i32
        %get3A_1194 = arith.index_cast %add3A_1193 : i32 to index
        %get3A_1195 = arith.constant 16 : index
        %get3A_1196 = tpu.vector_load %arg12[%get3A_1194, %get3A_1195] {strides = array<i32>} : memref<400x64xf32, #tpu.memory_space<vmem>>, vector<1x16xf32>,
        %get3A_1197 = vector.shape_cast %get3A_1196 : vector<1x16xf32> to vector<16xf32>
        %add3A_1198 = arith.addf %add3A_1170, %get3A_1197 : vector<16xf32>
        %add3A_1199 = arith.constant 15 : i32
        %add3A_1200 = arith.addi %mul3A_305, %add3A_1199 : i32
        %get3A_1201 = arith.index_cast %add3A_1200 : i32 to index
        %get3A_1202 = arith.constant 32 : index
        %get3A_1203 = tpu.vector_load %arg12[%get3A_1201, %get3A_1202] {strides = array<i32>} : memref<400x64xf32, #tpu.memory_space<vmem>>, vector<1x16xf32>,
        %get3A_1204 = vector.shape_cast %get3A_1203 : vector<1x16xf32> to vector<16xf32>
        %add3A_1205 = arith.addf %add3A_1177, %get3A_1204 : vector<16xf32>
        %add3A_1206 = arith.constant 15 : i32
        %add3A_1207 = arith.addi %mul3A_305, %add3A_1206 : i32
        %get3A_1208 = arith.index_cast %add3A_1207 : i32 to index
        %get3A_1209 = arith.constant 48 : index
        %get3A_1210 = tpu.vector_load %arg12[%get3A_1208, %get3A_1209] {strides = array<i32>} : memref<400x64xf32, #tpu.memory_space<vmem>>, vector<1x16xf32>,
        %get3A_1211 = vector.shape_cast %get3A_1210 : vector<1x16xf32> to vector<16xf32>
        %add3A_1212 = arith.addf %add3A_1184, %get3A_1211 : vector<16xf32>
        %add3A_1213 = arith.constant 17 : i32
        %add3A_1214 = arith.addi %mul3A_305, %add3A_1213 : i32
        %get3A_1215 = arith.index_cast %add3A_1214 : i32 to index
        %get3A_1216 = arith.constant 0 : index
        %get3A_1217 = tpu.vector_load %arg12[%get3A_1215, %get3A_1216] {strides = array<i32>} : memref<400x64xf32, #tpu.memory_space<vmem>>, vector<1x16xf32>,
        %get3A_1218 = vector.shape_cast %get3A_1217 : vector<1x16xf32> to vector<16xf32>
        %add3A_1219 = arith.addf %add3A_1191, %get3A_1218 : vector<16xf32>
        %add3A_1220 = arith.constant 17 : i32
        %add3A_1221 = arith.addi %mul3A_305, %add3A_1220 : i32
        %get3A_1222 = arith.index_cast %add3A_1221 : i32 to index
        %get3A_1223 = arith.constant 16 : index
        %get3A_1224 = tpu.vector_load %arg12[%get3A_1222, %get3A_1223] {strides = array<i32>} : memref<400x64xf32, #tpu.memory_space<vmem>>, vector<1x16xf32>,
        %get3A_1225 = vector.shape_cast %get3A_1224 : vector<1x16xf32> to vector<16xf32>
        %add3A_1226 = arith.addf %add3A_1198, %get3A_1225 : vector<16xf32>
        %add3A_1227 = arith.constant 17 : i32
        %add3A_1228 = arith.addi %mul3A_305, %add3A_1227 : i32
        %get3A_1229 = arith.index_cast %add3A_1228 : i32 to index
        %get3A_1230 = arith.constant 32 : index
        %get3A_1231 = tpu.vector_load %arg12[%get3A_1229, %get3A_1230] {strides = array<i32>} : memref<400x64xf32, #tpu.memory_space<vmem>>, vector<1x16xf32>,
        %get3A_1232 = vector.shape_cast %get3A_1231 : vector<1x16xf32> to vector<16xf32>
        %add3A_1233 = arith.addf %add3A_1205, %get3A_1232 : vector<16xf32>
        %add3A_1234 = arith.constant 17 : i32
        %add3A_1235 = arith.addi %mul3A_305, %add3A_1234 : i32
        %get3A_1236 = arith.index_cast %add3A_1235 : i32 to index
        %get3A_1237 = arith.constant 48 : index
        %get3A_1238 = tpu.vector_load %arg12[%get3A_1236, %get3A_1237] {strides = array<i32>} : memref<400x64xf32, #tpu.memory_space<vmem>>, vector<1x16xf32>,
        %get3A_1239 = vector.shape_cast %get3A_1238 : vector<1x16xf32> to vector<16xf32>
        %add3A_1240 = arith.addf %add3A_1212, %get3A_1239 : vector<16xf32>
        %add3A_1241 = arith.constant 19 : i32
        %add3A_1242 = arith.addi %mul3A_305, %add3A_1241 : i32
        %get3A_1243 = arith.index_cast %add3A_1242 : i32 to index
        %get3A_1244 = arith.constant 0 : index
        %get3A_1245 = tpu.vector_load %arg12[%get3A_1243, %get3A_1244] {strides = array<i32>} : memref<400x64xf32, #tpu.memory_space<vmem>>, vector<1x16xf32>,
        %get3A_1246 = vector.shape_cast %get3A_1245 : vector<1x16xf32> to vector<16xf32>
        %add3A_1247 = arith.addf %add3A_1219, %get3A_1246 : vector<16xf32>
        %add3A_1248 = arith.constant 19 : i32
        %add3A_1249 = arith.addi %mul3A_305, %add3A_1248 : i32
        %get3A_1250 = arith.index_cast %add3A_1249 : i32 to index
        %get3A_1251 = arith.constant 16 : index
        %get3A_1252 = tpu.vector_load %arg12[%get3A_1250, %get3A_1251] {strides = array<i32>} : memref<400x64xf32, #tpu.memory_space<vmem>>, vector<1x16xf32>,
        %get3A_1253 = vector.shape_cast %get3A_1252 : vector<1x16xf32> to vector<16xf32>
        %add3A_1254 = arith.addf %add3A_1226, %get3A_1253 : vector<16xf32>
        %add3A_1255 = arith.constant 19 : i32
        %add3A_1256 = arith.addi %mul3A_305, %add3A_1255 : i32
        %get3A_1257 = arith.index_cast %add3A_1256 : i32 to index
        %get3A_1258 = arith.constant 32 : index
        %get3A_1259 = tpu.vector_load %arg12[%get3A_1257, %get3A_1258] {strides = array<i32>} : memref<400x64xf32, #tpu.memory_space<vmem>>, vector<1x16xf32>,
        %get3A_1260 = vector.shape_cast %get3A_1259 : vector<1x16xf32> to vector<16xf32>
        %add3A_1261 = arith.addf %add3A_1233, %get3A_1260 : vector<16xf32>
        %add3A_1262 = arith.constant 19 : i32
        %add3A_1263 = arith.addi %mul3A_305, %add3A_1262 : i32
        %get3A_1264 = arith.index_cast %add3A_1263 : i32 to index
        %get3A_1265 = arith.constant 48 : index
        %get3A_1266 = tpu.vector_load %arg12[%get3A_1264, %get3A_1265] {strides = array<i32>} : memref<400x64xf32, #tpu.memory_space<vmem>>, vector<1x16xf32>,
        %get3A_1267 = vector.shape_cast %get3A_1266 : vector<1x16xf32> to vector<16xf32>
        %add3A_1268 = arith.addf %add3A_1240, %get3A_1267 : vector<16xf32>
        %add3A_1269 = arith.constant 21 : i32
        %add3A_1270 = arith.addi %mul3A_305, %add3A_1269 : i32
        %get3A_1271 = arith.index_cast %add3A_1270 : i32 to index
        %get3A_1272 = arith.constant 0 : index
        %get3A_1273 = tpu.vector_load %arg12[%get3A_1271, %get3A_1272] {strides = array<i32>} : memref<400x64xf32, #tpu.memory_space<vmem>>, vector<1x16xf32>,
        %get3A_1274 = vector.shape_cast %get3A_1273 : vector<1x16xf32> to vector<16xf32>
        %add3A_1275 = arith.addf %add3A_1247, %get3A_1274 : vector<16xf32>
        %add3A_1276 = arith.constant 21 : i32
        %add3A_1277 = arith.addi %mul3A_305, %add3A_1276 : i32
        %get3A_1278 = arith.index_cast %add3A_1277 : i32 to index
        %get3A_1279 = arith.constant 16 : index
        %get3A_1280 = tpu.vector_load %arg12[%get3A_1278, %get3A_1279] {strides = array<i32>} : memref<400x64xf32, #tpu.memory_space<vmem>>, vector<1x16xf32>,
        %get3A_1281 = vector.shape_cast %get3A_1280 : vector<1x16xf32> to vector<16xf32>
        %add3A_1282 = arith.addf %add3A_1254, %get3A_1281 : vector<16xf32>
        %add3A_1283 = arith.constant 21 : i32
        %add3A_1284 = arith.addi %mul3A_305, %add3A_1283 : i32
        %get3A_1285 = arith.index_cast %add3A_1284 : i32 to index
        %get3A_1286 = arith.constant 32 : index
        %get3A_1287 = tpu.vector_load %arg12[%get3A_1285, %get3A_1286] {strides = array<i32>} : memref<400x64xf32, #tpu.memory_space<vmem>>, vector<1x16xf32>,
        %get3A_1288 = vector.shape_cast %get3A_1287 : vector<1x16xf32> to vector<16xf32>
        %add3A_1289 = arith.addf %add3A_1261, %get3A_1288 : vector<16xf32>
        %add3A_1290 = arith.constant 21 : i32
        %add3A_1291 = arith.addi %mul3A_305, %add3A_1290 : i32
        %get3A_1292 = arith.index_cast %add3A_1291 : i32 to index
        %get3A_1293 = arith.constant 48 : index
        %get3A_1294 = tpu.vector_load %arg12[%get3A_1292, %get3A_1293] {strides = array<i32>} : memref<400x64xf32, #tpu.memory_space<vmem>>, vector<1x16xf32>,
        %get3A_1295 = vector.shape_cast %get3A_1294 : vector<1x16xf32> to vector<16xf32>
        %add3A_1296 = arith.addf %add3A_1268, %get3A_1295 : vector<16xf32>
        %add3A_1297 = arith.constant 23 : i32
        %add3A_1298 = arith.addi %mul3A_305, %add3A_1297 : i32
        %get3A_1299 = arith.index_cast %add3A_1298 : i32 to index
        %get3A_1300 = arith.constant 0 : index
        %get3A_1301 = tpu.vector_load %arg12[%get3A_1299, %get3A_1300] {strides = array<i32>} : memref<400x64xf32, #tpu.memory_space<vmem>>, vector<1x16xf32>,
        %get3A_1302 = vector.shape_cast %get3A_1301 : vector<1x16xf32> to vector<16xf32>
        %add3A_1303 = arith.addf %add3A_1275, %get3A_1302 : vector<16xf32>
        %add3A_1304 = arith.constant 23 : i32
        %add3A_1305 = arith.addi %mul3A_305, %add3A_1304 : i32
        %get3A_1306 = arith.index_cast %add3A_1305 : i32 to index
        %get3A_1307 = arith.constant 16 : index
        %get3A_1308 = tpu.vector_load %arg12[%get3A_1306, %get3A_1307] {strides = array<i32>} : memref<400x64xf32, #tpu.memory_space<vmem>>, vector<1x16xf32>,
        %get3A_1309 = vector.shape_cast %get3A_1308 : vector<1x16xf32> to vector<16xf32>
        %add3A_1310 = arith.addf %add3A_1282, %get3A_1309 : vector<16xf32>
        %add3A_1311 = arith.constant 23 : i32
        %add3A_1312 = arith.addi %mul3A_305, %add3A_1311 : i32
        %get3A_1313 = arith.index_cast %add3A_1312 : i32 to index
        %get3A_1314 = arith.constant 32 : index
        %get3A_1315 = tpu.vector_load %arg12[%get3A_1313, %get3A_1314] {strides = array<i32>} : memref<400x64xf32, #tpu.memory_space<vmem>>, vector<1x16xf32>,
        %get3A_1316 = vector.shape_cast %get3A_1315 : vector<1x16xf32> to vector<16xf32>
        %add3A_1317 = arith.addf %add3A_1289, %get3A_1316 : vector<16xf32>
        %add3A_1318 = arith.constant 23 : i32
        %add3A_1319 = arith.addi %mul3A_305, %add3A_1318 : i32
        %get3A_1320 = arith.index_cast %add3A_1319 : i32 to index
        %get3A_1321 = arith.constant 48 : index
        %get3A_1322 = tpu.vector_load %arg12[%get3A_1320, %get3A_1321] {strides = array<i32>} : memref<400x64xf32, #tpu.memory_space<vmem>>, vector<1x16xf32>,
        %get3A_1323 = vector.shape_cast %get3A_1322 : vector<1x16xf32> to vector<16xf32>
        %add3A_1324 = arith.addf %add3A_1296, %get3A_1323 : vector<16xf32>
        %add3A_1325 = arith.constant 25 : i32
        %add3A_1326 = arith.addi %mul3A_305, %add3A_1325 : i32
        %get3A_1327 = arith.index_cast %add3A_1326 : i32 to index
        %get3A_1328 = arith.constant 0 : index
        %get3A_1329 = tpu.vector_load %arg12[%get3A_1327, %get3A_1328] {strides = array<i32>} : memref<400x64xf32, #tpu.memory_space<vmem>>, vector<1x16xf32>,
        %get3A_1330 = vector.shape_cast %get3A_1329 : vector<1x16xf32> to vector<16xf32>
        %add3A_1331 = arith.addf %add3A_1303, %get3A_1330 : vector<16xf32>
        %add3A_1332 = arith.constant 25 : i32
        %add3A_1333 = arith.addi %mul3A_305, %add3A_1332 : i32
        %get3A_1334 = arith.index_cast %add3A_1333 : i32 to index
        %get3A_1335 = arith.constant 16 : index
        %get3A_1336 = tpu.vector_load %arg12[%get3A_1334, %get3A_1335] {strides = array<i32>} : memref<400x64xf32, #tpu.memory_space<vmem>>, vector<1x16xf32>,
        %get3A_1337 = vector.shape_cast %get3A_1336 : vector<1x16xf32> to vector<16xf32>
        %add3A_1338 = arith.addf %add3A_1310, %get3A_1337 : vector<16xf32>
        %add3A_1339 = arith.constant 25 : i32
        %add3A_1340 = arith.addi %mul3A_305, %add3A_1339 : i32
        %get3A_1341 = arith.index_cast %add3A_1340 : i32 to index
        %get3A_1342 = arith.constant 32 : index
        %get3A_1343 = tpu.vector_load %arg12[%get3A_1341, %get3A_1342] {strides = array<i32>} : memref<400x64xf32, #tpu.memory_space<vmem>>, vector<1x16xf32>,
        %get3A_1344 = vector.shape_cast %get3A_1343 : vector<1x16xf32> to vector<16xf32>
        %add3A_1345 = arith.addf %add3A_1317, %get3A_1344 : vector<16xf32>
        %add3A_1346 = arith.constant 25 : i32
        %add3A_1347 = arith.addi %mul3A_305, %add3A_1346 : i32
        %get3A_1348 = arith.index_cast %add3A_1347 : i32 to index
        %get3A_1349 = arith.constant 48 : index
        %get3A_1350 = tpu.vector_load %arg12[%get3A_1348, %get3A_1349] {strides = array<i32>} : memref<400x64xf32, #tpu.memory_space<vmem>>, vector<1x16xf32>,
        %get3A_1351 = vector.shape_cast %get3A_1350 : vector<1x16xf32> to vector<16xf32>
        %add3A_1352 = arith.addf %add3A_1324, %get3A_1351 : vector<16xf32>
        %add3A_1353 = arith.constant 27 : i32
        %add3A_1354 = arith.addi %mul3A_305, %add3A_1353 : i32
        %get3A_1355 = arith.index_cast %add3A_1354 : i32 to index
        %get3A_1356 = arith.constant 0 : index
        %get3A_1357 = tpu.vector_load %arg12[%get3A_1355, %get3A_1356] {strides = array<i32>} : memref<400x64xf32, #tpu.memory_space<vmem>>, vector<1x16xf32>,
        %get3A_1358 = vector.shape_cast %get3A_1357 : vector<1x16xf32> to vector<16xf32>
        %add3A_1359 = arith.addf %add3A_1331, %get3A_1358 : vector<16xf32>
        %add3A_1360 = arith.constant 27 : i32
        %add3A_1361 = arith.addi %mul3A_305, %add3A_1360 : i32
        %get3A_1362 = arith.index_cast %add3A_1361 : i32 to index
        %get3A_1363 = arith.constant 16 : index
        %get3A_1364 = tpu.vector_load %arg12[%get3A_1362, %get3A_1363] {strides = array<i32>} : memref<400x64xf32, #tpu.memory_space<vmem>>, vector<1x16xf32>,
        %get3A_1365 = vector.shape_cast %get3A_1364 : vector<1x16xf32> to vector<16xf32>
        %add3A_1366 = arith.addf %add3A_1338, %get3A_1365 : vector<16xf32>
        %add3A_1367 = arith.constant 27 : i32
        %add3A_1368 = arith.addi %mul3A_305, %add3A_1367 : i32
        %get3A_1369 = arith.index_cast %add3A_1368 : i32 to index
        %get3A_1370 = arith.constant 32 : index
        %get3A_1371 = tpu.vector_load %arg12[%get3A_1369, %get3A_1370] {strides = array<i32>} : memref<400x64xf32, #tpu.memory_space<vmem>>, vector<1x16xf32>,
        %get3A_1372 = vector.shape_cast %get3A_1371 : vector<1x16xf32> to vector<16xf32>
        %add3A_1373 = arith.addf %add3A_1345, %get3A_1372 : vector<16xf32>
        %add3A_1374 = arith.constant 27 : i32
        %add3A_1375 = arith.addi %mul3A_305, %add3A_1374 : i32
        %get3A_1376 = arith.index_cast %add3A_1375 : i32 to index
        %get3A_1377 = arith.constant 48 : index
        %get3A_1378 = tpu.vector_load %arg12[%get3A_1376, %get3A_1377] {strides = array<i32>} : memref<400x64xf32, #tpu.memory_space<vmem>>, vector<1x16xf32>,
        %get3A_1379 = vector.shape_cast %get3A_1378 : vector<1x16xf32> to vector<16xf32>
        %add3A_1380 = arith.addf %add3A_1352, %get3A_1379 : vector<16xf32>
        %add3A_1381 = arith.constant 29 : i32
        %add3A_1382 = arith.addi %mul3A_305, %add3A_1381 : i32
        %get3A_1383 = arith.index_cast %add3A_1382 : i32 to index
        %get3A_1384 = arith.constant 0 : index
        %get3A_1385 = tpu.vector_load %arg12[%get3A_1383, %get3A_1384] {strides = array<i32>} : memref<400x64xf32, #tpu.memory_space<vmem>>, vector<1x16xf32>,
        %get3A_1386 = vector.shape_cast %get3A_1385 : vector<1x16xf32> to vector<16xf32>
        %add3A_1387 = arith.addf %add3A_1359, %get3A_1386 : vector<16xf32>
        %add3A_1388 = arith.constant 29 : i32
        %add3A_1389 = arith.addi %mul3A_305, %add3A_1388 : i32
        %get3A_1390 = arith.index_cast %add3A_1389 : i32 to index
        %get3A_1391 = arith.constant 16 : index
        %get3A_1392 = tpu.vector_load %arg12[%get3A_1390, %get3A_1391] {strides = array<i32>} : memref<400x64xf32, #tpu.memory_space<vmem>>, vector<1x16xf32>,
        %get3A_1393 = vector.shape_cast %get3A_1392 : vector<1x16xf32> to vector<16xf32>
        %add3A_1394 = arith.addf %add3A_1366, %get3A_1393 : vector<16xf32>
        %add3A_1395 = arith.constant 29 : i32
        %add3A_1396 = arith.addi %mul3A_305, %add3A_1395 : i32
        %get3A_1397 = arith.index_cast %add3A_1396 : i32 to index
        %get3A_1398 = arith.constant 32 : index
        %get3A_1399 = tpu.vector_load %arg12[%get3A_1397, %get3A_1398] {strides = array<i32>} : memref<400x64xf32, #tpu.memory_space<vmem>>, vector<1x16xf32>,
        %get3A_1400 = vector.shape_cast %get3A_1399 : vector<1x16xf32> to vector<16xf32>
        %add3A_1401 = arith.addf %add3A_1373, %get3A_1400 : vector<16xf32>
        %add3A_1402 = arith.constant 29 : i32
        %add3A_1403 = arith.addi %mul3A_305, %add3A_1402 : i32
        %get3A_1404 = arith.index_cast %add3A_1403 : i32 to index
        %get3A_1405 = arith.constant 48 : index
        %get3A_1406 = tpu.vector_load %arg12[%get3A_1404, %get3A_1405] {strides = array<i32>} : memref<400x64xf32, #tpu.memory_space<vmem>>, vector<1x16xf32>,
        %get3A_1407 = vector.shape_cast %get3A_1406 : vector<1x16xf32> to vector<16xf32>
        %add3A_1408 = arith.addf %add3A_1380, %get3A_1407 : vector<16xf32>
        %add3A_1409 = arith.constant 31 : i32
        %add3A_1410 = arith.addi %mul3A_305, %add3A_1409 : i32
        %get3A_1411 = arith.index_cast %add3A_1410 : i32 to index
        %get3A_1412 = arith.constant 0 : index
        %get3A_1413 = tpu.vector_load %arg12[%get3A_1411, %get3A_1412] {strides = array<i32>} : memref<400x64xf32, #tpu.memory_space<vmem>>, vector<1x16xf32>,
        %get3A_1414 = vector.shape_cast %get3A_1413 : vector<1x16xf32> to vector<16xf32>
        %add3A_1415 = arith.addf %add3A_1387, %get3A_1414 : vector<16xf32>
        %add3A_1416 = arith.constant 31 : i32
        %add3A_1417 = arith.addi %mul3A_305, %add3A_1416 : i32
        %get3A_1418 = arith.index_cast %add3A_1417 : i32 to index
        %get3A_1419 = arith.constant 16 : index
        %get3A_1420 = tpu.vector_load %arg12[%get3A_1418, %get3A_1419] {strides = array<i32>} : memref<400x64xf32, #tpu.memory_space<vmem>>, vector<1x16xf32>,
        %get3A_1421 = vector.shape_cast %get3A_1420 : vector<1x16xf32> to vector<16xf32>
        %add3A_1422 = arith.addf %add3A_1394, %get3A_1421 : vector<16xf32>
        %add3A_1423 = arith.constant 31 : i32
        %add3A_1424 = arith.addi %mul3A_305, %add3A_1423 : i32
        %get3A_1425 = arith.index_cast %add3A_1424 : i32 to index
        %get3A_1426 = arith.constant 32 : index
        %get3A_1427 = tpu.vector_load %arg12[%get3A_1425, %get3A_1426] {strides = array<i32>} : memref<400x64xf32, #tpu.memory_space<vmem>>, vector<1x16xf32>,
        %get3A_1428 = vector.shape_cast %get3A_1427 : vector<1x16xf32> to vector<16xf32>
        %add3A_1429 = arith.addf %add3A_1401, %get3A_1428 : vector<16xf32>
        %add3A_1430 = arith.constant 31 : i32
        %add3A_1431 = arith.addi %mul3A_305, %add3A_1430 : i32
        %get3A_1432 = arith.index_cast %add3A_1431 : i32 to index
        %get3A_1433 = arith.constant 48 : index
        %get3A_1434 = tpu.vector_load %arg12[%get3A_1432, %get3A_1433] {strides = array<i32>} : memref<400x64xf32, #tpu.memory_space<vmem>>, vector<1x16xf32>,
        %get3A_1435 = vector.shape_cast %get3A_1434 : vector<1x16xf32> to vector<16xf32>
        %add3A_1436 = arith.addf %add3A_1408, %get3A_1435 : vector<16xf32>
        %add3A_1437 = arith.constant 33 : i32
        %add3A_1438 = arith.addi %mul3A_305, %add3A_1437 : i32
        %get3A_1439 = arith.index_cast %add3A_1438 : i32 to index
        %get3A_1440 = arith.constant 0 : index
        %get3A_1441 = tpu.vector_load %arg12[%get3A_1439, %get3A_1440] {strides = array<i32>} : memref<400x64xf32, #tpu.memory_space<vmem>>, vector<1x16xf32>,
        %get3A_1442 = vector.shape_cast %get3A_1441 : vector<1x16xf32> to vector<16xf32>
        %add3A_1443 = arith.addf %add3A_1415, %get3A_1442 : vector<16xf32>
        %add3A_1444 = arith.constant 33 : i32
        %add3A_1445 = arith.addi %mul3A_305, %add3A_1444 : i32
        %get3A_1446 = arith.index_cast %add3A_1445 : i32 to index
        %get3A_1447 = arith.constant 16 : index
        %get3A_1448 = tpu.vector_load %arg12[%get3A_1446, %get3A_1447] {strides = array<i32>} : memref<400x64xf32, #tpu.memory_space<vmem>>, vector<1x16xf32>,
        %get3A_1449 = vector.shape_cast %get3A_1448 : vector<1x16xf32> to vector<16xf32>
        %add3A_1450 = arith.addf %add3A_1422, %get3A_1449 : vector<16xf32>
        %add3A_1451 = arith.constant 33 : i32
        %add3A_1452 = arith.addi %mul3A_305, %add3A_1451 : i32
        %get3A_1453 = arith.index_cast %add3A_1452 : i32 to index
        %get3A_1454 = arith.constant 32 : index
        %get3A_1455 = tpu.vector_load %arg12[%get3A_1453, %get3A_1454] {strides = array<i32>} : memref<400x64xf32, #tpu.memory_space<vmem>>, vector<1x16xf32>,
        %get3A_1456 = vector.shape_cast %get3A_1455 : vector<1x16xf32> to vector<16xf32>
        %add3A_1457 = arith.addf %add3A_1429, %get3A_1456 : vector<16xf32>
        %add3A_1458 = arith.constant 33 : i32
        %add3A_1459 = arith.addi %mul3A_305, %add3A_1458 : i32
        %get3A_1460 = arith.index_cast %add3A_1459 : i32 to index
        %get3A_1461 = arith.constant 48 : index
        %get3A_1462 = tpu.vector_load %arg12[%get3A_1460, %get3A_1461] {strides = array<i32>} : memref<400x64xf32, #tpu.memory_space<vmem>>, vector<1x16xf32>,
        %get3A_1463 = vector.shape_cast %get3A_1462 : vector<1x16xf32> to vector<16xf32>
        %add3A_1464 = arith.addf %add3A_1436, %get3A_1463 : vector<16xf32>
        %add3A_1465 = arith.constant 35 : i32
        %add3A_1466 = arith.addi %mul3A_305, %add3A_1465 : i32
        %get3A_1467 = arith.index_cast %add3A_1466 : i32 to index
        %get3A_1468 = arith.constant 0 : index
        %get3A_1469 = tpu.vector_load %arg12[%get3A_1467, %get3A_1468] {strides = array<i32>} : memref<400x64xf32, #tpu.memory_space<vmem>>, vector<1x16xf32>,
        %get3A_1470 = vector.shape_cast %get3A_1469 : vector<1x16xf32> to vector<16xf32>
        %add3A_1471 = arith.addf %add3A_1443, %get3A_1470 : vector<16xf32>
        %add3A_1472 = arith.constant 35 : i32
        %add3A_1473 = arith.addi %mul3A_305, %add3A_1472 : i32
        %get3A_1474 = arith.index_cast %add3A_1473 : i32 to index
        %get3A_1475 = arith.constant 16 : index
        %get3A_1476 = tpu.vector_load %arg12[%get3A_1474, %get3A_1475] {strides = array<i32>} : memref<400x64xf32, #tpu.memory_space<vmem>>, vector<1x16xf32>,
        %get3A_1477 = vector.shape_cast %get3A_1476 : vector<1x16xf32> to vector<16xf32>
        %add3A_1478 = arith.addf %add3A_1450, %get3A_1477 : vector<16xf32>
        %add3A_1479 = arith.constant 35 : i32
        %add3A_1480 = arith.addi %mul3A_305, %add3A_1479 : i32
        %get3A_1481 = arith.index_cast %add3A_1480 : i32 to index
        %get3A_1482 = arith.constant 32 : index
        %get3A_1483 = tpu.vector_load %arg12[%get3A_1481, %get3A_1482] {strides = array<i32>} : memref<400x64xf32, #tpu.memory_space<vmem>>, vector<1x16xf32>,
        %get3A_1484 = vector.shape_cast %get3A_1483 : vector<1x16xf32> to vector<16xf32>
        %add3A_1485 = arith.addf %add3A_1457, %get3A_1484 : vector<16xf32>
        %add3A_1486 = arith.constant 35 : i32
        %add3A_1487 = arith.addi %mul3A_305, %add3A_1486 : i32
        %get3A_1488 = arith.index_cast %add3A_1487 : i32 to index
        %get3A_1489 = arith.constant 48 : index
        %get3A_1490 = tpu.vector_load %arg12[%get3A_1488, %get3A_1489] {strides = array<i32>} : memref<400x64xf32, #tpu.memory_space<vmem>>, vector<1x16xf32>,
        %get3A_1491 = vector.shape_cast %get3A_1490 : vector<1x16xf32> to vector<16xf32>
        %add3A_1492 = arith.addf %add3A_1464, %get3A_1491 : vector<16xf32>
        %add3A_1493 = arith.constant 37 : i32
        %add3A_1494 = arith.addi %mul3A_305, %add3A_1493 : i32
        %get3A_1495 = arith.index_cast %add3A_1494 : i32 to index
        %get3A_1496 = arith.constant 0 : index
        %get3A_1497 = tpu.vector_load %arg12[%get3A_1495, %get3A_1496] {strides = array<i32>} : memref<400x64xf32, #tpu.memory_space<vmem>>, vector<1x16xf32>,
        %get3A_1498 = vector.shape_cast %get3A_1497 : vector<1x16xf32> to vector<16xf32>
        %add3A_1499 = arith.addf %add3A_1471, %get3A_1498 : vector<16xf32>
        %add3A_1500 = arith.constant 37 : i32
        %add3A_1501 = arith.addi %mul3A_305, %add3A_1500 : i32
        %get3A_1502 = arith.index_cast %add3A_1501 : i32 to index
        %get3A_1503 = arith.constant 16 : index
        %get3A_1504 = tpu.vector_load %arg12[%get3A_1502, %get3A_1503] {strides = array<i32>} : memref<400x64xf32, #tpu.memory_space<vmem>>, vector<1x16xf32>,
        %get3A_1505 = vector.shape_cast %get3A_1504 : vector<1x16xf32> to vector<16xf32>
        %add3A_1506 = arith.addf %add3A_1478, %get3A_1505 : vector<16xf32>
        %add3A_1507 = arith.constant 37 : i32
        %add3A_1508 = arith.addi %mul3A_305, %add3A_1507 : i32
        %get3A_1509 = arith.index_cast %add3A_1508 : i32 to index
        %get3A_1510 = arith.constant 32 : index
        %get3A_1511 = tpu.vector_load %arg12[%get3A_1509, %get3A_1510] {strides = array<i32>} : memref<400x64xf32, #tpu.memory_space<vmem>>, vector<1x16xf32>,
        %get3A_1512 = vector.shape_cast %get3A_1511 : vector<1x16xf32> to vector<16xf32>
        %add3A_1513 = arith.addf %add3A_1485, %get3A_1512 : vector<16xf32>
        %add3A_1514 = arith.constant 37 : i32
        %add3A_1515 = arith.addi %mul3A_305, %add3A_1514 : i32
        %get3A_1516 = arith.index_cast %add3A_1515 : i32 to index
        %get3A_1517 = arith.constant 48 : index
        %get3A_1518 = tpu.vector_load %arg12[%get3A_1516, %get3A_1517] {strides = array<i32>} : memref<400x64xf32, #tpu.memory_space<vmem>>, vector<1x16xf32>,
        %get3A_1519 = vector.shape_cast %get3A_1518 : vector<1x16xf32> to vector<16xf32>
        %add3A_1520 = arith.addf %add3A_1492, %get3A_1519 : vector<16xf32>
        %add3A_1521 = arith.constant 39 : i32
        %add3A_1522 = arith.addi %mul3A_305, %add3A_1521 : i32
        %get3A_1523 = arith.index_cast %add3A_1522 : i32 to index
        %get3A_1524 = arith.constant 0 : index
        %get3A_1525 = tpu.vector_load %arg12[%get3A_1523, %get3A_1524] {strides = array<i32>} : memref<400x64xf32, #tpu.memory_space<vmem>>, vector<1x16xf32>,
        %get3A_1526 = vector.shape_cast %get3A_1525 : vector<1x16xf32> to vector<16xf32>
        %add3A_1527 = arith.addf %add3A_1499, %get3A_1526 : vector<16xf32>
        %add3A_1528 = arith.constant 39 : i32
        %add3A_1529 = arith.addi %mul3A_305, %add3A_1528 : i32
        %get3A_1530 = arith.index_cast %add3A_1529 : i32 to index
        %get3A_1531 = arith.constant 16 : index
        %get3A_1532 = tpu.vector_load %arg12[%get3A_1530, %get3A_1531] {strides = array<i32>} : memref<400x64xf32, #tpu.memory_space<vmem>>, vector<1x16xf32>,
        %get3A_1533 = vector.shape_cast %get3A_1532 : vector<1x16xf32> to vector<16xf32>
        %add3A_1534 = arith.addf %add3A_1506, %get3A_1533 : vector<16xf32>
        %add3A_1535 = arith.constant 39 : i32
        %add3A_1536 = arith.addi %mul3A_305, %add3A_1535 : i32
        %get3A_1537 = arith.index_cast %add3A_1536 : i32 to index
        %get3A_1538 = arith.constant 32 : index
        %get3A_1539 = tpu.vector_load %arg12[%get3A_1537, %get3A_1538] {strides = array<i32>} : memref<400x64xf32, #tpu.memory_space<vmem>>, vector<1x16xf32>,
        %get3A_1540 = vector.shape_cast %get3A_1539 : vector<1x16xf32> to vector<16xf32>
        %add3A_1541 = arith.addf %add3A_1513, %get3A_1540 : vector<16xf32>
        %add3A_1542 = arith.constant 39 : i32
        %add3A_1543 = arith.addi %mul3A_305, %add3A_1542 : i32
        %get3A_1544 = arith.index_cast %add3A_1543 : i32 to index
        %get3A_1545 = arith.constant 48 : index
        %get3A_1546 = tpu.vector_load %arg12[%get3A_1544, %get3A_1545] {strides = array<i32>} : memref<400x64xf32, #tpu.memory_space<vmem>>, vector<1x16xf32>,
        %get3A_1547 = vector.shape_cast %get3A_1546 : vector<1x16xf32> to vector<16xf32>
        %add3A_1548 = arith.addf %add3A_1520, %get3A_1547 : vector<16xf32>
        %add3A_1549 = arith.constant 41 : i32
        %add3A_1550 = arith.addi %mul3A_305, %add3A_1549 : i32
        %get3A_1551 = arith.index_cast %add3A_1550 : i32 to index
        %get3A_1552 = arith.constant 0 : index
        %get3A_1553 = tpu.vector_load %arg12[%get3A_1551, %get3A_1552] {strides = array<i32>} : memref<400x64xf32, #tpu.memory_space<vmem>>, vector<1x16xf32>,
        %get3A_1554 = vector.shape_cast %get3A_1553 : vector<1x16xf32> to vector<16xf32>
        %add3A_1555 = arith.addf %add3A_1527, %get3A_1554 : vector<16xf32>
        %add3A_1556 = arith.constant 41 : i32
        %add3A_1557 = arith.addi %mul3A_305, %add3A_1556 : i32
        %get3A_1558 = arith.index_cast %add3A_1557 : i32 to index
        %get3A_1559 = arith.constant 16 : index
        %get3A_1560 = tpu.vector_load %arg12[%get3A_1558, %get3A_1559] {strides = array<i32>} : memref<400x64xf32, #tpu.memory_space<vmem>>, vector<1x16xf32>,
        %get3A_1561 = vector.shape_cast %get3A_1560 : vector<1x16xf32> to vector<16xf32>
        %add3A_1562 = arith.addf %add3A_1534, %get3A_1561 : vector<16xf32>
        %add3A_1563 = arith.constant 41 : i32
        %add3A_1564 = arith.addi %mul3A_305, %add3A_1563 : i32
        %get3A_1565 = arith.index_cast %add3A_1564 : i32 to index
        %get3A_1566 = arith.constant 32 : index
        %get3A_1567 = tpu.vector_load %arg12[%get3A_1565, %get3A_1566] {strides = array<i32>} : memref<400x64xf32, #tpu.memory_space<vmem>>, vector<1x16xf32>,
        %get3A_1568 = vector.shape_cast %get3A_1567 : vector<1x16xf32> to vector<16xf32>
        %add3A_1569 = arith.addf %add3A_1541, %get3A_1568 : vector<16xf32>
        %add3A_1570 = arith.constant 41 : i32
        %add3A_1571 = arith.addi %mul3A_305, %add3A_1570 : i32
        %get3A_1572 = arith.index_cast %add3A_1571 : i32 to index
        %get3A_1573 = arith.constant 48 : index
        %get3A_1574 = tpu.vector_load %arg12[%get3A_1572, %get3A_1573] {strides = array<i32>} : memref<400x64xf32, #tpu.memory_space<vmem>>, vector<1x16xf32>,
        %get3A_1575 = vector.shape_cast %get3A_1574 : vector<1x16xf32> to vector<16xf32>
        %add3A_1576 = arith.addf %add3A_1548, %get3A_1575 : vector<16xf32>
        %add3A_1577 = arith.constant 43 : i32
        %add3A_1578 = arith.addi %mul3A_305, %add3A_1577 : i32
        %get3A_1579 = arith.index_cast %add3A_1578 : i32 to index
        %get3A_1580 = arith.constant 0 : index
        %get3A_1581 = tpu.vector_load %arg12[%get3A_1579, %get3A_1580] {strides = array<i32>} : memref<400x64xf32, #tpu.memory_space<vmem>>, vector<1x16xf32>,
        %get3A_1582 = vector.shape_cast %get3A_1581 : vector<1x16xf32> to vector<16xf32>
        %add3A_1583 = arith.addf %add3A_1555, %get3A_1582 : vector<16xf32>
        %add3A_1584 = arith.constant 43 : i32
        %add3A_1585 = arith.addi %mul3A_305, %add3A_1584 : i32
        %get3A_1586 = arith.index_cast %add3A_1585 : i32 to index
        %get3A_1587 = arith.constant 16 : index
        %get3A_1588 = tpu.vector_load %arg12[%get3A_1586, %get3A_1587] {strides = array<i32>} : memref<400x64xf32, #tpu.memory_space<vmem>>, vector<1x16xf32>,
        %get3A_1589 = vector.shape_cast %get3A_1588 : vector<1x16xf32> to vector<16xf32>
        %add3A_1590 = arith.addf %add3A_1562, %get3A_1589 : vector<16xf32>
        %add3A_1591 = arith.constant 43 : i32
        %add3A_1592 = arith.addi %mul3A_305, %add3A_1591 : i32
        %get3A_1593 = arith.index_cast %add3A_1592 : i32 to index
        %get3A_1594 = arith.constant 32 : index
        %get3A_1595 = tpu.vector_load %arg12[%get3A_1593, %get3A_1594] {strides = array<i32>} : memref<400x64xf32, #tpu.memory_space<vmem>>, vector<1x16xf32>,
        %get3A_1596 = vector.shape_cast %get3A_1595 : vector<1x16xf32> to vector<16xf32>
        %add3A_1597 = arith.addf %add3A_1569, %get3A_1596 : vector<16xf32>
        %add3A_1598 = arith.constant 43 : i32
        %add3A_1599 = arith.addi %mul3A_305, %add3A_1598 : i32
        %get3A_1600 = arith.index_cast %add3A_1599 : i32 to index
        %get3A_1601 = arith.constant 48 : index
        %get3A_1602 = tpu.vector_load %arg12[%get3A_1600, %get3A_1601] {strides = array<i32>} : memref<400x64xf32, #tpu.memory_space<vmem>>, vector<1x16xf32>,
        %get3A_1603 = vector.shape_cast %get3A_1602 : vector<1x16xf32> to vector<16xf32>
        %add3A_1604 = arith.addf %add3A_1576, %get3A_1603 : vector<16xf32>
        %add3A_1605 = arith.constant 45 : i32
        %add3A_1606 = arith.addi %mul3A_305, %add3A_1605 : i32
        %get3A_1607 = arith.index_cast %add3A_1606 : i32 to index
        %get3A_1608 = arith.constant 0 : index
        %get3A_1609 = tpu.vector_load %arg12[%get3A_1607, %get3A_1608] {strides = array<i32>} : memref<400x64xf32, #tpu.memory_space<vmem>>, vector<1x16xf32>,
        %get3A_1610 = vector.shape_cast %get3A_1609 : vector<1x16xf32> to vector<16xf32>
        %add3A_1611 = arith.addf %add3A_1583, %get3A_1610 : vector<16xf32>
        %add3A_1612 = arith.constant 45 : i32
        %add3A_1613 = arith.addi %mul3A_305, %add3A_1612 : i32
        %get3A_1614 = arith.index_cast %add3A_1613 : i32 to index
        %get3A_1615 = arith.constant 16 : index
        %get3A_1616 = tpu.vector_load %arg12[%get3A_1614, %get3A_1615] {strides = array<i32>} : memref<400x64xf32, #tpu.memory_space<vmem>>, vector<1x16xf32>,
        %get3A_1617 = vector.shape_cast %get3A_1616 : vector<1x16xf32> to vector<16xf32>
        %add3A_1618 = arith.addf %add3A_1590, %get3A_1617 : vector<16xf32>
        %add3A_1619 = arith.constant 45 : i32
        %add3A_1620 = arith.addi %mul3A_305, %add3A_1619 : i32
        %get3A_1621 = arith.index_cast %add3A_1620 : i32 to index
        %get3A_1622 = arith.constant 32 : index
        %get3A_1623 = tpu.vector_load %arg12[%get3A_1621, %get3A_1622] {strides = array<i32>} : memref<400x64xf32, #tpu.memory_space<vmem>>, vector<1x16xf32>,
        %get3A_1624 = vector.shape_cast %get3A_1623 : vector<1x16xf32> to vector<16xf32>
        %add3A_1625 = arith.addf %add3A_1597, %get3A_1624 : vector<16xf32>
        %add3A_1626 = arith.constant 45 : i32
        %add3A_1627 = arith.addi %mul3A_305, %add3A_1626 : i32
        %get3A_1628 = arith.index_cast %add3A_1627 : i32 to index
        %get3A_1629 = arith.constant 48 : index
        %get3A_1630 = tpu.vector_load %arg12[%get3A_1628, %get3A_1629] {strides = array<i32>} : memref<400x64xf32, #tpu.memory_space<vmem>>, vector<1x16xf32>,
        %get3A_1631 = vector.shape_cast %get3A_1630 : vector<1x16xf32> to vector<16xf32>
        %add3A_1632 = arith.addf %add3A_1604, %get3A_1631 : vector<16xf32>
        %add3A_1633 = arith.constant 47 : i32
        %add3A_1634 = arith.addi %mul3A_305, %add3A_1633 : i32
        %get3A_1635 = arith.index_cast %add3A_1634 : i32 to index
        %get3A_1636 = arith.constant 0 : index
        %get3A_1637 = tpu.vector_load %arg12[%get3A_1635, %get3A_1636] {strides = array<i32>} : memref<400x64xf32, #tpu.memory_space<vmem>>, vector<1x16xf32>,
        %get3A_1638 = vector.shape_cast %get3A_1637 : vector<1x16xf32> to vector<16xf32>
        %add3A_1639 = arith.addf %add3A_1611, %get3A_1638 : vector<16xf32>
        %add3A_1640 = arith.constant 47 : i32
        %add3A_1641 = arith.addi %mul3A_305, %add3A_1640 : i32
        %get3A_1642 = arith.index_cast %add3A_1641 : i32 to index
        %get3A_1643 = arith.constant 16 : index
        %get3A_1644 = tpu.vector_load %arg12[%get3A_1642, %get3A_1643] {strides = array<i32>} : memref<400x64xf32, #tpu.memory_space<vmem>>, vector<1x16xf32>,
        %get3A_1645 = vector.shape_cast %get3A_1644 : vector<1x16xf32> to vector<16xf32>
        %add3A_1646 = arith.addf %add3A_1618, %get3A_1645 : vector<16xf32>
        %add3A_1647 = arith.constant 47 : i32
        %add3A_1648 = arith.addi %mul3A_305, %add3A_1647 : i32
        %get3A_1649 = arith.index_cast %add3A_1648 : i32 to index
        %get3A_1650 = arith.constant 32 : index
        %get3A_1651 = tpu.vector_load %arg12[%get3A_1649, %get3A_1650] {strides = array<i32>} : memref<400x64xf32, #tpu.memory_space<vmem>>, vector<1x16xf32>,
        %get3A_1652 = vector.shape_cast %get3A_1651 : vector<1x16xf32> to vector<16xf32>
        %add3A_1653 = arith.addf %add3A_1625, %get3A_1652 : vector<16xf32>
        %add3A_1654 = arith.constant 47 : i32
        %add3A_1655 = arith.addi %mul3A_305, %add3A_1654 : i32
        %get3A_1656 = arith.index_cast %add3A_1655 : i32 to index
        %get3A_1657 = arith.constant 48 : index
        %get3A_1658 = tpu.vector_load %arg12[%get3A_1656, %get3A_1657] {strides = array<i32>} : memref<400x64xf32, #tpu.memory_space<vmem>>, vector<1x16xf32>,
        %get3A_1659 = vector.shape_cast %get3A_1658 : vector<1x16xf32> to vector<16xf32>
        %add3A_1660 = arith.addf %add3A_1632, %get3A_1659 : vector<16xf32>
        %add3A_1661 = arith.constant 49 : i32
        %add3A_1662 = arith.addi %mul3A_305, %add3A_1661 : i32
        %get3A_1663 = arith.index_cast %add3A_1662 : i32 to index
        %get3A_1664 = arith.constant 0 : index
        %get3A_1665 = tpu.vector_load %arg12[%get3A_1663, %get3A_1664] {strides = array<i32>} : memref<400x64xf32, #tpu.memory_space<vmem>>, vector<1x16xf32>,
        %get3A_1666 = vector.shape_cast %get3A_1665 : vector<1x16xf32> to vector<16xf32>
        %add3A_1667 = arith.addf %add3A_1639, %get3A_1666 : vector<16xf32>
        %add3A_1668 = arith.constant 49 : i32
        %add3A_1669 = arith.addi %mul3A_305, %add3A_1668 : i32
        %get3A_1670 = arith.index_cast %add3A_1669 : i32 to index
        %get3A_1671 = arith.constant 16 : index
        %get3A_1672 = tpu.vector_load %arg12[%get3A_1670, %get3A_1671] {strides = array<i32>} : memref<400x64xf32, #tpu.memory_space<vmem>>, vector<1x16xf32>,
        %get3A_1673 = vector.shape_cast %get3A_1672 : vector<1x16xf32> to vector<16xf32>
        %add3A_1674 = arith.addf %add3A_1646, %get3A_1673 : vector<16xf32>
        %add3A_1675 = arith.constant 49 : i32
        %add3A_1676 = arith.addi %mul3A_305, %add3A_1675 : i32
        %get3A_1677 = arith.index_cast %add3A_1676 : i32 to index
        %get3A_1678 = arith.constant 32 : index
        %get3A_1679 = tpu.vector_load %arg12[%get3A_1677, %get3A_1678] {strides = array<i32>} : memref<400x64xf32, #tpu.memory_space<vmem>>, vector<1x16xf32>,
        %get3A_1680 = vector.shape_cast %get3A_1679 : vector<1x16xf32> to vector<16xf32>
        %add3A_1681 = arith.addf %add3A_1653, %get3A_1680 : vector<16xf32>
        %add3A_1682 = arith.constant 49 : i32
        %add3A_1683 = arith.addi %mul3A_305, %add3A_1682 : i32
        %get3A_1684 = arith.index_cast %add3A_1683 : i32 to index
        %get3A_1685 = arith.constant 48 : index
        %get3A_1686 = tpu.vector_load %arg12[%get3A_1684, %get3A_1685] {strides = array<i32>} : memref<400x64xf32, #tpu.memory_space<vmem>>, vector<1x16xf32>,
        %get3A_1687 = vector.shape_cast %get3A_1686 : vector<1x16xf32> to vector<16xf32>
        %add3A_1688 = arith.addf %add3A_1660, %get3A_1687 : vector<16xf32>
        %add3A_1689 = arith.addf %add3A_995, %add3A_1667 : vector<16xf32>
        %mul3A_1690 = arith.constant 2.000000e-02 : f32
        %mul3A_1691 = vector.broadcast %mul3A_1690 : f32 to vector<16xf32>
        %mul3A_1692 = arith.mulf %add3A_1689, %mul3A_1691 : vector<16xf32>
        %swap3A = arith.index_cast %scan3A_302 : i32 to index
        %swap3A_1693 = arith.constant 0 : index
        %swap3A_1694 = tpu.vector_load %arg15[%swap3A, %swap3A_1693] {strides = array<i32>} : memref<8x64xf32, #tpu.memory_space<vmem>>, vector<1x16xf32>,
        %swap3A_1695 = vector.shape_cast %swap3A_1694 : vector<1x16xf32> to vector<16xf32>
        %swap3A_1696 = vector.shape_cast %mul3A_1692 : vector<16xf32> to vector<1x16xf32>
        tpu.vector_store %arg15[%swap3A, %swap3A_1693], %swap3A_1696 {strides = array<i32>} : memref<8x64xf32, #tpu.memory_space<vmem>>, vector<1x16xf32>,
        %add3A_1697 = arith.addf %add3A_1002, %add3A_1674 : vector<16xf32>
        %mul3A_1698 = arith.constant 2.000000e-02 : f32
        %mul3A_1699 = vector.broadcast %mul3A_1698 : f32 to vector<16xf32>
        %mul3A_1700 = arith.mulf %add3A_1697, %mul3A_1699 : vector<16xf32>
        %swap3A_1701 = arith.index_cast %scan3A_302 : i32 to index
        %swap3A_1702 = arith.constant 16 : index
        %swap3A_1703 = tpu.vector_load %arg15[%swap3A_1701, %swap3A_1702] {strides = array<i32>} : memref<8x64xf32, #tpu.memory_space<vmem>>, vector<1x16xf32>,
        %swap3A_1704 = vector.shape_cast %swap3A_1703 : vector<1x16xf32> to vector<16xf32>
        %swap3A_1705 = vector.shape_cast %mul3A_1700 : vector<16xf32> to vector<1x16xf32>
        tpu.vector_store %arg15[%swap3A_1701, %swap3A_1702], %swap3A_1705 {strides = array<i32>} : memref<8x64xf32, #tpu.memory_space<vmem>>, vector<1x16xf32>,
        %add3A_1706 = arith.addf %add3A_1009, %add3A_1681 : vector<16xf32>
        %mul3A_1707 = arith.constant 2.000000e-02 : f32
        %mul3A_1708 = vector.broadcast %mul3A_1707 : f32 to vector<16xf32>
        %mul3A_1709 = arith.mulf %add3A_1706, %mul3A_1708 : vector<16xf32>
        %swap3A_1710 = arith.index_cast %scan3A_302 : i32 to index
        %swap3A_1711 = arith.constant 32 : index
        %swap3A_1712 = tpu.vector_load %arg15[%swap3A_1710, %swap3A_1711] {strides = array<i32>} : memref<8x64xf32, #tpu.memory_space<vmem>>, vector<1x16xf32>,
        %swap3A_1713 = vector.shape_cast %swap3A_1712 : vector<1x16xf32> to vector<16xf32>
        %swap3A_1714 = vector.shape_cast %mul3A_1709 : vector<16xf32> to vector<1x16xf32>
        tpu.vector_store %arg15[%swap3A_1710, %swap3A_1711], %swap3A_1714 {strides = array<i32>} : memref<8x64xf32, #tpu.memory_space<vmem>>, vector<1x16xf32>,
        %add3A_1715 = arith.addf %add3A_1016, %add3A_1688 : vector<16xf32>
        %mul3A_1716 = arith.constant 2.000000e-02 : f32
        %mul3A_1717 = vector.broadcast %mul3A_1716 : f32 to vector<16xf32>
        %mul3A_1718 = arith.mulf %add3A_1715, %mul3A_1717 : vector<16xf32>
        %swap3A_1719 = arith.index_cast %scan3A_302 : i32 to index
        %swap3A_1720 = arith.constant 48 : index
        %swap3A_1721 = tpu.vector_load %arg15[%swap3A_1719, %swap3A_1720] {strides = array<i32>} : memref<8x64xf32, #tpu.memory_space<vmem>>, vector<1x16xf32>,
        %swap3A_1722 = vector.shape_cast %swap3A_1721 : vector<1x16xf32> to vector<16xf32>
        %swap3A_1723 = vector.shape_cast %mul3A_1718 : vector<16xf32> to vector<1x16xf32>
        tpu.vector_store %arg15[%swap3A_1719, %swap3A_1720], %swap3A_1723 {strides = array<i32>} : memref<8x64xf32, #tpu.memory_space<vmem>>, vector<1x16xf32>,
        %scan3A_1724 = arith.constant 0 : i32
        scf.yield %scan3A_1724 : i32
      }
      %scan3A_248 = arith.constant 8 : i32
      %jit3A_249 = arith.constant 64 : i32
      %div3A_250 = arith.divsi %add3A_219, %jit3A_249 : i32
      %sign3A_251 = arith.constant 0 : i32
      %sign3A_252 = arith.cmpi sgt, %add3A_219, %sign3A_251 : i32
      %sign3A_253 = arith.extui %sign3A_252 : i1 to i32
      %sign3A_254 = arith.constant 0 : i32
      %sign3A_255 = arith.cmpi slt, %add3A_219, %sign3A_254 : i32
      %sign3A_256 = arith.extui %sign3A_255 : i1 to i32
      %sign3A_257 = arith.subi %sign3A_253, %sign3A_256 : i32
      %sign3A_258 = arith.constant 0 : i32
      %sign3A_259 = arith.cmpi sgt, %jit3A_249, %sign3A_258 : i32
      %sign3A_260 = arith.extui %sign3A_259 : i1 to i32
      %sign3A_261 = arith.constant 0 : i32
      %sign3A_262 = arith.cmpi slt, %jit3A_249, %sign3A_261 : i32
      %sign3A_263 = arith.extui %sign3A_262 : i1 to i32
      %sign3A_264 = arith.subi %sign3A_260, %sign3A_263 : i32
      %ne3A_265 = arith.cmpi ne, %sign3A_257, %sign3A_264 : i32
      %rem3A_266 = arith.remsi %add3A_219, %jit3A_249 : i32
      %ne3A_267 = arith.constant 0 : i32
      %ne3A_268 = arith.cmpi ne, %rem3A_266, %ne3A_267 : i32
      %and3A_269 = arith.andi %ne3A_265, %ne3A_268 : i1
      %sub3A_270 = arith.constant 1 : i32
      %sub3A_271 = arith.subi %div3A_250, %sub3A_270 : i32
      %select_n3A_272 = arith.select %and3A_269, %sub3A_271, %div3A_250 : i32
      %mul3A_273 = arith.constant 16384 : i32
      %mul3A_274 = arith.muli %select_n3A_272, %mul3A_273 : i32
      %mul3A_275 = arith.constant 512 : i32
      %mul3A_276 = arith.muli %add3A, %mul3A_275 : i32
      %add3A_277 = arith.addi %mul3A_274, %mul3A_276 : i32
      %jit3A_278 = arith.constant 64 : i32
      %eq3A_279 = arith.constant 0 : i32
      %eq3A_280 = arith.cmpi eq, %jit3A_278, %eq3A_279 : i32
      %jit3A_281 = arith.constant 1 : i32
      %select_n3A_282 = arith.select %eq3A_280, %jit3A_281, %jit3A_278 : i32
      %rem3A_283 = arith.remsi %add3A_219, %select_n3A_282 : i32
      %ne3A_284 = arith.constant 0 : i32
      %ne3A_285 = arith.cmpi ne, %rem3A_283, %ne3A_284 : i32
      %lt3A_286 = arith.constant 0 : i32
      %lt3A_287 = arith.cmpi slt, %rem3A_283, %lt3A_286 : i32
      %lt3A_288 = arith.constant 0 : i32
      %lt3A_289 = arith.cmpi slt, %select_n3A_282, %lt3A_288 : i32
      %ne3A_290 = arith.xori %lt3A_287, %lt3A_289 : i1
      %and3A_291 = arith.andi %ne3A_290, %ne3A_285 : i1
      %add3A_292 = arith.addi %rem3A_283, %select_n3A_282 : i32
      %select_n3A_293 = arith.select %and3A_291, %add3A_292, %rem3A_283 : i32
      %mul3A_294 = arith.constant 8 : i32
      %mul3A_295 = arith.muli %select_n3A_293, %mul3A_294 : i32
      %add3A_296 = arith.addi %add3A_277, %mul3A_295 : i32
      %dma_start3A_297 = arith.constant 0 : i32
      %dma_start3A_298 = tpu.memref_slice %arg6[%add3A_296, %dma_start3A_297] : memref<49152x64xf32, #tpu.memory_space<hbm>> -> memref<8x64xf32, #tpu.memory_space<hbm>>
      %dma_start3A_299 = arith.constant 0 : i32
      %dma_start3A_300 = tpu.memref_slice %arg6[%add3A_296, %dma_start3A_299] : memref<49152x64xf32, #tpu.memory_space<hbm>> -> memref<8x64xf32, #tpu.memory_space<hbm>>
      tpu.enqueue_dma source(%arg15 : memref<8x64xf32, #tpu.memory_space<vmem>>) target(%dma_start3A_300 : memref<8x64xf32, #tpu.memory_space<hbm>>) target_semaphore(%arg24 : memref<!tpu.dma_semaphore, #tpu.memory_space<semaphore_mem>>)
      %scan3A_301 = arith.constant 0 : i32
      scf.yield %scan3A_301 : i32
    }
    %scan3A_29 = arith.constant 64 : i32
    %mul3A_30 = arith.constant 512 : i32
    %mul3A_31 = arith.muli %add3A, %mul3A_30 : i32
    %add3A_32 = arith.constant 32768 : i32
    %add3A_33 = arith.addi %add3A_32, %mul3A_31 : i32
    %add3A_34 = arith.constant 488 : i32
    %add3A_35 = arith.addi %add3A_33, %add3A_34 : i32
    %dma_wait3A = arith.constant 0 : i32
    %dma_wait3A_36 = tpu.memref_slice %arg6[%add3A_35, %dma_wait3A] : memref<49152x64xf32, #tpu.memory_space<hbm>> -> memref<8x64xf32, #tpu.memory_space<hbm>>
    %dma_wait3A_37 = arith.constant 0 : i32
    %dma_wait3A_38 = tpu.memref_slice %arg6[%add3A_35, %dma_wait3A_37] : memref<49152x64xf32, #tpu.memory_space<hbm>> -> memref<8x64xf32, #tpu.memory_space<hbm>>
    tpu.wait_dma2 semaphore(%arg22 : memref<!tpu.dma_semaphore, #tpu.memory_space<semaphore_mem>>) src(%arg13 : memref<8x64xf32, #tpu.memory_space<vmem>>) dst(%dma_wait3A_38 : memref<8x64xf32, #tpu.memory_space<hbm>>)
    %mul3A_39 = arith.constant 512 : i32
    %mul3A_40 = arith.muli %add3A, %mul3A_39 : i32
    %add3A_41 = arith.constant 32768 : i32
    %add3A_42 = arith.addi %add3A_41, %mul3A_40 : i32
    %add3A_43 = arith.constant 496 : i32
    %add3A_44 = arith.addi %add3A_42, %add3A_43 : i32
    %dma_wait3A_45 = arith.constant 0 : i32
    %dma_wait3A_46 = tpu.memref_slice %arg6[%add3A_44, %dma_wait3A_45] : memref<49152x64xf32, #tpu.memory_space<hbm>> -> memref<8x64xf32, #tpu.memory_space<hbm>>
    %dma_wait3A_47 = arith.constant 0 : i32
    %dma_wait3A_48 = tpu.memref_slice %arg6[%add3A_44, %dma_wait3A_47] : memref<49152x64xf32, #tpu.memory_space<hbm>> -> memref<8x64xf32, #tpu.memory_space<hbm>>
    tpu.wait_dma2 semaphore(%arg23 : memref<!tpu.dma_semaphore, #tpu.memory_space<semaphore_mem>>) src(%arg14 : memref<8x64xf32, #tpu.memory_space<vmem>>) dst(%dma_wait3A_48 : memref<8x64xf32, #tpu.memory_space<hbm>>)
    %mul3A_49 = arith.constant 512 : i32
    %mul3A_50 = arith.muli %add3A, %mul3A_49 : i32
    %add3A_51 = arith.constant 32768 : i32
    %add3A_52 = arith.addi %add3A_51, %mul3A_50 : i32
    %add3A_53 = arith.constant 504 : i32
    %add3A_54 = arith.addi %add3A_52, %add3A_53 : i32
    %dma_wait3A_55 = arith.constant 0 : i32
    %dma_wait3A_56 = tpu.memref_slice %arg6[%add3A_54, %dma_wait3A_55] : memref<49152x64xf32, #tpu.memory_space<hbm>> -> memref<8x64xf32, #tpu.memory_space<hbm>>
    %dma_wait3A_57 = arith.constant 0 : i32
    %dma_wait3A_58 = tpu.memref_slice %arg6[%add3A_54, %dma_wait3A_57] : memref<49152x64xf32, #tpu.memory_space<hbm>> -> memref<8x64xf32, #tpu.memory_space<hbm>>
    tpu.wait_dma2 semaphore(%arg24 : memref<!tpu.dma_semaphore, #tpu.memory_space<semaphore_mem>>) src(%arg15 : memref<8x64xf32, #tpu.memory_space<vmem>>) dst(%dma_wait3A_58 : memref<8x64xf32, #tpu.memory_space<hbm>>)
    return
  }
}

module attributes {stable_mosaic.version = 14 : i64} {
  func.func @_mlp_body(%arg0: i32, %arg1: memref<1024x64xf32, #tpu.memory_space<vmem>>, %arg2: memref<1024x64xf32, #tpu.memory_space<vmem>>, %arg3: memref<1024x64xf32, #tpu.memory_space<vmem>>, %arg4: memref<1024x1xf32, #tpu.memory_space<vmem>>, %arg5: memref<64x256xf32, #tpu.memory_space<vmem>>, %arg6: memref<64x256xf32, #tpu.memory_space<vmem>>, %arg7: memref<64x256xf32, #tpu.memory_space<vmem>>, %arg8: memref<1x256xf32, #tpu.memory_space<vmem>>, %arg9: memref<1x256xf32, #tpu.memory_space<vmem>>, %arg10: memref<1x256xf32, #tpu.memory_space<vmem>>, %arg11: memref<1x1xf32, #tpu.memory_space<vmem>>, %arg12: memref<1024x1xf32, #tpu.memory_space<vmem>>) attributes {dimension_semantics = [#tpu.dimension_semantics<arbitrary>], iteration_bounds = array<i64: 16>, scalar_prefetch = 0 : i64, scratch_operands = 0 : i64, tpu.core_type = #tpu.core_type<tc>, window_params = [{transform_indices = @transform_0, window_bounds = array<i64: 1024, 64>}, {transform_indices = @transform_1, window_bounds = array<i64: 1024, 64>}, {transform_indices = @transform_2, window_bounds = array<i64: 1024, 64>}, {transform_indices = @transform_3, window_bounds = array<i64: 1024, 1>}, {pipeline_mode = #tpu.pipeline_mode<synchronous>, transform_indices = @transform_4, window_bounds = array<i64: 64, 256>}, {pipeline_mode = #tpu.pipeline_mode<synchronous>, transform_indices = @transform_5, window_bounds = array<i64: 64, 256>}, {pipeline_mode = #tpu.pipeline_mode<synchronous>, transform_indices = @transform_6, window_bounds = array<i64: 64, 256>}, {pipeline_mode = #tpu.pipeline_mode<synchronous>, transform_indices = @transform_7, window_bounds = array<i64: 1, 256>}, {pipeline_mode = #tpu.pipeline_mode<synchronous>, transform_indices = @transform_8, window_bounds = array<i64: 1, 256>}, {pipeline_mode = #tpu.pipeline_mode<synchronous>, transform_indices = @transform_9, window_bounds = array<i64: 1, 256>}, {pipeline_mode = #tpu.pipeline_mode<synchronous>, transform_indices = @transform_10, window_bounds = array<i64: 1, 1>}, {transform_indices = @transform_11, window_bounds = array<i64: 1024, 1>}]} {
    %get3A = arith.constant 0 : index
    %get3A_0 = arith.constant 0 : index
    %get3A_1 = vector.load %arg1[%get3A, %get3A_0] : memref<1024x64xf32, #tpu.memory_space<vmem>>, vector<1024x64xf32>
    %get3A_2 = arith.constant 0 : index
    %get3A_3 = arith.constant 0 : index
    %get3A_4 = vector.load %arg5[%get3A_2, %get3A_3] : memref<64x256xf32, #tpu.memory_space<vmem>>, vector<64x256xf32>
    %dot_general3A = arith.constant dense<0.000000e+00> : vector<1024x256xf32>
    %dot_general3A_5 = tpu.matmul %get3A_1, %get3A_4, %dot_general3A {dimension_numbers = #tpu.dot_dimension_numbers<[1], [0], [0], [1], [0, 0, 1, 1], [], []>, transpose_lhs_hint = false} : vector<1024x64xf32>, vector<64x256xf32>, vector<1024x256xf32> -> vector<1024x256xf32>
    %get3A_6 = arith.constant 0 : index
    %get3A_7 = arith.constant 0 : index
    %get3A_8 = vector.load %arg2[%get3A_6, %get3A_7] : memref<1024x64xf32, #tpu.memory_space<vmem>>, vector<1024x64xf32>
    %get3A_9 = arith.constant 0 : index
    %get3A_10 = arith.constant 0 : index
    %get3A_11 = vector.load %arg6[%get3A_9, %get3A_10] : memref<64x256xf32, #tpu.memory_space<vmem>>, vector<64x256xf32>
    %dot_general3A_12 = arith.constant dense<0.000000e+00> : vector<1024x256xf32>
    %dot_general3A_13 = tpu.matmul %get3A_8, %get3A_11, %dot_general3A_12 {dimension_numbers = #tpu.dot_dimension_numbers<[1], [0], [0], [1], [0, 0, 1, 1], [], []>, transpose_lhs_hint = false} : vector<1024x64xf32>, vector<64x256xf32>, vector<1024x256xf32> -> vector<1024x256xf32>
    %add3A = arith.addf %dot_general3A_5, %dot_general3A_13 : vector<1024x256xf32>
    %get3A_14 = arith.constant 0 : index
    %get3A_15 = arith.constant 0 : index
    %get3A_16 = vector.load %arg3[%get3A_14, %get3A_15] : memref<1024x64xf32, #tpu.memory_space<vmem>>, vector<1024x64xf32>
    %get3A_17 = arith.constant 0 : index
    %get3A_18 = arith.constant 0 : index
    %get3A_19 = vector.load %arg7[%get3A_17, %get3A_18] : memref<64x256xf32, #tpu.memory_space<vmem>>, vector<64x256xf32>
    %dot_general3A_20 = arith.constant dense<0.000000e+00> : vector<1024x256xf32>
    %dot_general3A_21 = tpu.matmul %get3A_16, %get3A_19, %dot_general3A_20 {dimension_numbers = #tpu.dot_dimension_numbers<[1], [0], [0], [1], [0, 0, 1, 1], [], []>, transpose_lhs_hint = false} : vector<1024x64xf32>, vector<64x256xf32>, vector<1024x256xf32> -> vector<1024x256xf32>
    %add3A_22 = arith.addf %add3A, %dot_general3A_21 : vector<1024x256xf32>
    %get3A_23 = arith.constant 0 : index
    %get3A_24 = arith.constant 0 : index
    %get3A_25 = vector.load %arg4[%get3A_23, %get3A_24] : memref<1024x1xf32, #tpu.memory_space<vmem>>, vector<1024x1xf32>
    %get3A_26 = arith.constant 0 : index
    %get3A_27 = arith.constant 0 : index
    %get3A_28 = vector.load %arg8[%get3A_26, %get3A_27] : memref<1x256xf32, #tpu.memory_space<vmem>>, vector<1x256xf32>
    %mul3A = vector.broadcast %get3A_25 : vector<1024x1xf32> to vector<1024x256xf32>
    %mul3A_29 = vector.broadcast %get3A_28 : vector<1x256xf32> to vector<1024x256xf32>
    %mul3A_30 = arith.mulf %mul3A, %mul3A_29 : vector<1024x256xf32>
    %add3A_31 = arith.addf %add3A_22, %mul3A_30 : vector<1024x256xf32>
    %get3A_32 = arith.constant 0 : index
    %get3A_33 = arith.constant 0 : index
    %get3A_34 = vector.load %arg9[%get3A_32, %get3A_33] : memref<1x256xf32, #tpu.memory_space<vmem>>, vector<1x256xf32>
    %add3A_35 = vector.broadcast %get3A_34 : vector<1x256xf32> to vector<1024x256xf32>
    %add3A_36 = arith.addf %add3A_31, %add3A_35 : vector<1024x256xf32>
    %max3A = arith.constant 0.000000e+00 : f32
    %max3A_37 = vector.broadcast %max3A : f32 to vector<1024x256xf32>
    %max3A_38 = arith.maximumf %add3A_36, %max3A_37 : vector<1024x256xf32>
    %get3A_39 = arith.constant 0 : index
    %get3A_40 = arith.constant 0 : index
    %get3A_41 = vector.load %arg10[%get3A_39, %get3A_40] : memref<1x256xf32, #tpu.memory_space<vmem>>, vector<1x256xf32>
    %mul3A_42 = vector.broadcast %get3A_41 : vector<1x256xf32> to vector<1024x256xf32>
    %mul3A_43 = arith.mulf %max3A_38, %mul3A_42 : vector<1024x256xf32>
    %reduce_sum3A = arith.constant dense<0.000000e+00> : vector<1024xf32>
    %reduce_sum3A_44 = vector.multi_reduction <add>, %mul3A_43, %reduce_sum3A [1] : vector<1024x256xf32> to vector<1024xf32>
    %broadcast_in_dim3A = vector.shape_cast %reduce_sum3A_44 : vector<1024xf32> to vector<1024x1xf32>
    %get3A_45 = arith.constant 0 : index
    %get3A_46 = arith.constant 0 : index
    %get3A_47 = vector.load %arg11[%get3A_45, %get3A_46] : memref<1x1xf32, #tpu.memory_space<vmem>>, vector<1x1xf32>
    %add3A_48 = vector.broadcast %get3A_47 : vector<1x1xf32> to vector<1024x1xf32>
    %add3A_49 = arith.addf %broadcast_in_dim3A, %add3A_48 : vector<1024x1xf32>
    %neg3A = arith.constant 0.000000e+00 : f32
    %neg3A_50 = vector.broadcast %neg3A : f32 to vector<1024x1xf32>
    %neg3A_51 = arith.subf %neg3A_50, %add3A_49 : vector<1024x1xf32>
    %exp3A = math.exp %neg3A_51 : vector<1024x1xf32>
    %add3A_52 = arith.constant 1.000000e+00 : f32
    %add3A_53 = vector.broadcast %add3A_52 : f32 to vector<1024x1xf32>
    %add3A_54 = arith.addf %add3A_53, %exp3A : vector<1024x1xf32>
    %div3A = arith.constant 1.000000e+00 : f32
    %div3A_55 = vector.broadcast %div3A : f32 to vector<1024x1xf32>
    %div3A_56 = arith.divf %div3A_55, %add3A_54 : vector<1024x1xf32>
    %swap3A = arith.constant 0 : index
    %swap3A_57 = arith.constant 0 : index
    %swap3A_58 = vector.load %arg12[%swap3A, %swap3A_57] : memref<1024x1xf32, #tpu.memory_space<vmem>>, vector<1024x1xf32>
    tpu.vector_store %arg12[%swap3A, %swap3A_57], %div3A_56 {strides = array<i32>} : memref<1024x1xf32, #tpu.memory_space<vmem>>, vector<1024x1xf32>,
    return
  }
  func.func @transform_0(%arg0: i32) -> (i32, i32) {
    %c0_i32 = arith.constant 0 : i32
    %c0_i32_0 = arith.constant 0 : i32
    return %arg0, %c0_i32 : i32, i32
  }
  func.func @transform_1(%arg0: i32) -> (i32, i32) {
    %add3A = arith.constant 16 : i32
    %add3A_0 = arith.addi %arg0, %add3A : i32
    %c0_i32 = arith.constant 0 : i32
    %c0_i32_1 = arith.constant 0 : i32
    return %add3A_0, %c0_i32 : i32, i32
  }
  func.func @transform_2(%arg0: i32) -> (i32, i32) {
    %add3A = arith.constant 32 : i32
    %add3A_0 = arith.addi %arg0, %add3A : i32
    %c0_i32 = arith.constant 0 : i32
    %c0_i32_1 = arith.constant 0 : i32
    return %add3A_0, %c0_i32 : i32, i32
  }
  func.func @transform_3(%arg0: i32) -> (i32, i32) {
    %c0_i32 = arith.constant 0 : i32
    %c0_i32_0 = arith.constant 0 : i32
    return %arg0, %c0_i32 : i32, i32
  }
  func.func @transform_4(%arg0: i32) -> (i32, i32) {
    %c0_i32 = arith.constant 0 : i32
    %c0_i32_0 = arith.constant 0 : i32
    %c0_i32_1 = arith.constant 0 : i32
    return %c0_i32, %c0_i32_0 : i32, i32
  }
  func.func @transform_5(%arg0: i32) -> (i32, i32) {
    %c0_i32 = arith.constant 0 : i32
    %c0_i32_0 = arith.constant 0 : i32
    %c0_i32_1 = arith.constant 0 : i32
    return %c0_i32, %c0_i32_0 : i32, i32
  }
  func.func @transform_6(%arg0: i32) -> (i32, i32) {
    %c0_i32 = arith.constant 0 : i32
    %c0_i32_0 = arith.constant 0 : i32
    %c0_i32_1 = arith.constant 0 : i32
    return %c0_i32, %c0_i32_0 : i32, i32
  }
  func.func @transform_7(%arg0: i32) -> (i32, i32) {
    %c0_i32 = arith.constant 0 : i32
    %c0_i32_0 = arith.constant 0 : i32
    %c0_i32_1 = arith.constant 0 : i32
    return %c0_i32, %c0_i32_0 : i32, i32
  }
  func.func @transform_8(%arg0: i32) -> (i32, i32) {
    %c0_i32 = arith.constant 0 : i32
    %c0_i32_0 = arith.constant 0 : i32
    %c0_i32_1 = arith.constant 0 : i32
    return %c0_i32, %c0_i32_0 : i32, i32
  }
  func.func @transform_9(%arg0: i32) -> (i32, i32) {
    %c0_i32 = arith.constant 0 : i32
    %c0_i32_0 = arith.constant 0 : i32
    %c0_i32_1 = arith.constant 0 : i32
    return %c0_i32, %c0_i32_0 : i32, i32
  }
  func.func @transform_10(%arg0: i32) -> (i32, i32) {
    %c0_i32 = arith.constant 0 : i32
    %c0_i32_0 = arith.constant 0 : i32
    %c0_i32_1 = arith.constant 0 : i32
    return %c0_i32, %c0_i32_0 : i32, i32
  }
  func.func @transform_11(%arg0: i32) -> (i32, i32) {
    %c0_i32 = arith.constant 0 : i32
    %c0_i32_0 = arith.constant 0 : i32
    return %arg0, %c0_i32 : i32, i32
  }
}

</mosaic_0001>

<sc_bundles>
// kernel: kernel.4.cloned.1.call-start
scs
__scs_entry_jumppad:
0x0: {  	(pc) =	sbr.rel $0x88, $3  }
0x1: {  	(tag) =	ssettag $0x0;
	lr =	simm.s32 $0x1  }
0x2: {  	[smem:$0x3F98] =	sst lr;
	_ =	strace $0xD0000000  }
0x3: {  	_ = 	snop  }
0x4: {  	_ = 	snop  }
0x5: {  	_ = 	snop  }
0x6: {  	_ = 	snop  }
0x7: {  	_ = 	snop  }
__scs_overlays_trampoline_lowered:
0x8: {  	[smem:$0x3FA7] =	sst s0  }
0x9: {  	[smem:$0x3FA8] =	sst s1  }
0xa: {  	[smem:$0x3FA9] =	sst s2  }
0xb: {  	[smem:$0x3FAA] =	sst s3  }
0xc: {  	[smem:$0x3FAB] =	sst s4  }
0xd: {  	[smem:$0x3FAC] =	sst s5  }
0xe: {  	[smem:$0x3FAD] =	sst s6  }
0xf: {  	[smem:$0x3FAE] =	sst s7  }
0x10: {  	[smem:$0x3FAF] =	sst s8  }
0x11: {  	[smem:$0x3FB0] =	sst s9;
	s0 =	simm.s32 @!p0 $0x0  }
0x12: {  	s1 =	sld [smem:$0x3F96];
	s0 =	simm.s32 @p0 $0x1  }
0x13: {  	[smem:$0x3FB1] =	sst s0;
	s0 =	simm.s32 @!p1 $0x0  }
0x14: {  	s2 =	sld [smem:$0x3F95];
	s0 =	simm.s32 @p1 $0x1  }
0x15: {  	[smem:$0x3FB2] =	sst s0;
	s0 =	simm.s32 @!p2 $0x0  }
0x16: {  	s3 =	sld [smem:$0x3FDB];
	s0 =	simm.s32 @p2 $0x1  }
0x17: {  	s4 =	simm.s32 $0x1BF5;
	[smem:$0x3FB4] =	sst s0  }
0x18: {  	s0 =	sld [smem:$0x3F97];
	_ =	swait.ge [sflag:s4], $0x0  }
0x19: {  	s7 =	sld [smem:$0x3F98]  }
0x1a: {  	s8 =	sadd.s32 $0xFFFFE003, lr  }
0x1b: {  	s9 =	sadd.s32 $0xFFFFFEF7, lr;
	s5 =	simm.s32 $0xFFFFFFFF;
	p2 =	slt.u32 s8, $0xFFFFF086  }
0x1c: {  	p1 =	slt.u32 s9, $0xF7A;
	s5 =	simm.s32 @!p2 $0x0  }
0x1d: {  	s5 =	simm.s32 @p1 $0x1;
	p0 =	seq.s32 s7, s2  }
0x1e: {  	s7 =	smul.u32 @!p0 $0xF7A, s2;
	p2 =	seq.s32 @!p0 s5, $0x0  }
0x1f: {  	s9 =	smul.u32 $0xF7A, s1;
	s8 =	simm.s32 @!p0 $0x1BF5;
	p2 =	por !p2, p0  }
0x20: {  	[sflag:s8] =	ssyncset.s32 @!p0 $0xFFFFF086;
	s6 =	sadd.s32 @!p0 s3, s7;
	s7 =	simm.s32 @!p0 $0x108  }
0x21: {  	s3 =	sadd.s32 s3, s9;
	s6 =	sadd.s32 @!p0 $0x88, s6;
	s7 =	simm.s32 @p2 $0x1082  }
0x22: {  	[simem:s7], [sflag:s8] =	dma.local @!p0 [hbm:s6], $0xF7A  }
0x23: {  	s9 =	sor.u32 $0xD0000000, s2;
	s6 =	simm.s32 $0x108;
	_ =	swait.ge @!p0 [sflag:s8], $0x0  }
0x24: {  	s3 =	sadd.s32 $0x88, s3;
	s6 =	simm.s32 @!p1 $0x1082;
	[sflag:s4] =	ssyncset.s32 $0xFFFFF086  }
0x25: {  	[simem:s6], [sflag:s4] =	dma.local [hbm:s3], $0xF7A  }
0x26: {  	[smem:$0x3F98] =	sst s1;
	(tag) =	ssettag s2;
	_ =	strace s9  }
0x27: {  	s1 =	sld [smem:$0x3FA8]  }
0x28: {  	s2 =	sld [smem:$0x3FA9]  }
0x29: {  	s4 =	sld [smem:$0x3FAB]  }
0x2a: {  	p0 =	seq.s32 s5, $0x0;
	s5 =	sld [smem:$0x3FAC]  }
0x2b: {  	s6 =	sld [smem:$0x3FAD]  }
0x2c: {  	s7 =	sld [smem:$0x3FAE]  }
0x2d: {  	s3 =	simm.s32 $0x108;
	s8 =	sld [smem:$0x3FAF]  }
0x2e: {  	s3 =	simm.s32 @!p0 $0x1082;
	s9 =	sld [smem:$0x3FB0]  }
0x2f: {  	lr =	sadd.s32 s0, s3;
	s0 =	sld [smem:$0x3FA7]  }
0x30: {  	s3 =	sld [smem:$0x3FAA]  }
0x31: {  	[smem:$0x3FB3] =	sst s10  }
0x32: {  	s10 =	sld [smem:$0x3FB1];
	_ =	sdelay $0x3  }
0x33: {  	p0 =	seq.s32 s10, $0x1;
	s10 =	sld [smem:$0x3FB3];
	_ =	sdelay $0x3  }
0x34: {  	[smem:$0x3FB3] =	sst s10  }
0x35: {  	s10 =	sld [smem:$0x3FB2];
	_ =	sdelay $0x3  }
0x36: {  	p1 =	seq.s32 s10, $0x1;
	s10 =	sld [smem:$0x3FB3];
	_ =	sdelay $0x3  }
0x37: {  	[smem:$0x3FB3] =	sst s10  }
0x38: {  	s10 =	sld [smem:$0x3FB4]  }
0x39: {  	_ = 	snop;
	(pc) =	sbr.ind lr, $3  }
0x3a: {  	_ = 	snop  }
0x3b: {  	_ = 	snop  }
0x3c: {  	p2 =	seq.s32 s10, $0x1;
	s10 =	sld [smem:$0x3FB3]  }
0x3d: {  	_ =	shalt  }
0x3e: {  	_ =	shalt  }
0x3f: {  	_ =	shalt  }
0x40: {  	_ =	shalt  }
0x41: {  	_ =	shalt  }
0x42: {  	_ =	shalt  }
0x43: {  	_ =	shalt  }
0x44: {  	_ =	shalt  }
0x45: {  	_ =	shalt  }
0x46: {  	_ =	shalt  }
0x47: {  	_ =	shalt  }
0x48: {  	_ =	shalt  }
0x49: {  	_ =	shalt  }
0x4a: {  	_ =	shalt  }
0x4b: {  	_ =	shalt  }
0x4c: {  	_ =	shalt  }
0x4d: {  	_ =	shalt  }
0x4e: {  	_ =	shalt  }
0x4f: {  	_ =	shalt  }
0x50: {  	_ =	shalt  }
0x51: {  	_ =	shalt  }
0x52: {  	_ =	shalt  }
0x53: {  	_ =	shalt  }
0x54: {  	_ =	shalt  }
0x55: {  	_ =	shalt  }
0x56: {  	_ =	shalt  }
0x57: {  	_ =	shalt  }
0x58: {  	_ =	shalt  }
0x59: {  	_ =	shalt  }
0x5a: {  	_ =	shalt  }
0x5b: {  	_ =	shalt  }
0x5c: {  	_ =	shalt  }
0x5d: {  	_ =	shalt  }
0x5e: {  	_ =	shalt  }
0x5f: {  	_ =	shalt  }
0x60: {  	_ =	shalt  }
0x61: {  	_ =	shalt  }
0x62: {  	_ =	shalt  }
0x63: {  	_ =	shalt  }
0x64: {  	_ =	shalt  }
0x65: {  	_ =	shalt  }
0x66: {  	_ =	shalt  }
0x67: {  	_ =	shalt  }
0x68: {  	_ =	shalt  }
0x69: {  	_ =	shalt  }
0x6a: {  	_ =	shalt  }
0x6b: {  	_ =	shalt  }
0x6c: {  	_ =	shalt  }
0x6d: {  	_ =	shalt  }
0x6e: {  	_ =	shalt  }
0x6f: {  	_ =	shalt  }
0x70: {  	_ =	shalt  }
0x71: {  	_ =	shalt  }
0x72: {  	_ =	shalt  }
0x73: {  	_ =	shalt  }
0x74: {  	_ =	shalt  }
0x75: {  	_ =	shalt  }
0x76: {  	_ =	shalt  }
0x77: {  	_ =	shalt  }
0x78: {  	_ =	shalt  }
0x79: {  	_ =	shalt  }
0x7a: {  	_ =	shalt  }
0x7b: {  	_ =	shalt  }
0x7c: {  	_ =	shalt  }
0x7d: {  	_ =	shalt  }
0x7e: {  	_ =	shalt  }
0x7f: {  	_ =	shalt  }
0x80: {  	_ =	shalt  }
0x81: {  	_ =	shalt  }
0x82: {  	_ =	shalt  }
0x83: {  	_ =	shalt  }
0x84: {  	_ =	shalt  }
0x85: {  	_ =	shalt  }
0x86: {  	_ =	shalt  }
0x87: {  	_ =	shalt  }
.Lfunc_end0:
.L_simem_size_0:
called_computation_lowered:
.L_overlay_start_0:
0x88: {  	s2 =	sld [smem:$0x3FD9]  }
0x89: {  	s3 =	sld [smem:$0x3FFE];
	_ =	sdelay $0x1  }
0x8a: {  	s1 =	srdreg.scid  }
0x8b: {  	s0 =	sand.u32 $0x1, s1  }
0x8c: {  	s16 =	sshll.u32 s0, $0xA;
	s2 =	sadd.s32 s3, s2  }
0x8d: {  	s2 =	sadd.s32 s2, s16  }
0x8e: {  	[smem:$0x3FBF] =	sst s2  }
0x8f: {  	_ = 	snop  }
0x90: {  	(tm) =	ssettm $0x1  }
0x91: {  	s17 =	sld [smem:$0x3FFB];
	_ =	sdelay $0x3  }
0x92: {  	_ =	strace s17  }
0x93: {  	s2 =	sld [smem:$0x3FFC];
	_ =	sdelay $0x3  }
0x94: {  	_ =	strace s2  }
0x95: {  	s2 =	sld [smem:$0x3FFD];
	_ =	sdelay $0x3  }
0x96: {  	_ =	strace s2  }
0x97: {  	_ =	strace $0x8FFFFFFF  }
0x98: {  	s18 =	sld [smem:$0x3FDB];
	_ =	sdelay $0x1  }
0x99: {  	s19 =	simm.s32 $_scs_section_size  }
0x9a: {  	s4 =	simm.s32 $_size__tile_overlayer_lowered;
	s5 =	simm.s32 $_tile_overlayer_lowered  }
0x9b: {  	s22 =	simm.s32 $0x1BFF;
	s21 =	sshll.u32 s5, $0x1;
	s2 =	sadd.s32 s19, s18  }
0x9c: {  	s6 =	simm.s32 $0x0;
	s20 =	sshll.u32 s4, $0x1;
	s4 =	sadd.s32 s21, s2  }
0x9d: {  	[timem:s6], [sflag:s22] =	dma.local [hbm:s4], s20  }
0x9e: {  	_ =	swait.ge [sflag:s22], s20  }
0x9f: {  	s3 =	ssub.s32 $0x0, s20;
	[sflag:s22] =	ssyncset.done $0x0  }
0xa0: {  	[sflag:s22] =	ssyncadd.s32 s3;
	_ =	sdelay $0x1  }
0xa1: {  	s23 =	simm.s32 $0x1B8B  }
0xa2: {  	_ =	swait.ge [sflag:s23], $0x1  }
0xa3: {  	[sflag:s23] =	ssyncset.done $0x0  }
0xa4: {  	s25 =	simm.s32 $0x1B8E;
	s24 =	sld [smem:$0x3FFE];
	[sflag:s23] =	ssyncadd.s32 $0xFFFFFFFF  }
0xa5: {  	s26 =	simm.s32 $execute0_lowered;
	[smem:$0x3FD2] =	sst s25  }
0xa6: {  	s4 =	sshll.u32 s26, $0x1;
	_ =	strace $0x80000046;
	[dreg:$0x1] =	wrdreg $0xFFFFFFFF  }
0xa7: {  	s28 =	simm.s32 $_size_execute0_lowered;
	s2 =	sadd.s32 s2, s4;
	[dreg:$0x0] =	wrdreg $0x0  }
0xa8: {  	s4 =	sshll.u32 s28, $0x1;
	[dreg:$0x2] =	wrdreg s2  }
0xa9: {  	[dreg:$0x3] =	wrdreg s4  }
0xaa: {  	[dreg:$0x4] =	wrdreg $0xC0  }
0xab: {  	_ =	task [dreg:s6], $0x5FFFF  }
0xac: {  	[dreg:$0x1] =	wrdreg $0xFFFFFFFF  }
0xad: {  	[dreg:$0x0] =	wrdreg $0x60  }
0xae: {  	[dreg:$0x2] =	wrdreg s24  }
0xaf: {  	[dreg:$0x3] =	wrdreg $0x9  }
0xb0: {  	_ =	task.clear_ibuf [dreg:s6], $0x4FFFF;
	_ =	strace $0x90000046  }
0xb1: {  	s29 =	simm.s32 $0x9;
	_ =	strace $0x80000048  }
0xb2: {  	_ =	swait.ge [sflag:s29], $0x1  }
0xb3: {  	[sflag:s29] =	ssyncadd.s32 $0xFFFFFFFF  }
0xb4: {  	_ =	strace $0x90000048  }
0xb5: {  	_ =	sfence  }
0xb6: {  	s30 =	sld [smem:$0x0];
	_ =	sdelay $0x2  }
0xb7: {  	s31 =	sshll.u32 s1, $0xD;
	s1 =	sshrl.u32 s1, $0x2  }
0xb8: {  	s3 =	sand.u32 $0x4000, s31;
	s1 =	sadd.s32 s1, s30  }
0xb9: {  	s0 =	sor.u32 s3, s0;
	s1 =	sshll.u32 s1, $0x11  }
0xba: {  	s0 =	sor.u32 s1, s0  }
0xbb: {  	s0 =	sadd.s32 $0x8F2B, s0  }
0xbc: {  	[sflag:s0] =	ssyncadd.remote.s32 $0x1  }
0xbd: {  	_ =	sfence.sel $0xFFFF  }
0xbe: {  	[dreg:$0x0] =	wrdreg $0xFFFFFFFF;
	(pc) =	sbr.abs _section_cstart, $3  }
0xbf: {  	[dreg:$0x1] =	wrdreg $0xFFFFFFFF  }
0xc0: {  	_ =	task.clear_ibuf [dreg:s6], $0x2FFFF;
	_ =	strace $0x9FFFFFFF  }
0xc1: {  	(tm) =	ssettm $0x7FFFFFFF  }
tec
execute0_lowered:
.L_overlay_start_1:
0x0: {  	(tag) =	ssettag $0x1  }
0x1: {  	s0 =	rddreg [dreg:$0x0];
	s2 =	simm.s32 $0x0;
	s1 =	srdreg.scid  }
0x2: {  	s3 =	stileid.u32;
	s13 =	simm.s32 $0xA;
	s14 =	simm.s32 $0x190  }
0x3: {  	s15 =	simm.s32 $0x4B0;
	s16 =	simm.s32 $0x68B0;
	s17 =	simm.s32 $0x320  }
0x4: {  	s18 =	simm.s32 $0x1;
	s19 =	simm.s32 $0x6;
	s20 =	simm.s32 $0xCCB0  }
0x5: {  	s21 =	simm.s32 $0x130B0;
	s22 =	simm.s32 $0x2;
	s23 =	simm.s32 $0x8  }
0x6: {  	s24 =	simm.s32 $0x132B0;
	s28 =	simm.s32 $0x134B0;
	s30 =	simm.s32 $0x5  }
0x7: {  	s31 =	simm.s32 $0x4;
	s1 =	sand.u32 $0x1, s1;
	s3 =	sshll.u32 s3, $0x1  }
0x8: {  	[smem:$0x7FF] =	sst s2;
	s4 =	sadd.s32 $0x1A400, s0;
	s8 =	sor.u32 s1, s3  }
0x9: {  	s5 =	sadd.s32 $0x1400, s0;
	s1 =	ssub.s32 $0x2, s1;
	s9 =	smul.u32 $0xC80, s8  }
0xa: {  	s6 =	sadd.s32 $0xF43800, s0;
	s3 =	sadd.s32 $0x33400, s0;
	s25 =	sshrl.u32 s1, $0x1  }
0xb: {  	s7 =	sadd.s32 $0x4C400, s0;
	s0 =	ssub.s32 s1, s25;
	s10 =	sadd.s32 s3, s9  }
0xc: {  	_ =	strace $0x80000047;
	s0 =	smax.u32 s0, $0x1;
	[dreg:$0x2] =	wrdreg s10  }
0xd: {  	s25 =	simm.s32 $0x3;
	s26 =	sadd.s32 $0x32, s10;
	[dreg:$0x5] =	wrdreg s0  }
0xe: {  	s9 =	sshll.u32 s8, $0x9;
	s29 =	sadd.s32 $0x64, s10;
	[dreg:$0x3] =	wrdreg s26  }
0xf: {  	s0 =	simm.s32 $0x0;
	[dreg:$0x4] =	wrdreg s29;
	s26 =	simm.s32 $0x9  }
.LBB2_1:
0x10: {  	s1 =	rddreg [dreg:$0x2]  }
0x11: {  	[tilespmem:s2], [sflag:$0xA] =	stream.linear.gather [hbm4b:s1+s2], $0x190, $0x38;
	[tilespmem:$0x136B0] =	vst v63  }
0x12: {  	_ =	swait.ge [sflag:s13], $0x190  }
0x13: {  	[sflag:s13] =	ssyncset.done $0x0  }
0x14: {  	[sflag:s13] =	ssyncadd.s32 $0xFFFFFE70  }
0x15: {  	[tilespmem:s15], [sflag:$0x1] =	stream.indirect.gather [hbm4b:s6+s14], $0x40, s2, s14, $0xb8;
	[tilespmem:$0x136B0] =	vst v63  }
0x16: {  	s12 =	rddreg [dreg:$0x3]  }
0x17: {  	[tilespmem:s14], [sflag:$0xA] =	stream.linear.gather [hbm4b:s12+s2], $0x190, $0x38;
	[tilespmem:$0x136B0] =	vst v63  }
0x18: {  	_ =	swait.ge [sflag:s13], $0x190  }
0x19: {  	[sflag:s13] =	ssyncset.done $0x0  }
0x1a: {  	[sflag:s13] =	ssyncadd.s32 $0xFFFFFE70  }
0x1b: {  	[tilespmem:s16], [sflag:$0x2] =	stream.indirect.gather [hbm4b:s6+s14], $0x40, s14, s14, $0xb8;
	[tilespmem:$0x136B0] =	vst v63  }
0x1c: {  	s1 =	simm.s32 $0x0;
	s29 =	rddreg [dreg:$0x4]  }
0x1d: {  	[tilespmem:s17], [sflag:$0x6] =	stream.linear.gather [hbm4b:s29+s2], $0x190, $0x38;
	[tilespmem:$0x136B0] =	vst v63  }
.LBB2_2:
0x1e: {  	p0 =	seq.s32 s1, $0x3F  }
.Ltmp0:
0x1f: {  	_ = 	snop;
	(pc) =	sbr.rel @p0 .LBB2_8-.Ltmp0, $4  }
0x20: {  	_ = 	snop  }
0x21: {  	_ =	swait.ge [sflag:s18], $0x6400  }
0x22: {  	[sflag:s18] =	ssyncset.done $0x0  }
0x23: {  	s11 =	smul.u32 $0x3, s1;
	[sflag:s18] =	ssyncadd.s32 $0xFFFF9C00  }
0x24: {  	_ = 	snop  }
0x25: {  	s8 =	sadd.s32 $0x3, s11  }
0x26: {  	s12 =	sshrl.u32 s8, $0x6  }
0x27: {  	p1 =	seq.s32 s12, $0x0  }
.Ltmp1:
0x28: {  	_ = 	snop;
	(pc) =	sbr.rel @p1 .LBB2_7-.Ltmp1, $2  }
0x29: {  	_ =	sdelay $0x2  }
0x2a: {  	s10 =	smov.u32 s3  }
0x2b: {  	p1 =	seq.s32 s12, $0x2  }
.Ltmp2:
0x2c: {  	_ = 	snop;
	(pc) =	sbr.rel @p1 .LBB2_6-.Ltmp2, $1  }
0x2d: {  	_ =	sdelay $0x3  }
0x2e: {  	p1 =	sne.s32 s12, $0x1  }
.Ltmp3:
0x2f: {  	_ = 	snop;
	(pc) =	sbr.rel @p1 .LBB2_8-.Ltmp3, $4  }
.Ltmp4:
0x30: {  	_ = 	snop;
	(pc) =	sbr.rel @!p1 .LBB2_7-.Ltmp4, $4  }
0x31: {  	_ = 	snop  }
0x32: {  	_ = 	snop  }
0x33: {  	s10 =	smov.u32 s4  }
0x34: {  	_ = 	snop  }
.LBB2_6:
0x35: {  	s10 =	smov.u32 s5  }
.LBB2_7:
0x36: {  	s8 =	sshll.u32 s8, $0x3  }
0x37: {  	s8 =	sand.u32 $0x1F8, s8  }
0x38: {  	s8 =	sor.u32 s9, s8  }
0x39: {  	s8 =	smul.u32 $0x32, s8;
	_ =	sdelay $0x1  }
0x3a: {  	s8 =	sshrl.u32 s8, $0x3  }
0x3b: {  	s8 =	sadd.s32 s10, s8  }
0x3c: {  	[tilespmem:s2], [sflag:$0x4] =	stream.linear.gather [hbm4b:s8+s2], $0x190, $0x38;
	[tilespmem:$0x136B0] =	vst v63  }
.LBB2_8:
0x3d: {  	_ =	swait.ge [sflag:s19], $0x190  }
0x3e: {  	p1 =	seq.s32 s1, $0x0;
	[sflag:s19] =	ssyncset.done $0x0  }
0x3f: {  	s8 =	simm.s32 @!p1 $0x7;
	[sflag:s19] =	ssyncadd.s32 $0xFFFFFE70  }
0x40: {  	[tilespmem:s20], [sflag:$0x3] =	stream.indirect.gather [hbm4b:s6+s14], $0x40, s17, s14, $0xb8;
	[tilespmem:$0x136B0] =	vst v63  }
0x41: {  	_ =	swait.ge @!p1 [sflag:s8], $0x200  }
0x42: {  	[sflag:s8] =	ssyncset.done @!p1 $0x0  }
0x43: {  	s12 =	simm.s32 $0x0;
	s10 =	sadd.s32 $0x2, s11;
	[sflag:s8] =	ssyncadd.s32 @!p1 $0xFFFFFE00  }
.LBB2_9:
0x44: {  	s8 =	smul.u32 $0x3200, s12;
	_ =	sdelay $0x1  }
0x45: {  	s8 =	sshra.s32 s8, $0x2  }
0x46: {  	v56 =	vld [tilespmem:s8+$0xC50];
	_ =	sdelay $0x4  }
0x47: {  	[tilespmem:$0x1FD30] =	vst v56;
	v56 =	vld [tilespmem:s8+$0xCB0];
	_ =	sdelay $0x4  }
0x48: {  	[tilespmem:$0x1FD40] =	vst v56;
	v56 =	vld [tilespmem:s8+$0xCC0];
	_ =	sdelay $0x4  }
0x49: {  	[tilespmem:$0x1FD50] =	vst v56;
	v56 =	vld [tilespmem:s8+$0xCD0];
	_ =	sdelay $0x4  }
0x4a: {  	[tilespmem:$0x1FD60] =	vst v56;
	v56 =	vld [tilespmem:s8+$0xCE0];
	_ =	sdelay $0x4  }
0x4b: {  	[tilespmem:$0x1FD70] =	vst v56;
	v56 =	vld [tilespmem:s8+$0xD30];
	_ =	sdelay $0x4  }
0x4c: {  	[tilespmem:$0x1FD80] =	vst v56;
	v56 =	vld [tilespmem:s8+$0xD40];
	_ =	sdelay $0x2  }
0x4d: {  	v12 =	vld [tilespmem:s8+$0x4B0]  }
0x4e: {  	v13 =	vld [tilespmem:s8+$0x4C0]  }
0x4f: {  	[tilespmem:$0x1FD90] =	vst v56;
	v56 =	vld [tilespmem:s8+$0xD50]  }
0x50: {  	v16 =	vld [tilespmem:s8+$0x4D0]  }
0x51: {  	v17 =	vld [tilespmem:s8+$0x4E0]  }
0x52: {  	v0 =	vld [tilespmem:s8+$0x4F0]  }
0x53: {  	v52 =	vld [tilespmem:s8+$0x500]  }
0x54: {  	[tilespmem:$0x1FDA0] =	vst v56;
	v56 =	vld [tilespmem:s8+$0xD60]  }
0x55: {  	v53 =	vld [tilespmem:s8+$0x510]  }
0x56: {  	v54 =	vld [tilespmem:s8+$0x520]  }
0x57: {  	v28 =	vld [tilespmem:s8+$0x530]  }
0x58: {  	v29 =	vld [tilespmem:s8+$0x540]  }
0x59: {  	[tilespmem:$0x1FDB0] =	vst v56;
	v56 =	vld [tilespmem:s8+$0xDB0]  }
0x5a: {  	v32 =	vld [tilespmem:s8+$0x550]  }
0x5b: {  	v33 =	vld [tilespmem:s8+$0x560]  }
0x5c: {  	v44 =	vld [tilespmem:s8+$0x5B0]  }
0x5d: {  	v45 =	vld [tilespmem:s8+$0x5C0]  }
0x5e: {  	[tilespmem:$0x1FDC0] =	vst v56;
	v56 =	vld [tilespmem:s8+$0xDC0]  }
0x5f: {  	v48 =	vld [tilespmem:s8+$0x5D0]  }
0x60: {  	v49 =	vld [tilespmem:s8+$0x5E0]  }
0x61: {  	v58 =	vld [tilespmem:s8+$0x630]  }
0x62: {  	v59 =	vld [tilespmem:s8+$0x640]  }
0x63: {  	[tilespmem:$0x1FDD0] =	vst v56;
	v56 =	vld [tilespmem:s8+$0xDD0]  }
0x64: {  	v60 =	vld [tilespmem:s8+$0x650]  }
0x65: {  	v61 =	vld [tilespmem:s8+$0x660]  }
0x66: {  	v62 =	vld [tilespmem:s8+$0x6B0]  }
0x67: {  	v63 =	vld [tilespmem:s8+$0x6C0]  }
0x68: {  	[tilespmem:$0x1FDE0] =	vst v56;
	v56 =	vld [tilespmem:s8+$0xDE0]  }
0x69: {  	v1 =	vld [tilespmem:s8+$0x6E0]  }
0x6a: {  	v2 =	vld [tilespmem:s8+$0x730]  }
0x6b: {  	v3 =	vld [tilespmem:s8+$0x740]  }
0x6c: {  	v4 =	vld [tilespmem:s8+$0x750]  }
0x6d: {  	[tilespmem:$0x1FDF0] =	vst v56;
	v56 =	vld [tilespmem:s8+$0xE30]  }
0x6e: {  	v5 =	vld [tilespmem:s8+$0x760]  }
0x6f: {  	v6 =	vld [tilespmem:s8+$0x7B0]  }
0x70: {  	v7 =	vld [tilespmem:s8+$0x7C0]  }
0x71: {  	v8 =	vld [tilespmem:s8+$0x7D0]  }
0x72: {  	[tilespmem:$0x1FE00] =	vst v56;
	v56 =	vld [tilespmem:s8+$0xE40]  }
0x73: {  	v9 =	vld [tilespmem:s8+$0x7E0]  }
0x74: {  	v10 =	vld [tilespmem:s8+$0x830]  }
0x75: {  	v11 =	vld [tilespmem:s8+$0x840]  }
0x76: {  	v14 =	vld [tilespmem:s8+$0x850]  }
0x77: {  	[tilespmem:$0x1FE10] =	vst v56;
	v56 =	vld [tilespmem:s8+$0xE50]  }
0x78: {  	v15 =	vld [tilespmem:s8+$0x860]  }
0x79: {  	v18 =	vld [tilespmem:s8+$0x8B0]  }
0x7a: {  	v19 =	vld [tilespmem:s8+$0x8C0]  }
0x7b: {  	v20 =	vld [tilespmem:s8+$0x8D0]  }
0x7c: {  	[tilespmem:$0x1FE20] =	vst v56;
	v56 =	vld [tilespmem:s8+$0xE60]  }
0x7d: {  	v21 =	vld [tilespmem:s8+$0x8E0]  }
0x7e: {  	v22 =	vld [tilespmem:s8+$0x930]  }
0x7f: {  	v23 =	vld [tilespmem:s8+$0x940]  }
0x80: {  	v24 =	vld [tilespmem:s8+$0x950]  }
0x81: {  	[tilespmem:$0x1FE30] =	vst v56;
	v56 =	vld [tilespmem:s8+$0xEB0]  }
0x82: {  	v25 =	vld [tilespmem:s8+$0x960]  }
0x83: {  	v26 =	vld [tilespmem:s8+$0x9B0]  }
0x84: {  	v27 =	vld [tilespmem:s8+$0x9C0]  }
0x85: {  	v30 =	vld [tilespmem:s8+$0x9D0]  }
0x86: {  	[tilespmem:$0x1FE40] =	vst v56;
	v56 =	vld [tilespmem:s8+$0xEC0]  }
0x87: {  	v31 =	vld [tilespmem:s8+$0x9E0]  }
0x88: {  	v34 =	vld [tilespmem:s8+$0xA30]  }
0x89: {  	v35 =	vld [tilespmem:s8+$0xA40]  }
0x8a: {  	v36 =	vld [tilespmem:s8+$0xA50]  }
0x8b: {  	[tilespmem:$0x1FE50] =	vst v56;
	v56 =	vld [tilespmem:s8+$0xED0]  }
0x8c: {  	v37 =	vld [tilespmem:s8+$0xA60]  }
0x8d: {  	v38 =	vld [tilespmem:s8+$0xAB0]  }
0x8e: {  	v39 =	vld [tilespmem:s8+$0xAC0]  }
0x8f: {  	v40 =	vld [tilespmem:s8+$0xAD0]  }
0x90: {  	[tilespmem:$0x1FE60] =	vst v56;
	v56 =	vld [tilespmem:s8+$0xEE0]  }
0x91: {  	v41 =	vld [tilespmem:s8+$0xAE0]  }
0x92: {  	v42 =	vld [tilespmem:s8+$0xB30]  }
0x93: {  	v43 =	vld [tilespmem:s8+$0xB40]  }
0x94: {  	v46 =	vld [tilespmem:s8+$0xB50]  }
0x95: {  	[tilespmem:$0x1FE70] =	vst v56;
	v56 =	vld [tilespmem:s8+$0xF30]  }
0x96: {  	v47 =	vld [tilespmem:s8+$0xB60]  }
0x97: {  	v50 =	vld [tilespmem:s8+$0xBB0]  }
0x98: {  	v51 =	vld [tilespmem:s8+$0xBC0]  }
0x99: {  	v55 =	vld [tilespmem:s8+$0xC40]  }
0x9a: {  	[tilespmem:$0x1FE80] =	vst v56;
	v56 =	vld [tilespmem:s8+$0xF40]  }
0x9b: {  	v57 =	vld [tilespmem:s8+$0xC60]  }
0x9c: {  	[tilespmem:$0x1FF70] =	vst v0;
	v0 =	vld [tilespmem:s8+$0x6D0]  }
0x9d: {  	[tilespmem:$0x1FFA0] =	vst v52;
	v52 =	vld [tilespmem:s8+$0xBD0]  }
0x9e: {  	[tilespmem:$0x1FFC0] =	vst v53;
	v53 =	vld [tilespmem:s8+$0xBE0]  }
0x9f: {  	[tilespmem:$0x1FE90] =	vst v56;
	v56 =	vld [tilespmem:s8+$0xF50]  }
0xa0: {  	[tilespmem:$0x1FFE0] =	vst v54;
	v54 =	vld [tilespmem:s8+$0xC30]  }
0xa1: {  	v28 =	vadd.f32 v28, v12;
	v12 =	vld [tilespmem:s8+$0x5F0]  }
0xa2: {  	v29 =	vadd.f32 v29, v13;
	v13 =	vld [tilespmem:s8+$0x600]  }
0xa3: {  	v32 =	vadd.f32 v32, v16;
	v17 =	vadd.f32 v33, v17;
	v16 =	vld [tilespmem:s8+$0x610]  }
0xa4: {  	[tilespmem:$0x1FEA0] =	vst v56;
	v56 =	vld [tilespmem:s8+$0xF60]  }
0xa5: {  	v28 =	vadd.f32 v44, v28;
	v33 =	vadd.f32 v49, v17;
	v17 =	vld [tilespmem:s8+$0x620]  }
0xa6: {  	v29 =	vadd.f32 v45, v29;
	v49 =	vld [tilespmem:s8+$0x720]  }
0xa7: {  	v44 =	vadd.f32 v58, v28;
	v28 =	vld [tilespmem:s8+$0x670]  }
0xa8: {  	v32 =	vadd.f32 v48, v32;
	v45 =	vadd.f32 v59, v29;
	v29 =	vld [tilespmem:s8+$0x680]  }
0xa9: {  	v33 =	vadd.f32 v61, v33;
	[tilespmem:$0x1FEB0] =	vst v56;
	v56 =	vld [tilespmem:s8+$0xFB0]  }
0xaa: {  	v48 =	vadd.f32 v60, v32;
	v32 =	vld [tilespmem:s8+$0x690]  }
0xab: {  	v44 =	vadd.f32 v62, v44;
	v1 =	vadd.f32 v1, v33;
	v33 =	vld [tilespmem:s8+$0x6A0]  }
0xac: {  	v0 =	vadd.f32 v0, v48;
	v48 =	vld [tilespmem:s8+$0x710]  }
0xad: {  	v45 =	vadd.f32 v63, v45;
	v2 =	vadd.f32 v2, v44;
	v44 =	vld [tilespmem:s8+$0x6F0]  }
0xae: {  	[tilespmem:$0x1FEC0] =	vst v56;
	v56 =	vld [tilespmem:s8+$0xFC0]  }
0xaf: {  	v3 =	vadd.f32 v3, v45;
	v45 =	vld [tilespmem:s8+$0x700]  }
0xb0: {  	v0 =	vadd.f32 v4, v0;
	v4 =	vld [tilespmem:s8+$0x770]  }
0xb1: {  	v1 =	vadd.f32 v5, v1;
	v5 =	vld [tilespmem:s8+$0x780]  }
0xb2: {  	v2 =	vadd.f32 v6, v2;
	v6 =	vld [tilespmem:s8+$0x790]  }
0xb3: {  	[tilespmem:$0x1FED0] =	vst v56;
	v56 =	vld [tilespmem:s8+$0xFD0]  }
0xb4: {  	v3 =	vadd.f32 v7, v3;
	v7 =	vld [tilespmem:s8+$0x7A0]  }
0xb5: {  	v1 =	vadd.f32 v9, v1;
	v2 =	vadd.f32 v10, v2;
	v10 =	vld [tilespmem:s8+$0x7F0]  }
0xb6: {  	v3 =	vadd.f32 v11, v3;
	v11 =	vld [tilespmem:s8+$0x800]  }
0xb7: {  	v0 =	vadd.f32 v8, v0;
	v1 =	vadd.f32 v15, v1;
	v15 =	vld [tilespmem:s8+$0x810]  }
0xb8: {  	[tilespmem:$0x1FEE0] =	vst v56;
	v56 =	vld [tilespmem:s8+$0xFE0]  }
0xb9: {  	v0 =	vadd.f32 v14, v0;
	v2 =	vadd.f32 v18, v2;
	v18 =	vld [tilespmem:s8+$0x820]  }
0xba: {  	v3 =	vadd.f32 v19, v3;
	v19 =	vld [tilespmem:s8+$0x870]  }
0xbb: {  	v0 =	vadd.f32 v20, v0;
	v20 =	vld [tilespmem:s8+$0x880]  }
0xbc: {  	v1 =	vadd.f32 v21, v1;
	v21 =	vld [tilespmem:s8+$0x890]  }
0xbd: {  	[tilespmem:$0x1FEF0] =	vst v56;
	v56 =	vld [tilespmem:s8+$0x1030]  }
0xbe: {  	v2 =	vadd.f32 v22, v2;
	v22 =	vld [tilespmem:s8+$0x8A0]  }
0xbf: {  	v3 =	vadd.f32 v23, v3;
	v23 =	vld [tilespmem:s8+$0x8F0]  }
0xc0: {  	v0 =	vadd.f32 v24, v0;
	v24 =	vld [tilespmem:s8+$0x900]  }
0xc1: {  	v1 =	vadd.f32 v25, v1;
	v25 =	vld [tilespmem:s8+$0x910]  }
0xc2: {  	[tilespmem:$0x1FF00] =	vst v56;
	v56 =	vld [tilespmem:s8+$0x1040]  }
0xc3: {  	v58 =	vld [tilespmem:$0x1FD60]  }
0xc4: {  	v2 =	vadd.f32 v26, v2;
	v26 =	vld [tilespmem:s8+$0x920]  }
0xc5: {  	v3 =	vadd.f32 v27, v3;
	v27 =	vld [tilespmem:s8+$0x970]  }
0xc6: {  	v0 =	vadd.f32 v30, v0;
	v1 =	vadd.f32 v31, v1;
	v30 =	vld [tilespmem:s8+$0x980]  }
0xc7: {  	v3 =	vadd.f32 v35, v3;
	[tilespmem:$0x1FF10] =	vst v56;
	v56 =	vld [tilespmem:s8+$0x1050]  }
0xc8: {  	v31 =	vld [tilespmem:s8+$0x990];
	v1 =	vadd.f32 v37, v1  }
0xc9: {  	v2 =	vadd.f32 v34, v2;
	v34 =	vld [tilespmem:s8+$0x9A0];
	v3 =	vadd.f32 v39, v3  }
0xca: {  	v35 =	vld [tilespmem:s8+$0x9F0];
	v1 =	vadd.f32 v41, v1  }
0xcb: {  	v0 =	vadd.f32 v36, v0;
	v36 =	vld [tilespmem:s8+$0xA00];
	v3 =	vadd.f32 v43, v3  }
0xcc: {  	v1 =	vadd.f32 v47, v1;
	[tilespmem:$0x1FF20] =	vst v56;
	v56 =	vld [tilespmem:s8+$0x1060]  }
0xcd: {  	v59 =	vld [tilespmem:$0x1FD70];
	v3 =	vadd.f32 v51, v3  }
0xce: {  	v1 =	vadd.f32 v53, v1;
	v60 =	vld [tilespmem:$0x1FD80]  }
0xcf: {  	v3 =	vadd.f32 v55, v3;
	v55 =	vld [tilespmem:$0x1FD30]  }
0xd0: {  	v0 =	vadd.f32 v40, v0;
	v1 =	vadd.f32 v57, v1;
	v57 =	vld [tilespmem:$0x1FD50]  }
0xd1: {  	[tilespmem:$0x1FF30] =	vst v56;
	v56 =	vld [tilespmem:s8+$0x10B0]  }
0xd2: {  	v0 =	vadd.f32 v46, v0;
	v61 =	vld [tilespmem:$0x1FD90]  }
0xd3: {  	v62 =	vld [tilespmem:$0x1FDA0]  }
0xd4: {  	v0 =	vadd.f32 v52, v0;
	v37 =	vld [tilespmem:$0x1FDD0]  }
0xd5: {  	v3 =	vadd.f32 v57, v3;
	v63 =	vld [tilespmem:$0x1FDB0]  }
0xd6: {  	v0 =	vadd.f32 v55, v0;
	[tilespmem:$0x1FF40] =	vst v56;
	v56 =	vld [tilespmem:s8+$0x10C0]  }
0xd7: {  	v2 =	vadd.f32 v38, v2;
	v3 =	vadd.f32 v61, v3;
	v38 =	vld [tilespmem:$0x1FDE0]  }
0xd8: {  	v0 =	vadd.f32 v58, v0;
	v14 =	vld [tilespmem:$0x1FDC0]  }
0xd9: {  	v3 =	vadd.f32 v37, v3;
	v37 =	vld [tilespmem:s8+$0xA10]  }
0xda: {  	v0 =	vadd.f32 v62, v0;
	v39 =	vld [tilespmem:$0x1FDF0]  }
0xdb: {  	[tilespmem:$0x1FF50] =	vst v56;
	v56 =	vld [tilespmem:s8+$0x10D0]  }
0xdc: {  	v0 =	vadd.f32 v38, v0;
	v38 =	vld [tilespmem:s8+$0xA20]  }
0xdd: {  	v1 =	vadd.f32 v59, v1;
	v41 =	vld [tilespmem:$0x1FE10]  }
0xde: {  	v40 =	vld [tilespmem:$0x1FE00]  }
0xdf: {  	v2 =	vadd.f32 v42, v2;
	v1 =	vadd.f32 v63, v1;
	v42 =	vld [tilespmem:$0x1FE20]  }
0xe0: {  	[tilespmem:$0x1FF60] =	vst v56;
	v56 =	vld [tilespmem:s8+$0x10E0]  }
0xe1: {  	v1 =	vadd.f32 v39, v1;
	v39 =	vld [tilespmem:s8+$0xA70]  }
0xe2: {  	v3 =	vadd.f32 v41, v3;
	v41 =	vld [tilespmem:s8+$0xA90]  }
0xe3: {  	v43 =	vld [tilespmem:$0x1FE30]  }
0xe4: {  	v0 =	vadd.f32 v42, v0;
	v42 =	vld [tilespmem:s8+$0xAA0]  }
0xe5: {  	[tilespmem:$0x1FF90] =	vst v56;
	v56 =	vld [tilespmem:s8+$0x570]  }
0xe6: {  	v46 =	vld [tilespmem:$0x1FE40]  }
0xe7: {  	v47 =	vld [tilespmem:$0x1FE50]  }
0xe8: {  	v2 =	vadd.f32 v50, v2;
	v50 =	vld [tilespmem:$0x1FE60]  }
0xe9: {  	v51 =	vld [tilespmem:$0x1FE70]  }
0xea: {  	[tilespmem:$0x1FF80] =	vst v56;
	v56 =	vld [tilespmem:s8+$0x580]  }
0xeb: {  	v2 =	vadd.f32 v54, v2;
	v54 =	vld [tilespmem:$0x1FEA0]  }
0xec: {  	v53 =	vld [tilespmem:$0x1FE90]  }
0xed: {  	v58 =	vld [tilespmem:$0x1FEE0]  }
0xee: {  	v0 =	vadd.f32 v50, v0;
	v55 =	vld [tilespmem:$0x1FEB0]  }
0xef: {  	[tilespmem:$0x1FFB0] =	vst v56;
	v56 =	vld [tilespmem:s8+$0x590]  }
0xf0: {  	v0 =	vadd.f32 v54, v0;
	v57 =	vld [tilespmem:$0x1FED0]  }
0xf1: {  	v59 =	vld [tilespmem:$0x1FEF0]  }
0xf2: {  	v1 =	vadd.f32 v43, v1;
	v0 =	vadd.f32 v58, v0;
	v58 =	vld [tilespmem:$0x1FFA0]  }
0xf3: {  	v3 =	vadd.f32 v47, v3;
	v61 =	vld [tilespmem:$0x1FF10]  }
0xf4: {  	v1 =	vadd.f32 v51, v1;
	[tilespmem:$0x1FFD0] =	vst v56;
	v56 =	vld [tilespmem:s8+$0x5A0]  }
0xf5: {  	v3 =	vadd.f32 v53, v3;
	v63 =	vld [tilespmem:$0x1FF30]  }
0xf6: {  	v1 =	vadd.f32 v55, v1;
	v53 =	vld [tilespmem:$0x1FF50]  }
0xf7: {  	v3 =	vadd.f32 v57, v3;
	v57 =	vld [tilespmem:$0x1FF90]  }
0xf8: {  	v1 =	vadd.f32 v59, v1;
	v59 =	vld [tilespmem:$0x1FFB0]  }
0xf9: {  	[tilespmem:$0x1FFF0] =	vst v56;
	v56 =	vld [tilespmem:$0x1FD40]  }
0xfa: {  	v43 =	vld [tilespmem:s8+$0xAF0]  }
0xfb: {  	v47 =	vld [tilespmem:s8+$0xB10];
	v3 =	vadd.f32 v61, v3;
	v1 =	vadd.f32 v63, v1  }
0xfc: {  	v62 =	vld [tilespmem:$0x1FF20]  }
0xfd: {  	v50 =	vld [tilespmem:s8+$0xB20];
	v9 =	vadd.f32 v53, v3;
	v3 =	vadd.f32 v57, v1  }
0xfe: {  	v54 =	vld [tilespmem:$0x1FF60];
	v1 =	vadd.f32 v59, v58;
	v2 =	vadd.f32 v56, v2  }
0xff: {  	v52 =	vld [tilespmem:$0x1FE80]  }
0x100: {  	v51 =	vld [tilespmem:s8+$0xB70];
	v1 =	vadd.f32 v13, v1;
	v2 =	vadd.f32 v60, v2  }
0x101: {  	v55 =	vld [tilespmem:$0x1FF70];
	v0 =	vadd.f32 v62, v0  }
0x102: {  	v62 =	vld [tilespmem:$0x1FFE0];
	v1 =	vadd.f32 v29, v1;
	v2 =	vadd.f32 v14, v2  }
0x103: {  	v53 =	vld [tilespmem:s8+$0xBA0];
	v8 =	vadd.f32 v54, v0  }
0x104: {  	v54 =	vld [tilespmem:s8+$0xBF0];
	v1 =	vadd.f32 v45, v1;
	v2 =	vadd.f32 v40, v2  }
0x105: {  	v56 =	vld [tilespmem:$0x1FEC0]  }
0x106: {  	v57 =	vld [tilespmem:s8+$0xD10];
	v1 =	vadd.f32 v5, v1;
	v2 =	vadd.f32 v46, v2  }
0x107: {  	v60 =	vld [tilespmem:$0x1FF00]  }
0x108: {  	v61 =	vld [tilespmem:$0x1FFD0];
	v1 =	vadd.f32 v11, v1;
	v2 =	vadd.f32 v52, v2  }
0x109: {  	v58 =	vld [tilespmem:s8+$0xD20]  }
0x10a: {  	v1 =	vadd.f32 v20, v1;
	v2 =	vadd.f32 v56, v2;
	v56 =	vld [tilespmem:$0x1FF80]  }
0x10b: {  	v63 =	vld [tilespmem:$0x1FFF0]  }
0x10c: {  	v1 =	vadd.f32 v24, v1;
	v2 =	vadd.f32 v60, v2;
	v60 =	vld [tilespmem:$0x1FFC0]  }
0x10d: {  	v40 =	vld [tilespmem:s8+$0xA80]  }
0x10e: {  	v59 =	vld [tilespmem:s8+$0xD70];
	v1 =	vadd.f32 v30, v1  }
0x10f: {  	v46 =	vld [tilespmem:s8+$0xB00];
	v0 =	vadd.f32 v56, v55  }
0x110: {  	v13 =	vld [tilespmem:s8+$0xC10];
	v1 =	vadd.f32 v36, v1;
	v56 =	vadd.f32 v63, v62  }
0x111: {  	v52 =	vld [tilespmem:s8+$0xB80];
	v55 =	vadd.f32 v61, v60;
	v0 =	vadd.f32 v12, v0  }
0x112: {  	v29 =	vld [tilespmem:s8+$0xC70];
	v1 =	vadd.f32 v40, v1;
	v17 =	vadd.f32 v17, v56  }
0x113: {  	v14 =	vld [tilespmem:$0x1FF40];
	v16 =	vadd.f32 v16, v55;
	v0 =	vadd.f32 v28, v0  }
0x114: {  	v45 =	vld [tilespmem:s8+$0xF20];
	v1 =	vadd.f32 v46, v1;
	v17 =	vadd.f32 v33, v17  }
0x115: {  	v36 =	vld [tilespmem:s8+$0xE10];
	v16 =	vadd.f32 v32, v16;
	v0 =	vadd.f32 v44, v0  }
0x116: {  	v40 =	vld [tilespmem:s8+$0xE90];
	v1 =	vadd.f32 v52, v1;
	v17 =	vadd.f32 v49, v17  }
0x117: {  	v46 =	vld [tilespmem:s8+$0xF70];
	v16 =	vadd.f32 v48, v16;
	v0 =	vadd.f32 v4, v0  }
0x118: {  	v52 =	vld [tilespmem:s8+$0x1010];
	v14 =	vadd.f32 v14, v2;
	v7 =	vadd.f32 v7, v17  }
0x119: {  	v2 =	vld [tilespmem:s8+$0xB90];
	v6 =	vadd.f32 v6, v16;
	v0 =	vadd.f32 v10, v0  }
0x11a: {  	v62 =	vld [tilespmem:s8+$0xDA0];
	v7 =	vadd.f32 v18, v7  }
0x11b: {  	v63 =	vld [tilespmem:s8+$0xDF0];
	v6 =	vadd.f32 v15, v6;
	v0 =	vadd.f32 v19, v0  }
0x11c: {  	v12 =	vld [tilespmem:s8+$0xC00];
	v7 =	vadd.f32 v22, v7  }
0x11d: {  	v56 =	vld [tilespmem:s8+$0xD00];
	v6 =	vadd.f32 v21, v6;
	v0 =	vadd.f32 v23, v0  }
0x11e: {  	v60 =	vld [tilespmem:s8+$0xD80];
	v7 =	vadd.f32 v26, v7  }
0x11f: {  	v32 =	vld [tilespmem:s8+$0xC80];
	v6 =	vadd.f32 v25, v6;
	v0 =	vadd.f32 v27, v0  }
0x120: {  	v61 =	vld [tilespmem:s8+$0xD90];
	v7 =	vadd.f32 v34, v7  }
0x121: {  	v28 =	vld [tilespmem:s8+$0xC20];
	v6 =	vadd.f32 v31, v6;
	v0 =	vadd.f32 v35, v0  }
0x122: {  	v33 =	vld [tilespmem:s8+$0xC90];
	v1 =	vadd.f32 v12, v1;
	v7 =	vadd.f32 v38, v7  }
0x123: {  	v55 =	vld [tilespmem:s8+$0xCF0];
	v6 =	vadd.f32 v37, v6;
	v0 =	vadd.f32 v39, v0  }
0x124: {  	v44 =	vld [tilespmem:s8+$0xF10];
	v1 =	vadd.f32 v32, v1;
	v7 =	vadd.f32 v42, v7  }
0x125: {  	v49 =	vld [tilespmem:s8+$0xFA0];
	v6 =	vadd.f32 v41, v6;
	v0 =	vadd.f32 v43, v0  }
0x126: {  	v48 =	vld [tilespmem:s8+$0xCA0];
	v1 =	vadd.f32 v56, v1;
	v7 =	vadd.f32 v50, v7  }
0x127: {  	v56 =	vld [tilespmem:s8+$0x1090];
	v6 =	vadd.f32 v47, v6;
	v0 =	vadd.f32 v51, v0  }
0x128: {  	v35 =	vld [tilespmem:s8+$0xE00];
	v7 =	vadd.f32 v53, v7  }
0x129: {  	v38 =	vld [tilespmem:s8+$0xE70];
	v2 =	vadd.f32 v2, v6;
	v0 =	vadd.f32 v54, v0  }
0x12a: {  	v37 =	vld [tilespmem:s8+$0xE20];
	v7 =	vadd.f32 v28, v7  }
0x12b: {  	v39 =	vld [tilespmem:s8+$0xE80];
	v2 =	vadd.f32 v13, v2;
	v0 =	vadd.f32 v29, v0  }
0x12c: {  	v42 =	vld [tilespmem:s8+$0xEF0];
	v4 =	vadd.f32 v48, v7  }
0x12d: {  	v41 =	vld [tilespmem:s8+$0xEA0];
	v2 =	vadd.f32 v33, v2;
	v0 =	vadd.f32 v55, v0  }
0x12e: {  	v1 =	vadd.f32 v60, v1;
	v43 =	vld [tilespmem:s8+$0xF00];
	v4 =	vadd.f32 v58, v4  }
0x12f: {  	v50 =	vld [tilespmem:s8+$0xFF0];
	v2 =	vadd.f32 v57, v2;
	v0 =	vadd.f32 v59, v0  }
0x130: {  	v1 =	vadd.f32 v35, v1;
	v47 =	vld [tilespmem:s8+$0xF80];
	v4 =	vadd.f32 v62, v4  }
0x131: {  	v51 =	vld [tilespmem:s8+$0x1000];
	v2 =	vadd.f32 v61, v2;
	v0 =	vadd.f32 v63, v0  }
0x132: {  	v53 =	vld [tilespmem:s8+$0x1020];
	v1 =	vadd.f32 v39, v1;
	v4 =	vadd.f32 v37, v4  }
0x133: {  	v54 =	vld [tilespmem:s8+$0x1070];
	v2 =	vadd.f32 v36, v2;
	v0 =	vadd.f32 v38, v0  }
0x134: {  	v1 =	vadd.f32 v43, v1;
	v48 =	vld [tilespmem:s8+$0xF90];
	v4 =	vadd.f32 v41, v4  }
0x135: {  	v55 =	vld [tilespmem:s8+$0x1080];
	v2 =	vadd.f32 v40, v2;
	v0 =	vadd.f32 v42, v0  }
0x136: {  	v1 =	vadd.f32 v47, v1;
	v57 =	vld [tilespmem:s8+$0x10A0];
	v4 =	vadd.f32 v45, v4  }
0x137: {  	v59 =	vld [tilespmem:s8+$0x1100];
	v2 =	vadd.f32 v44, v2;
	v0 =	vadd.f32 v46, v0  }
0x138: {  	v58 =	vld [tilespmem:s8+$0x10F0];
	v1 =	vadd.f32 v51, v1;
	v4 =	vadd.f32 v49, v4  }
0x139: {  	v61 =	vld [tilespmem:s8+$0x1120];
	v2 =	vadd.f32 v48, v2;
	v0 =	vadd.f32 v50, v0  }
0x13a: {  	v60 =	vld [tilespmem:s8+$0x1110];
	v1 =	vadd.f32 v55, v1;
	v4 =	vadd.f32 v53, v4  }
0x13b: {  	v2 =	vadd.f32 v52, v2;
	v0 =	vadd.f32 v54, v0  }
0x13c: {  	v1 =	vadd.f32 v59, v1;
	v4 =	vadd.f32 v57, v4  }
0x13d: {  	v2 =	vadd.f32 v56, v2;
	v0 =	vadd.f32 v58, v0  }
0x13e: {  	v1 =	vadd.f32 v1, v9;
	v4 =	vadd.f32 v61, v4  }
0x13f: {  	v2 =	vadd.f32 v60, v2;
	v0 =	vadd.f32 v0, v14  }
0x140: {  	s29 =	sshll.u32 s12, $0x6;
	p2 =	sne.s32 s12, $0x7;
	v1 =	vmul.f32 $1.999999960e-02, v1;
	v3 =	vadd.f32 v4, v3  }
.Ltmp5:
0x141: {  	s8 =	sand.u32 $0x3FFFFFC0, s29;
	v0 =	vmul.f32 $1.999999960e-02, v0;
	v2 =	vadd.f32 v2, v8;
	(pc) =	sbr.rel @p2 .LBB2_9-.Ltmp5, $4  }
0x142: {  	[tilespmem:s8+$0x130C0] =	vst v1;
	v63 =	vmul.f32 $1.999999960e-02, v3  }
0x143: {  	[tilespmem:s8+$0x130B0] =	vst v0;
	v62 =	vmul.f32 $1.999999960e-02, v2  }
0x144: {  	[tilespmem:s8+$0x130E0] =	vst v63  }
0x145: {  	s12 =	sadd.s32 $0x1, s12;
	[tilespmem:s8+$0x130D0] =	vst v62  }
0x146: {  	s8 =	smul.u32 $0x18, s1  }
0x147: {  	s12 =	smul.u32 $0x300, s1;
	_ =	sdelay $0x1  }
0x148: {  	s8 =	sand.u32 $0x1F8, s8;
	s12 =	sand.u32 $0xC000, s12  }
0x149: {  	s8 =	sor.u32 s8, s12  }
0x14a: {  	s8 =	sor.u32 s9, s8  }
0x14b: {  	s8 =	sshll.u32 s8, $0x3  }
0x14c: {  	s8 =	sand.u32 $0x7FFC0, s8  }
.Ltmp6:
0x14d: {  	s8 =	sadd.s32 s7, s8;
	(pc) =	sbr.rel @p0 .LBB2_17-.Ltmp6, $4  }
0x14e: {  	[hbm4b:s8+s2] =	stream.linear.scatter [tilespmem:s21], [sflag:$0x7], $0x200, $0x38;
	[tilespmem:$0x136B0] =	vst v63  }
0x14f: {  	_ =	swait.ge [sflag:s22], $0x6400  }
0x150: {  	[sflag:s22] =	ssyncset.done $0x0  }
0x151: {  	[sflag:s22] =	ssyncadd.s32 $0xFFFF9C00  }
0x152: {  	s8 =	sadd.s32 $0x4, s11  }
0x153: {  	s29 =	sshrl.u32 s8, $0x6  }
0x154: {  	p2 =	seq.s32 s29, $0x0  }
.Ltmp7:
0x155: {  	_ = 	snop;
	(pc) =	sbr.rel @p2 .LBB2_15-.Ltmp7, $2  }
0x156: {  	_ =	sdelay $0x2  }
0x157: {  	s12 =	smov.u32 s3  }
0x158: {  	p2 =	seq.s32 s29, $0x2  }
.Ltmp8:
0x159: {  	_ = 	snop;
	(pc) =	sbr.rel @p2 .LBB2_14-.Ltmp8, $1  }
0x15a: {  	_ =	sdelay $0x3  }
0x15b: {  	p2 =	sne.s32 s29, $0x1  }
.Ltmp9:
0x15c: {  	_ = 	snop;
	(pc) =	sbr.rel @p2 .LBB2_16-.Ltmp9, $4  }
.Ltmp10:
0x15d: {  	_ = 	snop;
	(pc) =	sbr.rel @!p2 .LBB2_15-.Ltmp10, $4  }
0x15e: {  	_ = 	snop  }
0x15f: {  	_ = 	snop  }
0x160: {  	s12 =	smov.u32 s4  }
0x161: {  	_ = 	snop  }
.LBB2_14:
0x162: {  	s12 =	smov.u32 s5  }
.LBB2_15:
0x163: {  	s8 =	sshll.u32 s8, $0x3  }
0x164: {  	s8 =	sand.u32 $0x1F8, s8  }
0x165: {  	s8 =	sor.u32 s9, s8  }
0x166: {  	s8 =	smul.u32 $0x32, s8;
	_ =	sdelay $0x1  }
0x167: {  	s8 =	sshrl.u32 s8, $0x3  }
0x168: {  	s8 =	sadd.s32 s12, s8  }
0x169: {  	[tilespmem:s14], [sflag:$0x5] =	stream.linear.gather [hbm4b:s8+s2], $0x190, $0x38;
	[tilespmem:$0x136B0] =	vst v63  }
.LBB2_16:
.Ltmp11:
0x16a: {  	(pc) =	sbr.rel @p1 .LBB2_18-.Ltmp11, $4  }
0x16b: {  	_ =	swait.ge [sflag:s31], $0x190  }
0x16c: {  	[sflag:s31] =	ssyncset.done $0x0  }
0x16d: {  	[sflag:s31] =	ssyncadd.s32 $0xFFFFFE70  }
0x16e: {  	[tilespmem:s15], [sflag:$0x1] =	stream.indirect.gather [hbm4b:s6+s14], $0x40, s2, s14, $0xb8;
	[tilespmem:$0x136B0] =	vst v63  }
.LBB2_17:
0x16f: {  	_ =	swait.ge [sflag:s23], $0x200  }
0x170: {  	[sflag:s23] =	ssyncset.done $0x0  }
0x171: {  	[sflag:s23] =	ssyncadd.s32 $0xFFFFFE00  }
.LBB2_18:
0x172: {  	s12 =	sadd.s32 $0x1, s11;
	s8 =	simm.s32 $0x0  }
.LBB2_19:
0x173: {  	s29 =	smul.u32 $0x3200, s8;
	_ =	sdelay $0x1  }
0x174: {  	s29 =	sshra.s32 s29, $0x2  }
0x175: {  	v56 =	vld [tilespmem:s29+$0x7050];
	_ =	sdelay $0x4  }
0x176: {  	[tilespmem:$0x1FA60] =	vst v56;
	v56 =	vld [tilespmem:s29+$0x70B0];
	_ =	sdelay $0x4  }
0x177: {  	[tilespmem:$0x1FA70] =	vst v56;
	v56 =	vld [tilespmem:s29+$0x70C0];
	_ =	sdelay $0x4  }
0x178: {  	[tilespmem:$0x1FA80] =	vst v56;
	v56 =	vld [tilespmem:s29+$0x70D0];
	_ =	sdelay $0x4  }
0x179: {  	[tilespmem:$0x1FA90] =	vst v56;
	v56 =	vld [tilespmem:s29+$0x70E0];
	_ =	sdelay $0x4  }
0x17a: {  	[tilespmem:$0x1FAA0] =	vst v56;
	v56 =	vld [tilespmem:s29+$0x7130];
	_ =	sdelay $0x4  }
0x17b: {  	[tilespmem:$0x1FAB0] =	vst v56;
	v56 =	vld [tilespmem:s29+$0x7140];
	_ =	sdelay $0x2  }
0x17c: {  	v12 =	vld [tilespmem:s29+$0x68B0]  }
0x17d: {  	v13 =	vld [tilespmem:s29+$0x68C0]  }
0x17e: {  	[tilespmem:$0x1FAC0] =	vst v56;
	v56 =	vld [tilespmem:s29+$0x7150]  }
0x17f: {  	v16 =	vld [tilespmem:s29+$0x68D0]  }
0x180: {  	v17 =	vld [tilespmem:s29+$0x68E0]  }
0x181: {  	v0 =	vld [tilespmem:s29+$0x68F0]  }
0x182: {  	v52 =	vld [tilespmem:s29+$0x6900]  }
0x183: {  	[tilespmem:$0x1FAD0] =	vst v56;
	v56 =	vld [tilespmem:s29+$0x7160]  }
0x184: {  	v53 =	vld [tilespmem:s29+$0x6910]  }
0x185: {  	v54 =	vld [tilespmem:s29+$0x6920]  }
0x186: {  	v28 =	vld [tilespmem:s29+$0x6930]  }
0x187: {  	v29 =	vld [tilespmem:s29+$0x6940]  }
0x188: {  	[tilespmem:$0x1FAE0] =	vst v56;
	v56 =	vld [tilespmem:s29+$0x71B0]  }
0x189: {  	v32 =	vld [tilespmem:s29+$0x6950]  }
0x18a: {  	v33 =	vld [tilespmem:s29+$0x6960]  }
0x18b: {  	v44 =	vld [tilespmem:s29+$0x69B0]  }
0x18c: {  	v45 =	vld [tilespmem:s29+$0x69C0]  }
0x18d: {  	[tilespmem:$0x1FAF0] =	vst v56;
	v56 =	vld [tilespmem:s29+$0x71C0]  }
0x18e: {  	v48 =	vld [tilespmem:s29+$0x69D0]  }
0x18f: {  	v49 =	vld [tilespmem:s29+$0x69E0]  }
0x190: {  	v58 =	vld [tilespmem:s29+$0x6A30]  }
0x191: {  	v59 =	vld [tilespmem:s29+$0x6A40]  }
0x192: {  	[tilespmem:$0x1FB00] =	vst v56;
	v56 =	vld [tilespmem:s29+$0x71D0]  }
0x193: {  	v60 =	vld [tilespmem:s29+$0x6A50]  }
0x194: {  	v61 =	vld [tilespmem:s29+$0x6A60]  }
0x195: {  	v62 =	vld [tilespmem:s29+$0x6AB0]  }
0x196: {  	v63 =	vld [tilespmem:s29+$0x6AC0]  }
0x197: {  	[tilespmem:$0x1FB10] =	vst v56;
	v56 =	vld [tilespmem:s29+$0x71E0]  }
0x198: {  	v1 =	vld [tilespmem:s29+$0x6AE0]  }
0x199: {  	v2 =	vld [tilespmem:s29+$0x6B30]  }
0x19a: {  	v3 =	vld [tilespmem:s29+$0x6B40]  }
0x19b: {  	v4 =	vld [tilespmem:s29+$0x6B50]  }
0x19c: {  	[tilespmem:$0x1FB20] =	vst v56;
	v56 =	vld [tilespmem:s29+$0x7230]  }
0x19d: {  	v5 =	vld [tilespmem:s29+$0x6B60]  }
0x19e: {  	v6 =	vld [tilespmem:s29+$0x6BB0]  }
0x19f: {  	v7 =	vld [tilespmem:s29+$0x6BC0]  }
0x1a0: {  	v8 =	vld [tilespmem:s29+$0x6BD0]  }
0x1a1: {  	[tilespmem:$0x1FB30] =	vst v56;
	v56 =	vld [tilespmem:s29+$0x7240]  }
0x1a2: {  	v9 =	vld [tilespmem:s29+$0x6BE0]  }
0x1a3: {  	v10 =	vld [tilespmem:s29+$0x6C30]  }
0x1a4: {  	v11 =	vld [tilespmem:s29+$0x6C40]  }
0x1a5: {  	v14 =	vld [tilespmem:s29+$0x6C50]  }
0x1a6: {  	[tilespmem:$0x1FB40] =	vst v56;
	v56 =	vld [tilespmem:s29+$0x7250]  }
0x1a7: {  	v15 =	vld [tilespmem:s29+$0x6C60]  }
0x1a8: {  	v18 =	vld [tilespmem:s29+$0x6CB0]  }
0x1a9: {  	v19 =	vld [tilespmem:s29+$0x6CC0]  }
0x1aa: {  	v20 =	vld [tilespmem:s29+$0x6CD0]  }
0x1ab: {  	[tilespmem:$0x1FB50] =	vst v56;
	v56 =	vld [tilespmem:s29+$0x7260]  }
0x1ac: {  	v21 =	vld [tilespmem:s29+$0x6CE0]  }
0x1ad: {  	v22 =	vld [tilespmem:s29+$0x6D30]  }
0x1ae: {  	v23 =	vld [tilespmem:s29+$0x6D40]  }
0x1af: {  	v24 =	vld [tilespmem:s29+$0x6D50]  }
0x1b0: {  	[tilespmem:$0x1FB60] =	vst v56;
	v56 =	vld [tilespmem:s29+$0x72B0]  }
0x1b1: {  	v25 =	vld [tilespmem:s29+$0x6D60]  }
0x1b2: {  	v26 =	vld [tilespmem:s29+$0x6DB0]  }
0x1b3: {  	v27 =	vld [tilespmem:s29+$0x6DC0]  }
0x1b4: {  	v30 =	vld [tilespmem:s29+$0x6DD0]  }
0x1b5: {  	[tilespmem:$0x1FB70] =	vst v56;
	v56 =	vld [tilespmem:s29+$0x72C0]  }
0x1b6: {  	v31 =	vld [tilespmem:s29+$0x6DE0]  }
0x1b7: {  	v34 =	vld [tilespmem:s29+$0x6E30]  }
0x1b8: {  	v35 =	vld [tilespmem:s29+$0x6E40]  }
0x1b9: {  	v36 =	vld [tilespmem:s29+$0x6E50]  }
0x1ba: {  	[tilespmem:$0x1FB80] =	vst v56;
	v56 =	vld [tilespmem:s29+$0x72D0]  }
0x1bb: {  	v37 =	vld [tilespmem:s29+$0x6E60]  }
0x1bc: {  	v38 =	vld [tilespmem:s29+$0x6EB0]  }
0x1bd: {  	v39 =	vld [tilespmem:s29+$0x6EC0]  }
0x1be: {  	v40 =	vld [tilespmem:s29+$0x6ED0]  }
0x1bf: {  	[tilespmem:$0x1FB90] =	vst v56;
	v56 =	vld [tilespmem:s29+$0x72E0]  }
0x1c0: {  	v41 =	vld [tilespmem:s29+$0x6EE0]  }
0x1c1: {  	v42 =	vld [tilespmem:s29+$0x6F30]  }
0x1c2: {  	v43 =	vld [tilespmem:s29+$0x6F40]  }
0x1c3: {  	v46 =	vld [tilespmem:s29+$0x6F50]  }
0x1c4: {  	[tilespmem:$0x1FBA0] =	vst v56;
	v56 =	vld [tilespmem:s29+$0x7330]  }
0x1c5: {  	v47 =	vld [tilespmem:s29+$0x6F60]  }
0x1c6: {  	v50 =	vld [tilespmem:s29+$0x6FB0]  }
0x1c7: {  	v51 =	vld [tilespmem:s29+$0x6FC0]  }
0x1c8: {  	v55 =	vld [tilespmem:s29+$0x7040]  }
0x1c9: {  	[tilespmem:$0x1FBB0] =	vst v56;
	v56 =	vld [tilespmem:s29+$0x7340]  }
0x1ca: {  	v57 =	vld [tilespmem:s29+$0x7060]  }
0x1cb: {  	[tilespmem:$0x1FCA0] =	vst v0;
	v0 =	vld [tilespmem:s29+$0x6AD0]  }
0x1cc: {  	[tilespmem:$0x1FCD0] =	vst v52;
	v52 =	vld [tilespmem:s29+$0x6FD0]  }
0x1cd: {  	[tilespmem:$0x1FCF0] =	vst v53;
	v53 =	vld [tilespmem:s29+$0x6FE0]  }
0x1ce: {  	[tilespmem:$0x1FBC0] =	vst v56;
	v56 =	vld [tilespmem:s29+$0x7350]  }
0x1cf: {  	[tilespmem:$0x1FD10] =	vst v54;
	v54 =	vld [tilespmem:s29+$0x7030]  }
0x1d0: {  	v28 =	vadd.f32 v28, v12;
	v12 =	vld [tilespmem:s29+$0x69F0]  }
0x1d1: {  	v29 =	vadd.f32 v29, v13;
	v13 =	vld [tilespmem:s29+$0x6A00]  }
0x1d2: {  	v32 =	vadd.f32 v32, v16;
	v17 =	vadd.f32 v33, v17;
	v16 =	vld [tilespmem:s29+$0x6A10]  }
0x1d3: {  	[tilespmem:$0x1FBD0] =	vst v56;
	v56 =	vld [tilespmem:s29+$0x7360]  }
0x1d4: {  	v28 =	vadd.f32 v44, v28;
	v33 =	vadd.f32 v49, v17;
	v17 =	vld [tilespmem:s29+$0x6A20]  }
0x1d5: {  	v29 =	vadd.f32 v45, v29;
	v49 =	vld [tilespmem:s29+$0x6B20]  }
0x1d6: {  	v44 =	vadd.f32 v58, v28;
	v28 =	vld [tilespmem:s29+$0x6A70]  }
0x1d7: {  	v32 =	vadd.f32 v48, v32;
	v45 =	vadd.f32 v59, v29;
	v29 =	vld [tilespmem:s29+$0x6A80]  }
0x1d8: {  	v33 =	vadd.f32 v61, v33;
	[tilespmem:$0x1FBE0] =	vst v56;
	v56 =	vld [tilespmem:s29+$0x73B0]  }
0x1d9: {  	v48 =	vadd.f32 v60, v32;
	v32 =	vld [tilespmem:s29+$0x6A90]  }
0x1da: {  	v44 =	vadd.f32 v62, v44;
	v1 =	vadd.f32 v1, v33;
	v33 =	vld [tilespmem:s29+$0x6AA0]  }
0x1db: {  	v0 =	vadd.f32 v0, v48;
	v48 =	vld [tilespmem:s29+$0x6B10]  }
0x1dc: {  	v45 =	vadd.f32 v63, v45;
	v2 =	vadd.f32 v2, v44;
	v44 =	vld [tilespmem:s29+$0x6AF0]  }
0x1dd: {  	[tilespmem:$0x1FBF0] =	vst v56;
	v56 =	vld [tilespmem:s29+$0x73C0]  }
0x1de: {  	v3 =	vadd.f32 v3, v45;
	v45 =	vld [tilespmem:s29+$0x6B00]  }
0x1df: {  	v0 =	vadd.f32 v4, v0;
	v4 =	vld [tilespmem:s29+$0x6B70]  }
0x1e0: {  	v1 =	vadd.f32 v5, v1;
	v5 =	vld [tilespmem:s29+$0x6B80]  }
0x1e1: {  	v2 =	vadd.f32 v6, v2;
	v6 =	vld [tilespmem:s29+$0x6B90]  }
0x1e2: {  	[tilespmem:$0x1FC00] =	vst v56;
	v56 =	vld [tilespmem:s29+$0x73D0]  }
0x1e3: {  	v3 =	vadd.f32 v7, v3;
	v7 =	vld [tilespmem:s29+$0x6BA0]  }
0x1e4: {  	v1 =	vadd.f32 v9, v1;
	v2 =	vadd.f32 v10, v2;
	v10 =	vld [tilespmem:s29+$0x6BF0]  }
0x1e5: {  	v3 =	vadd.f32 v11, v3;
	v11 =	vld [tilespmem:s29+$0x6C00]  }
0x1e6: {  	v0 =	vadd.f32 v8, v0;
	v1 =	vadd.f32 v15, v1;
	v15 =	vld [tilespmem:s29+$0x6C10]  }
0x1e7: {  	[tilespmem:$0x1FC10] =	vst v56;
	v56 =	vld [tilespmem:s29+$0x73E0]  }
0x1e8: {  	v0 =	vadd.f32 v14, v0;
	v2 =	vadd.f32 v18, v2;
	v18 =	vld [tilespmem:s29+$0x6C20]  }
0x1e9: {  	v3 =	vadd.f32 v19, v3;
	v19 =	vld [tilespmem:s29+$0x6C70]  }
0x1ea: {  	v0 =	vadd.f32 v20, v0;
	v20 =	vld [tilespmem:s29+$0x6C80]  }
0x1eb: {  	v1 =	vadd.f32 v21, v1;
	v21 =	vld [tilespmem:s29+$0x6C90]  }
0x1ec: {  	[tilespmem:$0x1FC20] =	vst v56;
	v56 =	vld [tilespmem:s29+$0x7430]  }
0x1ed: {  	v2 =	vadd.f32 v22, v2;
	v22 =	vld [tilespmem:s29+$0x6CA0]  }
0x1ee: {  	v3 =	vadd.f32 v23, v3;
	v23 =	vld [tilespmem:s29+$0x6CF0]  }
0x1ef: {  	v0 =	vadd.f32 v24, v0;
	v24 =	vld [tilespmem:s29+$0x6D00]  }
0x1f0: {  	v1 =	vadd.f32 v25, v1;
	v25 =	vld [tilespmem:s29+$0x6D10]  }
0x1f1: {  	[tilespmem:$0x1FC30] =	vst v56;
	v56 =	vld [tilespmem:s29+$0x7440]  }
0x1f2: {  	v58 =	vld [tilespmem:$0x1FA90]  }
0x1f3: {  	v2 =	vadd.f32 v26, v2;
	v26 =	vld [tilespmem:s29+$0x6D20]  }
0x1f4: {  	v3 =	vadd.f32 v27, v3;
	v27 =	vld [tilespmem:s29+$0x6D70]  }
0x1f5: {  	v0 =	vadd.f32 v30, v0;
	v1 =	vadd.f32 v31, v1;
	v30 =	vld [tilespmem:s29+$0x6D80]  }
0x1f6: {  	v3 =	vadd.f32 v35, v3;
	[tilespmem:$0x1FC40] =	vst v56;
	v56 =	vld [tilespmem:s29+$0x7450]  }
0x1f7: {  	v31 =	vld [tilespmem:s29+$0x6D90];
	v1 =	vadd.f32 v37, v1  }
0x1f8: {  	v2 =	vadd.f32 v34, v2;
	v34 =	vld [tilespmem:s29+$0x6DA0];
	v3 =	vadd.f32 v39, v3  }
0x1f9: {  	v35 =	vld [tilespmem:s29+$0x6DF0];
	v1 =	vadd.f32 v41, v1  }
0x1fa: {  	v0 =	vadd.f32 v36, v0;
	v36 =	vld [tilespmem:s29+$0x6E00];
	v3 =	vadd.f32 v43, v3  }
0x1fb: {  	v1 =	vadd.f32 v47, v1;
	[tilespmem:$0x1FC50] =	vst v56;
	v56 =	vld [tilespmem:s29+$0x7460]  }
0x1fc: {  	v59 =	vld [tilespmem:$0x1FAA0];
	v3 =	vadd.f32 v51, v3  }
0x1fd: {  	v1 =	vadd.f32 v53, v1;
	v60 =	vld [tilespmem:$0x1FAB0]  }
0x1fe: {  	v3 =	vadd.f32 v55, v3;
	v55 =	vld [tilespmem:$0x1FA60]  }
0x1ff: {  	v0 =	vadd.f32 v40, v0;
	v1 =	vadd.f32 v57, v1;
	v57 =	vld [tilespmem:$0x1FA80]  }
0x200: {  	[tilespmem:$0x1FC60] =	vst v56;
	v56 =	vld [tilespmem:s29+$0x74B0]  }
0x201: {  	v0 =	vadd.f32 v46, v0;
	v61 =	vld [tilespmem:$0x1FAC0]  }
0x202: {  	v62 =	vld [tilespmem:$0x1FAD0]  }
0x203: {  	v0 =	vadd.f32 v52, v0;
	v37 =	vld [tilespmem:$0x1FB00]  }
0x204: {  	v3 =	vadd.f32 v57, v3;
	v63 =	vld [tilespmem:$0x1FAE0]  }
0x205: {  	v0 =	vadd.f32 v55, v0;
	[tilespmem:$0x1FC70] =	vst v56;
	v56 =	vld [tilespmem:s29+$0x74C0]  }
0x206: {  	v2 =	vadd.f32 v38, v2;
	v3 =	vadd.f32 v61, v3;
	v38 =	vld [tilespmem:$0x1FB10]  }
0x207: {  	v0 =	vadd.f32 v58, v0;
	v14 =	vld [tilespmem:$0x1FAF0]  }
0x208: {  	v3 =	vadd.f32 v37, v3;
	v37 =	vld [tilespmem:s29+$0x6E10]  }
0x209: {  	v0 =	vadd.f32 v62, v0;
	v39 =	vld [tilespmem:$0x1FB20]  }
0x20a: {  	[tilespmem:$0x1FC80] =	vst v56;
	v56 =	vld [tilespmem:s29+$0x74D0]  }
0x20b: {  	v0 =	vadd.f32 v38, v0;
	v38 =	vld [tilespmem:s29+$0x6E20]  }
0x20c: {  	v1 =	vadd.f32 v59, v1;
	v41 =	vld [tilespmem:$0x1FB40]  }
0x20d: {  	v40 =	vld [tilespmem:$0x1FB30]  }
0x20e: {  	v2 =	vadd.f32 v42, v2;
	v1 =	vadd.f32 v63, v1;
	v42 =	vld [tilespmem:$0x1FB50]  }
0x20f: {  	[tilespmem:$0x1FC90] =	vst v56;
	v56 =	vld [tilespmem:s29+$0x74E0]  }
0x210: {  	v1 =	vadd.f32 v39, v1;
	v39 =	vld [tilespmem:s29+$0x6E70]  }
0x211: {  	v3 =	vadd.f32 v41, v3;
	v41 =	vld [tilespmem:s29+$0x6E90]  }
0x212: {  	v43 =	vld [tilespmem:$0x1FB60]  }
0x213: {  	v0 =	vadd.f32 v42, v0;
	v42 =	vld [tilespmem:s29+$0x6EA0]  }
0x214: {  	[tilespmem:$0x1FCC0] =	vst v56;
	v56 =	vld [tilespmem:s29+$0x6970]  }
0x215: {  	v46 =	vld [tilespmem:$0x1FB70]  }
0x216: {  	v47 =	vld [tilespmem:$0x1FB80]  }
0x217: {  	v2 =	vadd.f32 v50, v2;
	v50 =	vld [tilespmem:$0x1FB90]  }
0x218: {  	v51 =	vld [tilespmem:$0x1FBA0]  }
0x219: {  	[tilespmem:$0x1FCB0] =	vst v56;
	v56 =	vld [tilespmem:s29+$0x6980]  }
0x21a: {  	v2 =	vadd.f32 v54, v2;
	v54 =	vld [tilespmem:$0x1FBD0]  }
0x21b: {  	v53 =	vld [tilespmem:$0x1FBC0]  }
0x21c: {  	v58 =	vld [tilespmem:$0x1FC10]  }
0x21d: {  	v0 =	vadd.f32 v50, v0;
	v55 =	vld [tilespmem:$0x1FBE0]  }
0x21e: {  	[tilespmem:$0x1FCE0] =	vst v56;
	v56 =	vld [tilespmem:s29+$0x6990]  }
0x21f: {  	v0 =	vadd.f32 v54, v0;
	v57 =	vld [tilespmem:$0x1FC00]  }
0x220: {  	v59 =	vld [tilespmem:$0x1FC20]  }
0x221: {  	v1 =	vadd.f32 v43, v1;
	v0 =	vadd.f32 v58, v0;
	v58 =	vld [tilespmem:$0x1FCD0]  }
0x222: {  	v3 =	vadd.f32 v47, v3;
	v61 =	vld [tilespmem:$0x1FC40]  }
0x223: {  	v1 =	vadd.f32 v51, v1;
	[tilespmem:$0x1FD00] =	vst v56;
	v56 =	vld [tilespmem:s29+$0x69A0]  }
0x224: {  	v3 =	vadd.f32 v53, v3;
	v63 =	vld [tilespmem:$0x1FC60]  }
0x225: {  	v1 =	vadd.f32 v55, v1;
	v53 =	vld [tilespmem:$0x1FC80]  }
0x226: {  	v3 =	vadd.f32 v57, v3;
	v57 =	vld [tilespmem:$0x1FCC0]  }
0x227: {  	v1 =	vadd.f32 v59, v1;
	v59 =	vld [tilespmem:$0x1FCE0]  }
0x228: {  	[tilespmem:$0x1FD20] =	vst v56;
	v56 =	vld [tilespmem:$0x1FA70]  }
0x229: {  	v43 =	vld [tilespmem:s29+$0x6EF0]  }
0x22a: {  	v47 =	vld [tilespmem:s29+$0x6F10];
	v3 =	vadd.f32 v61, v3;
	v1 =	vadd.f32 v63, v1  }
0x22b: {  	v62 =	vld [tilespmem:$0x1FC50]  }
0x22c: {  	v50 =	vld [tilespmem:s29+$0x6F20];
	v9 =	vadd.f32 v53, v3;
	v3 =	vadd.f32 v57, v1  }
0x22d: {  	v54 =	vld [tilespmem:$0x1FC90];
	v1 =	vadd.f32 v59, v58;
	v2 =	vadd.f32 v56, v2  }
0x22e: {  	v52 =	vld [tilespmem:$0x1FBB0]  }
0x22f: {  	v51 =	vld [tilespmem:s29+$0x6F70];
	v1 =	vadd.f32 v13, v1;
	v2 =	vadd.f32 v60, v2  }
0x230: {  	v55 =	vld [tilespmem:$0x1FCA0];
	v0 =	vadd.f32 v62, v0  }
0x231: {  	v62 =	vld [tilespmem:$0x1FD10];
	v1 =	vadd.f32 v29, v1;
	v2 =	vadd.f32 v14, v2  }
0x232: {  	v53 =	vld [tilespmem:s29+$0x6FA0];
	v8 =	vadd.f32 v54, v0  }
0x233: {  	v54 =	vld [tilespmem:s29+$0x6FF0];
	v1 =	vadd.f32 v45, v1;
	v2 =	vadd.f32 v40, v2  }
0x234: {  	v56 =	vld [tilespmem:$0x1FBF0]  }
0x235: {  	v57 =	vld [tilespmem:s29+$0x7110];
	v1 =	vadd.f32 v5, v1;
	v2 =	vadd.f32 v46, v2  }
0x236: {  	v60 =	vld [tilespmem:$0x1FC30]  }
0x237: {  	v61 =	vld [tilespmem:$0x1FD00];
	v1 =	vadd.f32 v11, v1;
	v2 =	vadd.f32 v52, v2  }
0x238: {  	v58 =	vld [tilespmem:s29+$0x7120]  }
0x239: {  	v1 =	vadd.f32 v20, v1;
	v2 =	vadd.f32 v56, v2;
	v56 =	vld [tilespmem:$0x1FCB0]  }
0x23a: {  	v63 =	vld [tilespmem:$0x1FD20]  }
0x23b: {  	v1 =	vadd.f32 v24, v1;
	v2 =	vadd.f32 v60, v2;
	v60 =	vld [tilespmem:$0x1FCF0]  }
0x23c: {  	v40 =	vld [tilespmem:s29+$0x6E80]  }
0x23d: {  	v59 =	vld [tilespmem:s29+$0x7170];
	v1 =	vadd.f32 v30, v1  }
0x23e: {  	v46 =	vld [tilespmem:s29+$0x6F00];
	v0 =	vadd.f32 v56, v55  }
0x23f: {  	v13 =	vld [tilespmem:s29+$0x7010];
	v1 =	vadd.f32 v36, v1;
	v56 =	vadd.f32 v63, v62  }
0x240: {  	v52 =	vld [tilespmem:s29+$0x6F80];
	v55 =	vadd.f32 v61, v60;
	v0 =	vadd.f32 v12, v0  }
0x241: {  	v29 =	vld [tilespmem:s29+$0x7070];
	v1 =	vadd.f32 v40, v1;
	v17 =	vadd.f32 v17, v56  }
0x242: {  	v14 =	vld [tilespmem:$0x1FC70];
	v16 =	vadd.f32 v16, v55;
	v0 =	vadd.f32 v28, v0  }
0x243: {  	v45 =	vld [tilespmem:s29+$0x7320];
	v1 =	vadd.f32 v46, v1;
	v17 =	vadd.f32 v33, v17  }
0x244: {  	v36 =	vld [tilespmem:s29+$0x7210];
	v16 =	vadd.f32 v32, v16;
	v0 =	vadd.f32 v44, v0  }
0x245: {  	v40 =	vld [tilespmem:s29+$0x7290];
	v1 =	vadd.f32 v52, v1;
	v17 =	vadd.f32 v49, v17  }
0x246: {  	v46 =	vld [tilespmem:s29+$0x7370];
	v16 =	vadd.f32 v48, v16;
	v0 =	vadd.f32 v4, v0  }
0x247: {  	v52 =	vld [tilespmem:s29+$0x7410];
	v14 =	vadd.f32 v14, v2;
	v7 =	vadd.f32 v7, v17  }
0x248: {  	v2 =	vld [tilespmem:s29+$0x6F90];
	v6 =	vadd.f32 v6, v16;
	v0 =	vadd.f32 v10, v0  }
0x249: {  	v62 =	vld [tilespmem:s29+$0x71A0];
	v7 =	vadd.f32 v18, v7  }
0x24a: {  	v63 =	vld [tilespmem:s29+$0x71F0];
	v6 =	vadd.f32 v15, v6;
	v0 =	vadd.f32 v19, v0  }
0x24b: {  	v12 =	vld [tilespmem:s29+$0x7000];
	v7 =	vadd.f32 v22, v7  }
0x24c: {  	v56 =	vld [tilespmem:s29+$0x7100];
	v6 =	vadd.f32 v21, v6;
	v0 =	vadd.f32 v23, v0  }
0x24d: {  	v60 =	vld [tilespmem:s29+$0x7180];
	v7 =	vadd.f32 v26, v7  }
0x24e: {  	v32 =	vld [tilespmem:s29+$0x7080];
	v6 =	vadd.f32 v25, v6;
	v0 =	vadd.f32 v27, v0  }
0x24f: {  	v61 =	vld [tilespmem:s29+$0x7190];
	v7 =	vadd.f32 v34, v7  }
0x250: {  	v28 =	vld [tilespmem:s29+$0x7020];
	v6 =	vadd.f32 v31, v6;
	v0 =	vadd.f32 v35, v0  }
0x251: {  	v33 =	vld [tilespmem:s29+$0x7090];
	v1 =	vadd.f32 v12, v1;
	v7 =	vadd.f32 v38, v7  }
0x252: {  	v55 =	vld [tilespmem:s29+$0x70F0];
	v6 =	vadd.f32 v37, v6;
	v0 =	vadd.f32 v39, v0  }
0x253: {  	v44 =	vld [tilespmem:s29+$0x7310];
	v1 =	vadd.f32 v32, v1;
	v7 =	vadd.f32 v42, v7  }
0x254: {  	v49 =	vld [tilespmem:s29+$0x73A0];
	v6 =	vadd.f32 v41, v6;
	v0 =	vadd.f32 v43, v0  }
0x255: {  	v48 =	vld [tilespmem:s29+$0x70A0];
	v1 =	vadd.f32 v56, v1;
	v7 =	vadd.f32 v50, v7  }
0x256: {  	v56 =	vld [tilespmem:s29+$0x7490];
	v6 =	vadd.f32 v47, v6;
	v0 =	vadd.f32 v51, v0  }
0x257: {  	v35 =	vld [tilespmem:s29+$0x7200];
	v7 =	vadd.f32 v53, v7  }
0x258: {  	v38 =	vld [tilespmem:s29+$0x7270];
	v2 =	vadd.f32 v2, v6;
	v0 =	vadd.f32 v54, v0  }
0x259: {  	v37 =	vld [tilespmem:s29+$0x7220];
	v7 =	vadd.f32 v28, v7  }
0x25a: {  	v39 =	vld [tilespmem:s29+$0x7280];
	v2 =	vadd.f32 v13, v2;
	v0 =	vadd.f32 v29, v0  }
0x25b: {  	v42 =	vld [tilespmem:s29+$0x72F0];
	v4 =	vadd.f32 v48, v7  }
0x25c: {  	v41 =	vld [tilespmem:s29+$0x72A0];
	v2 =	vadd.f32 v33, v2;
	v0 =	vadd.f32 v55, v0  }
0x25d: {  	v1 =	vadd.f32 v60, v1;
	v43 =	vld [tilespmem:s29+$0x7300];
	v4 =	vadd.f32 v58, v4  }
0x25e: {  	v50 =	vld [tilespmem:s29+$0x73F0];
	v2 =	vadd.f32 v57, v2;
	v0 =	vadd.f32 v59, v0  }
0x25f: {  	v1 =	vadd.f32 v35, v1;
	v47 =	vld [tilespmem:s29+$0x7380];
	v4 =	vadd.f32 v62, v4  }
0x260: {  	v51 =	vld [tilespmem:s29+$0x7400];
	v2 =	vadd.f32 v61, v2;
	v0 =	vadd.f32 v63, v0  }
0x261: {  	v53 =	vld [tilespmem:s29+$0x7420];
	v1 =	vadd.f32 v39, v1;
	v4 =	vadd.f32 v37, v4  }
0x262: {  	v54 =	vld [tilespmem:s29+$0x7470];
	v2 =	vadd.f32 v36, v2;
	v0 =	vadd.f32 v38, v0  }
0x263: {  	v1 =	vadd.f32 v43, v1;
	v48 =	vld [tilespmem:s29+$0x7390];
	v4 =	vadd.f32 v41, v4  }
0x264: {  	v55 =	vld [tilespmem:s29+$0x7480];
	v2 =	vadd.f32 v40, v2;
	v0 =	vadd.f32 v42, v0  }
0x265: {  	v1 =	vadd.f32 v47, v1;
	v57 =	vld [tilespmem:s29+$0x74A0];
	v4 =	vadd.f32 v45, v4  }
0x266: {  	v59 =	vld [tilespmem:s29+$0x7500];
	v2 =	vadd.f32 v44, v2;
	v0 =	vadd.f32 v46, v0  }
0x267: {  	v58 =	vld [tilespmem:s29+$0x74F0];
	v1 =	vadd.f32 v51, v1;
	v4 =	vadd.f32 v49, v4  }
0x268: {  	v61 =	vld [tilespmem:s29+$0x7520];
	v2 =	vadd.f32 v48, v2;
	v0 =	vadd.f32 v50, v0  }
0x269: {  	v60 =	vld [tilespmem:s29+$0x7510];
	v1 =	vadd.f32 v55, v1;
	v4 =	vadd.f32 v53, v4  }
0x26a: {  	v2 =	vadd.f32 v52, v2;
	v0 =	vadd.f32 v54, v0  }
0x26b: {  	v1 =	vadd.f32 v59, v1;
	v4 =	vadd.f32 v57, v4  }
0x26c: {  	v2 =	vadd.f32 v56, v2;
	v0 =	vadd.f32 v58, v0  }
0x26d: {  	v1 =	vadd.f32 v1, v9;
	v4 =	vadd.f32 v61, v4  }
0x26e: {  	v2 =	vadd.f32 v60, v2;
	v0 =	vadd.f32 v0, v14  }
0x26f: {  	p2 =	sne.s32 s8, $0x7;
	s29 =	sshll.u32 s8, $0x6;
	v1 =	vmul.f32 $1.999999960e-02, v1;
	v3 =	vadd.f32 v4, v3  }
.Ltmp12:
0x270: {  	s29 =	sand.u32 $0x3FFFFFC0, s29;
	v0 =	vmul.f32 $1.999999960e-02, v0;
	v2 =	vadd.f32 v2, v8;
	(pc) =	sbr.rel @p2 .LBB2_19-.Ltmp12, $4  }
0x271: {  	[tilespmem:s29+$0x132C0] =	vst v1;
	v63 =	vmul.f32 $1.999999960e-02, v3  }
0x272: {  	[tilespmem:s29+$0x132B0] =	vst v0;
	v62 =	vmul.f32 $1.999999960e-02, v2  }
0x273: {  	[tilespmem:s29+$0x132E0] =	vst v63  }
0x274: {  	s8 =	sadd.s32 $0x1, s8;
	[tilespmem:s29+$0x132D0] =	vst v62  }
0x275: {  	s8 =	sshll.u32 s12, $0x3;
	s29 =	sshll.u32 s12, $0x8  }
0x276: {  	s8 =	sand.u32 $0x1F8, s8;
	s12 =	sand.u32 $0x1C000, s29  }
0x277: {  	s8 =	sor.u32 s8, s12  }
0x278: {  	s8 =	sor.u32 s9, s8  }
0x279: {  	s8 =	sshll.u32 s8, $0x3  }
0x27a: {  	s8 =	sand.u32 $0xFFFC0, s8  }
.Ltmp13:
0x27b: {  	s8 =	sadd.s32 s7, s8;
	(pc) =	sbr.rel @p0 .LBB2_27-.Ltmp13, $4  }
0x27c: {  	[hbm4b:s8+s2] =	stream.linear.scatter [tilespmem:s24], [sflag:$0x8], $0x200, $0x38;
	[tilespmem:$0x136B0] =	vst v63  }
0x27d: {  	_ =	swait.ge [sflag:s25], $0x6400  }
0x27e: {  	[sflag:s25] =	ssyncset.done $0x0  }
0x27f: {  	[sflag:s25] =	ssyncadd.s32 $0xFFFF9C00  }
0x280: {  	s8 =	sadd.s32 $0x5, s11  }
0x281: {  	s12 =	sshrl.u32 s8, $0x6  }
0x282: {  	p0 =	seq.s32 s12, $0x0  }
.Ltmp14:
0x283: {  	_ = 	snop;
	(pc) =	sbr.rel @p0 .LBB2_25-.Ltmp14, $2  }
0x284: {  	_ =	sdelay $0x2  }
0x285: {  	s11 =	smov.u32 s3  }
0x286: {  	p0 =	seq.s32 s12, $0x2  }
.Ltmp15:
0x287: {  	_ = 	snop;
	(pc) =	sbr.rel @p0 .LBB2_24-.Ltmp15, $1  }
0x288: {  	_ =	sdelay $0x3  }
0x289: {  	p0 =	sne.s32 s12, $0x1  }
.Ltmp16:
0x28a: {  	_ = 	snop;
	(pc) =	sbr.rel @p0 .LBB2_26-.Ltmp16, $4  }
.Ltmp17:
0x28b: {  	_ = 	snop;
	(pc) =	sbr.rel @!p0 .LBB2_25-.Ltmp17, $4  }
0x28c: {  	_ = 	snop  }
0x28d: {  	_ = 	snop  }
0x28e: {  	s11 =	smov.u32 s4  }
0x28f: {  	_ = 	snop  }
.LBB2_24:
0x290: {  	s11 =	smov.u32 s5  }
.LBB2_25:
0x291: {  	s8 =	sshll.u32 s8, $0x3  }
0x292: {  	s8 =	sand.u32 $0x1F8, s8  }
0x293: {  	s8 =	sor.u32 s9, s8  }
0x294: {  	s8 =	smul.u32 $0x32, s8;
	_ =	sdelay $0x1  }
0x295: {  	s8 =	sshrl.u32 s8, $0x3  }
0x296: {  	s8 =	sadd.s32 s11, s8  }
0x297: {  	[tilespmem:s17], [sflag:$0x6] =	stream.linear.gather [hbm4b:s8+s2], $0x190, $0x38;
	[tilespmem:$0x136B0] =	vst v63  }
.LBB2_26:
.Ltmp18:
0x298: {  	(pc) =	sbr.rel @p1 .LBB2_28-.Ltmp18, $4  }
0x299: {  	_ =	swait.ge [sflag:s30], $0x190  }
0x29a: {  	[sflag:s30] =	ssyncset.done $0x0  }
0x29b: {  	[sflag:s30] =	ssyncadd.s32 $0xFFFFFE70  }
0x29c: {  	[tilespmem:s16], [sflag:$0x2] =	stream.indirect.gather [hbm4b:s6+s14], $0x40, s14, s14, $0xb8;
	[tilespmem:$0x136B0] =	vst v63  }
.LBB2_27:
0x29d: {  	_ =	swait.ge [sflag:s26], $0x200  }
0x29e: {  	[sflag:s26] =	ssyncset.done $0x0  }
0x29f: {  	[sflag:s26] =	ssyncadd.s32 $0xFFFFFE00  }
.LBB2_28:
0x2a0: {  	s8 =	simm.s32 $0x0  }
.LBB2_29:
0x2a1: {  	s11 =	smul.u32 $0x3200, s8;
	_ =	sdelay $0x1  }
0x2a2: {  	s11 =	sshra.s32 s11, $0x2  }
0x2a3: {  	v56 =	vld [tilespmem:s11+$0xD450];
	_ =	sdelay $0x4  }
0x2a4: {  	[tilespmem:$0x1F790] =	vst v56;
	v56 =	vld [tilespmem:s11+$0xD4B0];
	_ =	sdelay $0x4  }
0x2a5: {  	[tilespmem:$0x1F7A0] =	vst v56;
	v56 =	vld [tilespmem:s11+$0xD4C0];
	_ =	sdelay $0x4  }
0x2a6: {  	[tilespmem:$0x1F7B0] =	vst v56;
	v56 =	vld [tilespmem:s11+$0xD4D0];
	_ =	sdelay $0x4  }
0x2a7: {  	[tilespmem:$0x1F7C0] =	vst v56;
	v56 =	vld [tilespmem:s11+$0xD4E0];
	_ =	sdelay $0x4  }
0x2a8: {  	[tilespmem:$0x1F7D0] =	vst v56;
	v56 =	vld [tilespmem:s11+$0xD530];
	_ =	sdelay $0x4  }
0x2a9: {  	[tilespmem:$0x1F7E0] =	vst v56;
	v56 =	vld [tilespmem:s11+$0xD540];
	_ =	sdelay $0x2  }
0x2aa: {  	v12 =	vld [tilespmem:s11+$0xCCB0]  }
0x2ab: {  	v13 =	vld [tilespmem:s11+$0xCCC0]  }
0x2ac: {  	[tilespmem:$0x1F7F0] =	vst v56;
	v56 =	vld [tilespmem:s11+$0xD550]  }
0x2ad: {  	v16 =	vld [tilespmem:s11+$0xCCD0]  }
0x2ae: {  	v17 =	vld [tilespmem:s11+$0xCCE0]  }
0x2af: {  	v0 =	vld [tilespmem:s11+$0xCCF0]  }
0x2b0: {  	v52 =	vld [tilespmem:s11+$0xCD00]  }
0x2b1: {  	[tilespmem:$0x1F800] =	vst v56;
	v56 =	vld [tilespmem:s11+$0xD560]  }
0x2b2: {  	v53 =	vld [tilespmem:s11+$0xCD10]  }
0x2b3: {  	v54 =	vld [tilespmem:s11+$0xCD20]  }
0x2b4: {  	v28 =	vld [tilespmem:s11+$0xCD30]  }
0x2b5: {  	v29 =	vld [tilespmem:s11+$0xCD40]  }
0x2b6: {  	[tilespmem:$0x1F810] =	vst v56;
	v56 =	vld [tilespmem:s11+$0xD5B0]  }
0x2b7: {  	v32 =	vld [tilespmem:s11+$0xCD50]  }
0x2b8: {  	v33 =	vld [tilespmem:s11+$0xCD60]  }
0x2b9: {  	v44 =	vld [tilespmem:s11+$0xCDB0]  }
0x2ba: {  	v45 =	vld [tilespmem:s11+$0xCDC0]  }
0x2bb: {  	[tilespmem:$0x1F820] =	vst v56;
	v56 =	vld [tilespmem:s11+$0xD5C0]  }
0x2bc: {  	v48 =	vld [tilespmem:s11+$0xCDD0]  }
0x2bd: {  	v49 =	vld [tilespmem:s11+$0xCDE0]  }
0x2be: {  	v58 =	vld [tilespmem:s11+$0xCE30]  }
0x2bf: {  	v59 =	vld [tilespmem:s11+$0xCE40]  }
0x2c0: {  	[tilespmem:$0x1F830] =	vst v56;
	v56 =	vld [tilespmem:s11+$0xD5D0]  }
0x2c1: {  	v60 =	vld [tilespmem:s11+$0xCE50]  }
0x2c2: {  	v61 =	vld [tilespmem:s11+$0xCE60]  }
0x2c3: {  	v62 =	vld [tilespmem:s11+$0xCEB0]  }
0x2c4: {  	v63 =	vld [tilespmem:s11+$0xCEC0]  }
0x2c5: {  	[tilespmem:$0x1F840] =	vst v56;
	v56 =	vld [tilespmem:s11+$0xD5E0]  }
0x2c6: {  	v1 =	vld [tilespmem:s11+$0xCEE0]  }
0x2c7: {  	v2 =	vld [tilespmem:s11+$0xCF30]  }
0x2c8: {  	v3 =	vld [tilespmem:s11+$0xCF40]  }
0x2c9: {  	v4 =	vld [tilespmem:s11+$0xCF50]  }
0x2ca: {  	[tilespmem:$0x1F850] =	vst v56;
	v56 =	vld [tilespmem:s11+$0xD630]  }
0x2cb: {  	v5 =	vld [tilespmem:s11+$0xCF60]  }
0x2cc: {  	v6 =	vld [tilespmem:s11+$0xCFB0]  }
0x2cd: {  	v7 =	vld [tilespmem:s11+$0xCFC0]  }
0x2ce: {  	v8 =	vld [tilespmem:s11+$0xCFD0]  }
0x2cf: {  	[tilespmem:$0x1F860] =	vst v56;
	v56 =	vld [tilespmem:s11+$0xD640]  }
0x2d0: {  	v9 =	vld [tilespmem:s11+$0xCFE0]  }
0x2d1: {  	v10 =	vld [tilespmem:s11+$0xD030]  }
0x2d2: {  	v11 =	vld [tilespmem:s11+$0xD040]  }
0x2d3: {  	v14 =	vld [tilespmem:s11+$0xD050]  }
0x2d4: {  	[tilespmem:$0x1F870] =	vst v56;
	v56 =	vld [tilespmem:s11+$0xD650]  }
0x2d5: {  	v15 =	vld [tilespmem:s11+$0xD060]  }
0x2d6: {  	v18 =	vld [tilespmem:s11+$0xD0B0]  }
0x2d7: {  	v19 =	vld [tilespmem:s11+$0xD0C0]  }
0x2d8: {  	v20 =	vld [tilespmem:s11+$0xD0D0]  }
0x2d9: {  	[tilespmem:$0x1F880] =	vst v56;
	v56 =	vld [tilespmem:s11+$0xD660]  }
0x2da: {  	v21 =	vld [tilespmem:s11+$0xD0E0]  }
0x2db: {  	v22 =	vld [tilespmem:s11+$0xD130]  }
0x2dc: {  	v23 =	vld [tilespmem:s11+$0xD140]  }
0x2dd: {  	v24 =	vld [tilespmem:s11+$0xD150]  }
0x2de: {  	[tilespmem:$0x1F890] =	vst v56;
	v56 =	vld [tilespmem:s11+$0xD6B0]  }
0x2df: {  	v25 =	vld [tilespmem:s11+$0xD160]  }
0x2e0: {  	v26 =	vld [tilespmem:s11+$0xD1B0]  }
0x2e1: {  	v27 =	vld [tilespmem:s11+$0xD1C0]  }
0x2e2: {  	v30 =	vld [tilespmem:s11+$0xD1D0]  }
0x2e3: {  	[tilespmem:$0x1F8A0] =	vst v56;
	v56 =	vld [tilespmem:s11+$0xD6C0]  }
0x2e4: {  	v31 =	vld [tilespmem:s11+$0xD1E0]  }
0x2e5: {  	v34 =	vld [tilespmem:s11+$0xD230]  }
0x2e6: {  	v35 =	vld [tilespmem:s11+$0xD240]  }
0x2e7: {  	v36 =	vld [tilespmem:s11+$0xD250]  }
0x2e8: {  	[tilespmem:$0x1F8B0] =	vst v56;
	v56 =	vld [tilespmem:s11+$0xD6D0]  }
0x2e9: {  	v37 =	vld [tilespmem:s11+$0xD260]  }
0x2ea: {  	v38 =	vld [tilespmem:s11+$0xD2B0]  }
0x2eb: {  	v39 =	vld [tilespmem:s11+$0xD2C0]  }
0x2ec: {  	v40 =	vld [tilespmem:s11+$0xD2D0]  }
0x2ed: {  	[tilespmem:$0x1F8C0] =	vst v56;
	v56 =	vld [tilespmem:s11+$0xD6E0]  }
0x2ee: {  	v41 =	vld [tilespmem:s11+$0xD2E0]  }
0x2ef: {  	v42 =	vld [tilespmem:s11+$0xD330]  }
0x2f0: {  	v43 =	vld [tilespmem:s11+$0xD340]  }
0x2f1: {  	v46 =	vld [tilespmem:s11+$0xD350]  }
0x2f2: {  	[tilespmem:$0x1F8D0] =	vst v56;
	v56 =	vld [tilespmem:s11+$0xD730]  }
0x2f3: {  	v47 =	vld [tilespmem:s11+$0xD360]  }
0x2f4: {  	v50 =	vld [tilespmem:s11+$0xD3B0]  }
0x2f5: {  	v51 =	vld [tilespmem:s11+$0xD3C0]  }
0x2f6: {  	v55 =	vld [tilespmem:s11+$0xD440]  }
0x2f7: {  	[tilespmem:$0x1F8E0] =	vst v56;
	v56 =	vld [tilespmem:s11+$0xD740]  }
0x2f8: {  	v57 =	vld [tilespmem:s11+$0xD460]  }
0x2f9: {  	[tilespmem:$0x1F9D0] =	vst v0;
	v0 =	vld [tilespmem:s11+$0xCED0]  }
0x2fa: {  	[tilespmem:$0x1FA00] =	vst v52;
	v52 =	vld [tilespmem:s11+$0xD3D0]  }
0x2fb: {  	[tilespmem:$0x1FA20] =	vst v53;
	v53 =	vld [tilespmem:s11+$0xD3E0]  }
0x2fc: {  	[tilespmem:$0x1F8F0] =	vst v56;
	v56 =	vld [tilespmem:s11+$0xD750]  }
0x2fd: {  	[tilespmem:$0x1FA40] =	vst v54;
	v54 =	vld [tilespmem:s11+$0xD430]  }
0x2fe: {  	v28 =	vadd.f32 v28, v12;
	v12 =	vld [tilespmem:s11+$0xCDF0]  }
0x2ff: {  	v29 =	vadd.f32 v29, v13;
	v13 =	vld [tilespmem:s11+$0xCE00]  }
0x300: {  	v32 =	vadd.f32 v32, v16;
	v17 =	vadd.f32 v33, v17;
	v16 =	vld [tilespmem:s11+$0xCE10]  }
0x301: {  	[tilespmem:$0x1F900] =	vst v56;
	v56 =	vld [tilespmem:s11+$0xD760]  }
0x302: {  	v28 =	vadd.f32 v44, v28;
	v33 =	vadd.f32 v49, v17;
	v17 =	vld [tilespmem:s11+$0xCE20]  }
0x303: {  	v29 =	vadd.f32 v45, v29;
	v49 =	vld [tilespmem:s11+$0xCF20]  }
0x304: {  	v44 =	vadd.f32 v58, v28;
	v28 =	vld [tilespmem:s11+$0xCE70]  }
0x305: {  	v32 =	vadd.f32 v48, v32;
	v45 =	vadd.f32 v59, v29;
	v29 =	vld [tilespmem:s11+$0xCE80]  }
0x306: {  	v33 =	vadd.f32 v61, v33;
	[tilespmem:$0x1F910] =	vst v56;
	v56 =	vld [tilespmem:s11+$0xD7B0]  }
0x307: {  	v48 =	vadd.f32 v60, v32;
	v32 =	vld [tilespmem:s11+$0xCE90]  }
0x308: {  	v44 =	vadd.f32 v62, v44;
	v1 =	vadd.f32 v1, v33;
	v33 =	vld [tilespmem:s11+$0xCEA0]  }
0x309: {  	v0 =	vadd.f32 v0, v48;
	v48 =	vld [tilespmem:s11+$0xCF10]  }
0x30a: {  	v45 =	vadd.f32 v63, v45;
	v2 =	vadd.f32 v2, v44;
	v44 =	vld [tilespmem:s11+$0xCEF0]  }
0x30b: {  	[tilespmem:$0x1F920] =	vst v56;
	v56 =	vld [tilespmem:s11+$0xD7C0]  }
0x30c: {  	v3 =	vadd.f32 v3, v45;
	v45 =	vld [tilespmem:s11+$0xCF00]  }
0x30d: {  	v0 =	vadd.f32 v4, v0;
	v4 =	vld [tilespmem:s11+$0xCF70]  }
0x30e: {  	v1 =	vadd.f32 v5, v1;
	v5 =	vld [tilespmem:s11+$0xCF80]  }
0x30f: {  	v2 =	vadd.f32 v6, v2;
	v6 =	vld [tilespmem:s11+$0xCF90]  }
0x310: {  	[tilespmem:$0x1F930] =	vst v56;
	v56 =	vld [tilespmem:s11+$0xD7D0]  }
0x311: {  	v3 =	vadd.f32 v7, v3;
	v7 =	vld [tilespmem:s11+$0xCFA0]  }
0x312: {  	v1 =	vadd.f32 v9, v1;
	v2 =	vadd.f32 v10, v2;
	v10 =	vld [tilespmem:s11+$0xCFF0]  }
0x313: {  	v3 =	vadd.f32 v11, v3;
	v11 =	vld [tilespmem:s11+$0xD000]  }
0x314: {  	v0 =	vadd.f32 v8, v0;
	v1 =	vadd.f32 v15, v1;
	v15 =	vld [tilespmem:s11+$0xD010]  }
0x315: {  	[tilespmem:$0x1F940] =	vst v56;
	v56 =	vld [tilespmem:s11+$0xD7E0]  }
0x316: {  	v0 =	vadd.f32 v14, v0;
	v2 =	vadd.f32 v18, v2;
	v18 =	vld [tilespmem:s11+$0xD020]  }
0x317: {  	v3 =	vadd.f32 v19, v3;
	v19 =	vld [tilespmem:s11+$0xD070]  }
0x318: {  	v0 =	vadd.f32 v20, v0;
	v20 =	vld [tilespmem:s11+$0xD080]  }
0x319: {  	v1 =	vadd.f32 v21, v1;
	v21 =	vld [tilespmem:s11+$0xD090]  }
0x31a: {  	[tilespmem:$0x1F950] =	vst v56;
	v56 =	vld [tilespmem:s11+$0xD830]  }
0x31b: {  	v2 =	vadd.f32 v22, v2;
	v22 =	vld [tilespmem:s11+$0xD0A0]  }
0x31c: {  	v3 =	vadd.f32 v23, v3;
	v23 =	vld [tilespmem:s11+$0xD0F0]  }
0x31d: {  	v0 =	vadd.f32 v24, v0;
	v24 =	vld [tilespmem:s11+$0xD100]  }
0x31e: {  	v1 =	vadd.f32 v25, v1;
	v25 =	vld [tilespmem:s11+$0xD110]  }
0x31f: {  	[tilespmem:$0x1F960] =	vst v56;
	v56 =	vld [tilespmem:s11+$0xD840]  }
0x320: {  	v58 =	vld [tilespmem:$0x1F7C0]  }
0x321: {  	v2 =	vadd.f32 v26, v2;
	v26 =	vld [tilespmem:s11+$0xD120]  }
0x322: {  	v3 =	vadd.f32 v27, v3;
	v27 =	vld [tilespmem:s11+$0xD170]  }
0x323: {  	v0 =	vadd.f32 v30, v0;
	v1 =	vadd.f32 v31, v1;
	v30 =	vld [tilespmem:s11+$0xD180]  }
0x324: {  	v3 =	vadd.f32 v35, v3;
	[tilespmem:$0x1F970] =	vst v56;
	v56 =	vld [tilespmem:s11+$0xD850]  }
0x325: {  	v31 =	vld [tilespmem:s11+$0xD190];
	v1 =	vadd.f32 v37, v1  }
0x326: {  	v2 =	vadd.f32 v34, v2;
	v34 =	vld [tilespmem:s11+$0xD1A0];
	v3 =	vadd.f32 v39, v3  }
0x327: {  	v35 =	vld [tilespmem:s11+$0xD1F0];
	v1 =	vadd.f32 v41, v1  }
0x328: {  	v0 =	vadd.f32 v36, v0;
	v36 =	vld [tilespmem:s11+$0xD200];
	v3 =	vadd.f32 v43, v3  }
0x329: {  	v1 =	vadd.f32 v47, v1;
	[tilespmem:$0x1F980] =	vst v56;
	v56 =	vld [tilespmem:s11+$0xD860]  }
0x32a: {  	v59 =	vld [tilespmem:$0x1F7D0];
	v3 =	vadd.f32 v51, v3  }
0x32b: {  	v1 =	vadd.f32 v53, v1;
	v60 =	vld [tilespmem:$0x1F7E0]  }
0x32c: {  	v3 =	vadd.f32 v55, v3;
	v55 =	vld [tilespmem:$0x1F790]  }
0x32d: {  	v0 =	vadd.f32 v40, v0;
	v1 =	vadd.f32 v57, v1;
	v57 =	vld [tilespmem:$0x1F7B0]  }
0x32e: {  	[tilespmem:$0x1F990] =	vst v56;
	v56 =	vld [tilespmem:s11+$0xD8B0]  }
0x32f: {  	v0 =	vadd.f32 v46, v0;
	v61 =	vld [tilespmem:$0x1F7F0]  }
0x330: {  	v62 =	vld [tilespmem:$0x1F800]  }
0x331: {  	v0 =	vadd.f32 v52, v0;
	v37 =	vld [tilespmem:$0x1F830]  }
0x332: {  	v3 =	vadd.f32 v57, v3;
	v63 =	vld [tilespmem:$0x1F810]  }
0x333: {  	v0 =	vadd.f32 v55, v0;
	[tilespmem:$0x1F9A0] =	vst v56;
	v56 =	vld [tilespmem:s11+$0xD8C0]  }
0x334: {  	v2 =	vadd.f32 v38, v2;
	v3 =	vadd.f32 v61, v3;
	v38 =	vld [tilespmem:$0x1F840]  }
0x335: {  	v0 =	vadd.f32 v58, v0;
	v14 =	vld [tilespmem:$0x1F820]  }
0x336: {  	v3 =	vadd.f32 v37, v3;
	v37 =	vld [tilespmem:s11+$0xD210]  }
0x337: {  	v0 =	vadd.f32 v62, v0;
	v39 =	vld [tilespmem:$0x1F850]  }
0x338: {  	[tilespmem:$0x1F9B0] =	vst v56;
	v56 =	vld [tilespmem:s11+$0xD8D0]  }
0x339: {  	v0 =	vadd.f32 v38, v0;
	v38 =	vld [tilespmem:s11+$0xD220]  }
0x33a: {  	v1 =	vadd.f32 v59, v1;
	v41 =	vld [tilespmem:$0x1F870]  }
0x33b: {  	v40 =	vld [tilespmem:$0x1F860]  }
0x33c: {  	v2 =	vadd.f32 v42, v2;
	v1 =	vadd.f32 v63, v1;
	v42 =	vld [tilespmem:$0x1F880]  }
0x33d: {  	[tilespmem:$0x1F9C0] =	vst v56;
	v56 =	vld [tilespmem:s11+$0xD8E0]  }
0x33e: {  	v1 =	vadd.f32 v39, v1;
	v39 =	vld [tilespmem:s11+$0xD270]  }
0x33f: {  	v3 =	vadd.f32 v41, v3;
	v41 =	vld [tilespmem:s11+$0xD290]  }
0x340: {  	v43 =	vld [tilespmem:$0x1F890]  }
0x341: {  	v0 =	vadd.f32 v42, v0;
	v42 =	vld [tilespmem:s11+$0xD2A0]  }
0x342: {  	[tilespmem:$0x1F9F0] =	vst v56;
	v56 =	vld [tilespmem:s11+$0xCD70]  }
0x343: {  	v46 =	vld [tilespmem:$0x1F8A0]  }
0x344: {  	v47 =	vld [tilespmem:$0x1F8B0]  }
0x345: {  	v2 =	vadd.f32 v50, v2;
	v50 =	vld [tilespmem:$0x1F8C0]  }
0x346: {  	v51 =	vld [tilespmem:$0x1F8D0]  }
0x347: {  	[tilespmem:$0x1F9E0] =	vst v56;
	v56 =	vld [tilespmem:s11+$0xCD80]  }
0x348: {  	v2 =	vadd.f32 v54, v2;
	v54 =	vld [tilespmem:$0x1F900]  }
0x349: {  	v53 =	vld [tilespmem:$0x1F8F0]  }
0x34a: {  	v58 =	vld [tilespmem:$0x1F940]  }
0x34b: {  	v0 =	vadd.f32 v50, v0;
	v55 =	vld [tilespmem:$0x1F910]  }
0x34c: {  	[tilespmem:$0x1FA10] =	vst v56;
	v56 =	vld [tilespmem:s11+$0xCD90]  }
0x34d: {  	v0 =	vadd.f32 v54, v0;
	v57 =	vld [tilespmem:$0x1F930]  }
0x34e: {  	v59 =	vld [tilespmem:$0x1F950]  }
0x34f: {  	v1 =	vadd.f32 v43, v1;
	v0 =	vadd.f32 v58, v0;
	v58 =	vld [tilespmem:$0x1FA00]  }
0x350: {  	v3 =	vadd.f32 v47, v3;
	v61 =	vld [tilespmem:$0x1F970]  }
0x351: {  	v1 =	vadd.f32 v51, v1;
	[tilespmem:$0x1FA30] =	vst v56;
	v56 =	vld [tilespmem:s11+$0xCDA0]  }
0x352: {  	v3 =	vadd.f32 v53, v3;
	v63 =	vld [tilespmem:$0x1F990]  }
0x353: {  	v1 =	vadd.f32 v55, v1;
	v53 =	vld [tilespmem:$0x1F9B0]  }
0x354: {  	v3 =	vadd.f32 v57, v3;
	v57 =	vld [tilespmem:$0x1F9F0]  }
0x355: {  	v1 =	vadd.f32 v59, v1;
	v59 =	vld [tilespmem:$0x1FA10]  }
0x356: {  	[tilespmem:$0x1FA50] =	vst v56;
	v56 =	vld [tilespmem:$0x1F7A0]  }
0x357: {  	v43 =	vld [tilespmem:s11+$0xD2F0]  }
0x358: {  	v47 =	vld [tilespmem:s11+$0xD310];
	v3 =	vadd.f32 v61, v3;
	v1 =	vadd.f32 v63, v1  }
0x359: {  	v62 =	vld [tilespmem:$0x1F980]  }
0x35a: {  	v50 =	vld [tilespmem:s11+$0xD320];
	v9 =	vadd.f32 v53, v3;
	v3 =	vadd.f32 v57, v1  }
0x35b: {  	v54 =	vld [tilespmem:$0x1F9C0];
	v1 =	vadd.f32 v59, v58;
	v2 =	vadd.f32 v56, v2  }
0x35c: {  	v52 =	vld [tilespmem:$0x1F8E0]  }
0x35d: {  	v51 =	vld [tilespmem:s11+$0xD370];
	v1 =	vadd.f32 v13, v1;
	v2 =	vadd.f32 v60, v2  }
0x35e: {  	v55 =	vld [tilespmem:$0x1F9D0];
	v0 =	vadd.f32 v62, v0  }
0x35f: {  	v62 =	vld [tilespmem:$0x1FA40];
	v1 =	vadd.f32 v29, v1;
	v2 =	vadd.f32 v14, v2  }
0x360: {  	v53 =	vld [tilespmem:s11+$0xD3A0];
	v8 =	vadd.f32 v54, v0  }
0x361: {  	v54 =	vld [tilespmem:s11+$0xD3F0];
	v1 =	vadd.f32 v45, v1;
	v2 =	vadd.f32 v40, v2  }
0x362: {  	v56 =	vld [tilespmem:$0x1F920]  }
0x363: {  	v57 =	vld [tilespmem:s11+$0xD510];
	v1 =	vadd.f32 v5, v1;
	v2 =	vadd.f32 v46, v2  }
0x364: {  	v60 =	vld [tilespmem:$0x1F960]  }
0x365: {  	v61 =	vld [tilespmem:$0x1FA30];
	v1 =	vadd.f32 v11, v1;
	v2 =	vadd.f32 v52, v2  }
0x366: {  	v58 =	vld [tilespmem:s11+$0xD520]  }
0x367: {  	v1 =	vadd.f32 v20, v1;
	v2 =	vadd.f32 v56, v2;
	v56 =	vld [tilespmem:$0x1F9E0]  }
0x368: {  	v63 =	vld [tilespmem:$0x1FA50]  }
0x369: {  	v1 =	vadd.f32 v24, v1;
	v2 =	vadd.f32 v60, v2;
	v60 =	vld [tilespmem:$0x1FA20]  }
0x36a: {  	v40 =	vld [tilespmem:s11+$0xD280]  }
0x36b: {  	v59 =	vld [tilespmem:s11+$0xD570];
	v1 =	vadd.f32 v30, v1  }
0x36c: {  	v46 =	vld [tilespmem:s11+$0xD300];
	v0 =	vadd.f32 v56, v55  }
0x36d: {  	v13 =	vld [tilespmem:s11+$0xD410];
	v1 =	vadd.f32 v36, v1;
	v56 =	vadd.f32 v63, v62  }
0x36e: {  	v52 =	vld [tilespmem:s11+$0xD380];
	v55 =	vadd.f32 v61, v60;
	v0 =	vadd.f32 v12, v0  }
0x36f: {  	v29 =	vld [tilespmem:s11+$0xD470];
	v1 =	vadd.f32 v40, v1;
	v17 =	vadd.f32 v17, v56  }
0x370: {  	v14 =	vld [tilespmem:$0x1F9A0];
	v16 =	vadd.f32 v16, v55;
	v0 =	vadd.f32 v28, v0  }
0x371: {  	v45 =	vld [tilespmem:s11+$0xD720];
	v1 =	vadd.f32 v46, v1;
	v17 =	vadd.f32 v33, v17  }
0x372: {  	v36 =	vld [tilespmem:s11+$0xD610];
	v16 =	vadd.f32 v32, v16;
	v0 =	vadd.f32 v44, v0  }
0x373: {  	v40 =	vld [tilespmem:s11+$0xD690];
	v1 =	vadd.f32 v52, v1;
	v17 =	vadd.f32 v49, v17  }
0x374: {  	v46 =	vld [tilespmem:s11+$0xD770];
	v16 =	vadd.f32 v48, v16;
	v0 =	vadd.f32 v4, v0  }
0x375: {  	v52 =	vld [tilespmem:s11+$0xD810];
	v14 =	vadd.f32 v14, v2;
	v7 =	vadd.f32 v7, v17  }
0x376: {  	v2 =	vld [tilespmem:s11+$0xD390];
	v6 =	vadd.f32 v6, v16;
	v0 =	vadd.f32 v10, v0  }
0x377: {  	v62 =	vld [tilespmem:s11+$0xD5A0];
	v7 =	vadd.f32 v18, v7  }
0x378: {  	v63 =	vld [tilespmem:s11+$0xD5F0];
	v6 =	vadd.f32 v15, v6;
	v0 =	vadd.f32 v19, v0  }
0x379: {  	v12 =	vld [tilespmem:s11+$0xD400];
	v7 =	vadd.f32 v22, v7  }
0x37a: {  	v56 =	vld [tilespmem:s11+$0xD500];
	v6 =	vadd.f32 v21, v6;
	v0 =	vadd.f32 v23, v0  }
0x37b: {  	v60 =	vld [tilespmem:s11+$0xD580];
	v7 =	vadd.f32 v26, v7  }
0x37c: {  	v32 =	vld [tilespmem:s11+$0xD480];
	v6 =	vadd.f32 v25, v6;
	v0 =	vadd.f32 v27, v0  }
0x37d: {  	v61 =	vld [tilespmem:s11+$0xD590];
	v7 =	vadd.f32 v34, v7  }
0x37e: {  	v28 =	vld [tilespmem:s11+$0xD420];
	v6 =	vadd.f32 v31, v6;
	v0 =	vadd.f32 v35, v0  }
0x37f: {  	v33 =	vld [tilespmem:s11+$0xD490];
	v1 =	vadd.f32 v12, v1;
	v7 =	vadd.f32 v38, v7  }
0x380: {  	v55 =	vld [tilespmem:s11+$0xD4F0];
	v6 =	vadd.f32 v37, v6;
	v0 =	vadd.f32 v39, v0  }
0x381: {  	v44 =	vld [tilespmem:s11+$0xD710];
	v1 =	vadd.f32 v32, v1;
	v7 =	vadd.f32 v42, v7  }
0x382: {  	v49 =	vld [tilespmem:s11+$0xD7A0];
	v6 =	vadd.f32 v41, v6;
	v0 =	vadd.f32 v43, v0  }
0x383: {  	v48 =	vld [tilespmem:s11+$0xD4A0];
	v1 =	vadd.f32 v56, v1;
	v7 =	vadd.f32 v50, v7  }
0x384: {  	v56 =	vld [tilespmem:s11+$0xD890];
	v6 =	vadd.f32 v47, v6;
	v0 =	vadd.f32 v51, v0  }
0x385: {  	v35 =	vld [tilespmem:s11+$0xD600];
	v7 =	vadd.f32 v53, v7  }
0x386: {  	v38 =	vld [tilespmem:s11+$0xD670];
	v2 =	vadd.f32 v2, v6;
	v0 =	vadd.f32 v54, v0  }
0x387: {  	v37 =	vld [tilespmem:s11+$0xD620];
	v7 =	vadd.f32 v28, v7  }
0x388: {  	v39 =	vld [tilespmem:s11+$0xD680];
	v2 =	vadd.f32 v13, v2;
	v0 =	vadd.f32 v29, v0  }
0x389: {  	v42 =	vld [tilespmem:s11+$0xD6F0];
	v4 =	vadd.f32 v48, v7  }
0x38a: {  	v41 =	vld [tilespmem:s11+$0xD6A0];
	v2 =	vadd.f32 v33, v2;
	v0 =	vadd.f32 v55, v0  }
0x38b: {  	v1 =	vadd.f32 v60, v1;
	v43 =	vld [tilespmem:s11+$0xD700];
	v4 =	vadd.f32 v58, v4  }
0x38c: {  	v50 =	vld [tilespmem:s11+$0xD7F0];
	v2 =	vadd.f32 v57, v2;
	v0 =	vadd.f32 v59, v0  }
0x38d: {  	v1 =	vadd.f32 v35, v1;
	v47 =	vld [tilespmem:s11+$0xD780];
	v4 =	vadd.f32 v62, v4  }
0x38e: {  	v51 =	vld [tilespmem:s11+$0xD800];
	v2 =	vadd.f32 v61, v2;
	v0 =	vadd.f32 v63, v0  }
0x38f: {  	v53 =	vld [tilespmem:s11+$0xD820];
	v1 =	vadd.f32 v39, v1;
	v4 =	vadd.f32 v37, v4  }
0x390: {  	v54 =	vld [tilespmem:s11+$0xD870];
	v2 =	vadd.f32 v36, v2;
	v0 =	vadd.f32 v38, v0  }
0x391: {  	v1 =	vadd.f32 v43, v1;
	v48 =	vld [tilespmem:s11+$0xD790];
	v4 =	vadd.f32 v41, v4  }
0x392: {  	v55 =	vld [tilespmem:s11+$0xD880];
	v2 =	vadd.f32 v40, v2;
	v0 =	vadd.f32 v42, v0  }
0x393: {  	v1 =	vadd.f32 v47, v1;
	v57 =	vld [tilespmem:s11+$0xD8A0];
	v4 =	vadd.f32 v45, v4  }
0x394: {  	v59 =	vld [tilespmem:s11+$0xD900];
	v2 =	vadd.f32 v44, v2;
	v0 =	vadd.f32 v46, v0  }
0x395: {  	v58 =	vld [tilespmem:s11+$0xD8F0];
	v1 =	vadd.f32 v51, v1;
	v4 =	vadd.f32 v49, v4  }
0x396: {  	v61 =	vld [tilespmem:s11+$0xD920];
	v2 =	vadd.f32 v48, v2;
	v0 =	vadd.f32 v50, v0  }
0x397: {  	v60 =	vld [tilespmem:s11+$0xD910];
	v1 =	vadd.f32 v55, v1;
	v4 =	vadd.f32 v53, v4  }
0x398: {  	v2 =	vadd.f32 v52, v2;
	v0 =	vadd.f32 v54, v0  }
0x399: {  	v1 =	vadd.f32 v59, v1;
	v4 =	vadd.f32 v57, v4  }
0x39a: {  	v2 =	vadd.f32 v56, v2;
	v0 =	vadd.f32 v58, v0  }
0x39b: {  	v1 =	vadd.f32 v1, v9;
	v4 =	vadd.f32 v61, v4  }
0x39c: {  	v2 =	vadd.f32 v60, v2;
	v0 =	vadd.f32 v0, v14  }
0x39d: {  	s29 =	sshll.u32 s8, $0x6;
	p0 =	sne.s32 s8, $0x7;
	v1 =	vmul.f32 $1.999999960e-02, v1;
	v3 =	vadd.f32 v4, v3  }
.Ltmp19:
0x39e: {  	s11 =	sand.u32 $0x3FFFFFC0, s29;
	v0 =	vmul.f32 $1.999999960e-02, v0;
	v2 =	vadd.f32 v2, v8;
	(pc) =	sbr.rel @p0 .LBB2_29-.Ltmp19, $4  }
0x39f: {  	[tilespmem:s11+$0x134C0] =	vst v1;
	v63 =	vmul.f32 $1.999999960e-02, v3  }
0x3a0: {  	[tilespmem:s11+$0x134B0] =	vst v0;
	v62 =	vmul.f32 $1.999999960e-02, v2  }
0x3a1: {  	[tilespmem:s11+$0x134E0] =	vst v63  }
0x3a2: {  	s8 =	sadd.s32 $0x1, s8;
	[tilespmem:s11+$0x134D0] =	vst v62  }
0x3a3: {  	s8 =	sshll.u32 s10, $0x3;
	s29 =	sshll.u32 s10, $0x8  }
0x3a4: {  	s1 =	sadd.s32 $0x1, s1;
	s8 =	sand.u32 $0x1F8, s8;
	s10 =	sand.u32 $0x1C000, s29  }
0x3a5: {  	p0 =	sne.s32 s1, $0x40;
	s8 =	sor.u32 s8, s10  }
.Ltmp20:
0x3a6: {  	s8 =	sor.u32 s9, s8;
	(pc) =	sbr.rel @p0 .LBB2_2-.Ltmp20, $4  }
0x3a7: {  	s8 =	sshll.u32 s8, $0x3  }
0x3a8: {  	s8 =	sand.u32 $0xFFFC0, s8  }
0x3a9: {  	s8 =	sadd.s32 s7, s8  }
0x3aa: {  	[hbm4b:s8+s2] =	stream.linear.scatter [tilespmem:s28], [sflag:$0x9], $0x200, $0x38;
	[tilespmem:$0x136B0] =	vst v63  }
0x3ab: {  	s1 =	simm.s32 $0x7  }
0x3ac: {  	_ =	swait.ge [sflag:s1], $0x200  }
0x3ad: {  	[sflag:s1] =	ssyncset.done $0x0  }
0x3ae: {  	[sflag:s1] =	ssyncadd.s32 $0xFFFFFE00  }
0x3af: {  	_ =	swait.ge [sflag:s23], $0x200  }
0x3b0: {  	[sflag:s23] =	ssyncset.done $0x0  }
0x3b1: {  	[sflag:s23] =	ssyncadd.s32 $0xFFFFFE00  }
0x3b2: {  	_ =	swait.ge [sflag:s26], $0x200  }
0x3b3: {  	s0 =	sadd.s32 $0x1, s0;
	s29 =	rddreg [dreg:$0x5]  }
0x3b4: {  	p0 =	sne.s32 s0, s29  }
.Ltmp21:
0x3b5: {  	_ = 	snop;
	(pc) =	sbr.rel @p0 .LBB2_1-.Ltmp21, $3  }
0x3b6: {  	_ =	sdelay $0x1  }
0x3b7: {  	[sflag:s26] =	ssyncset.done $0x0  }
0x3b8: {  	[sflag:s26] =	ssyncadd.s32 $0xFFFFFE00  }
0x3b9: {  	_ =	sfence.sel $0x180000  }
0x3ba: {  	[bflag:$0x0] =	sbarrier.arrive $0xFFFF  }
0x3bb: {  	_ =	strace $0x90000047  }
0x3bc: {  	s0 =	stileid.u32;
	[bflag:$0x2] =	sbarrier.arrive $0xFFFF  }
0x3bd: {  	p0 =	sne.s32 s0, $0x0;
	s0 =	rddreg [dreg:$0x1]  }
0x3be: {  	s0 =	sadd.s32 @!p0 $0x100000, s0  }
0x3bf: {  	[sflag:s0] =	ssyncadd.tile.s32 @!p0 $0x1;
	_ =	shalt  }
.Lfunc_end2:
_tile_overlayer_lowered:
.L_overlay_start_2:
0x3c0: {  	(tag) =	ssettag $0x2  }
0x3c1: {  	s0 =	rddreg [dreg:$0x0];
	s2 =	stileid.u32  }
0x3c2: {  	s1 =	rddreg [dreg:$0x1];
	p0 =	sne.s32 s2, $0x0  }
0x3c3: {  	s3 =	rddreg [dreg:$0x2];
	[bflag:$0x3] =	sbarrier.arrive $0xFFFF;
	s2 =	simm.s32 @!p0 $0x1C0A  }
0x3c4: {  	[timem:s3], [sflag:s2] =	dma.local @!p0 [hbm:s0], s1  }
0x3c5: {  	s0 =	simm.s32 @!p0 $0xA  }
0x3c6: {  	_ =	swait.ge @!p0 [sflag:s0], s1  }
0x3c7: {  	s1 =	ssub.s32 @!p0 $0x0, s1;
	[sflag:s0] =	ssyncset.done @!p0 $0x0  }
0x3c8: {  	[sflag:s0] =	ssyncadd.s32 @!p0 s1  }
0x3c9: {  	[bflag:$0x3] =	sbarrier.arrive $0xFFFF  }
0x3ca: {  	_ =	shalt  }

</sc_bundles>
